<compile_context>
chip_gen: v7x
topology: tpu7x:2x2x1
jax: 0.10.2.dev20260603
libtpu: 0.0.44.dev20260713+nightly
codegen_flags: <defaults>
</compile_context>

<pallas_src>
import functools

import jax
import jax.numpy as jnp
from jax import lax
from jax.experimental import pallas as pl
from jax.experimental.pallas import tpu as pltpu
from jax.experimental.pallas import tpu_sc as plsc

N, E, D, FD = 10000, 320000, 128, 64
NC, NS = 2, 16
NW = NC * NS
H = E
HB = H // 2
EPW = H // NW
NP = 10240
NPT = NP // NS
CW = 16
HD = D // 2
EPT = H // NS

CG = 40
GKG = 5
NGG = EPW // (CG * GKG)
CS = 40
GKS = 5
NGS = EPT // (CS * GKS)


def _gather_body(x_hbm, tgt_hbm, src_hbm, tf_hbm, sf_hbm,
                 idx_all, rows_t, rows_s, gsem, wsem0, wsem1):
    wid = lax.axis_index("s") * NC + lax.axis_index("c")
    base = wid * EPW
    pltpu.sync_copy(tgt_hbm.at[pl.ds(base, EPW)], idx_all.at[0])
    pltpu.sync_copy(src_hbm.at[pl.ds(base, EPW)], idx_all.at[1])

    def drain_writes(g, s):
        wsem = wsem0 if s == 0 else wsem1
        offp = base + g * GKG * CG
        for j in range(GKG):
            pltpu.make_async_copy(
                rows_t.at[s, j], tf_hbm.at[pl.ds(offp + j * CG, CG)],
                wsem).wait()
            pltpu.make_async_copy(
                rows_s.at[s, j], sf_hbm.at[pl.ds(offp + j * CG, CG)],
                wsem).wait()

    def phase(g, s):
        wsem = wsem0 if s == 0 else wsem1
        @pl.when(g >= 2)
        def _():
            drain_writes(g - 2, s)

        goff = g * GKG * CG
        handles = []
        for j in range(GKG):
            off = goff + j * CG
            handles.append(pltpu.async_copy(
                x_hbm.at[idx_all.at[0, pl.ds(off, CG)]], rows_t.at[s, j], gsem))
            handles.append(pltpu.async_copy(
                x_hbm.at[idx_all.at[1, pl.ds(off, CG)]], rows_s.at[s, j], gsem))
        for h in handles:
            h.wait()
        for j in range(GKG):
            off = base + goff + j * CG
            pltpu.async_copy(rows_t.at[s, j], tf_hbm.at[pl.ds(off, CG)], wsem)
            pltpu.async_copy(rows_s.at[s, j], sf_hbm.at[pl.ds(off, CG)], wsem)

    def body(h, carry):
        phase(2 * h, 0)
        phase(2 * h + 1, 1)
        return carry

    lax.fori_loop(0, NGG // 2, body, 0)
    if NGG % 2:
        phase(jnp.int32(NGG - 1), 0)
    drain_writes(jnp.int32(NGG - 2), (NGG - 2) % 2)
    drain_writes(jnp.int32(NGG - 1), (NGG - 1) % 2)


def _scatter_body(mlo_hbm, mhi_hbm, tgt3d_hbm, zero_agg_hbm, zero_cnt_hbm,
                  ones_hbm, agg_hbm, cnt_hbm,
                  idx2d, rows_v, ones_v, wb_v, wbc_v, agg_sh, cnt_sh,
                  lsem, ssem0, ssem1):
    cid = lax.axis_index("c")
    sid = lax.axis_index("s")
    pltpu.sync_copy(zero_agg_hbm, agg_sh.at[pl.ds(sid * NPT, NPT)])
    pltpu.sync_copy(zero_cnt_hbm, cnt_sh.at[pl.ds(sid * NPT, NPT)])
    pltpu.sync_copy(ones_hbm, ones_v)
    pltpu.sync_copy(tgt3d_hbm.at[sid], idx2d)
    plsc.subcore_barrier()

    base = sid * EPT

    def drain_scatters(s):
        ssem = ssem0 if s == 0 else ssem1
        for j in range(GKS):
            pltpu.make_async_copy(
                rows_v.at[s, j], agg_sh.at[pl.ds(0, CS)], ssem).wait()

            @pl.when(cid == 0)
            def _():
                pltpu.make_async_copy(
                    ones_v, cnt_sh.at[pl.ds(0, CS)], ssem).wait()

    def phase(g, s):
        @pl.when(g >= 2)
        def _():
            drain_scatters(s)

        goff = g * GKS * CS

        @pl.when(cid == 0)
        def _():
            handles = []
            for j in range(GKS):
                off = base + goff + j * CS
                handles.append(pltpu.async_copy(
                    mlo_hbm.at[pl.ds(off, CS)], rows_v.at[s, j], lsem))
            for h in handles:
                h.wait()

        @pl.when(cid == 1)
        def _():
            handles = []
            for j in range(GKS):
                off = base + goff + j * CS
                handles.append(pltpu.async_copy(
                    mhi_hbm.at[pl.ds(off, CS)], rows_v.at[s, j], lsem))
            for h in handles:
                h.wait()

        ssem = ssem0 if s == 0 else ssem1
        for j in range(GKS):
            pltpu.async_copy(
                rows_v.at[s, j], agg_sh.at[idx2d.at[g * GKS + j]], ssem,
                add=True)

            @pl.when(cid == 0)
            def _():
                pltpu.async_copy(
                    ones_v, cnt_sh.at[idx2d.at[g * GKS + j]], ssem,
                    add=True)

    def body(h, carry):
        phase(2 * h, 0)
        phase(2 * h + 1, 1)
        return carry

    lax.fori_loop(0, NGS // 2, body, 0)
    drain_scatters(0)
    drain_scatters(1)
    plsc.subcore_barrier()
    for k in range(4):
        q = NPT // 4
        r0 = sid * NPT + k * q
        pltpu.sync_copy(agg_sh.at[pl.ds(r0, q)], wb_v)
        pltpu.sync_copy(wb_v, agg_hbm.at[cid, pl.ds(r0, q)])
    for k in range(2):
        q = NPT // 2
        r0 = sid * NPT + k * q
        pltpu.sync_copy(cnt_sh.at[pl.ds(r0, q)], wbc_v)
        pltpu.sync_copy(wbc_v, cnt_hbm.at[cid, pl.ds(r0, q)])


def _dense_body(tf_ref, sf_ref, attn_ref, o2_ref, o2t_ref,
                gl1_ref, gh1_ref, gl2_ref, gh2_ref,
                bl1_ref, bh1_ref, bl2_ref, bh2_ref, bias2_ref,
                bd1a_ref, bd1b_ref, bd2a_ref, bd2b_ref,
                mlo_ref, mhi_ref):
    bf = jnp.bfloat16
    f32 = jnp.float32

    def unpack(p):
        u = lax.bitcast_convert_type(p, jnp.uint32)
        lo = lax.bitcast_convert_type(u << 16, f32)
        hi = lax.bitcast_convert_type(u & jnp.uint32(0xFFFF0000), f32)
        return lo, hi

    tl, th = unpack(tf_ref[...])
    sl, sh = unpack(sf_ref[...])
    o2b = o2_ref[...].astype(bf)
    o2t = o2t_ref[...]
    ssum = tl + th + sl + sh
    sqs = tl * tl + th * th + sl * sl + sh * sh
    s2 = jnp.dot(ssum.astype(bf), o2b, preferred_element_type=f32)
    sq2 = jnp.dot(sqs.astype(bf), o2b, preferred_element_type=f32)
    mu2 = s2 * (1.0 / (2 * D))
    var2 = sq2 * (1.0 / (2 * D)) - mu2 * mu2
    inv2 = lax.rsqrt(var2 + 1e-5)
    mu = jnp.dot(mu2, o2t, preferred_element_type=f32)
    inv = jnp.dot(inv2, o2t, preferred_element_type=f32)
    h1 = jnp.maximum((tl - mu) * inv * gl1_ref[...] + bl1_ref[...], 0.0)
    h2 = jnp.maximum((th - mu) * inv * gh1_ref[...] + bh1_ref[...], 0.0)
    h3 = jnp.maximum((sl - mu) * inv * gl2_ref[...] + bl2_ref[...], 0.0)
    h4 = jnp.maximum((sh - mu) * inv * gh2_ref[...] + bh2_ref[...], 0.0)
    z = (jnp.dot(h1.astype(bf), bd1a_ref[...].astype(bf),
                 preferred_element_type=f32)
         + jnp.dot(h2.astype(bf), bd1b_ref[...].astype(bf),
                   preferred_element_type=f32)
         + jnp.dot(h3.astype(bf), bd2a_ref[...].astype(bf),
                   preferred_element_type=f32)
         + jnp.dot(h4.astype(bf), bd2b_ref[...].astype(bf),
                   preferred_element_type=f32)
         + bias2_ref[...])
    sig = jax.nn.sigmoid(z)
    gate2 = jnp.dot(sig.astype(bf), o2b, preferred_element_type=f32)
    ga2 = gate2 * (1.0 / FD) * attn_ref[...]
    ga = jnp.dot(ga2, o2t, preferred_element_type=f32)
    mlo_ref[...] = sl * ga
    mhi_ref[...] = sh * ga


def _combine_body(agg0_ref, cnt0_ref, out_ref):
    a = jnp.concatenate([agg0_ref[0], agg0_ref[1]], axis=1)
    c = cnt0_ref[0, :, 0:1]
    out_ref[...] = a / jnp.maximum(c, 1.0)


def kernel(x, edge_index, attn_value, ln_gamma, ln_beta, W, b):
    ei = edge_index.astype(jnp.int32)
    tgt = ei[0]
    src = ei[1]

    x16 = x.astype(jnp.bfloat16)
    xpk = lax.bitcast_convert_type(
        jnp.stack([x16[:, :HD], x16[:, HD:]], axis=-1), jnp.float32)

    mesh = plsc.VectorSubcoreMesh(core_axis_name="c", subcore_axis_name="s")
    sc_params = pltpu.CompilerParams(use_tc_tiling_on_sc=False)

    gather = pl.kernel(
        _gather_body,
        out_type=[jax.ShapeDtypeStruct((H, HD), jnp.float32),
                  jax.ShapeDtypeStruct((H, HD), jnp.float32)],
        scratch_types=[pltpu.VMEM((2, EPW), jnp.int32),
                       pltpu.VMEM((2, GKG, CG, HD), jnp.float32),
                       pltpu.VMEM((2, GKG, CG, HD), jnp.float32),
                       pltpu.SemaphoreType.DMA,
                       pltpu.SemaphoreType.DMA,
                       pltpu.SemaphoreType.DMA],
        mesh=mesh,
        compiler_params=sc_params,
    )

    scatter = pl.kernel(
        _scatter_body,
        out_type=[jax.ShapeDtypeStruct((NC, NP, HD), jnp.float32),
                  jax.ShapeDtypeStruct((NC, NP, CW), jnp.float32)],
        scratch_types=[pltpu.VMEM((EPT // CS, CS), jnp.int32),
                       pltpu.VMEM((2, GKS, CS, HD), jnp.float32),
                       pltpu.VMEM((CS, CW), jnp.float32),
                       pltpu.VMEM((NPT // 4, HD), jnp.float32),
                       pltpu.VMEM((NPT // 2, CW), jnp.float32),
                       pltpu.VMEM_SHARED((NP, HD), jnp.float32),
                       pltpu.VMEM_SHARED((NP, CW), jnp.float32),
                       pltpu.SemaphoreType.DMA,
                       pltpu.SemaphoreType.DMA,
                       pltpu.SemaphoreType.DMA],
        mesh=mesh,
        compiler_params=sc_params,
    )

    Bp = 4000
    o2 = jnp.concatenate(
        [jnp.concatenate([jnp.ones((HD, 1), jnp.float32),
                          jnp.zeros((HD, 1), jnp.float32)], axis=1),
         jnp.concatenate([jnp.zeros((HD, 1), jnp.float32),
                          jnp.ones((HD, 1), jnp.float32)], axis=1)], axis=0)
    o2t = o2.T

    def tile2(v):
        return jnp.concatenate([v, v]).reshape(1, D)

    gl1 = tile2(ln_gamma[:HD])
    gh1 = tile2(ln_gamma[HD:D])
    gl2 = tile2(ln_gamma[D:D + HD])
    gh2 = tile2(ln_gamma[D + HD:])
    bl1 = tile2(ln_beta[:HD])
    bh1 = tile2(ln_beta[HD:D])
    bl2 = tile2(ln_beta[D:D + HD])
    bh2 = tile2(ln_beta[D + HD:])
    bias2 = tile2(b)

    def blockdiag(a):
        za = jnp.zeros((HD, FD), jnp.float32)
        return jnp.concatenate(
            [jnp.concatenate([a, za], axis=1),
             jnp.concatenate([za, a], axis=1)], axis=0)

    bd1a = blockdiag(W[:, :HD].T)
    bd1b = blockdiag(W[:, HD:D].T)
    bd2a = blockdiag(W[:, D:D + HD].T)
    bd2b = blockdiag(W[:, D + HD:].T)

    row_spec = pl.BlockSpec((Bp, D), lambda i: (i, 0))
    full = lambda shape: pl.BlockSpec(shape, lambda i: tuple(0 for _ in shape))
    dense = pl.pallas_call(
        _dense_body,
        grid=(HB // Bp,),
        in_specs=[row_spec, row_spec,
                  pl.BlockSpec((Bp, 2), lambda i: (i, 0)),
                  full((D, 2)), full((2, D))]
                 + [full((1, D))] * 9
                 + [full((D, D))] * 4,
        out_specs=[row_spec, row_spec],
        out_shape=[jax.ShapeDtypeStruct((HB, D), jnp.float32),
                   jax.ShapeDtypeStruct((HB, D), jnp.float32)],
    )

    zero_agg = jnp.zeros((NPT, HD), jnp.float32)
    zero_cnt = jnp.zeros((NPT, CW), jnp.float32)
    ones_rows = jnp.ones((CS, CW), jnp.float32)

    parts = []
    for h in range(1):
        tgt_h = lax.slice_in_dim(tgt, h * H, (h + 1) * H)
        src_h = lax.slice_in_dim(src, h * H, (h + 1) * H)
        tf, sf = gather(xpk, tgt_h, src_h)
        tf2 = tf.reshape(HB, D)
        sf2 = sf.reshape(HB, D)
        attn2 = lax.slice_in_dim(attn_value, h * H, (h + 1) * H).reshape(HB, 2)
        mlo, mhi = dense(tf2, sf2, attn2, o2, o2t,
                         gl1, gh1, gl2, gh2, bl1, bh1, bl2, bh2, bias2,
                         bd1a, bd1b, bd2a, bd2b)
        tgt3d = tgt_h.reshape(NS, EPT // CS, CS)
        agg, cnt = scatter(mlo.reshape(H, HD), mhi.reshape(H, HD), tgt3d,
                           zero_agg, zero_cnt, ones_rows)
        parts.append((agg, cnt))

    Bn = 2000
    out = pl.pallas_call(
        _combine_body,
        grid=(N // Bn,),
        in_specs=[pl.BlockSpec((NC, Bn, HD), lambda i: (0, i, 0)),
                  pl.BlockSpec((NC, Bn, CW), lambda i: (0, i, 0))],
        out_specs=pl.BlockSpec((Bn, D), lambda i: (i, 0)),
        out_shape=jax.ShapeDtypeStruct((N, D), jnp.float32),
    )(parts[0][0], parts[0][1])
    return out

# --- scband reference (transcript-rebuilt; emitter-appended) ---
"""Pipeline reference for scband-gsl4-sgg-56977036149414 (READ-ONLY COPY).

The authoritative reference and input builder live on the scoring server;
editing this copy changes nothing except your own understanding.
"""

import jax, jax.numpy as jnp
import numpy as np

N, E, D, FD = 10000, 320000, 128, 64

def setup_inputs(seed: int = 0) -> dict:
    key = jax.random.key(seed)
    ks = jax.random.split(key, 6)
    x = jax.random.normal(ks[0], (N, D), dtype=jnp.float32)
    edge_index = jax.random.randint(ks[1], (2, E), 0, N, dtype=jnp.int64)
    attn_value = jax.random.uniform(ks[2], (E,), dtype=jnp.float32)
    # MessagePassingUnit_v1 params: self.w = LayerNorm(2D) -> ReLU -> Linear(2D, FD)
    ln_gamma = jnp.ones((2 * D,), dtype=jnp.float32)
    ln_beta = jnp.zeros((2 * D,), dtype=jnp.float32)
    W = jax.random.normal(ks[3], (FD, 2 * D), dtype=jnp.float32) * 0.05
    b = jnp.zeros((FD,), dtype=jnp.float32)
    return {"x": x, "edge_index": edge_index, "attn_value": attn_value,
            "ln_gamma": ln_gamma, "ln_beta": ln_beta, "W": W, "b": b}

def reference(x, edge_index, attn_value, ln_gamma, ln_beta, W, b):
    # prepare_message with MessagePassingUnit_v1 gate module
    tgt = edge_index[0]
    src = edge_index[1]
    target_f = jnp.take(x, tgt, axis=0)          # gather unary_term
    source_f = jnp.take(x, src, axis=0)          # gather pair_term
    paired = jnp.concatenate([target_f, source_f], axis=1)  # [E, 2D]
    mu = paired.mean(axis=-1, keepdims=True)
    var = paired.var(axis=-1, keepdims=True)
    h = (paired - mu) / jnp.sqrt(var + 1e-5) * ln_gamma + ln_beta  # LayerNorm
    h = jax.nn.relu(h)
    gate = jax.nn.sigmoid(h @ W.T + b)           # [E, FD]
    gate = gate.mean(axis=1)                     # mean over filter channels -> [E]
    transferred = source_f * gate[:, None]
    transferred = transferred * attn_value[:, None]
    # aggregator matrix matmul == scatter-add by target index, then mean over valid rows
    agg = jax.ops.segment_sum(transferred, tgt, num_segments=N)
    cnt = jax.ops.segment_sum(jnp.ones((transferred.shape[0],), dtype=transferred.dtype), tgt, num_segments=N)
    denom = jnp.maximum(cnt, 1.0)[:, None]
    out = jnp.where((cnt > 0)[:, None], agg / denom, agg)
    return out

if __name__ == "__main__":
    import jax
    _d = setup_inputs()
    print(jax.jit(kernel)(*tuple(_d.values())))

</pallas_src>

<mosaic_0001>
#map = affine_map<(d0, d1) -> (0, 0)>
#map1 = affine_map<(d0, d1) -> (0)>
module attributes {stable_mosaic.version = 14 : i64} {
  func.func @_gather_body(%arg0: i32, %arg1: i32, %arg2: memref<10000x64xf32, #tpu.memory_space<hbm>>, %arg3: memref<320000xi32, #tpu.memory_space<hbm>>, %arg4: memref<320000xi32, #tpu.memory_space<hbm>>, %arg5: memref<320000x64xf32, #tpu.memory_space<hbm>>, %arg6: memref<320000x64xf32, #tpu.memory_space<hbm>>, %arg7: memref<2x10000xi32, #tpu.memory_space<vmem>>, %arg8: memref<2x5x40x64xf32, #tpu.memory_space<vmem>>, %arg9: memref<2x5x40x64xf32, #tpu.memory_space<vmem>>, %arg10: memref<!tpu.dma_semaphore, #tpu.memory_space<semaphore_mem>>, %arg11: memref<!tpu.dma_semaphore, #tpu.memory_space<semaphore_mem>>, %arg12: memref<!tpu.dma_semaphore, #tpu.memory_space<semaphore_mem>>) attributes {dimension_semantics = [#tpu.dimension_semantics<core_parallel>, #tpu.dimension_semantics<subcore_parallel>], iteration_bounds = array<i64: 2, 16>, scalar_prefetch = 0 : i64, scratch_operands = 6 : i64, tpu.core_type = #tpu.core_type<sc_vector_subcore>, window_params = [{transform_indices = #map}, {transform_indices = #map1}, {transform_indices = #map1}, {transform_indices = #map}, {transform_indices = #map}]} {
    %mul3A = arith.constant 2 : i32
    %mul3A_0 = arith.muli %arg1, %mul3A : i32
    %add3A = arith.addi %mul3A_0, %arg0 : i32
    %mul3A_1 = arith.constant 10000 : i32
    %mul3A_2 = arith.muli %add3A, %mul3A_1 : i32
    %run_scoped3A = arith.constant 0 : i32
    "tpu.region"() ({
      %run_scoped3A_340 = tpu.sem_alloc : memref<!tpu.dma_semaphore, #tpu.memory_space<semaphore_mem>>
      %dma_start3A = arith.constant 0 : i32
      %dma_start3A_341 = tpu.memref_slice %arg7[%run_scoped3A, %dma_start3A] : memref<2x10000xi32, #tpu.memory_space<vmem>> -> memref<1x10000xi32, #tpu.memory_space<vmem>>
      %dma_start3A_342 = tpu.memref_squeeze %dma_start3A_341 : memref<1x10000xi32, #tpu.memory_space<vmem>> -> memref<10000xi32, #tpu.memory_space<vmem>>
      %dma_start3A_343 = tpu.memref_slice %arg3[%mul3A_2] : memref<320000xi32, #tpu.memory_space<hbm>> -> memref<10000xi32, #tpu.memory_space<hbm>>
      %dma_start3A_344 = arith.constant 0 : i32
      %dma_start3A_345 = tpu.memref_slice %arg7[%run_scoped3A, %dma_start3A_344] : memref<2x10000xi32, #tpu.memory_space<vmem>> -> memref<1x10000xi32, #tpu.memory_space<vmem>>
      %dma_start3A_346 = tpu.memref_squeeze %dma_start3A_345 : memref<1x10000xi32, #tpu.memory_space<vmem>> -> memref<10000xi32, #tpu.memory_space<vmem>>
      %dma_start3A_347 = tpu.memref_slice %arg3[%mul3A_2] : memref<320000xi32, #tpu.memory_space<hbm>> -> memref<10000xi32, #tpu.memory_space<hbm>>
      tpu.enqueue_dma source(%dma_start3A_347 : memref<10000xi32, #tpu.memory_space<hbm>>) target(%dma_start3A_346 : memref<10000xi32, #tpu.memory_space<vmem>>) target_semaphore(%run_scoped3A_340 : memref<!tpu.dma_semaphore, #tpu.memory_space<semaphore_mem>>)
      %dma_wait3A_348 = arith.constant 0 : i32
      %dma_wait3A_349 = tpu.memref_slice %arg7[%run_scoped3A, %dma_wait3A_348] : memref<2x10000xi32, #tpu.memory_space<vmem>> -> memref<1x10000xi32, #tpu.memory_space<vmem>>
      %dma_wait3A_350 = tpu.memref_squeeze %dma_wait3A_349 : memref<1x10000xi32, #tpu.memory_space<vmem>> -> memref<10000xi32, #tpu.memory_space<vmem>>
      %dma_wait3A_351 = tpu.memref_slice %arg3[%mul3A_2] : memref<320000xi32, #tpu.memory_space<hbm>> -> memref<10000xi32, #tpu.memory_space<hbm>>
      %dma_wait3A_352 = arith.constant 0 : i32
      %dma_wait3A_353 = tpu.memref_slice %arg7[%run_scoped3A, %dma_wait3A_352] : memref<2x10000xi32, #tpu.memory_space<vmem>> -> memref<1x10000xi32, #tpu.memory_space<vmem>>
      %dma_wait3A_354 = tpu.memref_squeeze %dma_wait3A_353 : memref<1x10000xi32, #tpu.memory_space<vmem>> -> memref<10000xi32, #tpu.memory_space<vmem>>
      %dma_wait3A_355 = tpu.memref_slice %arg3[%mul3A_2] : memref<320000xi32, #tpu.memory_space<hbm>> -> memref<10000xi32, #tpu.memory_space<hbm>>
      tpu.wait_dma2 semaphore(%run_scoped3A_340 : memref<!tpu.dma_semaphore, #tpu.memory_space<semaphore_mem>>) src(%dma_wait3A_355 : memref<10000xi32, #tpu.memory_space<hbm>>) dst(%dma_wait3A_354 : memref<10000xi32, #tpu.memory_space<vmem>>)
      tpu.yield
    }) : () -> ()
    %run_scoped3A_3 = arith.constant 1 : i32
    "tpu.region"() ({
      %run_scoped3A_340 = tpu.sem_alloc : memref<!tpu.dma_semaphore, #tpu.memory_space<semaphore_mem>>
      %dma_start3A = arith.constant 0 : i32
      %dma_start3A_341 = tpu.memref_slice %arg7[%run_scoped3A_3, %dma_start3A] : memref<2x10000xi32, #tpu.memory_space<vmem>> -> memref<1x10000xi32, #tpu.memory_space<vmem>>
      %dma_start3A_342 = tpu.memref_squeeze %dma_start3A_341 : memref<1x10000xi32, #tpu.memory_space<vmem>> -> memref<10000xi32, #tpu.memory_space<vmem>>
      %dma_start3A_343 = tpu.memref_slice %arg4[%mul3A_2] : memref<320000xi32, #tpu.memory_space<hbm>> -> memref<10000xi32, #tpu.memory_space<hbm>>
      %dma_start3A_344 = arith.constant 0 : i32
      %dma_start3A_345 = tpu.memref_slice %arg7[%run_scoped3A_3, %dma_start3A_344] : memref<2x10000xi32, #tpu.memory_space<vmem>> -> memref<1x10000xi32, #tpu.memory_space<vmem>>
      %dma_start3A_346 = tpu.memref_squeeze %dma_start3A_345 : memref<1x10000xi32, #tpu.memory_space<vmem>> -> memref<10000xi32, #tpu.memory_space<vmem>>
      %dma_start3A_347 = tpu.memref_slice %arg4[%mul3A_2] : memref<320000xi32, #tpu.memory_space<hbm>> -> memref<10000xi32, #tpu.memory_space<hbm>>
      tpu.enqueue_dma source(%dma_start3A_347 : memref<10000xi32, #tpu.memory_space<hbm>>) target(%dma_start3A_346 : memref<10000xi32, #tpu.memory_space<vmem>>) target_semaphore(%run_scoped3A_340 : memref<!tpu.dma_semaphore, #tpu.memory_space<semaphore_mem>>)
      %dma_wait3A_348 = arith.constant 0 : i32
      %dma_wait3A_349 = tpu.memref_slice %arg7[%run_scoped3A_3, %dma_wait3A_348] : memref<2x10000xi32, #tpu.memory_space<vmem>> -> memref<1x10000xi32, #tpu.memory_space<vmem>>
      %dma_wait3A_350 = tpu.memref_squeeze %dma_wait3A_349 : memref<1x10000xi32, #tpu.memory_space<vmem>> -> memref<10000xi32, #tpu.memory_space<vmem>>
      %dma_wait3A_351 = tpu.memref_slice %arg4[%mul3A_2] : memref<320000xi32, #tpu.memory_space<hbm>> -> memref<10000xi32, #tpu.memory_space<hbm>>
      %dma_wait3A_352 = arith.constant 0 : i32
      %dma_wait3A_353 = tpu.memref_slice %arg7[%run_scoped3A_3, %dma_wait3A_352] : memref<2x10000xi32, #tpu.memory_space<vmem>> -> memref<1x10000xi32, #tpu.memory_space<vmem>>
      %dma_wait3A_354 = tpu.memref_squeeze %dma_wait3A_353 : memref<1x10000xi32, #tpu.memory_space<vmem>> -> memref<10000xi32, #tpu.memory_space<vmem>>
      %dma_wait3A_355 = tpu.memref_slice %arg4[%mul3A_2] : memref<320000xi32, #tpu.memory_space<hbm>> -> memref<10000xi32, #tpu.memory_space<hbm>>
      tpu.wait_dma2 semaphore(%run_scoped3A_340 : memref<!tpu.dma_semaphore, #tpu.memory_space<semaphore_mem>>) src(%dma_wait3A_355 : memref<10000xi32, #tpu.memory_space<hbm>>) dst(%dma_wait3A_354 : memref<10000xi32, #tpu.memory_space<vmem>>)
      tpu.yield
    }) : () -> ()
    %scan3A = arith.constant 0 : i32
    %scan3A_4 = arith.constant 0 : i32
    %scan3A_5 = arith.constant 25 : i32
    %scan3A_6 = arith.addi %scan3A_4, %scan3A_5 : i32
    %scan3A_7 = arith.constant 1 : i32
    scf.for %scan3A_340 = %scan3A_4 to %scan3A_6 step %scan3A_7  : i32 {
      %mul3A_341 = arith.constant 2 : i32
      %mul3A_342 = arith.muli %mul3A_341, %scan3A_340 : i32
      %ge3A = arith.constant 2 : i32
      %ge3A_343 = arith.cmpi sge, %mul3A_342, %ge3A : i32
      %convert_element_type3A = arith.extui %ge3A_343 : i1 to i32
      %cond3A = arith.constant 0 : i32
      %cond3A_344 = arith.cmpi ne, %convert_element_type3A, %cond3A : i32
      scf.if %cond3A_344 {
        %sub3A = arith.constant 2 : i32
        %sub3A_1171 = arith.subi %mul3A_342, %sub3A : i32
        %mul3A_1172 = arith.constant 5 : i32
        %mul3A_1173 = arith.muli %sub3A_1171, %mul3A_1172 : i32
        %mul3A_1174 = arith.constant 40 : i32
        %mul3A_1175 = arith.muli %mul3A_1173, %mul3A_1174 : i32
        %add3A_1176 = arith.addi %mul3A_2, %mul3A_1175 : i32
        %add3A_1177 = arith.constant 0 : i32
        %add3A_1178 = arith.addi %add3A_1176, %add3A_1177 : i32
        %dma_wait3A_1179 = arith.constant 0 : i32
        %dma_wait3A_1180 = arith.constant 0 : i32
        %dma_wait3A_1181 = arith.constant 0 : i32
        %dma_wait3A_1182 = arith.constant 0 : i32
        %dma_wait3A_1183 = tpu.memref_slice %arg8[%dma_wait3A_1179, %dma_wait3A_1180, %dma_wait3A_1181, %dma_wait3A_1182] : memref<2x5x40x64xf32, #tpu.memory_space<vmem>> -> memref<1x1x40x64xf32, #tpu.memory_space<vmem>>
        %dma_wait3A_1184 = tpu.memref_squeeze %dma_wait3A_1183 : memref<1x1x40x64xf32, #tpu.memory_space<vmem>> -> memref<40x64xf32, #tpu.memory_space<vmem>>
        %dma_wait3A_1185 = arith.constant 0 : i32
        %dma_wait3A_1186 = tpu.memref_slice %arg5[%add3A_1178, %dma_wait3A_1185] : memref<320000x64xf32, #tpu.memory_space<hbm>> -> memref<40x64xf32, #tpu.memory_space<hbm>>
        %dma_wait3A_1187 = arith.constant 0 : i32
        %dma_wait3A_1188 = tpu.memref_slice %arg5[%add3A_1178, %dma_wait3A_1187] : memref<320000x64xf32, #tpu.memory_space<hbm>> -> memref<40x64xf32, #tpu.memory_space<hbm>>
        %dma_wait3A_1189 = arith.constant 0 : i32
        %dma_wait3A_1190 = arith.constant 0 : i32
        %dma_wait3A_1191 = tpu.memref_slice %arg8[%dma_wait3A_1179, %dma_wait3A_1180, %dma_wait3A_1189, %dma_wait3A_1190] : memref<2x5x40x64xf32, #tpu.memory_space<vmem>> -> memref<1x1x40x64xf32, #tpu.memory_space<vmem>>
        %dma_wait3A_1192 = tpu.memref_squeeze %dma_wait3A_1191 : memref<1x1x40x64xf32, #tpu.memory_space<vmem>> -> memref<40x64xf32, #tpu.memory_space<vmem>>
        tpu.wait_dma2 semaphore(%arg11 : memref<!tpu.dma_semaphore, #tpu.memory_space<semaphore_mem>>) src(%dma_wait3A_1192 : memref<40x64xf32, #tpu.memory_space<vmem>>) dst(%dma_wait3A_1188 : memref<40x64xf32, #tpu.memory_space<hbm>>)
        %add3A_1193 = arith.constant 0 : i32
        %add3A_1194 = arith.addi %add3A_1176, %add3A_1193 : i32
        %dma_wait3A_1195 = arith.constant 0 : i32
        %dma_wait3A_1196 = arith.constant 0 : i32
        %dma_wait3A_1197 = arith.constant 0 : i32
        %dma_wait3A_1198 = arith.constant 0 : i32
        %dma_wait3A_1199 = tpu.memref_slice %arg9[%dma_wait3A_1195, %dma_wait3A_1196, %dma_wait3A_1197, %dma_wait3A_1198] : memref<2x5x40x64xf32, #tpu.memory_space<vmem>> -> memref<1x1x40x64xf32, #tpu.memory_space<vmem>>
        %dma_wait3A_1200 = tpu.memref_squeeze %dma_wait3A_1199 : memref<1x1x40x64xf32, #tpu.memory_space<vmem>> -> memref<40x64xf32, #tpu.memory_space<vmem>>
        %dma_wait3A_1201 = arith.constant 0 : i32
        %dma_wait3A_1202 = tpu.memref_slice %arg6[%add3A_1194, %dma_wait3A_1201] : memref<320000x64xf32, #tpu.memory_space<hbm>> -> memref<40x64xf32, #tpu.memory_space<hbm>>
        %dma_wait3A_1203 = arith.constant 0 : i32
        %dma_wait3A_1204 = tpu.memref_slice %arg6[%add3A_1194, %dma_wait3A_1203] : memref<320000x64xf32, #tpu.memory_space<hbm>> -> memref<40x64xf32, #tpu.memory_space<hbm>>
        %dma_wait3A_1205 = arith.constant 0 : i32
        %dma_wait3A_1206 = arith.constant 0 : i32
        %dma_wait3A_1207 = tpu.memref_slice %arg9[%dma_wait3A_1195, %dma_wait3A_1196, %dma_wait3A_1205, %dma_wait3A_1206] : memref<2x5x40x64xf32, #tpu.memory_space<vmem>> -> memref<1x1x40x64xf32, #tpu.memory_space<vmem>>
        %dma_wait3A_1208 = tpu.memref_squeeze %dma_wait3A_1207 : memref<1x1x40x64xf32, #tpu.memory_space<vmem>> -> memref<40x64xf32, #tpu.memory_space<vmem>>
        tpu.wait_dma2 semaphore(%arg11 : memref<!tpu.dma_semaphore, #tpu.memory_space<semaphore_mem>>) src(%dma_wait3A_1208 : memref<40x64xf32, #tpu.memory_space<vmem>>) dst(%dma_wait3A_1204 : memref<40x64xf32, #tpu.memory_space<hbm>>)
        %add3A_1209 = arith.constant 40 : i32
        %add3A_1210 = arith.addi %add3A_1176, %add3A_1209 : i32
        %dma_wait3A_1211 = arith.constant 0 : i32
        %dma_wait3A_1212 = arith.constant 1 : i32
        %dma_wait3A_1213 = arith.constant 0 : i32
        %dma_wait3A_1214 = arith.constant 0 : i32
        %dma_wait3A_1215 = tpu.memref_slice %arg8[%dma_wait3A_1211, %dma_wait3A_1212, %dma_wait3A_1213, %dma_wait3A_1214] : memref<2x5x40x64xf32, #tpu.memory_space<vmem>> -> memref<1x1x40x64xf32, #tpu.memory_space<vmem>>
        %dma_wait3A_1216 = tpu.memref_squeeze %dma_wait3A_1215 : memref<1x1x40x64xf32, #tpu.memory_space<vmem>> -> memref<40x64xf32, #tpu.memory_space<vmem>>
        %dma_wait3A_1217 = arith.constant 0 : i32
        %dma_wait3A_1218 = tpu.memref_slice %arg5[%add3A_1210, %dma_wait3A_1217] : memref<320000x64xf32, #tpu.memory_space<hbm>> -> memref<40x64xf32, #tpu.memory_space<hbm>>
        %dma_wait3A_1219 = arith.constant 0 : i32
        %dma_wait3A_1220 = tpu.memref_slice %arg5[%add3A_1210, %dma_wait3A_1219] : memref<320000x64xf32, #tpu.memory_space<hbm>> -> memref<40x64xf32, #tpu.memory_space<hbm>>
        %dma_wait3A_1221 = arith.constant 0 : i32
        %dma_wait3A_1222 = arith.constant 0 : i32
        %dma_wait3A_1223 = tpu.memref_slice %arg8[%dma_wait3A_1211, %dma_wait3A_1212, %dma_wait3A_1221, %dma_wait3A_1222] : memref<2x5x40x64xf32, #tpu.memory_space<vmem>> -> memref<1x1x40x64xf32, #tpu.memory_space<vmem>>
        %dma_wait3A_1224 = tpu.memref_squeeze %dma_wait3A_1223 : memref<1x1x40x64xf32, #tpu.memory_space<vmem>> -> memref<40x64xf32, #tpu.memory_space<vmem>>
        tpu.wait_dma2 semaphore(%arg11 : memref<!tpu.dma_semaphore, #tpu.memory_space<semaphore_mem>>) src(%dma_wait3A_1224 : memref<40x64xf32, #tpu.memory_space<vmem>>) dst(%dma_wait3A_1220 : memref<40x64xf32, #tpu.memory_space<hbm>>)
        %add3A_1225 = arith.constant 40 : i32
        %add3A_1226 = arith.addi %add3A_1176, %add3A_1225 : i32
        %dma_wait3A_1227 = arith.constant 0 : i32
        %dma_wait3A_1228 = arith.constant 1 : i32
        %dma_wait3A_1229 = arith.constant 0 : i32
        %dma_wait3A_1230 = arith.constant 0 : i32
        %dma_wait3A_1231 = tpu.memref_slice %arg9[%dma_wait3A_1227, %dma_wait3A_1228, %dma_wait3A_1229, %dma_wait3A_1230] : memref<2x5x40x64xf32, #tpu.memory_space<vmem>> -> memref<1x1x40x64xf32, #tpu.memory_space<vmem>>
        %dma_wait3A_1232 = tpu.memref_squeeze %dma_wait3A_1231 : memref<1x1x40x64xf32, #tpu.memory_space<vmem>> -> memref<40x64xf32, #tpu.memory_space<vmem>>
        %dma_wait3A_1233 = arith.constant 0 : i32
        %dma_wait3A_1234 = tpu.memref_slice %arg6[%add3A_1226, %dma_wait3A_1233] : memref<320000x64xf32, #tpu.memory_space<hbm>> -> memref<40x64xf32, #tpu.memory_space<hbm>>
        %dma_wait3A_1235 = arith.constant 0 : i32
        %dma_wait3A_1236 = tpu.memref_slice %arg6[%add3A_1226, %dma_wait3A_1235] : memref<320000x64xf32, #tpu.memory_space<hbm>> -> memref<40x64xf32, #tpu.memory_space<hbm>>
        %dma_wait3A_1237 = arith.constant 0 : i32
        %dma_wait3A_1238 = arith.constant 0 : i32
        %dma_wait3A_1239 = tpu.memref_slice %arg9[%dma_wait3A_1227, %dma_wait3A_1228, %dma_wait3A_1237, %dma_wait3A_1238] : memref<2x5x40x64xf32, #tpu.memory_space<vmem>> -> memref<1x1x40x64xf32, #tpu.memory_space<vmem>>
        %dma_wait3A_1240 = tpu.memref_squeeze %dma_wait3A_1239 : memref<1x1x40x64xf32, #tpu.memory_space<vmem>> -> memref<40x64xf32, #tpu.memory_space<vmem>>
        tpu.wait_dma2 semaphore(%arg11 : memref<!tpu.dma_semaphore, #tpu.memory_space<semaphore_mem>>) src(%dma_wait3A_1240 : memref<40x64xf32, #tpu.memory_space<vmem>>) dst(%dma_wait3A_1236 : memref<40x64xf32, #tpu.memory_space<hbm>>)
        %add3A_1241 = arith.constant 80 : i32
        %add3A_1242 = arith.addi %add3A_1176, %add3A_1241 : i32
        %dma_wait3A_1243 = arith.constant 0 : i32
        %dma_wait3A_1244 = arith.constant 2 : i32
        %dma_wait3A_1245 = arith.constant 0 : i32
        %dma_wait3A_1246 = arith.constant 0 : i32
        %dma_wait3A_1247 = tpu.memref_slice %arg8[%dma_wait3A_1243, %dma_wait3A_1244, %dma_wait3A_1245, %dma_wait3A_1246] : memref<2x5x40x64xf32, #tpu.memory_space<vmem>> -> memref<1x1x40x64xf32, #tpu.memory_space<vmem>>
        %dma_wait3A_1248 = tpu.memref_squeeze %dma_wait3A_1247 : memref<1x1x40x64xf32, #tpu.memory_space<vmem>> -> memref<40x64xf32, #tpu.memory_space<vmem>>
        %dma_wait3A_1249 = arith.constant 0 : i32
        %dma_wait3A_1250 = tpu.memref_slice %arg5[%add3A_1242, %dma_wait3A_1249] : memref<320000x64xf32, #tpu.memory_space<hbm>> -> memref<40x64xf32, #tpu.memory_space<hbm>>
        %dma_wait3A_1251 = arith.constant 0 : i32
        %dma_wait3A_1252 = tpu.memref_slice %arg5[%add3A_1242, %dma_wait3A_1251] : memref<320000x64xf32, #tpu.memory_space<hbm>> -> memref<40x64xf32, #tpu.memory_space<hbm>>
        %dma_wait3A_1253 = arith.constant 0 : i32
        %dma_wait3A_1254 = arith.constant 0 : i32
        %dma_wait3A_1255 = tpu.memref_slice %arg8[%dma_wait3A_1243, %dma_wait3A_1244, %dma_wait3A_1253, %dma_wait3A_1254] : memref<2x5x40x64xf32, #tpu.memory_space<vmem>> -> memref<1x1x40x64xf32, #tpu.memory_space<vmem>>
        %dma_wait3A_1256 = tpu.memref_squeeze %dma_wait3A_1255 : memref<1x1x40x64xf32, #tpu.memory_space<vmem>> -> memref<40x64xf32, #tpu.memory_space<vmem>>
        tpu.wait_dma2 semaphore(%arg11 : memref<!tpu.dma_semaphore, #tpu.memory_space<semaphore_mem>>) src(%dma_wait3A_1256 : memref<40x64xf32, #tpu.memory_space<vmem>>) dst(%dma_wait3A_1252 : memref<40x64xf32, #tpu.memory_space<hbm>>)
        %add3A_1257 = arith.constant 80 : i32
        %add3A_1258 = arith.addi %add3A_1176, %add3A_1257 : i32
        %dma_wait3A_1259 = arith.constant 0 : i32
        %dma_wait3A_1260 = arith.constant 2 : i32
        %dma_wait3A_1261 = arith.constant 0 : i32
        %dma_wait3A_1262 = arith.constant 0 : i32
        %dma_wait3A_1263 = tpu.memref_slice %arg9[%dma_wait3A_1259, %dma_wait3A_1260, %dma_wait3A_1261, %dma_wait3A_1262] : memref<2x5x40x64xf32, #tpu.memory_space<vmem>> -> memref<1x1x40x64xf32, #tpu.memory_space<vmem>>
        %dma_wait3A_1264 = tpu.memref_squeeze %dma_wait3A_1263 : memref<1x1x40x64xf32, #tpu.memory_space<vmem>> -> memref<40x64xf32, #tpu.memory_space<vmem>>
        %dma_wait3A_1265 = arith.constant 0 : i32
        %dma_wait3A_1266 = tpu.memref_slice %arg6[%add3A_1258, %dma_wait3A_1265] : memref<320000x64xf32, #tpu.memory_space<hbm>> -> memref<40x64xf32, #tpu.memory_space<hbm>>
        %dma_wait3A_1267 = arith.constant 0 : i32
        %dma_wait3A_1268 = tpu.memref_slice %arg6[%add3A_1258, %dma_wait3A_1267] : memref<320000x64xf32, #tpu.memory_space<hbm>> -> memref<40x64xf32, #tpu.memory_space<hbm>>
        %dma_wait3A_1269 = arith.constant 0 : i32
        %dma_wait3A_1270 = arith.constant 0 : i32
        %dma_wait3A_1271 = tpu.memref_slice %arg9[%dma_wait3A_1259, %dma_wait3A_1260, %dma_wait3A_1269, %dma_wait3A_1270] : memref<2x5x40x64xf32, #tpu.memory_space<vmem>> -> memref<1x1x40x64xf32, #tpu.memory_space<vmem>>
        %dma_wait3A_1272 = tpu.memref_squeeze %dma_wait3A_1271 : memref<1x1x40x64xf32, #tpu.memory_space<vmem>> -> memref<40x64xf32, #tpu.memory_space<vmem>>
        tpu.wait_dma2 semaphore(%arg11 : memref<!tpu.dma_semaphore, #tpu.memory_space<semaphore_mem>>) src(%dma_wait3A_1272 : memref<40x64xf32, #tpu.memory_space<vmem>>) dst(%dma_wait3A_1268 : memref<40x64xf32, #tpu.memory_space<hbm>>)
        %add3A_1273 = arith.constant 120 : i32
        %add3A_1274 = arith.addi %add3A_1176, %add3A_1273 : i32
        %dma_wait3A_1275 = arith.constant 0 : i32
        %dma_wait3A_1276 = arith.constant 3 : i32
        %dma_wait3A_1277 = arith.constant 0 : i32
        %dma_wait3A_1278 = arith.constant 0 : i32
        %dma_wait3A_1279 = tpu.memref_slice %arg8[%dma_wait3A_1275, %dma_wait3A_1276, %dma_wait3A_1277, %dma_wait3A_1278] : memref<2x5x40x64xf32, #tpu.memory_space<vmem>> -> memref<1x1x40x64xf32, #tpu.memory_space<vmem>>
        %dma_wait3A_1280 = tpu.memref_squeeze %dma_wait3A_1279 : memref<1x1x40x64xf32, #tpu.memory_space<vmem>> -> memref<40x64xf32, #tpu.memory_space<vmem>>
        %dma_wait3A_1281 = arith.constant 0 : i32
        %dma_wait3A_1282 = tpu.memref_slice %arg5[%add3A_1274, %dma_wait3A_1281] : memref<320000x64xf32, #tpu.memory_space<hbm>> -> memref<40x64xf32, #tpu.memory_space<hbm>>
        %dma_wait3A_1283 = arith.constant 0 : i32
        %dma_wait3A_1284 = tpu.memref_slice %arg5[%add3A_1274, %dma_wait3A_1283] : memref<320000x64xf32, #tpu.memory_space<hbm>> -> memref<40x64xf32, #tpu.memory_space<hbm>>
        %dma_wait3A_1285 = arith.constant 0 : i32
        %dma_wait3A_1286 = arith.constant 0 : i32
        %dma_wait3A_1287 = tpu.memref_slice %arg8[%dma_wait3A_1275, %dma_wait3A_1276, %dma_wait3A_1285, %dma_wait3A_1286] : memref<2x5x40x64xf32, #tpu.memory_space<vmem>> -> memref<1x1x40x64xf32, #tpu.memory_space<vmem>>
        %dma_wait3A_1288 = tpu.memref_squeeze %dma_wait3A_1287 : memref<1x1x40x64xf32, #tpu.memory_space<vmem>> -> memref<40x64xf32, #tpu.memory_space<vmem>>
        tpu.wait_dma2 semaphore(%arg11 : memref<!tpu.dma_semaphore, #tpu.memory_space<semaphore_mem>>) src(%dma_wait3A_1288 : memref<40x64xf32, #tpu.memory_space<vmem>>) dst(%dma_wait3A_1284 : memref<40x64xf32, #tpu.memory_space<hbm>>)
        %add3A_1289 = arith.constant 120 : i32
        %add3A_1290 = arith.addi %add3A_1176, %add3A_1289 : i32
        %dma_wait3A_1291 = arith.constant 0 : i32
        %dma_wait3A_1292 = arith.constant 3 : i32
        %dma_wait3A_1293 = arith.constant 0 : i32
        %dma_wait3A_1294 = arith.constant 0 : i32
        %dma_wait3A_1295 = tpu.memref_slice %arg9[%dma_wait3A_1291, %dma_wait3A_1292, %dma_wait3A_1293, %dma_wait3A_1294] : memref<2x5x40x64xf32, #tpu.memory_space<vmem>> -> memref<1x1x40x64xf32, #tpu.memory_space<vmem>>
        %dma_wait3A_1296 = tpu.memref_squeeze %dma_wait3A_1295 : memref<1x1x40x64xf32, #tpu.memory_space<vmem>> -> memref<40x64xf32, #tpu.memory_space<vmem>>
        %dma_wait3A_1297 = arith.constant 0 : i32
        %dma_wait3A_1298 = tpu.memref_slice %arg6[%add3A_1290, %dma_wait3A_1297] : memref<320000x64xf32, #tpu.memory_space<hbm>> -> memref<40x64xf32, #tpu.memory_space<hbm>>
        %dma_wait3A_1299 = arith.constant 0 : i32
        %dma_wait3A_1300 = tpu.memref_slice %arg6[%add3A_1290, %dma_wait3A_1299] : memref<320000x64xf32, #tpu.memory_space<hbm>> -> memref<40x64xf32, #tpu.memory_space<hbm>>
        %dma_wait3A_1301 = arith.constant 0 : i32
        %dma_wait3A_1302 = arith.constant 0 : i32
        %dma_wait3A_1303 = tpu.memref_slice %arg9[%dma_wait3A_1291, %dma_wait3A_1292, %dma_wait3A_1301, %dma_wait3A_1302] : memref<2x5x40x64xf32, #tpu.memory_space<vmem>> -> memref<1x1x40x64xf32, #tpu.memory_space<vmem>>
        %dma_wait3A_1304 = tpu.memref_squeeze %dma_wait3A_1303 : memref<1x1x40x64xf32, #tpu.memory_space<vmem>> -> memref<40x64xf32, #tpu.memory_space<vmem>>
        tpu.wait_dma2 semaphore(%arg11 : memref<!tpu.dma_semaphore, #tpu.memory_space<semaphore_mem>>) src(%dma_wait3A_1304 : memref<40x64xf32, #tpu.memory_space<vmem>>) dst(%dma_wait3A_1300 : memref<40x64xf32, #tpu.memory_space<hbm>>)
        %add3A_1305 = arith.constant 160 : i32
        %add3A_1306 = arith.addi %add3A_1176, %add3A_1305 : i32
        %dma_wait3A_1307 = arith.constant 0 : i32
        %dma_wait3A_1308 = arith.constant 4 : i32
        %dma_wait3A_1309 = arith.constant 0 : i32
        %dma_wait3A_1310 = arith.constant 0 : i32
        %dma_wait3A_1311 = tpu.memref_slice %arg8[%dma_wait3A_1307, %dma_wait3A_1308, %dma_wait3A_1309, %dma_wait3A_1310] : memref<2x5x40x64xf32, #tpu.memory_space<vmem>> -> memref<1x1x40x64xf32, #tpu.memory_space<vmem>>
        %dma_wait3A_1312 = tpu.memref_squeeze %dma_wait3A_1311 : memref<1x1x40x64xf32, #tpu.memory_space<vmem>> -> memref<40x64xf32, #tpu.memory_space<vmem>>
        %dma_wait3A_1313 = arith.constant 0 : i32
        %dma_wait3A_1314 = tpu.memref_slice %arg5[%add3A_1306, %dma_wait3A_1313] : memref<320000x64xf32, #tpu.memory_space<hbm>> -> memref<40x64xf32, #tpu.memory_space<hbm>>
        %dma_wait3A_1315 = arith.constant 0 : i32
        %dma_wait3A_1316 = tpu.memref_slice %arg5[%add3A_1306, %dma_wait3A_1315] : memref<320000x64xf32, #tpu.memory_space<hbm>> -> memref<40x64xf32, #tpu.memory_space<hbm>>
        %dma_wait3A_1317 = arith.constant 0 : i32
        %dma_wait3A_1318 = arith.constant 0 : i32
        %dma_wait3A_1319 = tpu.memref_slice %arg8[%dma_wait3A_1307, %dma_wait3A_1308, %dma_wait3A_1317, %dma_wait3A_1318] : memref<2x5x40x64xf32, #tpu.memory_space<vmem>> -> memref<1x1x40x64xf32, #tpu.memory_space<vmem>>
        %dma_wait3A_1320 = tpu.memref_squeeze %dma_wait3A_1319 : memref<1x1x40x64xf32, #tpu.memory_space<vmem>> -> memref<40x64xf32, #tpu.memory_space<vmem>>
        tpu.wait_dma2 semaphore(%arg11 : memref<!tpu.dma_semaphore, #tpu.memory_space<semaphore_mem>>) src(%dma_wait3A_1320 : memref<40x64xf32, #tpu.memory_space<vmem>>) dst(%dma_wait3A_1316 : memref<40x64xf32, #tpu.memory_space<hbm>>)
        %add3A_1321 = arith.constant 160 : i32
        %add3A_1322 = arith.addi %add3A_1176, %add3A_1321 : i32
        %dma_wait3A_1323 = arith.constant 0 : i32
        %dma_wait3A_1324 = arith.constant 4 : i32
        %dma_wait3A_1325 = arith.constant 0 : i32
        %dma_wait3A_1326 = arith.constant 0 : i32
        %dma_wait3A_1327 = tpu.memref_slice %arg9[%dma_wait3A_1323, %dma_wait3A_1324, %dma_wait3A_1325, %dma_wait3A_1326] : memref<2x5x40x64xf32, #tpu.memory_space<vmem>> -> memref<1x1x40x64xf32, #tpu.memory_space<vmem>>
        %dma_wait3A_1328 = tpu.memref_squeeze %dma_wait3A_1327 : memref<1x1x40x64xf32, #tpu.memory_space<vmem>> -> memref<40x64xf32, #tpu.memory_space<vmem>>
        %dma_wait3A_1329 = arith.constant 0 : i32
        %dma_wait3A_1330 = tpu.memref_slice %arg6[%add3A_1322, %dma_wait3A_1329] : memref<320000x64xf32, #tpu.memory_space<hbm>> -> memref<40x64xf32, #tpu.memory_space<hbm>>
        %dma_wait3A_1331 = arith.constant 0 : i32
        %dma_wait3A_1332 = tpu.memref_slice %arg6[%add3A_1322, %dma_wait3A_1331] : memref<320000x64xf32, #tpu.memory_space<hbm>> -> memref<40x64xf32, #tpu.memory_space<hbm>>
        %dma_wait3A_1333 = arith.constant 0 : i32
        %dma_wait3A_1334 = arith.constant 0 : i32
        %dma_wait3A_1335 = tpu.memref_slice %arg9[%dma_wait3A_1323, %dma_wait3A_1324, %dma_wait3A_1333, %dma_wait3A_1334] : memref<2x5x40x64xf32, #tpu.memory_space<vmem>> -> memref<1x1x40x64xf32, #tpu.memory_space<vmem>>
        %dma_wait3A_1336 = tpu.memref_squeeze %dma_wait3A_1335 : memref<1x1x40x64xf32, #tpu.memory_space<vmem>> -> memref<40x64xf32, #tpu.memory_space<vmem>>
        tpu.wait_dma2 semaphore(%arg11 : memref<!tpu.dma_semaphore, #tpu.memory_space<semaphore_mem>>) src(%dma_wait3A_1336 : memref<40x64xf32, #tpu.memory_space<vmem>>) dst(%dma_wait3A_1332 : memref<40x64xf32, #tpu.memory_space<hbm>>)
      } else {
      }
      %mul3A_345 = arith.constant 5 : i32
      %mul3A_346 = arith.muli %mul3A_342, %mul3A_345 : i32
      %mul3A_347 = arith.constant 40 : i32
      %mul3A_348 = arith.muli %mul3A_346, %mul3A_347 : i32
      %add3A_349 = arith.constant 0 : i32
      %add3A_350 = arith.addi %mul3A_348, %add3A_349 : i32
      %dma_start3A = arith.constant 0 : i32
      %dma_start3A_351 = arith.constant 0 : i32
      %dma_start3A_352 = arith.constant 0 : i32
      %dma_start3A_353 = arith.constant 0 : i32
      %dma_start3A_354 = arith.constant 0 : i32
      %dma_start3A_355 = tpu.memref_slice %arg8[%dma_start3A_351, %dma_start3A_352, %dma_start3A_353, %dma_start3A_354] : memref<2x5x40x64xf32, #tpu.memory_space<vmem>> -> memref<1x1x40x64xf32, #tpu.memory_space<vmem>>
      %dma_start3A_356 = tpu.memref_squeeze %dma_start3A_355 : memref<1x1x40x64xf32, #tpu.memory_space<vmem>> -> memref<40x64xf32, #tpu.memory_space<vmem>>
      %dma_start3A_357 = tpu.memref_slice %arg7[%dma_start3A, %add3A_350] : memref<2x10000xi32, #tpu.memory_space<vmem>> -> memref<1x40xi32, #tpu.memory_space<vmem>>
      %dma_start3A_358 = tpu.memref_squeeze %dma_start3A_357 : memref<1x40xi32, #tpu.memory_space<vmem>> -> memref<40xi32, #tpu.memory_space<vmem>>
      %dma_start3A_359 = arith.constant 0 : i32
      %dma_start3A_360 = arith.constant 0 : i32
      %dma_start3A_361 = tpu.memref_slice %arg2[%dma_start3A_359, %dma_start3A_360] : memref<10000x64xf32, #tpu.memory_space<hbm>> -> memref<10000x64xf32, #tpu.memory_space<hbm>>
      tpu.enqueue_indirect_dma source(%dma_start3A_361 : memref<10000x64xf32, #tpu.memory_space<hbm>>) target(%dma_start3A_356 : memref<40x64xf32, #tpu.memory_space<vmem>>) offsets(%dma_start3A_358 : memref<40xi32, #tpu.memory_space<vmem>>) semaphore(%arg10 : memref<!tpu.dma_semaphore, #tpu.memory_space<semaphore_mem>>)
      %dma_start3A_362 = arith.constant 1 : i32
      %dma_start3A_363 = arith.constant 0 : i32
      %dma_start3A_364 = arith.constant 0 : i32
      %dma_start3A_365 = arith.constant 0 : i32
      %dma_start3A_366 = arith.constant 0 : i32
      %dma_start3A_367 = tpu.memref_slice %arg9[%dma_start3A_363, %dma_start3A_364, %dma_start3A_365, %dma_start3A_366] : memref<2x5x40x64xf32, #tpu.memory_space<vmem>> -> memref<1x1x40x64xf32, #tpu.memory_space<vmem>>
      %dma_start3A_368 = tpu.memref_squeeze %dma_start3A_367 : memref<1x1x40x64xf32, #tpu.memory_space<vmem>> -> memref<40x64xf32, #tpu.memory_space<vmem>>
      %dma_start3A_369 = tpu.memref_slice %arg7[%dma_start3A_362, %add3A_350] : memref<2x10000xi32, #tpu.memory_space<vmem>> -> memref<1x40xi32, #tpu.memory_space<vmem>>
      %dma_start3A_370 = tpu.memref_squeeze %dma_start3A_369 : memref<1x40xi32, #tpu.memory_space<vmem>> -> memref<40xi32, #tpu.memory_space<vmem>>
      %dma_start3A_371 = arith.constant 0 : i32
      %dma_start3A_372 = arith.constant 0 : i32
      %dma_start3A_373 = tpu.memref_slice %arg2[%dma_start3A_371, %dma_start3A_372] : memref<10000x64xf32, #tpu.memory_space<hbm>> -> memref<10000x64xf32, #tpu.memory_space<hbm>>
      tpu.enqueue_indirect_dma source(%dma_start3A_373 : memref<10000x64xf32, #tpu.memory_space<hbm>>) target(%dma_start3A_368 : memref<40x64xf32, #tpu.memory_space<vmem>>) offsets(%dma_start3A_370 : memref<40xi32, #tpu.memory_space<vmem>>) semaphore(%arg10 : memref<!tpu.dma_semaphore, #tpu.memory_space<semaphore_mem>>)
      %add3A_374 = arith.constant 40 : i32
      %add3A_375 = arith.addi %mul3A_348, %add3A_374 : i32
      %dma_start3A_376 = arith.constant 0 : i32
      %dma_start3A_377 = arith.constant 0 : i32
      %dma_start3A_378 = arith.constant 1 : i32
      %dma_start3A_379 = arith.constant 0 : i32
      %dma_start3A_380 = arith.constant 0 : i32
      %dma_start3A_381 = tpu.memref_slice %arg8[%dma_start3A_377, %dma_start3A_378, %dma_start3A_379, %dma_start3A_380] : memref<2x5x40x64xf32, #tpu.memory_space<vmem>> -> memref<1x1x40x64xf32, #tpu.memory_space<vmem>>
      %dma_start3A_382 = tpu.memref_squeeze %dma_start3A_381 : memref<1x1x40x64xf32, #tpu.memory_space<vmem>> -> memref<40x64xf32, #tpu.memory_space<vmem>>
      %dma_start3A_383 = tpu.memref_slice %arg7[%dma_start3A_376, %add3A_375] : memref<2x10000xi32, #tpu.memory_space<vmem>> -> memref<1x40xi32, #tpu.memory_space<vmem>>
      %dma_start3A_384 = tpu.memref_squeeze %dma_start3A_383 : memref<1x40xi32, #tpu.memory_space<vmem>> -> memref<40xi32, #tpu.memory_space<vmem>>
      %dma_start3A_385 = arith.constant 0 : i32
      %dma_start3A_386 = arith.constant 0 : i32
      %dma_start3A_387 = tpu.memref_slice %arg2[%dma_start3A_385, %dma_start3A_386] : memref<10000x64xf32, #tpu.memory_space<hbm>> -> memref<10000x64xf32, #tpu.memory_space<hbm>>
      tpu.enqueue_indirect_dma source(%dma_start3A_387 : memref<10000x64xf32, #tpu.memory_space<hbm>>) target(%dma_start3A_382 : memref<40x64xf32, #tpu.memory_space<vmem>>) offsets(%dma_start3A_384 : memref<40xi32, #tpu.memory_space<vmem>>) semaphore(%arg10 : memref<!tpu.dma_semaphore, #tpu.memory_space<semaphore_mem>>)
      %dma_start3A_388 = arith.constant 1 : i32
      %dma_start3A_389 = arith.constant 0 : i32
      %dma_start3A_390 = arith.constant 1 : i32
      %dma_start3A_391 = arith.constant 0 : i32
      %dma_start3A_392 = arith.constant 0 : i32
      %dma_start3A_393 = tpu.memref_slice %arg9[%dma_start3A_389, %dma_start3A_390, %dma_start3A_391, %dma_start3A_392] : memref<2x5x40x64xf32, #tpu.memory_space<vmem>> -> memref<1x1x40x64xf32, #tpu.memory_space<vmem>>
      %dma_start3A_394 = tpu.memref_squeeze %dma_start3A_393 : memref<1x1x40x64xf32, #tpu.memory_space<vmem>> -> memref<40x64xf32, #tpu.memory_space<vmem>>
      %dma_start3A_395 = tpu.memref_slice %arg7[%dma_start3A_388, %add3A_375] : memref<2x10000xi32, #tpu.memory_space<vmem>> -> memref<1x40xi32, #tpu.memory_space<vmem>>
      %dma_start3A_396 = tpu.memref_squeeze %dma_start3A_395 : memref<1x40xi32, #tpu.memory_space<vmem>> -> memref<40xi32, #tpu.memory_space<vmem>>
      %dma_start3A_397 = arith.constant 0 : i32
      %dma_start3A_398 = arith.constant 0 : i32
      %dma_start3A_399 = tpu.memref_slice %arg2[%dma_start3A_397, %dma_start3A_398] : memref<10000x64xf32, #tpu.memory_space<hbm>> -> memref<10000x64xf32, #tpu.memory_space<hbm>>
      tpu.enqueue_indirect_dma source(%dma_start3A_399 : memref<10000x64xf32, #tpu.memory_space<hbm>>) target(%dma_start3A_394 : memref<40x64xf32, #tpu.memory_space<vmem>>) offsets(%dma_start3A_396 : memref<40xi32, #tpu.memory_space<vmem>>) semaphore(%arg10 : memref<!tpu.dma_semaphore, #tpu.memory_space<semaphore_mem>>)
      %add3A_400 = arith.constant 80 : i32
      %add3A_401 = arith.addi %mul3A_348, %add3A_400 : i32
      %dma_start3A_402 = arith.constant 0 : i32
      %dma_start3A_403 = arith.constant 0 : i32
      %dma_start3A_404 = arith.constant 2 : i32
      %dma_start3A_405 = arith.constant 0 : i32
      %dma_start3A_406 = arith.constant 0 : i32
      %dma_start3A_407 = tpu.memref_slice %arg8[%dma_start3A_403, %dma_start3A_404, %dma_start3A_405, %dma_start3A_406] : memref<2x5x40x64xf32, #tpu.memory_space<vmem>> -> memref<1x1x40x64xf32, #tpu.memory_space<vmem>>
      %dma_start3A_408 = tpu.memref_squeeze %dma_start3A_407 : memref<1x1x40x64xf32, #tpu.memory_space<vmem>> -> memref<40x64xf32, #tpu.memory_space<vmem>>
      %dma_start3A_409 = tpu.memref_slice %arg7[%dma_start3A_402, %add3A_401] : memref<2x10000xi32, #tpu.memory_space<vmem>> -> memref<1x40xi32, #tpu.memory_space<vmem>>
      %dma_start3A_410 = tpu.memref_squeeze %dma_start3A_409 : memref<1x40xi32, #tpu.memory_space<vmem>> -> memref<40xi32, #tpu.memory_space<vmem>>
      %dma_start3A_411 = arith.constant 0 : i32
      %dma_start3A_412 = arith.constant 0 : i32
      %dma_start3A_413 = tpu.memref_slice %arg2[%dma_start3A_411, %dma_start3A_412] : memref<10000x64xf32, #tpu.memory_space<hbm>> -> memref<10000x64xf32, #tpu.memory_space<hbm>>
      tpu.enqueue_indirect_dma source(%dma_start3A_413 : memref<10000x64xf32, #tpu.memory_space<hbm>>) target(%dma_start3A_408 : memref<40x64xf32, #tpu.memory_space<vmem>>) offsets(%dma_start3A_410 : memref<40xi32, #tpu.memory_space<vmem>>) semaphore(%arg10 : memref<!tpu.dma_semaphore, #tpu.memory_space<semaphore_mem>>)
      %dma_start3A_414 = arith.constant 1 : i32
      %dma_start3A_415 = arith.constant 0 : i32
      %dma_start3A_416 = arith.constant 2 : i32
      %dma_start3A_417 = arith.constant 0 : i32
      %dma_start3A_418 = arith.constant 0 : i32
      %dma_start3A_419 = tpu.memref_slice %arg9[%dma_start3A_415, %dma_start3A_416, %dma_start3A_417, %dma_start3A_418] : memref<2x5x40x64xf32, #tpu.memory_space<vmem>> -> memref<1x1x40x64xf32, #tpu.memory_space<vmem>>
      %dma_start3A_420 = tpu.memref_squeeze %dma_start3A_419 : memref<1x1x40x64xf32, #tpu.memory_space<vmem>> -> memref<40x64xf32, #tpu.memory_space<vmem>>
      %dma_start3A_421 = tpu.memref_slice %arg7[%dma_start3A_414, %add3A_401] : memref<2x10000xi32, #tpu.memory_space<vmem>> -> memref<1x40xi32, #tpu.memory_space<vmem>>
      %dma_start3A_422 = tpu.memref_squeeze %dma_start3A_421 : memref<1x40xi32, #tpu.memory_space<vmem>> -> memref<40xi32, #tpu.memory_space<vmem>>
      %dma_start3A_423 = arith.constant 0 : i32
      %dma_start3A_424 = arith.constant 0 : i32
      %dma_start3A_425 = tpu.memref_slice %arg2[%dma_start3A_423, %dma_start3A_424] : memref<10000x64xf32, #tpu.memory_space<hbm>> -> memref<10000x64xf32, #tpu.memory_space<hbm>>
      tpu.enqueue_indirect_dma source(%dma_start3A_425 : memref<10000x64xf32, #tpu.memory_space<hbm>>) target(%dma_start3A_420 : memref<40x64xf32, #tpu.memory_space<vmem>>) offsets(%dma_start3A_422 : memref<40xi32, #tpu.memory_space<vmem>>) semaphore(%arg10 : memref<!tpu.dma_semaphore, #tpu.memory_space<semaphore_mem>>)
      %add3A_426 = arith.constant 120 : i32
      %add3A_427 = arith.addi %mul3A_348, %add3A_426 : i32
      %dma_start3A_428 = arith.constant 0 : i32
      %dma_start3A_429 = arith.constant 0 : i32
      %dma_start3A_430 = arith.constant 3 : i32
      %dma_start3A_431 = arith.constant 0 : i32
      %dma_start3A_432 = arith.constant 0 : i32
      %dma_start3A_433 = tpu.memref_slice %arg8[%dma_start3A_429, %dma_start3A_430, %dma_start3A_431, %dma_start3A_432] : memref<2x5x40x64xf32, #tpu.memory_space<vmem>> -> memref<1x1x40x64xf32, #tpu.memory_space<vmem>>
      %dma_start3A_434 = tpu.memref_squeeze %dma_start3A_433 : memref<1x1x40x64xf32, #tpu.memory_space<vmem>> -> memref<40x64xf32, #tpu.memory_space<vmem>>
      %dma_start3A_435 = tpu.memref_slice %arg7[%dma_start3A_428, %add3A_427] : memref<2x10000xi32, #tpu.memory_space<vmem>> -> memref<1x40xi32, #tpu.memory_space<vmem>>
      %dma_start3A_436 = tpu.memref_squeeze %dma_start3A_435 : memref<1x40xi32, #tpu.memory_space<vmem>> -> memref<40xi32, #tpu.memory_space<vmem>>
      %dma_start3A_437 = arith.constant 0 : i32
      %dma_start3A_438 = arith.constant 0 : i32
      %dma_start3A_439 = tpu.memref_slice %arg2[%dma_start3A_437, %dma_start3A_438] : memref<10000x64xf32, #tpu.memory_space<hbm>> -> memref<10000x64xf32, #tpu.memory_space<hbm>>
      tpu.enqueue_indirect_dma source(%dma_start3A_439 : memref<10000x64xf32, #tpu.memory_space<hbm>>) target(%dma_start3A_434 : memref<40x64xf32, #tpu.memory_space<vmem>>) offsets(%dma_start3A_436 : memref<40xi32, #tpu.memory_space<vmem>>) semaphore(%arg10 : memref<!tpu.dma_semaphore, #tpu.memory_space<semaphore_mem>>)
      %dma_start3A_440 = arith.constant 1 : i32
      %dma_start3A_441 = arith.constant 0 : i32
      %dma_start3A_442 = arith.constant 3 : i32
      %dma_start3A_443 = arith.constant 0 : i32
      %dma_start3A_444 = arith.constant 0 : i32
      %dma_start3A_445 = tpu.memref_slice %arg9[%dma_start3A_441, %dma_start3A_442, %dma_start3A_443, %dma_start3A_444] : memref<2x5x40x64xf32, #tpu.memory_space<vmem>> -> memref<1x1x40x64xf32, #tpu.memory_space<vmem>>
      %dma_start3A_446 = tpu.memref_squeeze %dma_start3A_445 : memref<1x1x40x64xf32, #tpu.memory_space<vmem>> -> memref<40x64xf32, #tpu.memory_space<vmem>>
      %dma_start3A_447 = tpu.memref_slice %arg7[%dma_start3A_440, %add3A_427] : memref<2x10000xi32, #tpu.memory_space<vmem>> -> memref<1x40xi32, #tpu.memory_space<vmem>>
      %dma_start3A_448 = tpu.memref_squeeze %dma_start3A_447 : memref<1x40xi32, #tpu.memory_space<vmem>> -> memref<40xi32, #tpu.memory_space<vmem>>
      %dma_start3A_449 = arith.constant 0 : i32
      %dma_start3A_450 = arith.constant 0 : i32
      %dma_start3A_451 = tpu.memref_slice %arg2[%dma_start3A_449, %dma_start3A_450] : memref<10000x64xf32, #tpu.memory_space<hbm>> -> memref<10000x64xf32, #tpu.memory_space<hbm>>
      tpu.enqueue_indirect_dma source(%dma_start3A_451 : memref<10000x64xf32, #tpu.memory_space<hbm>>) target(%dma_start3A_446 : memref<40x64xf32, #tpu.memory_space<vmem>>) offsets(%dma_start3A_448 : memref<40xi32, #tpu.memory_space<vmem>>) semaphore(%arg10 : memref<!tpu.dma_semaphore, #tpu.memory_space<semaphore_mem>>)
      %add3A_452 = arith.constant 160 : i32
      %add3A_453 = arith.addi %mul3A_348, %add3A_452 : i32
      %dma_start3A_454 = arith.constant 0 : i32
      %dma_start3A_455 = arith.constant 0 : i32
      %dma_start3A_456 = arith.constant 4 : i32
      %dma_start3A_457 = arith.constant 0 : i32
      %dma_start3A_458 = arith.constant 0 : i32
      %dma_start3A_459 = tpu.memref_slice %arg8[%dma_start3A_455, %dma_start3A_456, %dma_start3A_457, %dma_start3A_458] : memref<2x5x40x64xf32, #tpu.memory_space<vmem>> -> memref<1x1x40x64xf32, #tpu.memory_space<vmem>>
      %dma_start3A_460 = tpu.memref_squeeze %dma_start3A_459 : memref<1x1x40x64xf32, #tpu.memory_space<vmem>> -> memref<40x64xf32, #tpu.memory_space<vmem>>
      %dma_start3A_461 = tpu.memref_slice %arg7[%dma_start3A_454, %add3A_453] : memref<2x10000xi32, #tpu.memory_space<vmem>> -> memref<1x40xi32, #tpu.memory_space<vmem>>
      %dma_start3A_462 = tpu.memref_squeeze %dma_start3A_461 : memref<1x40xi32, #tpu.memory_space<vmem>> -> memref<40xi32, #tpu.memory_space<vmem>>
      %dma_start3A_463 = arith.constant 0 : i32
      %dma_start3A_464 = arith.constant 0 : i32
      %dma_start3A_465 = tpu.memref_slice %arg2[%dma_start3A_463, %dma_start3A_464] : memref<10000x64xf32, #tpu.memory_space<hbm>> -> memref<10000x64xf32, #tpu.memory_space<hbm>>
      tpu.enqueue_indirect_dma source(%dma_start3A_465 : memref<10000x64xf32, #tpu.memory_space<hbm>>) target(%dma_start3A_460 : memref<40x64xf32, #tpu.memory_space<vmem>>) offsets(%dma_start3A_462 : memref<40xi32, #tpu.memory_space<vmem>>) semaphore(%arg10 : memref<!tpu.dma_semaphore, #tpu.memory_space<semaphore_mem>>)
      %dma_start3A_466 = arith.constant 1 : i32
      %dma_start3A_467 = arith.constant 0 : i32
      %dma_start3A_468 = arith.constant 4 : i32
      %dma_start3A_469 = arith.constant 0 : i32
      %dma_start3A_470 = arith.constant 0 : i32
      %dma_start3A_471 = tpu.memref_slice %arg9[%dma_start3A_467, %dma_start3A_468, %dma_start3A_469, %dma_start3A_470] : memref<2x5x40x64xf32, #tpu.memory_space<vmem>> -> memref<1x1x40x64xf32, #tpu.memory_space<vmem>>
      %dma_start3A_472 = tpu.memref_squeeze %dma_start3A_471 : memref<1x1x40x64xf32, #tpu.memory_space<vmem>> -> memref<40x64xf32, #tpu.memory_space<vmem>>
      %dma_start3A_473 = tpu.memref_slice %arg7[%dma_start3A_466, %add3A_453] : memref<2x10000xi32, #tpu.memory_space<vmem>> -> memref<1x40xi32, #tpu.memory_space<vmem>>
      %dma_start3A_474 = tpu.memref_squeeze %dma_start3A_473 : memref<1x40xi32, #tpu.memory_space<vmem>> -> memref<40xi32, #tpu.memory_space<vmem>>
      %dma_start3A_475 = arith.constant 0 : i32
      %dma_start3A_476 = arith.constant 0 : i32
      %dma_start3A_477 = tpu.memref_slice %arg2[%dma_start3A_475, %dma_start3A_476] : memref<10000x64xf32, #tpu.memory_space<hbm>> -> memref<10000x64xf32, #tpu.memory_space<hbm>>
      tpu.enqueue_indirect_dma source(%dma_start3A_477 : memref<10000x64xf32, #tpu.memory_space<hbm>>) target(%dma_start3A_472 : memref<40x64xf32, #tpu.memory_space<vmem>>) offsets(%dma_start3A_474 : memref<40xi32, #tpu.memory_space<vmem>>) semaphore(%arg10 : memref<!tpu.dma_semaphore, #tpu.memory_space<semaphore_mem>>)
      %dma_wait3A_478 = arith.constant 0 : i32
      %dma_wait3A_479 = arith.constant 0 : i32
      %dma_wait3A_480 = arith.constant 0 : i32
      %dma_wait3A_481 = arith.constant 0 : i32
      %dma_wait3A_482 = arith.constant 0 : i32
      %dma_wait3A_483 = tpu.memref_slice %arg8[%dma_wait3A_479, %dma_wait3A_480, %dma_wait3A_481, %dma_wait3A_482] : memref<2x5x40x64xf32, #tpu.memory_space<vmem>> -> memref<1x1x40x64xf32, #tpu.memory_space<vmem>>
      %dma_wait3A_484 = tpu.memref_squeeze %dma_wait3A_483 : memref<1x1x40x64xf32, #tpu.memory_space<vmem>> -> memref<40x64xf32, #tpu.memory_space<vmem>>
      %dma_wait3A_485 = tpu.memref_slice %arg7[%dma_wait3A_478, %add3A_350] : memref<2x10000xi32, #tpu.memory_space<vmem>> -> memref<1x40xi32, #tpu.memory_space<vmem>>
      %dma_wait3A_486 = tpu.memref_squeeze %dma_wait3A_485 : memref<1x40xi32, #tpu.memory_space<vmem>> -> memref<40xi32, #tpu.memory_space<vmem>>
      %dma_wait3A_487 = arith.constant 0 : i32
      %dma_wait3A_488 = arith.constant 0 : i32
      %dma_wait3A_489 = tpu.memref_slice %arg2[%dma_wait3A_487, %dma_wait3A_488] : memref<10000x64xf32, #tpu.memory_space<hbm>> -> memref<10000x64xf32, #tpu.memory_space<hbm>>
      tpu.wait_indirect_dma semaphore(%arg10 : memref<!tpu.dma_semaphore, #tpu.memory_space<semaphore_mem>>) src(%dma_wait3A_489 : memref<10000x64xf32, #tpu.memory_space<hbm>>) dst(%dma_wait3A_484 : memref<40x64xf32, #tpu.memory_space<vmem>>)
      %dma_wait3A_490 = arith.constant 1 : i32
      %dma_wait3A_491 = arith.constant 0 : i32
      %dma_wait3A_492 = arith.constant 0 : i32
      %dma_wait3A_493 = arith.constant 0 : i32
      %dma_wait3A_494 = arith.constant 0 : i32
      %dma_wait3A_495 = tpu.memref_slice %arg9[%dma_wait3A_491, %dma_wait3A_492, %dma_wait3A_493, %dma_wait3A_494] : memref<2x5x40x64xf32, #tpu.memory_space<vmem>> -> memref<1x1x40x64xf32, #tpu.memory_space<vmem>>
      %dma_wait3A_496 = tpu.memref_squeeze %dma_wait3A_495 : memref<1x1x40x64xf32, #tpu.memory_space<vmem>> -> memref<40x64xf32, #tpu.memory_space<vmem>>
      %dma_wait3A_497 = tpu.memref_slice %arg7[%dma_wait3A_490, %add3A_350] : memref<2x10000xi32, #tpu.memory_space<vmem>> -> memref<1x40xi32, #tpu.memory_space<vmem>>
      %dma_wait3A_498 = tpu.memref_squeeze %dma_wait3A_497 : memref<1x40xi32, #tpu.memory_space<vmem>> -> memref<40xi32, #tpu.memory_space<vmem>>
      %dma_wait3A_499 = arith.constant 0 : i32
      %dma_wait3A_500 = arith.constant 0 : i32
      %dma_wait3A_501 = tpu.memref_slice %arg2[%dma_wait3A_499, %dma_wait3A_500] : memref<10000x64xf32, #tpu.memory_space<hbm>> -> memref<10000x64xf32, #tpu.memory_space<hbm>>
      tpu.wait_indirect_dma semaphore(%arg10 : memref<!tpu.dma_semaphore, #tpu.memory_space<semaphore_mem>>) src(%dma_wait3A_501 : memref<10000x64xf32, #tpu.memory_space<hbm>>) dst(%dma_wait3A_496 : memref<40x64xf32, #tpu.memory_space<vmem>>)
      %dma_wait3A_502 = arith.constant 0 : i32
      %dma_wait3A_503 = arith.constant 0 : i32
      %dma_wait3A_504 = arith.constant 1 : i32
      %dma_wait3A_505 = arith.constant 0 : i32
      %dma_wait3A_506 = arith.constant 0 : i32
      %dma_wait3A_507 = tpu.memref_slice %arg8[%dma_wait3A_503, %dma_wait3A_504, %dma_wait3A_505, %dma_wait3A_506] : memref<2x5x40x64xf32, #tpu.memory_space<vmem>> -> memref<1x1x40x64xf32, #tpu.memory_space<vmem>>
      %dma_wait3A_508 = tpu.memref_squeeze %dma_wait3A_507 : memref<1x1x40x64xf32, #tpu.memory_space<vmem>> -> memref<40x64xf32, #tpu.memory_space<vmem>>
      %dma_wait3A_509 = tpu.memref_slice %arg7[%dma_wait3A_502, %add3A_375] : memref<2x10000xi32, #tpu.memory_space<vmem>> -> memref<1x40xi32, #tpu.memory_space<vmem>>
      %dma_wait3A_510 = tpu.memref_squeeze %dma_wait3A_509 : memref<1x40xi32, #tpu.memory_space<vmem>> -> memref<40xi32, #tpu.memory_space<vmem>>
      %dma_wait3A_511 = arith.constant 0 : i32
      %dma_wait3A_512 = arith.constant 0 : i32
      %dma_wait3A_513 = tpu.memref_slice %arg2[%dma_wait3A_511, %dma_wait3A_512] : memref<10000x64xf32, #tpu.memory_space<hbm>> -> memref<10000x64xf32, #tpu.memory_space<hbm>>
      tpu.wait_indirect_dma semaphore(%arg10 : memref<!tpu.dma_semaphore, #tpu.memory_space<semaphore_mem>>) src(%dma_wait3A_513 : memref<10000x64xf32, #tpu.memory_space<hbm>>) dst(%dma_wait3A_508 : memref<40x64xf32, #tpu.memory_space<vmem>>)
      %dma_wait3A_514 = arith.constant 1 : i32
      %dma_wait3A_515 = arith.constant 0 : i32
      %dma_wait3A_516 = arith.constant 1 : i32
      %dma_wait3A_517 = arith.constant 0 : i32
      %dma_wait3A_518 = arith.constant 0 : i32
      %dma_wait3A_519 = tpu.memref_slice %arg9[%dma_wait3A_515, %dma_wait3A_516, %dma_wait3A_517, %dma_wait3A_518] : memref<2x5x40x64xf32, #tpu.memory_space<vmem>> -> memref<1x1x40x64xf32, #tpu.memory_space<vmem>>
      %dma_wait3A_520 = tpu.memref_squeeze %dma_wait3A_519 : memref<1x1x40x64xf32, #tpu.memory_space<vmem>> -> memref<40x64xf32, #tpu.memory_space<vmem>>
      %dma_wait3A_521 = tpu.memref_slice %arg7[%dma_wait3A_514, %add3A_375] : memref<2x10000xi32, #tpu.memory_space<vmem>> -> memref<1x40xi32, #tpu.memory_space<vmem>>
      %dma_wait3A_522 = tpu.memref_squeeze %dma_wait3A_521 : memref<1x40xi32, #tpu.memory_space<vmem>> -> memref<40xi32, #tpu.memory_space<vmem>>
      %dma_wait3A_523 = arith.constant 0 : i32
      %dma_wait3A_524 = arith.constant 0 : i32
      %dma_wait3A_525 = tpu.memref_slice %arg2[%dma_wait3A_523, %dma_wait3A_524] : memref<10000x64xf32, #tpu.memory_space<hbm>> -> memref<10000x64xf32, #tpu.memory_space<hbm>>
      tpu.wait_indirect_dma semaphore(%arg10 : memref<!tpu.dma_semaphore, #tpu.memory_space<semaphore_mem>>) src(%dma_wait3A_525 : memref<10000x64xf32, #tpu.memory_space<hbm>>) dst(%dma_wait3A_520 : memref<40x64xf32, #tpu.memory_space<vmem>>)
      %dma_wait3A_526 = arith.constant 0 : i32
      %dma_wait3A_527 = arith.constant 0 : i32
      %dma_wait3A_528 = arith.constant 2 : i32
      %dma_wait3A_529 = arith.constant 0 : i32
      %dma_wait3A_530 = arith.constant 0 : i32
      %dma_wait3A_531 = tpu.memref_slice %arg8[%dma_wait3A_527, %dma_wait3A_528, %dma_wait3A_529, %dma_wait3A_530] : memref<2x5x40x64xf32, #tpu.memory_space<vmem>> -> memref<1x1x40x64xf32, #tpu.memory_space<vmem>>
      %dma_wait3A_532 = tpu.memref_squeeze %dma_wait3A_531 : memref<1x1x40x64xf32, #tpu.memory_space<vmem>> -> memref<40x64xf32, #tpu.memory_space<vmem>>
      %dma_wait3A_533 = tpu.memref_slice %arg7[%dma_wait3A_526, %add3A_401] : memref<2x10000xi32, #tpu.memory_space<vmem>> -> memref<1x40xi32, #tpu.memory_space<vmem>>
      %dma_wait3A_534 = tpu.memref_squeeze %dma_wait3A_533 : memref<1x40xi32, #tpu.memory_space<vmem>> -> memref<40xi32, #tpu.memory_space<vmem>>
      %dma_wait3A_535 = arith.constant 0 : i32
      %dma_wait3A_536 = arith.constant 0 : i32
      %dma_wait3A_537 = tpu.memref_slice %arg2[%dma_wait3A_535, %dma_wait3A_536] : memref<10000x64xf32, #tpu.memory_space<hbm>> -> memref<10000x64xf32, #tpu.memory_space<hbm>>
      tpu.wait_indirect_dma semaphore(%arg10 : memref<!tpu.dma_semaphore, #tpu.memory_space<semaphore_mem>>) src(%dma_wait3A_537 : memref<10000x64xf32, #tpu.memory_space<hbm>>) dst(%dma_wait3A_532 : memref<40x64xf32, #tpu.memory_space<vmem>>)
      %dma_wait3A_538 = arith.constant 1 : i32
      %dma_wait3A_539 = arith.constant 0 : i32
      %dma_wait3A_540 = arith.constant 2 : i32
      %dma_wait3A_541 = arith.constant 0 : i32
      %dma_wait3A_542 = arith.constant 0 : i32
      %dma_wait3A_543 = tpu.memref_slice %arg9[%dma_wait3A_539, %dma_wait3A_540, %dma_wait3A_541, %dma_wait3A_542] : memref<2x5x40x64xf32, #tpu.memory_space<vmem>> -> memref<1x1x40x64xf32, #tpu.memory_space<vmem>>
      %dma_wait3A_544 = tpu.memref_squeeze %dma_wait3A_543 : memref<1x1x40x64xf32, #tpu.memory_space<vmem>> -> memref<40x64xf32, #tpu.memory_space<vmem>>
      %dma_wait3A_545 = tpu.memref_slice %arg7[%dma_wait3A_538, %add3A_401] : memref<2x10000xi32, #tpu.memory_space<vmem>> -> memref<1x40xi32, #tpu.memory_space<vmem>>
      %dma_wait3A_546 = tpu.memref_squeeze %dma_wait3A_545 : memref<1x40xi32, #tpu.memory_space<vmem>> -> memref<40xi32, #tpu.memory_space<vmem>>
      %dma_wait3A_547 = arith.constant 0 : i32
      %dma_wait3A_548 = arith.constant 0 : i32
      %dma_wait3A_549 = tpu.memref_slice %arg2[%dma_wait3A_547, %dma_wait3A_548] : memref<10000x64xf32, #tpu.memory_space<hbm>> -> memref<10000x64xf32, #tpu.memory_space<hbm>>
      tpu.wait_indirect_dma semaphore(%arg10 : memref<!tpu.dma_semaphore, #tpu.memory_space<semaphore_mem>>) src(%dma_wait3A_549 : memref<10000x64xf32, #tpu.memory_space<hbm>>) dst(%dma_wait3A_544 : memref<40x64xf32, #tpu.memory_space<vmem>>)
      %dma_wait3A_550 = arith.constant 0 : i32
      %dma_wait3A_551 = arith.constant 0 : i32
      %dma_wait3A_552 = arith.constant 3 : i32
      %dma_wait3A_553 = arith.constant 0 : i32
      %dma_wait3A_554 = arith.constant 0 : i32
      %dma_wait3A_555 = tpu.memref_slice %arg8[%dma_wait3A_551, %dma_wait3A_552, %dma_wait3A_553, %dma_wait3A_554] : memref<2x5x40x64xf32, #tpu.memory_space<vmem>> -> memref<1x1x40x64xf32, #tpu.memory_space<vmem>>
      %dma_wait3A_556 = tpu.memref_squeeze %dma_wait3A_555 : memref<1x1x40x64xf32, #tpu.memory_space<vmem>> -> memref<40x64xf32, #tpu.memory_space<vmem>>
      %dma_wait3A_557 = tpu.memref_slice %arg7[%dma_wait3A_550, %add3A_427] : memref<2x10000xi32, #tpu.memory_space<vmem>> -> memref<1x40xi32, #tpu.memory_space<vmem>>
      %dma_wait3A_558 = tpu.memref_squeeze %dma_wait3A_557 : memref<1x40xi32, #tpu.memory_space<vmem>> -> memref<40xi32, #tpu.memory_space<vmem>>
      %dma_wait3A_559 = arith.constant 0 : i32
      %dma_wait3A_560 = arith.constant 0 : i32
      %dma_wait3A_561 = tpu.memref_slice %arg2[%dma_wait3A_559, %dma_wait3A_560] : memref<10000x64xf32, #tpu.memory_space<hbm>> -> memref<10000x64xf32, #tpu.memory_space<hbm>>
      tpu.wait_indirect_dma semaphore(%arg10 : memref<!tpu.dma_semaphore, #tpu.memory_space<semaphore_mem>>) src(%dma_wait3A_561 : memref<10000x64xf32, #tpu.memory_space<hbm>>) dst(%dma_wait3A_556 : memref<40x64xf32, #tpu.memory_space<vmem>>)
      %dma_wait3A_562 = arith.constant 1 : i32
      %dma_wait3A_563 = arith.constant 0 : i32
      %dma_wait3A_564 = arith.constant 3 : i32
      %dma_wait3A_565 = arith.constant 0 : i32
      %dma_wait3A_566 = arith.constant 0 : i32
      %dma_wait3A_567 = tpu.memref_slice %arg9[%dma_wait3A_563, %dma_wait3A_564, %dma_wait3A_565, %dma_wait3A_566] : memref<2x5x40x64xf32, #tpu.memory_space<vmem>> -> memref<1x1x40x64xf32, #tpu.memory_space<vmem>>
      %dma_wait3A_568 = tpu.memref_squeeze %dma_wait3A_567 : memref<1x1x40x64xf32, #tpu.memory_space<vmem>> -> memref<40x64xf32, #tpu.memory_space<vmem>>
      %dma_wait3A_569 = tpu.memref_slice %arg7[%dma_wait3A_562, %add3A_427] : memref<2x10000xi32, #tpu.memory_space<vmem>> -> memref<1x40xi32, #tpu.memory_space<vmem>>
      %dma_wait3A_570 = tpu.memref_squeeze %dma_wait3A_569 : memref<1x40xi32, #tpu.memory_space<vmem>> -> memref<40xi32, #tpu.memory_space<vmem>>
      %dma_wait3A_571 = arith.constant 0 : i32
      %dma_wait3A_572 = arith.constant 0 : i32
      %dma_wait3A_573 = tpu.memref_slice %arg2[%dma_wait3A_571, %dma_wait3A_572] : memref<10000x64xf32, #tpu.memory_space<hbm>> -> memref<10000x64xf32, #tpu.memory_space<hbm>>
      tpu.wait_indirect_dma semaphore(%arg10 : memref<!tpu.dma_semaphore, #tpu.memory_space<semaphore_mem>>) src(%dma_wait3A_573 : memref<10000x64xf32, #tpu.memory_space<hbm>>) dst(%dma_wait3A_568 : memref<40x64xf32, #tpu.memory_space<vmem>>)
      %dma_wait3A_574 = arith.constant 0 : i32
      %dma_wait3A_575 = arith.constant 0 : i32
      %dma_wait3A_576 = arith.constant 4 : i32
      %dma_wait3A_577 = arith.constant 0 : i32
      %dma_wait3A_578 = arith.constant 0 : i32
      %dma_wait3A_579 = tpu.memref_slice %arg8[%dma_wait3A_575, %dma_wait3A_576, %dma_wait3A_577, %dma_wait3A_578] : memref<2x5x40x64xf32, #tpu.memory_space<vmem>> -> memref<1x1x40x64xf32, #tpu.memory_space<vmem>>
      %dma_wait3A_580 = tpu.memref_squeeze %dma_wait3A_579 : memref<1x1x40x64xf32, #tpu.memory_space<vmem>> -> memref<40x64xf32, #tpu.memory_space<vmem>>
      %dma_wait3A_581 = tpu.memref_slice %arg7[%dma_wait3A_574, %add3A_453] : memref<2x10000xi32, #tpu.memory_space<vmem>> -> memref<1x40xi32, #tpu.memory_space<vmem>>
      %dma_wait3A_582 = tpu.memref_squeeze %dma_wait3A_581 : memref<1x40xi32, #tpu.memory_space<vmem>> -> memref<40xi32, #tpu.memory_space<vmem>>
      %dma_wait3A_583 = arith.constant 0 : i32
      %dma_wait3A_584 = arith.constant 0 : i32
      %dma_wait3A_585 = tpu.memref_slice %arg2[%dma_wait3A_583, %dma_wait3A_584] : memref<10000x64xf32, #tpu.memory_space<hbm>> -> memref<10000x64xf32, #tpu.memory_space<hbm>>
      tpu.wait_indirect_dma semaphore(%arg10 : memref<!tpu.dma_semaphore, #tpu.memory_space<semaphore_mem>>) src(%dma_wait3A_585 : memref<10000x64xf32, #tpu.memory_space<hbm>>) dst(%dma_wait3A_580 : memref<40x64xf32, #tpu.memory_space<vmem>>)
      %dma_wait3A_586 = arith.constant 1 : i32
      %dma_wait3A_587 = arith.constant 0 : i32
      %dma_wait3A_588 = arith.constant 4 : i32
      %dma_wait3A_589 = arith.constant 0 : i32
      %dma_wait3A_590 = arith.constant 0 : i32
      %dma_wait3A_591 = tpu.memref_slice %arg9[%dma_wait3A_587, %dma_wait3A_588, %dma_wait3A_589, %dma_wait3A_590] : memref<2x5x40x64xf32, #tpu.memory_space<vmem>> -> memref<1x1x40x64xf32, #tpu.memory_space<vmem>>
      %dma_wait3A_592 = tpu.memref_squeeze %dma_wait3A_591 : memref<1x1x40x64xf32, #tpu.memory_space<vmem>> -> memref<40x64xf32, #tpu.memory_space<vmem>>
      %dma_wait3A_593 = tpu.memref_slice %arg7[%dma_wait3A_586, %add3A_453] : memref<2x10000xi32, #tpu.memory_space<vmem>> -> memref<1x40xi32, #tpu.memory_space<vmem>>
      %dma_wait3A_594 = tpu.memref_squeeze %dma_wait3A_593 : memref<1x40xi32, #tpu.memory_space<vmem>> -> memref<40xi32, #tpu.memory_space<vmem>>
      %dma_wait3A_595 = arith.constant 0 : i32
      %dma_wait3A_596 = arith.constant 0 : i32
      %dma_wait3A_597 = tpu.memref_slice %arg2[%dma_wait3A_595, %dma_wait3A_596] : memref<10000x64xf32, #tpu.memory_space<hbm>> -> memref<10000x64xf32, #tpu.memory_space<hbm>>
      tpu.wait_indirect_dma semaphore(%arg10 : memref<!tpu.dma_semaphore, #tpu.memory_space<semaphore_mem>>) src(%dma_wait3A_597 : memref<10000x64xf32, #tpu.memory_space<hbm>>) dst(%dma_wait3A_592 : memref<40x64xf32, #tpu.memory_space<vmem>>)
      %add3A_598 = arith.addi %mul3A_2, %mul3A_348 : i32
      %add3A_599 = arith.constant 0 : i32
      %add3A_600 = arith.addi %add3A_598, %add3A_599 : i32
      %dma_start3A_601 = arith.constant 0 : i32
      %dma_start3A_602 = arith.constant 0 : i32
      %dma_start3A_603 = arith.constant 0 : i32
      %dma_start3A_604 = arith.constant 0 : i32
      %dma_start3A_605 = tpu.memref_slice %arg8[%dma_start3A_601, %dma_start3A_602, %dma_start3A_603, %dma_start3A_604] : memref<2x5x40x64xf32, #tpu.memory_space<vmem>> -> memref<1x1x40x64xf32, #tpu.memory_space<vmem>>
      %dma_start3A_606 = tpu.memref_squeeze %dma_start3A_605 : memref<1x1x40x64xf32, #tpu.memory_space<vmem>> -> memref<40x64xf32, #tpu.memory_space<vmem>>
      %dma_start3A_607 = arith.constant 0 : i32
      %dma_start3A_608 = tpu.memref_slice %arg5[%add3A_600, %dma_start3A_607] : memref<320000x64xf32, #tpu.memory_space<hbm>> -> memref<40x64xf32, #tpu.memory_space<hbm>>
      %dma_start3A_609 = arith.constant 0 : i32
      %dma_start3A_610 = tpu.memref_slice %arg5[%add3A_600, %dma_start3A_609] : memref<320000x64xf32, #tpu.memory_space<hbm>> -> memref<40x64xf32, #tpu.memory_space<hbm>>
      %dma_start3A_611 = arith.constant 0 : i32
      %dma_start3A_612 = arith.constant 0 : i32
      %dma_start3A_613 = tpu.memref_slice %arg8[%dma_start3A_601, %dma_start3A_602, %dma_start3A_611, %dma_start3A_612] : memref<2x5x40x64xf32, #tpu.memory_space<vmem>> -> memref<1x1x40x64xf32, #tpu.memory_space<vmem>>
      %dma_start3A_614 = tpu.memref_squeeze %dma_start3A_613 : memref<1x1x40x64xf32, #tpu.memory_space<vmem>> -> memref<40x64xf32, #tpu.memory_space<vmem>>
      tpu.enqueue_dma source(%dma_start3A_614 : memref<40x64xf32, #tpu.memory_space<vmem>>) target(%dma_start3A_610 : memref<40x64xf32, #tpu.memory_space<hbm>>) target_semaphore(%arg11 : memref<!tpu.dma_semaphore, #tpu.memory_space<semaphore_mem>>)
      %dma_start3A_615 = arith.constant 0 : i32
      %dma_start3A_616 = arith.constant 0 : i32
      %dma_start3A_617 = arith.constant 0 : i32
      %dma_start3A_618 = arith.constant 0 : i32
      %dma_start3A_619 = tpu.memref_slice %arg9[%dma_start3A_615, %dma_start3A_616, %dma_start3A_617, %dma_start3A_618] : memref<2x5x40x64xf32, #tpu.memory_space<vmem>> -> memref<1x1x40x64xf32, #tpu.memory_space<vmem>>
      %dma_start3A_620 = tpu.memref_squeeze %dma_start3A_619 : memref<1x1x40x64xf32, #tpu.memory_space<vmem>> -> memref<40x64xf32, #tpu.memory_space<vmem>>
      %dma_start3A_621 = arith.constant 0 : i32
      %dma_start3A_622 = tpu.memref_slice %arg6[%add3A_600, %dma_start3A_621] : memref<320000x64xf32, #tpu.memory_space<hbm>> -> memref<40x64xf32, #tpu.memory_space<hbm>>
      %dma_start3A_623 = arith.constant 0 : i32
      %dma_start3A_624 = tpu.memref_slice %arg6[%add3A_600, %dma_start3A_623] : memref<320000x64xf32, #tpu.memory_space<hbm>> -> memref<40x64xf32, #tpu.memory_space<hbm>>
      %dma_start3A_625 = arith.constant 0 : i32
      %dma_start3A_626 = arith.constant 0 : i32
      %dma_start3A_627 = tpu.memref_slice %arg9[%dma_start3A_615, %dma_start3A_616, %dma_start3A_625, %dma_start3A_626] : memref<2x5x40x64xf32, #tpu.memory_space<vmem>> -> memref<1x1x40x64xf32, #tpu.memory_space<vmem>>
      %dma_start3A_628 = tpu.memref_squeeze %dma_start3A_627 : memref<1x1x40x64xf32, #tpu.memory_space<vmem>> -> memref<40x64xf32, #tpu.memory_space<vmem>>
      tpu.enqueue_dma source(%dma_start3A_628 : memref<40x64xf32, #tpu.memory_space<vmem>>) target(%dma_start3A_624 : memref<40x64xf32, #tpu.memory_space<hbm>>) target_semaphore(%arg11 : memref<!tpu.dma_semaphore, #tpu.memory_space<semaphore_mem>>)
      %add3A_629 = arith.addi %mul3A_2, %mul3A_348 : i32
      %add3A_630 = arith.constant 40 : i32
      %add3A_631 = arith.addi %add3A_629, %add3A_630 : i32
      %dma_start3A_632 = arith.constant 0 : i32
      %dma_start3A_633 = arith.constant 1 : i32
      %dma_start3A_634 = arith.constant 0 : i32
      %dma_start3A_635 = arith.constant 0 : i32
      %dma_start3A_636 = tpu.memref_slice %arg8[%dma_start3A_632, %dma_start3A_633, %dma_start3A_634, %dma_start3A_635] : memref<2x5x40x64xf32, #tpu.memory_space<vmem>> -> memref<1x1x40x64xf32, #tpu.memory_space<vmem>>
      %dma_start3A_637 = tpu.memref_squeeze %dma_start3A_636 : memref<1x1x40x64xf32, #tpu.memory_space<vmem>> -> memref<40x64xf32, #tpu.memory_space<vmem>>
      %dma_start3A_638 = arith.constant 0 : i32
      %dma_start3A_639 = tpu.memref_slice %arg5[%add3A_631, %dma_start3A_638] : memref<320000x64xf32, #tpu.memory_space<hbm>> -> memref<40x64xf32, #tpu.memory_space<hbm>>
      %dma_start3A_640 = arith.constant 0 : i32
      %dma_start3A_641 = tpu.memref_slice %arg5[%add3A_631, %dma_start3A_640] : memref<320000x64xf32, #tpu.memory_space<hbm>> -> memref<40x64xf32, #tpu.memory_space<hbm>>
      %dma_start3A_642 = arith.constant 0 : i32
      %dma_start3A_643 = arith.constant 0 : i32
      %dma_start3A_644 = tpu.memref_slice %arg8[%dma_start3A_632, %dma_start3A_633, %dma_start3A_642, %dma_start3A_643] : memref<2x5x40x64xf32, #tpu.memory_space<vmem>> -> memref<1x1x40x64xf32, #tpu.memory_space<vmem>>
      %dma_start3A_645 = tpu.memref_squeeze %dma_start3A_644 : memref<1x1x40x64xf32, #tpu.memory_space<vmem>> -> memref<40x64xf32, #tpu.memory_space<vmem>>
      tpu.enqueue_dma source(%dma_start3A_645 : memref<40x64xf32, #tpu.memory_space<vmem>>) target(%dma_start3A_641 : memref<40x64xf32, #tpu.memory_space<hbm>>) target_semaphore(%arg11 : memref<!tpu.dma_semaphore, #tpu.memory_space<semaphore_mem>>)
      %dma_start3A_646 = arith.constant 0 : i32
      %dma_start3A_647 = arith.constant 1 : i32
      %dma_start3A_648 = arith.constant 0 : i32
      %dma_start3A_649 = arith.constant 0 : i32
      %dma_start3A_650 = tpu.memref_slice %arg9[%dma_start3A_646, %dma_start3A_647, %dma_start3A_648, %dma_start3A_649] : memref<2x5x40x64xf32, #tpu.memory_space<vmem>> -> memref<1x1x40x64xf32, #tpu.memory_space<vmem>>
      %dma_start3A_651 = tpu.memref_squeeze %dma_start3A_650 : memref<1x1x40x64xf32, #tpu.memory_space<vmem>> -> memref<40x64xf32, #tpu.memory_space<vmem>>
      %dma_start3A_652 = arith.constant 0 : i32
      %dma_start3A_653 = tpu.memref_slice %arg6[%add3A_631, %dma_start3A_652] : memref<320000x64xf32, #tpu.memory_space<hbm>> -> memref<40x64xf32, #tpu.memory_space<hbm>>
      %dma_start3A_654 = arith.constant 0 : i32
      %dma_start3A_655 = tpu.memref_slice %arg6[%add3A_631, %dma_start3A_654] : memref<320000x64xf32, #tpu.memory_space<hbm>> -> memref<40x64xf32, #tpu.memory_space<hbm>>
      %dma_start3A_656 = arith.constant 0 : i32
      %dma_start3A_657 = arith.constant 0 : i32
      %dma_start3A_658 = tpu.memref_slice %arg9[%dma_start3A_646, %dma_start3A_647, %dma_start3A_656, %dma_start3A_657] : memref<2x5x40x64xf32, #tpu.memory_space<vmem>> -> memref<1x1x40x64xf32, #tpu.memory_space<vmem>>
      %dma_start3A_659 = tpu.memref_squeeze %dma_start3A_658 : memref<1x1x40x64xf32, #tpu.memory_space<vmem>> -> memref<40x64xf32, #tpu.memory_space<vmem>>
      tpu.enqueue_dma source(%dma_start3A_659 : memref<40x64xf32, #tpu.memory_space<vmem>>) target(%dma_start3A_655 : memref<40x64xf32, #tpu.memory_space<hbm>>) target_semaphore(%arg11 : memref<!tpu.dma_semaphore, #tpu.memory_space<semaphore_mem>>)
      %add3A_660 = arith.addi %mul3A_2, %mul3A_348 : i32
      %add3A_661 = arith.constant 80 : i32
      %add3A_662 = arith.addi %add3A_660, %add3A_661 : i32
      %dma_start3A_663 = arith.constant 0 : i32
      %dma_start3A_664 = arith.constant 2 : i32
      %dma_start3A_665 = arith.constant 0 : i32
      %dma_start3A_666 = arith.constant 0 : i32
      %dma_start3A_667 = tpu.memref_slice %arg8[%dma_start3A_663, %dma_start3A_664, %dma_start3A_665, %dma_start3A_666] : memref<2x5x40x64xf32, #tpu.memory_space<vmem>> -> memref<1x1x40x64xf32, #tpu.memory_space<vmem>>
      %dma_start3A_668 = tpu.memref_squeeze %dma_start3A_667 : memref<1x1x40x64xf32, #tpu.memory_space<vmem>> -> memref<40x64xf32, #tpu.memory_space<vmem>>
      %dma_start3A_669 = arith.constant 0 : i32
      %dma_start3A_670 = tpu.memref_slice %arg5[%add3A_662, %dma_start3A_669] : memref<320000x64xf32, #tpu.memory_space<hbm>> -> memref<40x64xf32, #tpu.memory_space<hbm>>
      %dma_start3A_671 = arith.constant 0 : i32
      %dma_start3A_672 = tpu.memref_slice %arg5[%add3A_662, %dma_start3A_671] : memref<320000x64xf32, #tpu.memory_space<hbm>> -> memref<40x64xf32, #tpu.memory_space<hbm>>
      %dma_start3A_673 = arith.constant 0 : i32
      %dma_start3A_674 = arith.constant 0 : i32
      %dma_start3A_675 = tpu.memref_slice %arg8[%dma_start3A_663, %dma_start3A_664, %dma_start3A_673, %dma_start3A_674] : memref<2x5x40x64xf32, #tpu.memory_space<vmem>> -> memref<1x1x40x64xf32, #tpu.memory_space<vmem>>
      %dma_start3A_676 = tpu.memref_squeeze %dma_start3A_675 : memref<1x1x40x64xf32, #tpu.memory_space<vmem>> -> memref<40x64xf32, #tpu.memory_space<vmem>>
      tpu.enqueue_dma source(%dma_start3A_676 : memref<40x64xf32, #tpu.memory_space<vmem>>) target(%dma_start3A_672 : memref<40x64xf32, #tpu.memory_space<hbm>>) target_semaphore(%arg11 : memref<!tpu.dma_semaphore, #tpu.memory_space<semaphore_mem>>)
      %dma_start3A_677 = arith.constant 0 : i32
      %dma_start3A_678 = arith.constant 2 : i32
      %dma_start3A_679 = arith.constant 0 : i32
      %dma_start3A_680 = arith.constant 0 : i32
      %dma_start3A_681 = tpu.memref_slice %arg9[%dma_start3A_677, %dma_start3A_678, %dma_start3A_679, %dma_start3A_680] : memref<2x5x40x64xf32, #tpu.memory_space<vmem>> -> memref<1x1x40x64xf32, #tpu.memory_space<vmem>>
      %dma_start3A_682 = tpu.memref_squeeze %dma_start3A_681 : memref<1x1x40x64xf32, #tpu.memory_space<vmem>> -> memref<40x64xf32, #tpu.memory_space<vmem>>
      %dma_start3A_683 = arith.constant 0 : i32
      %dma_start3A_684 = tpu.memref_slice %arg6[%add3A_662, %dma_start3A_683] : memref<320000x64xf32, #tpu.memory_space<hbm>> -> memref<40x64xf32, #tpu.memory_space<hbm>>
      %dma_start3A_685 = arith.constant 0 : i32
      %dma_start3A_686 = tpu.memref_slice %arg6[%add3A_662, %dma_start3A_685] : memref<320000x64xf32, #tpu.memory_space<hbm>> -> memref<40x64xf32, #tpu.memory_space<hbm>>
      %dma_start3A_687 = arith.constant 0 : i32
      %dma_start3A_688 = arith.constant 0 : i32
      %dma_start3A_689 = tpu.memref_slice %arg9[%dma_start3A_677, %dma_start3A_678, %dma_start3A_687, %dma_start3A_688] : memref<2x5x40x64xf32, #tpu.memory_space<vmem>> -> memref<1x1x40x64xf32, #tpu.memory_space<vmem>>
      %dma_start3A_690 = tpu.memref_squeeze %dma_start3A_689 : memref<1x1x40x64xf32, #tpu.memory_space<vmem>> -> memref<40x64xf32, #tpu.memory_space<vmem>>
      tpu.enqueue_dma source(%dma_start3A_690 : memref<40x64xf32, #tpu.memory_space<vmem>>) target(%dma_start3A_686 : memref<40x64xf32, #tpu.memory_space<hbm>>) target_semaphore(%arg11 : memref<!tpu.dma_semaphore, #tpu.memory_space<semaphore_mem>>)
      %add3A_691 = arith.addi %mul3A_2, %mul3A_348 : i32
      %add3A_692 = arith.constant 120 : i32
      %add3A_693 = arith.addi %add3A_691, %add3A_692 : i32
      %dma_start3A_694 = arith.constant 0 : i32
      %dma_start3A_695 = arith.constant 3 : i32
      %dma_start3A_696 = arith.constant 0 : i32
      %dma_start3A_697 = arith.constant 0 : i32
      %dma_start3A_698 = tpu.memref_slice %arg8[%dma_start3A_694, %dma_start3A_695, %dma_start3A_696, %dma_start3A_697] : memref<2x5x40x64xf32, #tpu.memory_space<vmem>> -> memref<1x1x40x64xf32, #tpu.memory_space<vmem>>
      %dma_start3A_699 = tpu.memref_squeeze %dma_start3A_698 : memref<1x1x40x64xf32, #tpu.memory_space<vmem>> -> memref<40x64xf32, #tpu.memory_space<vmem>>
      %dma_start3A_700 = arith.constant 0 : i32
      %dma_start3A_701 = tpu.memref_slice %arg5[%add3A_693, %dma_start3A_700] : memref<320000x64xf32, #tpu.memory_space<hbm>> -> memref<40x64xf32, #tpu.memory_space<hbm>>
      %dma_start3A_702 = arith.constant 0 : i32
      %dma_start3A_703 = tpu.memref_slice %arg5[%add3A_693, %dma_start3A_702] : memref<320000x64xf32, #tpu.memory_space<hbm>> -> memref<40x64xf32, #tpu.memory_space<hbm>>
      %dma_start3A_704 = arith.constant 0 : i32
      %dma_start3A_705 = arith.constant 0 : i32
      %dma_start3A_706 = tpu.memref_slice %arg8[%dma_start3A_694, %dma_start3A_695, %dma_start3A_704, %dma_start3A_705] : memref<2x5x40x64xf32, #tpu.memory_space<vmem>> -> memref<1x1x40x64xf32, #tpu.memory_space<vmem>>
      %dma_start3A_707 = tpu.memref_squeeze %dma_start3A_706 : memref<1x1x40x64xf32, #tpu.memory_space<vmem>> -> memref<40x64xf32, #tpu.memory_space<vmem>>
      tpu.enqueue_dma source(%dma_start3A_707 : memref<40x64xf32, #tpu.memory_space<vmem>>) target(%dma_start3A_703 : memref<40x64xf32, #tpu.memory_space<hbm>>) target_semaphore(%arg11 : memref<!tpu.dma_semaphore, #tpu.memory_space<semaphore_mem>>)
      %dma_start3A_708 = arith.constant 0 : i32
      %dma_start3A_709 = arith.constant 3 : i32
      %dma_start3A_710 = arith.constant 0 : i32
      %dma_start3A_711 = arith.constant 0 : i32
      %dma_start3A_712 = tpu.memref_slice %arg9[%dma_start3A_708, %dma_start3A_709, %dma_start3A_710, %dma_start3A_711] : memref<2x5x40x64xf32, #tpu.memory_space<vmem>> -> memref<1x1x40x64xf32, #tpu.memory_space<vmem>>
      %dma_start3A_713 = tpu.memref_squeeze %dma_start3A_712 : memref<1x1x40x64xf32, #tpu.memory_space<vmem>> -> memref<40x64xf32, #tpu.memory_space<vmem>>
      %dma_start3A_714 = arith.constant 0 : i32
      %dma_start3A_715 = tpu.memref_slice %arg6[%add3A_693, %dma_start3A_714] : memref<320000x64xf32, #tpu.memory_space<hbm>> -> memref<40x64xf32, #tpu.memory_space<hbm>>
      %dma_start3A_716 = arith.constant 0 : i32
      %dma_start3A_717 = tpu.memref_slice %arg6[%add3A_693, %dma_start3A_716] : memref<320000x64xf32, #tpu.memory_space<hbm>> -> memref<40x64xf32, #tpu.memory_space<hbm>>
      %dma_start3A_718 = arith.constant 0 : i32
      %dma_start3A_719 = arith.constant 0 : i32
      %dma_start3A_720 = tpu.memref_slice %arg9[%dma_start3A_708, %dma_start3A_709, %dma_start3A_718, %dma_start3A_719] : memref<2x5x40x64xf32, #tpu.memory_space<vmem>> -> memref<1x1x40x64xf32, #tpu.memory_space<vmem>>
      %dma_start3A_721 = tpu.memref_squeeze %dma_start3A_720 : memref<1x1x40x64xf32, #tpu.memory_space<vmem>> -> memref<40x64xf32, #tpu.memory_space<vmem>>
      tpu.enqueue_dma source(%dma_start3A_721 : memref<40x64xf32, #tpu.memory_space<vmem>>) target(%dma_start3A_717 : memref<40x64xf32, #tpu.memory_space<hbm>>) target_semaphore(%arg11 : memref<!tpu.dma_semaphore, #tpu.memory_space<semaphore_mem>>)
      %add3A_722 = arith.addi %mul3A_2, %mul3A_348 : i32
      %add3A_723 = arith.constant 160 : i32
      %add3A_724 = arith.addi %add3A_722, %add3A_723 : i32
      %dma_start3A_725 = arith.constant 0 : i32
      %dma_start3A_726 = arith.constant 4 : i32
      %dma_start3A_727 = arith.constant 0 : i32
      %dma_start3A_728 = arith.constant 0 : i32
      %dma_start3A_729 = tpu.memref_slice %arg8[%dma_start3A_725, %dma_start3A_726, %dma_start3A_727, %dma_start3A_728] : memref<2x5x40x64xf32, #tpu.memory_space<vmem>> -> memref<1x1x40x64xf32, #tpu.memory_space<vmem>>
      %dma_start3A_730 = tpu.memref_squeeze %dma_start3A_729 : memref<1x1x40x64xf32, #tpu.memory_space<vmem>> -> memref<40x64xf32, #tpu.memory_space<vmem>>
      %dma_start3A_731 = arith.constant 0 : i32
      %dma_start3A_732 = tpu.memref_slice %arg5[%add3A_724, %dma_start3A_731] : memref<320000x64xf32, #tpu.memory_space<hbm>> -> memref<40x64xf32, #tpu.memory_space<hbm>>
      %dma_start3A_733 = arith.constant 0 : i32
      %dma_start3A_734 = tpu.memref_slice %arg5[%add3A_724, %dma_start3A_733] : memref<320000x64xf32, #tpu.memory_space<hbm>> -> memref<40x64xf32, #tpu.memory_space<hbm>>
      %dma_start3A_735 = arith.constant 0 : i32
      %dma_start3A_736 = arith.constant 0 : i32
      %dma_start3A_737 = tpu.memref_slice %arg8[%dma_start3A_725, %dma_start3A_726, %dma_start3A_735, %dma_start3A_736] : memref<2x5x40x64xf32, #tpu.memory_space<vmem>> -> memref<1x1x40x64xf32, #tpu.memory_space<vmem>>
      %dma_start3A_738 = tpu.memref_squeeze %dma_start3A_737 : memref<1x1x40x64xf32, #tpu.memory_space<vmem>> -> memref<40x64xf32, #tpu.memory_space<vmem>>
      tpu.enqueue_dma source(%dma_start3A_738 : memref<40x64xf32, #tpu.memory_space<vmem>>) target(%dma_start3A_734 : memref<40x64xf32, #tpu.memory_space<hbm>>) target_semaphore(%arg11 : memref<!tpu.dma_semaphore, #tpu.memory_space<semaphore_mem>>)
      %dma_start3A_739 = arith.constant 0 : i32
      %dma_start3A_740 = arith.constant 4 : i32
      %dma_start3A_741 = arith.constant 0 : i32
      %dma_start3A_742 = arith.constant 0 : i32
      %dma_start3A_743 = tpu.memref_slice %arg9[%dma_start3A_739, %dma_start3A_740, %dma_start3A_741, %dma_start3A_742] : memref<2x5x40x64xf32, #tpu.memory_space<vmem>> -> memref<1x1x40x64xf32, #tpu.memory_space<vmem>>
      %dma_start3A_744 = tpu.memref_squeeze %dma_start3A_743 : memref<1x1x40x64xf32, #tpu.memory_space<vmem>> -> memref<40x64xf32, #tpu.memory_space<vmem>>
      %dma_start3A_745 = arith.constant 0 : i32
      %dma_start3A_746 = tpu.memref_slice %arg6[%add3A_724, %dma_start3A_745] : memref<320000x64xf32, #tpu.memory_space<hbm>> -> memref<40x64xf32, #tpu.memory_space<hbm>>
      %dma_start3A_747 = arith.constant 0 : i32
      %dma_start3A_748 = tpu.memref_slice %arg6[%add3A_724, %dma_start3A_747] : memref<320000x64xf32, #tpu.memory_space<hbm>> -> memref<40x64xf32, #tpu.memory_space<hbm>>
      %dma_start3A_749 = arith.constant 0 : i32
      %dma_start3A_750 = arith.constant 0 : i32
      %dma_start3A_751 = tpu.memref_slice %arg9[%dma_start3A_739, %dma_start3A_740, %dma_start3A_749, %dma_start3A_750] : memref<2x5x40x64xf32, #tpu.memory_space<vmem>> -> memref<1x1x40x64xf32, #tpu.memory_space<vmem>>
      %dma_start3A_752 = tpu.memref_squeeze %dma_start3A_751 : memref<1x1x40x64xf32, #tpu.memory_space<vmem>> -> memref<40x64xf32, #tpu.memory_space<vmem>>
      tpu.enqueue_dma source(%dma_start3A_752 : memref<40x64xf32, #tpu.memory_space<vmem>>) target(%dma_start3A_748 : memref<40x64xf32, #tpu.memory_space<hbm>>) target_semaphore(%arg11 : memref<!tpu.dma_semaphore, #tpu.memory_space<semaphore_mem>>)
      %mul3A_753 = arith.constant 2 : i32
      %mul3A_754 = arith.muli %mul3A_753, %scan3A_340 : i32
      %add3A_755 = arith.constant 1 : i32
      %add3A_756 = arith.addi %mul3A_754, %add3A_755 : i32
      %ge3A_757 = arith.constant 2 : i32
      %ge3A_758 = arith.cmpi sge, %add3A_756, %ge3A_757 : i32
      %convert_element_type3A_759 = arith.extui %ge3A_758 : i1 to i32
      %cond3A_760 = arith.constant 0 : i32
      %cond3A_761 = arith.cmpi ne, %convert_element_type3A_759, %cond3A_760 : i32
      scf.if %cond3A_761 {
        %sub3A = arith.constant 2 : i32
        %sub3A_1171 = arith.subi %add3A_756, %sub3A : i32
        %mul3A_1172 = arith.constant 5 : i32
        %mul3A_1173 = arith.muli %sub3A_1171, %mul3A_1172 : i32
        %mul3A_1174 = arith.constant 40 : i32
        %mul3A_1175 = arith.muli %mul3A_1173, %mul3A_1174 : i32
        %add3A_1176 = arith.addi %mul3A_2, %mul3A_1175 : i32
        %add3A_1177 = arith.constant 0 : i32
        %add3A_1178 = arith.addi %add3A_1176, %add3A_1177 : i32
        %dma_wait3A_1179 = arith.constant 1 : i32
        %dma_wait3A_1180 = arith.constant 0 : i32
        %dma_wait3A_1181 = arith.constant 0 : i32
        %dma_wait3A_1182 = arith.constant 0 : i32
        %dma_wait3A_1183 = tpu.memref_slice %arg8[%dma_wait3A_1179, %dma_wait3A_1180, %dma_wait3A_1181, %dma_wait3A_1182] : memref<2x5x40x64xf32, #tpu.memory_space<vmem>> -> memref<1x1x40x64xf32, #tpu.memory_space<vmem>>
        %dma_wait3A_1184 = tpu.memref_squeeze %dma_wait3A_1183 : memref<1x1x40x64xf32, #tpu.memory_space<vmem>> -> memref<40x64xf32, #tpu.memory_space<vmem>>
        %dma_wait3A_1185 = arith.constant 0 : i32
        %dma_wait3A_1186 = tpu.memref_slice %arg5[%add3A_1178, %dma_wait3A_1185] : memref<320000x64xf32, #tpu.memory_space<hbm>> -> memref<40x64xf32, #tpu.memory_space<hbm>>
        %dma_wait3A_1187 = arith.constant 0 : i32
        %dma_wait3A_1188 = tpu.memref_slice %arg5[%add3A_1178, %dma_wait3A_1187] : memref<320000x64xf32, #tpu.memory_space<hbm>> -> memref<40x64xf32, #tpu.memory_space<hbm>>
        %dma_wait3A_1189 = arith.constant 0 : i32
        %dma_wait3A_1190 = arith.constant 0 : i32
        %dma_wait3A_1191 = tpu.memref_slice %arg8[%dma_wait3A_1179, %dma_wait3A_1180, %dma_wait3A_1189, %dma_wait3A_1190] : memref<2x5x40x64xf32, #tpu.memory_space<vmem>> -> memref<1x1x40x64xf32, #tpu.memory_space<vmem>>
        %dma_wait3A_1192 = tpu.memref_squeeze %dma_wait3A_1191 : memref<1x1x40x64xf32, #tpu.memory_space<vmem>> -> memref<40x64xf32, #tpu.memory_space<vmem>>
        tpu.wait_dma2 semaphore(%arg12 : memref<!tpu.dma_semaphore, #tpu.memory_space<semaphore_mem>>) src(%dma_wait3A_1192 : memref<40x64xf32, #tpu.memory_space<vmem>>) dst(%dma_wait3A_1188 : memref<40x64xf32, #tpu.memory_space<hbm>>)
        %add3A_1193 = arith.constant 0 : i32
        %add3A_1194 = arith.addi %add3A_1176, %add3A_1193 : i32
        %dma_wait3A_1195 = arith.constant 1 : i32
        %dma_wait3A_1196 = arith.constant 0 : i32
        %dma_wait3A_1197 = arith.constant 0 : i32
        %dma_wait3A_1198 = arith.constant 0 : i32
        %dma_wait3A_1199 = tpu.memref_slice %arg9[%dma_wait3A_1195, %dma_wait3A_1196, %dma_wait3A_1197, %dma_wait3A_1198] : memref<2x5x40x64xf32, #tpu.memory_space<vmem>> -> memref<1x1x40x64xf32, #tpu.memory_space<vmem>>
        %dma_wait3A_1200 = tpu.memref_squeeze %dma_wait3A_1199 : memref<1x1x40x64xf32, #tpu.memory_space<vmem>> -> memref<40x64xf32, #tpu.memory_space<vmem>>
        %dma_wait3A_1201 = arith.constant 0 : i32
        %dma_wait3A_1202 = tpu.memref_slice %arg6[%add3A_1194, %dma_wait3A_1201] : memref<320000x64xf32, #tpu.memory_space<hbm>> -> memref<40x64xf32, #tpu.memory_space<hbm>>
        %dma_wait3A_1203 = arith.constant 0 : i32
        %dma_wait3A_1204 = tpu.memref_slice %arg6[%add3A_1194, %dma_wait3A_1203] : memref<320000x64xf32, #tpu.memory_space<hbm>> -> memref<40x64xf32, #tpu.memory_space<hbm>>
        %dma_wait3A_1205 = arith.constant 0 : i32
        %dma_wait3A_1206 = arith.constant 0 : i32
        %dma_wait3A_1207 = tpu.memref_slice %arg9[%dma_wait3A_1195, %dma_wait3A_1196, %dma_wait3A_1205, %dma_wait3A_1206] : memref<2x5x40x64xf32, #tpu.memory_space<vmem>> -> memref<1x1x40x64xf32, #tpu.memory_space<vmem>>
        %dma_wait3A_1208 = tpu.memref_squeeze %dma_wait3A_1207 : memref<1x1x40x64xf32, #tpu.memory_space<vmem>> -> memref<40x64xf32, #tpu.memory_space<vmem>>
        tpu.wait_dma2 semaphore(%arg12 : memref<!tpu.dma_semaphore, #tpu.memory_space<semaphore_mem>>) src(%dma_wait3A_1208 : memref<40x64xf32, #tpu.memory_space<vmem>>) dst(%dma_wait3A_1204 : memref<40x64xf32, #tpu.memory_space<hbm>>)
        %add3A_1209 = arith.constant 40 : i32
        %add3A_1210 = arith.addi %add3A_1176, %add3A_1209 : i32
        %dma_wait3A_1211 = arith.constant 1 : i32
        %dma_wait3A_1212 = arith.constant 1 : i32
        %dma_wait3A_1213 = arith.constant 0 : i32
        %dma_wait3A_1214 = arith.constant 0 : i32
        %dma_wait3A_1215 = tpu.memref_slice %arg8[%dma_wait3A_1211, %dma_wait3A_1212, %dma_wait3A_1213, %dma_wait3A_1214] : memref<2x5x40x64xf32, #tpu.memory_space<vmem>> -> memref<1x1x40x64xf32, #tpu.memory_space<vmem>>
        %dma_wait3A_1216 = tpu.memref_squeeze %dma_wait3A_1215 : memref<1x1x40x64xf32, #tpu.memory_space<vmem>> -> memref<40x64xf32, #tpu.memory_space<vmem>>
        %dma_wait3A_1217 = arith.constant 0 : i32
        %dma_wait3A_1218 = tpu.memref_slice %arg5[%add3A_1210, %dma_wait3A_1217] : memref<320000x64xf32, #tpu.memory_space<hbm>> -> memref<40x64xf32, #tpu.memory_space<hbm>>
        %dma_wait3A_1219 = arith.constant 0 : i32
        %dma_wait3A_1220 = tpu.memref_slice %arg5[%add3A_1210, %dma_wait3A_1219] : memref<320000x64xf32, #tpu.memory_space<hbm>> -> memref<40x64xf32, #tpu.memory_space<hbm>>
        %dma_wait3A_1221 = arith.constant 0 : i32
        %dma_wait3A_1222 = arith.constant 0 : i32
        %dma_wait3A_1223 = tpu.memref_slice %arg8[%dma_wait3A_1211, %dma_wait3A_1212, %dma_wait3A_1221, %dma_wait3A_1222] : memref<2x5x40x64xf32, #tpu.memory_space<vmem>> -> memref<1x1x40x64xf32, #tpu.memory_space<vmem>>
        %dma_wait3A_1224 = tpu.memref_squeeze %dma_wait3A_1223 : memref<1x1x40x64xf32, #tpu.memory_space<vmem>> -> memref<40x64xf32, #tpu.memory_space<vmem>>
        tpu.wait_dma2 semaphore(%arg12 : memref<!tpu.dma_semaphore, #tpu.memory_space<semaphore_mem>>) src(%dma_wait3A_1224 : memref<40x64xf32, #tpu.memory_space<vmem>>) dst(%dma_wait3A_1220 : memref<40x64xf32, #tpu.memory_space<hbm>>)
        %add3A_1225 = arith.constant 40 : i32
        %add3A_1226 = arith.addi %add3A_1176, %add3A_1225 : i32
        %dma_wait3A_1227 = arith.constant 1 : i32
        %dma_wait3A_1228 = arith.constant 1 : i32
        %dma_wait3A_1229 = arith.constant 0 : i32
        %dma_wait3A_1230 = arith.constant 0 : i32
        %dma_wait3A_1231 = tpu.memref_slice %arg9[%dma_wait3A_1227, %dma_wait3A_1228, %dma_wait3A_1229, %dma_wait3A_1230] : memref<2x5x40x64xf32, #tpu.memory_space<vmem>> -> memref<1x1x40x64xf32, #tpu.memory_space<vmem>>
        %dma_wait3A_1232 = tpu.memref_squeeze %dma_wait3A_1231 : memref<1x1x40x64xf32, #tpu.memory_space<vmem>> -> memref<40x64xf32, #tpu.memory_space<vmem>>
        %dma_wait3A_1233 = arith.constant 0 : i32
        %dma_wait3A_1234 = tpu.memref_slice %arg6[%add3A_1226, %dma_wait3A_1233] : memref<320000x64xf32, #tpu.memory_space<hbm>> -> memref<40x64xf32, #tpu.memory_space<hbm>>
        %dma_wait3A_1235 = arith.constant 0 : i32
        %dma_wait3A_1236 = tpu.memref_slice %arg6[%add3A_1226, %dma_wait3A_1235] : memref<320000x64xf32, #tpu.memory_space<hbm>> -> memref<40x64xf32, #tpu.memory_space<hbm>>
        %dma_wait3A_1237 = arith.constant 0 : i32
        %dma_wait3A_1238 = arith.constant 0 : i32
        %dma_wait3A_1239 = tpu.memref_slice %arg9[%dma_wait3A_1227, %dma_wait3A_1228, %dma_wait3A_1237, %dma_wait3A_1238] : memref<2x5x40x64xf32, #tpu.memory_space<vmem>> -> memref<1x1x40x64xf32, #tpu.memory_space<vmem>>
        %dma_wait3A_1240 = tpu.memref_squeeze %dma_wait3A_1239 : memref<1x1x40x64xf32, #tpu.memory_space<vmem>> -> memref<40x64xf32, #tpu.memory_space<vmem>>
        tpu.wait_dma2 semaphore(%arg12 : memref<!tpu.dma_semaphore, #tpu.memory_space<semaphore_mem>>) src(%dma_wait3A_1240 : memref<40x64xf32, #tpu.memory_space<vmem>>) dst(%dma_wait3A_1236 : memref<40x64xf32, #tpu.memory_space<hbm>>)
        %add3A_1241 = arith.constant 80 : i32
        %add3A_1242 = arith.addi %add3A_1176, %add3A_1241 : i32
        %dma_wait3A_1243 = arith.constant 1 : i32
        %dma_wait3A_1244 = arith.constant 2 : i32
        %dma_wait3A_1245 = arith.constant 0 : i32
        %dma_wait3A_1246 = arith.constant 0 : i32
        %dma_wait3A_1247 = tpu.memref_slice %arg8[%dma_wait3A_1243, %dma_wait3A_1244, %dma_wait3A_1245, %dma_wait3A_1246] : memref<2x5x40x64xf32, #tpu.memory_space<vmem>> -> memref<1x1x40x64xf32, #tpu.memory_space<vmem>>
        %dma_wait3A_1248 = tpu.memref_squeeze %dma_wait3A_1247 : memref<1x1x40x64xf32, #tpu.memory_space<vmem>> -> memref<40x64xf32, #tpu.memory_space<vmem>>
        %dma_wait3A_1249 = arith.constant 0 : i32
        %dma_wait3A_1250 = tpu.memref_slice %arg5[%add3A_1242, %dma_wait3A_1249] : memref<320000x64xf32, #tpu.memory_space<hbm>> -> memref<40x64xf32, #tpu.memory_space<hbm>>
        %dma_wait3A_1251 = arith.constant 0 : i32
        %dma_wait3A_1252 = tpu.memref_slice %arg5[%add3A_1242, %dma_wait3A_1251] : memref<320000x64xf32, #tpu.memory_space<hbm>> -> memref<40x64xf32, #tpu.memory_space<hbm>>
        %dma_wait3A_1253 = arith.constant 0 : i32
        %dma_wait3A_1254 = arith.constant 0 : i32
        %dma_wait3A_1255 = tpu.memref_slice %arg8[%dma_wait3A_1243, %dma_wait3A_1244, %dma_wait3A_1253, %dma_wait3A_1254] : memref<2x5x40x64xf32, #tpu.memory_space<vmem>> -> memref<1x1x40x64xf32, #tpu.memory_space<vmem>>
        %dma_wait3A_1256 = tpu.memref_squeeze %dma_wait3A_1255 : memref<1x1x40x64xf32, #tpu.memory_space<vmem>> -> memref<40x64xf32, #tpu.memory_space<vmem>>
        tpu.wait_dma2 semaphore(%arg12 : memref<!tpu.dma_semaphore, #tpu.memory_space<semaphore_mem>>) src(%dma_wait3A_1256 : memref<40x64xf32, #tpu.memory_space<vmem>>) dst(%dma_wait3A_1252 : memref<40x64xf32, #tpu.memory_space<hbm>>)
        %add3A_1257 = arith.constant 80 : i32
        %add3A_1258 = arith.addi %add3A_1176, %add3A_1257 : i32
        %dma_wait3A_1259 = arith.constant 1 : i32
        %dma_wait3A_1260 = arith.constant 2 : i32
        %dma_wait3A_1261 = arith.constant 0 : i32
        %dma_wait3A_1262 = arith.constant 0 : i32
        %dma_wait3A_1263 = tpu.memref_slice %arg9[%dma_wait3A_1259, %dma_wait3A_1260, %dma_wait3A_1261, %dma_wait3A_1262] : memref<2x5x40x64xf32, #tpu.memory_space<vmem>> -> memref<1x1x40x64xf32, #tpu.memory_space<vmem>>
        %dma_wait3A_1264 = tpu.memref_squeeze %dma_wait3A_1263 : memref<1x1x40x64xf32, #tpu.memory_space<vmem>> -> memref<40x64xf32, #tpu.memory_space<vmem>>
        %dma_wait3A_1265 = arith.constant 0 : i32
        %dma_wait3A_1266 = tpu.memref_slice %arg6[%add3A_1258, %dma_wait3A_1265] : memref<320000x64xf32, #tpu.memory_space<hbm>> -> memref<40x64xf32, #tpu.memory_space<hbm>>
        %dma_wait3A_1267 = arith.constant 0 : i32
        %dma_wait3A_1268 = tpu.memref_slice %arg6[%add3A_1258, %dma_wait3A_1267] : memref<320000x64xf32, #tpu.memory_space<hbm>> -> memref<40x64xf32, #tpu.memory_space<hbm>>
        %dma_wait3A_1269 = arith.constant 0 : i32
        %dma_wait3A_1270 = arith.constant 0 : i32
        %dma_wait3A_1271 = tpu.memref_slice %arg9[%dma_wait3A_1259, %dma_wait3A_1260, %dma_wait3A_1269, %dma_wait3A_1270] : memref<2x5x40x64xf32, #tpu.memory_space<vmem>> -> memref<1x1x40x64xf32, #tpu.memory_space<vmem>>
        %dma_wait3A_1272 = tpu.memref_squeeze %dma_wait3A_1271 : memref<1x1x40x64xf32, #tpu.memory_space<vmem>> -> memref<40x64xf32, #tpu.memory_space<vmem>>
        tpu.wait_dma2 semaphore(%arg12 : memref<!tpu.dma_semaphore, #tpu.memory_space<semaphore_mem>>) src(%dma_wait3A_1272 : memref<40x64xf32, #tpu.memory_space<vmem>>) dst(%dma_wait3A_1268 : memref<40x64xf32, #tpu.memory_space<hbm>>)
        %add3A_1273 = arith.constant 120 : i32
        %add3A_1274 = arith.addi %add3A_1176, %add3A_1273 : i32
        %dma_wait3A_1275 = arith.constant 1 : i32
        %dma_wait3A_1276 = arith.constant 3 : i32
        %dma_wait3A_1277 = arith.constant 0 : i32
        %dma_wait3A_1278 = arith.constant 0 : i32
        %dma_wait3A_1279 = tpu.memref_slice %arg8[%dma_wait3A_1275, %dma_wait3A_1276, %dma_wait3A_1277, %dma_wait3A_1278] : memref<2x5x40x64xf32, #tpu.memory_space<vmem>> -> memref<1x1x40x64xf32, #tpu.memory_space<vmem>>
        %dma_wait3A_1280 = tpu.memref_squeeze %dma_wait3A_1279 : memref<1x1x40x64xf32, #tpu.memory_space<vmem>> -> memref<40x64xf32, #tpu.memory_space<vmem>>
        %dma_wait3A_1281 = arith.constant 0 : i32
        %dma_wait3A_1282 = tpu.memref_slice %arg5[%add3A_1274, %dma_wait3A_1281] : memref<320000x64xf32, #tpu.memory_space<hbm>> -> memref<40x64xf32, #tpu.memory_space<hbm>>
        %dma_wait3A_1283 = arith.constant 0 : i32
        %dma_wait3A_1284 = tpu.memref_slice %arg5[%add3A_1274, %dma_wait3A_1283] : memref<320000x64xf32, #tpu.memory_space<hbm>> -> memref<40x64xf32, #tpu.memory_space<hbm>>
        %dma_wait3A_1285 = arith.constant 0 : i32
        %dma_wait3A_1286 = arith.constant 0 : i32
        %dma_wait3A_1287 = tpu.memref_slice %arg8[%dma_wait3A_1275, %dma_wait3A_1276, %dma_wait3A_1285, %dma_wait3A_1286] : memref<2x5x40x64xf32, #tpu.memory_space<vmem>> -> memref<1x1x40x64xf32, #tpu.memory_space<vmem>>
        %dma_wait3A_1288 = tpu.memref_squeeze %dma_wait3A_1287 : memref<1x1x40x64xf32, #tpu.memory_space<vmem>> -> memref<40x64xf32, #tpu.memory_space<vmem>>
        tpu.wait_dma2 semaphore(%arg12 : memref<!tpu.dma_semaphore, #tpu.memory_space<semaphore_mem>>) src(%dma_wait3A_1288 : memref<40x64xf32, #tpu.memory_space<vmem>>) dst(%dma_wait3A_1284 : memref<40x64xf32, #tpu.memory_space<hbm>>)
        %add3A_1289 = arith.constant 120 : i32
        %add3A_1290 = arith.addi %add3A_1176, %add3A_1289 : i32
        %dma_wait3A_1291 = arith.constant 1 : i32
        %dma_wait3A_1292 = arith.constant 3 : i32
        %dma_wait3A_1293 = arith.constant 0 : i32
        %dma_wait3A_1294 = arith.constant 0 : i32
        %dma_wait3A_1295 = tpu.memref_slice %arg9[%dma_wait3A_1291, %dma_wait3A_1292, %dma_wait3A_1293, %dma_wait3A_1294] : memref<2x5x40x64xf32, #tpu.memory_space<vmem>> -> memref<1x1x40x64xf32, #tpu.memory_space<vmem>>
        %dma_wait3A_1296 = tpu.memref_squeeze %dma_wait3A_1295 : memref<1x1x40x64xf32, #tpu.memory_space<vmem>> -> memref<40x64xf32, #tpu.memory_space<vmem>>
        %dma_wait3A_1297 = arith.constant 0 : i32
        %dma_wait3A_1298 = tpu.memref_slice %arg6[%add3A_1290, %dma_wait3A_1297] : memref<320000x64xf32, #tpu.memory_space<hbm>> -> memref<40x64xf32, #tpu.memory_space<hbm>>
        %dma_wait3A_1299 = arith.constant 0 : i32
        %dma_wait3A_1300 = tpu.memref_slice %arg6[%add3A_1290, %dma_wait3A_1299] : memref<320000x64xf32, #tpu.memory_space<hbm>> -> memref<40x64xf32, #tpu.memory_space<hbm>>
        %dma_wait3A_1301 = arith.constant 0 : i32
        %dma_wait3A_1302 = arith.constant 0 : i32
        %dma_wait3A_1303 = tpu.memref_slice %arg9[%dma_wait3A_1291, %dma_wait3A_1292, %dma_wait3A_1301, %dma_wait3A_1302] : memref<2x5x40x64xf32, #tpu.memory_space<vmem>> -> memref<1x1x40x64xf32, #tpu.memory_space<vmem>>
        %dma_wait3A_1304 = tpu.memref_squeeze %dma_wait3A_1303 : memref<1x1x40x64xf32, #tpu.memory_space<vmem>> -> memref<40x64xf32, #tpu.memory_space<vmem>>
        tpu.wait_dma2 semaphore(%arg12 : memref<!tpu.dma_semaphore, #tpu.memory_space<semaphore_mem>>) src(%dma_wait3A_1304 : memref<40x64xf32, #tpu.memory_space<vmem>>) dst(%dma_wait3A_1300 : memref<40x64xf32, #tpu.memory_space<hbm>>)
        %add3A_1305 = arith.constant 160 : i32
        %add3A_1306 = arith.addi %add3A_1176, %add3A_1305 : i32
        %dma_wait3A_1307 = arith.constant 1 : i32
        %dma_wait3A_1308 = arith.constant 4 : i32
        %dma_wait3A_1309 = arith.constant 0 : i32
        %dma_wait3A_1310 = arith.constant 0 : i32
        %dma_wait3A_1311 = tpu.memref_slice %arg8[%dma_wait3A_1307, %dma_wait3A_1308, %dma_wait3A_1309, %dma_wait3A_1310] : memref<2x5x40x64xf32, #tpu.memory_space<vmem>> -> memref<1x1x40x64xf32, #tpu.memory_space<vmem>>
        %dma_wait3A_1312 = tpu.memref_squeeze %dma_wait3A_1311 : memref<1x1x40x64xf32, #tpu.memory_space<vmem>> -> memref<40x64xf32, #tpu.memory_space<vmem>>
        %dma_wait3A_1313 = arith.constant 0 : i32
        %dma_wait3A_1314 = tpu.memref_slice %arg5[%add3A_1306, %dma_wait3A_1313] : memref<320000x64xf32, #tpu.memory_space<hbm>> -> memref<40x64xf32, #tpu.memory_space<hbm>>
        %dma_wait3A_1315 = arith.constant 0 : i32
        %dma_wait3A_1316 = tpu.memref_slice %arg5[%add3A_1306, %dma_wait3A_1315] : memref<320000x64xf32, #tpu.memory_space<hbm>> -> memref<40x64xf32, #tpu.memory_space<hbm>>
        %dma_wait3A_1317 = arith.constant 0 : i32
        %dma_wait3A_1318 = arith.constant 0 : i32
        %dma_wait3A_1319 = tpu.memref_slice %arg8[%dma_wait3A_1307, %dma_wait3A_1308, %dma_wait3A_1317, %dma_wait3A_1318] : memref<2x5x40x64xf32, #tpu.memory_space<vmem>> -> memref<1x1x40x64xf32, #tpu.memory_space<vmem>>
        %dma_wait3A_1320 = tpu.memref_squeeze %dma_wait3A_1319 : memref<1x1x40x64xf32, #tpu.memory_space<vmem>> -> memref<40x64xf32, #tpu.memory_space<vmem>>
        tpu.wait_dma2 semaphore(%arg12 : memref<!tpu.dma_semaphore, #tpu.memory_space<semaphore_mem>>) src(%dma_wait3A_1320 : memref<40x64xf32, #tpu.memory_space<vmem>>) dst(%dma_wait3A_1316 : memref<40x64xf32, #tpu.memory_space<hbm>>)
        %add3A_1321 = arith.constant 160 : i32
        %add3A_1322 = arith.addi %add3A_1176, %add3A_1321 : i32
        %dma_wait3A_1323 = arith.constant 1 : i32
        %dma_wait3A_1324 = arith.constant 4 : i32
        %dma_wait3A_1325 = arith.constant 0 : i32
        %dma_wait3A_1326 = arith.constant 0 : i32
        %dma_wait3A_1327 = tpu.memref_slice %arg9[%dma_wait3A_1323, %dma_wait3A_1324, %dma_wait3A_1325, %dma_wait3A_1326] : memref<2x5x40x64xf32, #tpu.memory_space<vmem>> -> memref<1x1x40x64xf32, #tpu.memory_space<vmem>>
        %dma_wait3A_1328 = tpu.memref_squeeze %dma_wait3A_1327 : memref<1x1x40x64xf32, #tpu.memory_space<vmem>> -> memref<40x64xf32, #tpu.memory_space<vmem>>
        %dma_wait3A_1329 = arith.constant 0 : i32
        %dma_wait3A_1330 = tpu.memref_slice %arg6[%add3A_1322, %dma_wait3A_1329] : memref<320000x64xf32, #tpu.memory_space<hbm>> -> memref<40x64xf32, #tpu.memory_space<hbm>>
        %dma_wait3A_1331 = arith.constant 0 : i32
        %dma_wait3A_1332 = tpu.memref_slice %arg6[%add3A_1322, %dma_wait3A_1331] : memref<320000x64xf32, #tpu.memory_space<hbm>> -> memref<40x64xf32, #tpu.memory_space<hbm>>
        %dma_wait3A_1333 = arith.constant 0 : i32
        %dma_wait3A_1334 = arith.constant 0 : i32
        %dma_wait3A_1335 = tpu.memref_slice %arg9[%dma_wait3A_1323, %dma_wait3A_1324, %dma_wait3A_1333, %dma_wait3A_1334] : memref<2x5x40x64xf32, #tpu.memory_space<vmem>> -> memref<1x1x40x64xf32, #tpu.memory_space<vmem>>
        %dma_wait3A_1336 = tpu.memref_squeeze %dma_wait3A_1335 : memref<1x1x40x64xf32, #tpu.memory_space<vmem>> -> memref<40x64xf32, #tpu.memory_space<vmem>>
        tpu.wait_dma2 semaphore(%arg12 : memref<!tpu.dma_semaphore, #tpu.memory_space<semaphore_mem>>) src(%dma_wait3A_1336 : memref<40x64xf32, #tpu.memory_space<vmem>>) dst(%dma_wait3A_1332 : memref<40x64xf32, #tpu.memory_space<hbm>>)
      } else {
      }
      %mul3A_762 = arith.constant 5 : i32
      %mul3A_763 = arith.muli %add3A_756, %mul3A_762 : i32
      %mul3A_764 = arith.constant 40 : i32
      %mul3A_765 = arith.muli %mul3A_763, %mul3A_764 : i32
      %add3A_766 = arith.constant 0 : i32
      %add3A_767 = arith.addi %mul3A_765, %add3A_766 : i32
      %dma_start3A_768 = arith.constant 0 : i32
      %dma_start3A_769 = arith.constant 1 : i32
      %dma_start3A_770 = arith.constant 0 : i32
      %dma_start3A_771 = arith.constant 0 : i32
      %dma_start3A_772 = arith.constant 0 : i32
      %dma_start3A_773 = tpu.memref_slice %arg8[%dma_start3A_769, %dma_start3A_770, %dma_start3A_771, %dma_start3A_772] : memref<2x5x40x64xf32, #tpu.memory_space<vmem>> -> memref<1x1x40x64xf32, #tpu.memory_space<vmem>>
      %dma_start3A_774 = tpu.memref_squeeze %dma_start3A_773 : memref<1x1x40x64xf32, #tpu.memory_space<vmem>> -> memref<40x64xf32, #tpu.memory_space<vmem>>
      %dma_start3A_775 = tpu.memref_slice %arg7[%dma_start3A_768, %add3A_767] : memref<2x10000xi32, #tpu.memory_space<vmem>> -> memref<1x40xi32, #tpu.memory_space<vmem>>
      %dma_start3A_776 = tpu.memref_squeeze %dma_start3A_775 : memref<1x40xi32, #tpu.memory_space<vmem>> -> memref<40xi32, #tpu.memory_space<vmem>>
      %dma_start3A_777 = arith.constant 0 : i32
      %dma_start3A_778 = arith.constant 0 : i32
      %dma_start3A_779 = tpu.memref_slice %arg2[%dma_start3A_777, %dma_start3A_778] : memref<10000x64xf32, #tpu.memory_space<hbm>> -> memref<10000x64xf32, #tpu.memory_space<hbm>>
      tpu.enqueue_indirect_dma source(%dma_start3A_779 : memref<10000x64xf32, #tpu.memory_space<hbm>>) target(%dma_start3A_774 : memref<40x64xf32, #tpu.memory_space<vmem>>) offsets(%dma_start3A_776 : memref<40xi32, #tpu.memory_space<vmem>>) semaphore(%arg10 : memref<!tpu.dma_semaphore, #tpu.memory_space<semaphore_mem>>)
      %dma_start3A_780 = arith.constant 1 : i32
      %dma_start3A_781 = arith.constant 1 : i32
      %dma_start3A_782 = arith.constant 0 : i32
      %dma_start3A_783 = arith.constant 0 : i32
      %dma_start3A_784 = arith.constant 0 : i32
      %dma_start3A_785 = tpu.memref_slice %arg9[%dma_start3A_781, %dma_start3A_782, %dma_start3A_783, %dma_start3A_784] : memref<2x5x40x64xf32, #tpu.memory_space<vmem>> -> memref<1x1x40x64xf32, #tpu.memory_space<vmem>>
      %dma_start3A_786 = tpu.memref_squeeze %dma_start3A_785 : memref<1x1x40x64xf32, #tpu.memory_space<vmem>> -> memref<40x64xf32, #tpu.memory_space<vmem>>
      %dma_start3A_787 = tpu.memref_slice %arg7[%dma_start3A_780, %add3A_767] : memref<2x10000xi32, #tpu.memory_space<vmem>> -> memref<1x40xi32, #tpu.memory_space<vmem>>
      %dma_start3A_788 = tpu.memref_squeeze %dma_start3A_787 : memref<1x40xi32, #tpu.memory_space<vmem>> -> memref<40xi32, #tpu.memory_space<vmem>>
      %dma_start3A_789 = arith.constant 0 : i32
      %dma_start3A_790 = arith.constant 0 : i32
      %dma_start3A_791 = tpu.memref_slice %arg2[%dma_start3A_789, %dma_start3A_790] : memref<10000x64xf32, #tpu.memory_space<hbm>> -> memref<10000x64xf32, #tpu.memory_space<hbm>>
      tpu.enqueue_indirect_dma source(%dma_start3A_791 : memref<10000x64xf32, #tpu.memory_space<hbm>>) target(%dma_start3A_786 : memref<40x64xf32, #tpu.memory_space<vmem>>) offsets(%dma_start3A_788 : memref<40xi32, #tpu.memory_space<vmem>>) semaphore(%arg10 : memref<!tpu.dma_semaphore, #tpu.memory_space<semaphore_mem>>)
      %add3A_792 = arith.constant 40 : i32
      %add3A_793 = arith.addi %mul3A_765, %add3A_792 : i32
      %dma_start3A_794 = arith.constant 0 : i32
      %dma_start3A_795 = arith.constant 1 : i32
      %dma_start3A_796 = arith.constant 1 : i32
      %dma_start3A_797 = arith.constant 0 : i32
      %dma_start3A_798 = arith.constant 0 : i32
      %dma_start3A_799 = tpu.memref_slice %arg8[%dma_start3A_795, %dma_start3A_796, %dma_start3A_797, %dma_start3A_798] : memref<2x5x40x64xf32, #tpu.memory_space<vmem>> -> memref<1x1x40x64xf32, #tpu.memory_space<vmem>>
      %dma_start3A_800 = tpu.memref_squeeze %dma_start3A_799 : memref<1x1x40x64xf32, #tpu.memory_space<vmem>> -> memref<40x64xf32, #tpu.memory_space<vmem>>
      %dma_start3A_801 = tpu.memref_slice %arg7[%dma_start3A_794, %add3A_793] : memref<2x10000xi32, #tpu.memory_space<vmem>> -> memref<1x40xi32, #tpu.memory_space<vmem>>
      %dma_start3A_802 = tpu.memref_squeeze %dma_start3A_801 : memref<1x40xi32, #tpu.memory_space<vmem>> -> memref<40xi32, #tpu.memory_space<vmem>>
      %dma_start3A_803 = arith.constant 0 : i32
      %dma_start3A_804 = arith.constant 0 : i32
      %dma_start3A_805 = tpu.memref_slice %arg2[%dma_start3A_803, %dma_start3A_804] : memref<10000x64xf32, #tpu.memory_space<hbm>> -> memref<10000x64xf32, #tpu.memory_space<hbm>>
      tpu.enqueue_indirect_dma source(%dma_start3A_805 : memref<10000x64xf32, #tpu.memory_space<hbm>>) target(%dma_start3A_800 : memref<40x64xf32, #tpu.memory_space<vmem>>) offsets(%dma_start3A_802 : memref<40xi32, #tpu.memory_space<vmem>>) semaphore(%arg10 : memref<!tpu.dma_semaphore, #tpu.memory_space<semaphore_mem>>)
      %dma_start3A_806 = arith.constant 1 : i32
      %dma_start3A_807 = arith.constant 1 : i32
      %dma_start3A_808 = arith.constant 1 : i32
      %dma_start3A_809 = arith.constant 0 : i32
      %dma_start3A_810 = arith.constant 0 : i32
      %dma_start3A_811 = tpu.memref_slice %arg9[%dma_start3A_807, %dma_start3A_808, %dma_start3A_809, %dma_start3A_810] : memref<2x5x40x64xf32, #tpu.memory_space<vmem>> -> memref<1x1x40x64xf32, #tpu.memory_space<vmem>>
      %dma_start3A_812 = tpu.memref_squeeze %dma_start3A_811 : memref<1x1x40x64xf32, #tpu.memory_space<vmem>> -> memref<40x64xf32, #tpu.memory_space<vmem>>
      %dma_start3A_813 = tpu.memref_slice %arg7[%dma_start3A_806, %add3A_793] : memref<2x10000xi32, #tpu.memory_space<vmem>> -> memref<1x40xi32, #tpu.memory_space<vmem>>
      %dma_start3A_814 = tpu.memref_squeeze %dma_start3A_813 : memref<1x40xi32, #tpu.memory_space<vmem>> -> memref<40xi32, #tpu.memory_space<vmem>>
      %dma_start3A_815 = arith.constant 0 : i32
      %dma_start3A_816 = arith.constant 0 : i32
      %dma_start3A_817 = tpu.memref_slice %arg2[%dma_start3A_815, %dma_start3A_816] : memref<10000x64xf32, #tpu.memory_space<hbm>> -> memref<10000x64xf32, #tpu.memory_space<hbm>>
      tpu.enqueue_indirect_dma source(%dma_start3A_817 : memref<10000x64xf32, #tpu.memory_space<hbm>>) target(%dma_start3A_812 : memref<40x64xf32, #tpu.memory_space<vmem>>) offsets(%dma_start3A_814 : memref<40xi32, #tpu.memory_space<vmem>>) semaphore(%arg10 : memref<!tpu.dma_semaphore, #tpu.memory_space<semaphore_mem>>)
      %add3A_818 = arith.constant 80 : i32
      %add3A_819 = arith.addi %mul3A_765, %add3A_818 : i32
      %dma_start3A_820 = arith.constant 0 : i32
      %dma_start3A_821 = arith.constant 1 : i32
      %dma_start3A_822 = arith.constant 2 : i32
      %dma_start3A_823 = arith.constant 0 : i32
      %dma_start3A_824 = arith.constant 0 : i32
      %dma_start3A_825 = tpu.memref_slice %arg8[%dma_start3A_821, %dma_start3A_822, %dma_start3A_823, %dma_start3A_824] : memref<2x5x40x64xf32, #tpu.memory_space<vmem>> -> memref<1x1x40x64xf32, #tpu.memory_space<vmem>>
      %dma_start3A_826 = tpu.memref_squeeze %dma_start3A_825 : memref<1x1x40x64xf32, #tpu.memory_space<vmem>> -> memref<40x64xf32, #tpu.memory_space<vmem>>
      %dma_start3A_827 = tpu.memref_slice %arg7[%dma_start3A_820, %add3A_819] : memref<2x10000xi32, #tpu.memory_space<vmem>> -> memref<1x40xi32, #tpu.memory_space<vmem>>
      %dma_start3A_828 = tpu.memref_squeeze %dma_start3A_827 : memref<1x40xi32, #tpu.memory_space<vmem>> -> memref<40xi32, #tpu.memory_space<vmem>>
      %dma_start3A_829 = arith.constant 0 : i32
      %dma_start3A_830 = arith.constant 0 : i32
      %dma_start3A_831 = tpu.memref_slice %arg2[%dma_start3A_829, %dma_start3A_830] : memref<10000x64xf32, #tpu.memory_space<hbm>> -> memref<10000x64xf32, #tpu.memory_space<hbm>>
      tpu.enqueue_indirect_dma source(%dma_start3A_831 : memref<10000x64xf32, #tpu.memory_space<hbm>>) target(%dma_start3A_826 : memref<40x64xf32, #tpu.memory_space<vmem>>) offsets(%dma_start3A_828 : memref<40xi32, #tpu.memory_space<vmem>>) semaphore(%arg10 : memref<!tpu.dma_semaphore, #tpu.memory_space<semaphore_mem>>)
      %dma_start3A_832 = arith.constant 1 : i32
      %dma_start3A_833 = arith.constant 1 : i32
      %dma_start3A_834 = arith.constant 2 : i32
      %dma_start3A_835 = arith.constant 0 : i32
      %dma_start3A_836 = arith.constant 0 : i32
      %dma_start3A_837 = tpu.memref_slice %arg9[%dma_start3A_833, %dma_start3A_834, %dma_start3A_835, %dma_start3A_836] : memref<2x5x40x64xf32, #tpu.memory_space<vmem>> -> memref<1x1x40x64xf32, #tpu.memory_space<vmem>>
      %dma_start3A_838 = tpu.memref_squeeze %dma_start3A_837 : memref<1x1x40x64xf32, #tpu.memory_space<vmem>> -> memref<40x64xf32, #tpu.memory_space<vmem>>
      %dma_start3A_839 = tpu.memref_slice %arg7[%dma_start3A_832, %add3A_819] : memref<2x10000xi32, #tpu.memory_space<vmem>> -> memref<1x40xi32, #tpu.memory_space<vmem>>
      %dma_start3A_840 = tpu.memref_squeeze %dma_start3A_839 : memref<1x40xi32, #tpu.memory_space<vmem>> -> memref<40xi32, #tpu.memory_space<vmem>>
      %dma_start3A_841 = arith.constant 0 : i32
      %dma_start3A_842 = arith.constant 0 : i32
      %dma_start3A_843 = tpu.memref_slice %arg2[%dma_start3A_841, %dma_start3A_842] : memref<10000x64xf32, #tpu.memory_space<hbm>> -> memref<10000x64xf32, #tpu.memory_space<hbm>>
      tpu.enqueue_indirect_dma source(%dma_start3A_843 : memref<10000x64xf32, #tpu.memory_space<hbm>>) target(%dma_start3A_838 : memref<40x64xf32, #tpu.memory_space<vmem>>) offsets(%dma_start3A_840 : memref<40xi32, #tpu.memory_space<vmem>>) semaphore(%arg10 : memref<!tpu.dma_semaphore, #tpu.memory_space<semaphore_mem>>)
      %add3A_844 = arith.constant 120 : i32
      %add3A_845 = arith.addi %mul3A_765, %add3A_844 : i32
      %dma_start3A_846 = arith.constant 0 : i32
      %dma_start3A_847 = arith.constant 1 : i32
      %dma_start3A_848 = arith.constant 3 : i32
      %dma_start3A_849 = arith.constant 0 : i32
      %dma_start3A_850 = arith.constant 0 : i32
      %dma_start3A_851 = tpu.memref_slice %arg8[%dma_start3A_847, %dma_start3A_848, %dma_start3A_849, %dma_start3A_850] : memref<2x5x40x64xf32, #tpu.memory_space<vmem>> -> memref<1x1x40x64xf32, #tpu.memory_space<vmem>>
      %dma_start3A_852 = tpu.memref_squeeze %dma_start3A_851 : memref<1x1x40x64xf32, #tpu.memory_space<vmem>> -> memref<40x64xf32, #tpu.memory_space<vmem>>
      %dma_start3A_853 = tpu.memref_slice %arg7[%dma_start3A_846, %add3A_845] : memref<2x10000xi32, #tpu.memory_space<vmem>> -> memref<1x40xi32, #tpu.memory_space<vmem>>
      %dma_start3A_854 = tpu.memref_squeeze %dma_start3A_853 : memref<1x40xi32, #tpu.memory_space<vmem>> -> memref<40xi32, #tpu.memory_space<vmem>>
      %dma_start3A_855 = arith.constant 0 : i32
      %dma_start3A_856 = arith.constant 0 : i32
      %dma_start3A_857 = tpu.memref_slice %arg2[%dma_start3A_855, %dma_start3A_856] : memref<10000x64xf32, #tpu.memory_space<hbm>> -> memref<10000x64xf32, #tpu.memory_space<hbm>>
      tpu.enqueue_indirect_dma source(%dma_start3A_857 : memref<10000x64xf32, #tpu.memory_space<hbm>>) target(%dma_start3A_852 : memref<40x64xf32, #tpu.memory_space<vmem>>) offsets(%dma_start3A_854 : memref<40xi32, #tpu.memory_space<vmem>>) semaphore(%arg10 : memref<!tpu.dma_semaphore, #tpu.memory_space<semaphore_mem>>)
      %dma_start3A_858 = arith.constant 1 : i32
      %dma_start3A_859 = arith.constant 1 : i32
      %dma_start3A_860 = arith.constant 3 : i32
      %dma_start3A_861 = arith.constant 0 : i32
      %dma_start3A_862 = arith.constant 0 : i32
      %dma_start3A_863 = tpu.memref_slice %arg9[%dma_start3A_859, %dma_start3A_860, %dma_start3A_861, %dma_start3A_862] : memref<2x5x40x64xf32, #tpu.memory_space<vmem>> -> memref<1x1x40x64xf32, #tpu.memory_space<vmem>>
      %dma_start3A_864 = tpu.memref_squeeze %dma_start3A_863 : memref<1x1x40x64xf32, #tpu.memory_space<vmem>> -> memref<40x64xf32, #tpu.memory_space<vmem>>
      %dma_start3A_865 = tpu.memref_slice %arg7[%dma_start3A_858, %add3A_845] : memref<2x10000xi32, #tpu.memory_space<vmem>> -> memref<1x40xi32, #tpu.memory_space<vmem>>
      %dma_start3A_866 = tpu.memref_squeeze %dma_start3A_865 : memref<1x40xi32, #tpu.memory_space<vmem>> -> memref<40xi32, #tpu.memory_space<vmem>>
      %dma_start3A_867 = arith.constant 0 : i32
      %dma_start3A_868 = arith.constant 0 : i32
      %dma_start3A_869 = tpu.memref_slice %arg2[%dma_start3A_867, %dma_start3A_868] : memref<10000x64xf32, #tpu.memory_space<hbm>> -> memref<10000x64xf32, #tpu.memory_space<hbm>>
      tpu.enqueue_indirect_dma source(%dma_start3A_869 : memref<10000x64xf32, #tpu.memory_space<hbm>>) target(%dma_start3A_864 : memref<40x64xf32, #tpu.memory_space<vmem>>) offsets(%dma_start3A_866 : memref<40xi32, #tpu.memory_space<vmem>>) semaphore(%arg10 : memref<!tpu.dma_semaphore, #tpu.memory_space<semaphore_mem>>)
      %add3A_870 = arith.constant 160 : i32
      %add3A_871 = arith.addi %mul3A_765, %add3A_870 : i32
      %dma_start3A_872 = arith.constant 0 : i32
      %dma_start3A_873 = arith.constant 1 : i32
      %dma_start3A_874 = arith.constant 4 : i32
      %dma_start3A_875 = arith.constant 0 : i32
      %dma_start3A_876 = arith.constant 0 : i32
      %dma_start3A_877 = tpu.memref_slice %arg8[%dma_start3A_873, %dma_start3A_874, %dma_start3A_875, %dma_start3A_876] : memref<2x5x40x64xf32, #tpu.memory_space<vmem>> -> memref<1x1x40x64xf32, #tpu.memory_space<vmem>>
      %dma_start3A_878 = tpu.memref_squeeze %dma_start3A_877 : memref<1x1x40x64xf32, #tpu.memory_space<vmem>> -> memref<40x64xf32, #tpu.memory_space<vmem>>
      %dma_start3A_879 = tpu.memref_slice %arg7[%dma_start3A_872, %add3A_871] : memref<2x10000xi32, #tpu.memory_space<vmem>> -> memref<1x40xi32, #tpu.memory_space<vmem>>
      %dma_start3A_880 = tpu.memref_squeeze %dma_start3A_879 : memref<1x40xi32, #tpu.memory_space<vmem>> -> memref<40xi32, #tpu.memory_space<vmem>>
      %dma_start3A_881 = arith.constant 0 : i32
      %dma_start3A_882 = arith.constant 0 : i32
      %dma_start3A_883 = tpu.memref_slice %arg2[%dma_start3A_881, %dma_start3A_882] : memref<10000x64xf32, #tpu.memory_space<hbm>> -> memref<10000x64xf32, #tpu.memory_space<hbm>>
      tpu.enqueue_indirect_dma source(%dma_start3A_883 : memref<10000x64xf32, #tpu.memory_space<hbm>>) target(%dma_start3A_878 : memref<40x64xf32, #tpu.memory_space<vmem>>) offsets(%dma_start3A_880 : memref<40xi32, #tpu.memory_space<vmem>>) semaphore(%arg10 : memref<!tpu.dma_semaphore, #tpu.memory_space<semaphore_mem>>)
      %dma_start3A_884 = arith.constant 1 : i32
      %dma_start3A_885 = arith.constant 1 : i32
      %dma_start3A_886 = arith.constant 4 : i32
      %dma_start3A_887 = arith.constant 0 : i32
      %dma_start3A_888 = arith.constant 0 : i32
      %dma_start3A_889 = tpu.memref_slice %arg9[%dma_start3A_885, %dma_start3A_886, %dma_start3A_887, %dma_start3A_888] : memref<2x5x40x64xf32, #tpu.memory_space<vmem>> -> memref<1x1x40x64xf32, #tpu.memory_space<vmem>>
      %dma_start3A_890 = tpu.memref_squeeze %dma_start3A_889 : memref<1x1x40x64xf32, #tpu.memory_space<vmem>> -> memref<40x64xf32, #tpu.memory_space<vmem>>
      %dma_start3A_891 = tpu.memref_slice %arg7[%dma_start3A_884, %add3A_871] : memref<2x10000xi32, #tpu.memory_space<vmem>> -> memref<1x40xi32, #tpu.memory_space<vmem>>
      %dma_start3A_892 = tpu.memref_squeeze %dma_start3A_891 : memref<1x40xi32, #tpu.memory_space<vmem>> -> memref<40xi32, #tpu.memory_space<vmem>>
      %dma_start3A_893 = arith.constant 0 : i32
      %dma_start3A_894 = arith.constant 0 : i32
      %dma_start3A_895 = tpu.memref_slice %arg2[%dma_start3A_893, %dma_start3A_894] : memref<10000x64xf32, #tpu.memory_space<hbm>> -> memref<10000x64xf32, #tpu.memory_space<hbm>>
      tpu.enqueue_indirect_dma source(%dma_start3A_895 : memref<10000x64xf32, #tpu.memory_space<hbm>>) target(%dma_start3A_890 : memref<40x64xf32, #tpu.memory_space<vmem>>) offsets(%dma_start3A_892 : memref<40xi32, #tpu.memory_space<vmem>>) semaphore(%arg10 : memref<!tpu.dma_semaphore, #tpu.memory_space<semaphore_mem>>)
      %dma_wait3A_896 = arith.constant 0 : i32
      %dma_wait3A_897 = arith.constant 1 : i32
      %dma_wait3A_898 = arith.constant 0 : i32
      %dma_wait3A_899 = arith.constant 0 : i32
      %dma_wait3A_900 = arith.constant 0 : i32
      %dma_wait3A_901 = tpu.memref_slice %arg8[%dma_wait3A_897, %dma_wait3A_898, %dma_wait3A_899, %dma_wait3A_900] : memref<2x5x40x64xf32, #tpu.memory_space<vmem>> -> memref<1x1x40x64xf32, #tpu.memory_space<vmem>>
      %dma_wait3A_902 = tpu.memref_squeeze %dma_wait3A_901 : memref<1x1x40x64xf32, #tpu.memory_space<vmem>> -> memref<40x64xf32, #tpu.memory_space<vmem>>
      %dma_wait3A_903 = tpu.memref_slice %arg7[%dma_wait3A_896, %add3A_767] : memref<2x10000xi32, #tpu.memory_space<vmem>> -> memref<1x40xi32, #tpu.memory_space<vmem>>
      %dma_wait3A_904 = tpu.memref_squeeze %dma_wait3A_903 : memref<1x40xi32, #tpu.memory_space<vmem>> -> memref<40xi32, #tpu.memory_space<vmem>>
      %dma_wait3A_905 = arith.constant 0 : i32
      %dma_wait3A_906 = arith.constant 0 : i32
      %dma_wait3A_907 = tpu.memref_slice %arg2[%dma_wait3A_905, %dma_wait3A_906] : memref<10000x64xf32, #tpu.memory_space<hbm>> -> memref<10000x64xf32, #tpu.memory_space<hbm>>
      tpu.wait_indirect_dma semaphore(%arg10 : memref<!tpu.dma_semaphore, #tpu.memory_space<semaphore_mem>>) src(%dma_wait3A_907 : memref<10000x64xf32, #tpu.memory_space<hbm>>) dst(%dma_wait3A_902 : memref<40x64xf32, #tpu.memory_space<vmem>>)
      %dma_wait3A_908 = arith.constant 1 : i32
      %dma_wait3A_909 = arith.constant 1 : i32
      %dma_wait3A_910 = arith.constant 0 : i32
      %dma_wait3A_911 = arith.constant 0 : i32
      %dma_wait3A_912 = arith.constant 0 : i32
      %dma_wait3A_913 = tpu.memref_slice %arg9[%dma_wait3A_909, %dma_wait3A_910, %dma_wait3A_911, %dma_wait3A_912] : memref<2x5x40x64xf32, #tpu.memory_space<vmem>> -> memref<1x1x40x64xf32, #tpu.memory_space<vmem>>
      %dma_wait3A_914 = tpu.memref_squeeze %dma_wait3A_913 : memref<1x1x40x64xf32, #tpu.memory_space<vmem>> -> memref<40x64xf32, #tpu.memory_space<vmem>>
      %dma_wait3A_915 = tpu.memref_slice %arg7[%dma_wait3A_908, %add3A_767] : memref<2x10000xi32, #tpu.memory_space<vmem>> -> memref<1x40xi32, #tpu.memory_space<vmem>>
      %dma_wait3A_916 = tpu.memref_squeeze %dma_wait3A_915 : memref<1x40xi32, #tpu.memory_space<vmem>> -> memref<40xi32, #tpu.memory_space<vmem>>
      %dma_wait3A_917 = arith.constant 0 : i32
      %dma_wait3A_918 = arith.constant 0 : i32
      %dma_wait3A_919 = tpu.memref_slice %arg2[%dma_wait3A_917, %dma_wait3A_918] : memref<10000x64xf32, #tpu.memory_space<hbm>> -> memref<10000x64xf32, #tpu.memory_space<hbm>>
      tpu.wait_indirect_dma semaphore(%arg10 : memref<!tpu.dma_semaphore, #tpu.memory_space<semaphore_mem>>) src(%dma_wait3A_919 : memref<10000x64xf32, #tpu.memory_space<hbm>>) dst(%dma_wait3A_914 : memref<40x64xf32, #tpu.memory_space<vmem>>)
      %dma_wait3A_920 = arith.constant 0 : i32
      %dma_wait3A_921 = arith.constant 1 : i32
      %dma_wait3A_922 = arith.constant 1 : i32
      %dma_wait3A_923 = arith.constant 0 : i32
      %dma_wait3A_924 = arith.constant 0 : i32
      %dma_wait3A_925 = tpu.memref_slice %arg8[%dma_wait3A_921, %dma_wait3A_922, %dma_wait3A_923, %dma_wait3A_924] : memref<2x5x40x64xf32, #tpu.memory_space<vmem>> -> memref<1x1x40x64xf32, #tpu.memory_space<vmem>>
      %dma_wait3A_926 = tpu.memref_squeeze %dma_wait3A_925 : memref<1x1x40x64xf32, #tpu.memory_space<vmem>> -> memref<40x64xf32, #tpu.memory_space<vmem>>
      %dma_wait3A_927 = tpu.memref_slice %arg7[%dma_wait3A_920, %add3A_793] : memref<2x10000xi32, #tpu.memory_space<vmem>> -> memref<1x40xi32, #tpu.memory_space<vmem>>
      %dma_wait3A_928 = tpu.memref_squeeze %dma_wait3A_927 : memref<1x40xi32, #tpu.memory_space<vmem>> -> memref<40xi32, #tpu.memory_space<vmem>>
      %dma_wait3A_929 = arith.constant 0 : i32
      %dma_wait3A_930 = arith.constant 0 : i32
      %dma_wait3A_931 = tpu.memref_slice %arg2[%dma_wait3A_929, %dma_wait3A_930] : memref<10000x64xf32, #tpu.memory_space<hbm>> -> memref<10000x64xf32, #tpu.memory_space<hbm>>
      tpu.wait_indirect_dma semaphore(%arg10 : memref<!tpu.dma_semaphore, #tpu.memory_space<semaphore_mem>>) src(%dma_wait3A_931 : memref<10000x64xf32, #tpu.memory_space<hbm>>) dst(%dma_wait3A_926 : memref<40x64xf32, #tpu.memory_space<vmem>>)
      %dma_wait3A_932 = arith.constant 1 : i32
      %dma_wait3A_933 = arith.constant 1 : i32
      %dma_wait3A_934 = arith.constant 1 : i32
      %dma_wait3A_935 = arith.constant 0 : i32
      %dma_wait3A_936 = arith.constant 0 : i32
      %dma_wait3A_937 = tpu.memref_slice %arg9[%dma_wait3A_933, %dma_wait3A_934, %dma_wait3A_935, %dma_wait3A_936] : memref<2x5x40x64xf32, #tpu.memory_space<vmem>> -> memref<1x1x40x64xf32, #tpu.memory_space<vmem>>
      %dma_wait3A_938 = tpu.memref_squeeze %dma_wait3A_937 : memref<1x1x40x64xf32, #tpu.memory_space<vmem>> -> memref<40x64xf32, #tpu.memory_space<vmem>>
      %dma_wait3A_939 = tpu.memref_slice %arg7[%dma_wait3A_932, %add3A_793] : memref<2x10000xi32, #tpu.memory_space<vmem>> -> memref<1x40xi32, #tpu.memory_space<vmem>>
      %dma_wait3A_940 = tpu.memref_squeeze %dma_wait3A_939 : memref<1x40xi32, #tpu.memory_space<vmem>> -> memref<40xi32, #tpu.memory_space<vmem>>
      %dma_wait3A_941 = arith.constant 0 : i32
      %dma_wait3A_942 = arith.constant 0 : i32
      %dma_wait3A_943 = tpu.memref_slice %arg2[%dma_wait3A_941, %dma_wait3A_942] : memref<10000x64xf32, #tpu.memory_space<hbm>> -> memref<10000x64xf32, #tpu.memory_space<hbm>>
      tpu.wait_indirect_dma semaphore(%arg10 : memref<!tpu.dma_semaphore, #tpu.memory_space<semaphore_mem>>) src(%dma_wait3A_943 : memref<10000x64xf32, #tpu.memory_space<hbm>>) dst(%dma_wait3A_938 : memref<40x64xf32, #tpu.memory_space<vmem>>)
      %dma_wait3A_944 = arith.constant 0 : i32
      %dma_wait3A_945 = arith.constant 1 : i32
      %dma_wait3A_946 = arith.constant 2 : i32
      %dma_wait3A_947 = arith.constant 0 : i32
      %dma_wait3A_948 = arith.constant 0 : i32
      %dma_wait3A_949 = tpu.memref_slice %arg8[%dma_wait3A_945, %dma_wait3A_946, %dma_wait3A_947, %dma_wait3A_948] : memref<2x5x40x64xf32, #tpu.memory_space<vmem>> -> memref<1x1x40x64xf32, #tpu.memory_space<vmem>>
      %dma_wait3A_950 = tpu.memref_squeeze %dma_wait3A_949 : memref<1x1x40x64xf32, #tpu.memory_space<vmem>> -> memref<40x64xf32, #tpu.memory_space<vmem>>
      %dma_wait3A_951 = tpu.memref_slice %arg7[%dma_wait3A_944, %add3A_819] : memref<2x10000xi32, #tpu.memory_space<vmem>> -> memref<1x40xi32, #tpu.memory_space<vmem>>
      %dma_wait3A_952 = tpu.memref_squeeze %dma_wait3A_951 : memref<1x40xi32, #tpu.memory_space<vmem>> -> memref<40xi32, #tpu.memory_space<vmem>>
      %dma_wait3A_953 = arith.constant 0 : i32
      %dma_wait3A_954 = arith.constant 0 : i32
      %dma_wait3A_955 = tpu.memref_slice %arg2[%dma_wait3A_953, %dma_wait3A_954] : memref<10000x64xf32, #tpu.memory_space<hbm>> -> memref<10000x64xf32, #tpu.memory_space<hbm>>
      tpu.wait_indirect_dma semaphore(%arg10 : memref<!tpu.dma_semaphore, #tpu.memory_space<semaphore_mem>>) src(%dma_wait3A_955 : memref<10000x64xf32, #tpu.memory_space<hbm>>) dst(%dma_wait3A_950 : memref<40x64xf32, #tpu.memory_space<vmem>>)
      %dma_wait3A_956 = arith.constant 1 : i32
      %dma_wait3A_957 = arith.constant 1 : i32
      %dma_wait3A_958 = arith.constant 2 : i32
      %dma_wait3A_959 = arith.constant 0 : i32
      %dma_wait3A_960 = arith.constant 0 : i32
      %dma_wait3A_961 = tpu.memref_slice %arg9[%dma_wait3A_957, %dma_wait3A_958, %dma_wait3A_959, %dma_wait3A_960] : memref<2x5x40x64xf32, #tpu.memory_space<vmem>> -> memref<1x1x40x64xf32, #tpu.memory_space<vmem>>
      %dma_wait3A_962 = tpu.memref_squeeze %dma_wait3A_961 : memref<1x1x40x64xf32, #tpu.memory_space<vmem>> -> memref<40x64xf32, #tpu.memory_space<vmem>>
      %dma_wait3A_963 = tpu.memref_slice %arg7[%dma_wait3A_956, %add3A_819] : memref<2x10000xi32, #tpu.memory_space<vmem>> -> memref<1x40xi32, #tpu.memory_space<vmem>>
      %dma_wait3A_964 = tpu.memref_squeeze %dma_wait3A_963 : memref<1x40xi32, #tpu.memory_space<vmem>> -> memref<40xi32, #tpu.memory_space<vmem>>
      %dma_wait3A_965 = arith.constant 0 : i32
      %dma_wait3A_966 = arith.constant 0 : i32
      %dma_wait3A_967 = tpu.memref_slice %arg2[%dma_wait3A_965, %dma_wait3A_966] : memref<10000x64xf32, #tpu.memory_space<hbm>> -> memref<10000x64xf32, #tpu.memory_space<hbm>>
      tpu.wait_indirect_dma semaphore(%arg10 : memref<!tpu.dma_semaphore, #tpu.memory_space<semaphore_mem>>) src(%dma_wait3A_967 : memref<10000x64xf32, #tpu.memory_space<hbm>>) dst(%dma_wait3A_962 : memref<40x64xf32, #tpu.memory_space<vmem>>)
      %dma_wait3A_968 = arith.constant 0 : i32
      %dma_wait3A_969 = arith.constant 1 : i32
      %dma_wait3A_970 = arith.constant 3 : i32
      %dma_wait3A_971 = arith.constant 0 : i32
      %dma_wait3A_972 = arith.constant 0 : i32
      %dma_wait3A_973 = tpu.memref_slice %arg8[%dma_wait3A_969, %dma_wait3A_970, %dma_wait3A_971, %dma_wait3A_972] : memref<2x5x40x64xf32, #tpu.memory_space<vmem>> -> memref<1x1x40x64xf32, #tpu.memory_space<vmem>>
      %dma_wait3A_974 = tpu.memref_squeeze %dma_wait3A_973 : memref<1x1x40x64xf32, #tpu.memory_space<vmem>> -> memref<40x64xf32, #tpu.memory_space<vmem>>
      %dma_wait3A_975 = tpu.memref_slice %arg7[%dma_wait3A_968, %add3A_845] : memref<2x10000xi32, #tpu.memory_space<vmem>> -> memref<1x40xi32, #tpu.memory_space<vmem>>
      %dma_wait3A_976 = tpu.memref_squeeze %dma_wait3A_975 : memref<1x40xi32, #tpu.memory_space<vmem>> -> memref<40xi32, #tpu.memory_space<vmem>>
      %dma_wait3A_977 = arith.constant 0 : i32
      %dma_wait3A_978 = arith.constant 0 : i32
      %dma_wait3A_979 = tpu.memref_slice %arg2[%dma_wait3A_977, %dma_wait3A_978] : memref<10000x64xf32, #tpu.memory_space<hbm>> -> memref<10000x64xf32, #tpu.memory_space<hbm>>
      tpu.wait_indirect_dma semaphore(%arg10 : memref<!tpu.dma_semaphore, #tpu.memory_space<semaphore_mem>>) src(%dma_wait3A_979 : memref<10000x64xf32, #tpu.memory_space<hbm>>) dst(%dma_wait3A_974 : memref<40x64xf32, #tpu.memory_space<vmem>>)
      %dma_wait3A_980 = arith.constant 1 : i32
      %dma_wait3A_981 = arith.constant 1 : i32
      %dma_wait3A_982 = arith.constant 3 : i32
      %dma_wait3A_983 = arith.constant 0 : i32
      %dma_wait3A_984 = arith.constant 0 : i32
      %dma_wait3A_985 = tpu.memref_slice %arg9[%dma_wait3A_981, %dma_wait3A_982, %dma_wait3A_983, %dma_wait3A_984] : memref<2x5x40x64xf32, #tpu.memory_space<vmem>> -> memref<1x1x40x64xf32, #tpu.memory_space<vmem>>
      %dma_wait3A_986 = tpu.memref_squeeze %dma_wait3A_985 : memref<1x1x40x64xf32, #tpu.memory_space<vmem>> -> memref<40x64xf32, #tpu.memory_space<vmem>>
      %dma_wait3A_987 = tpu.memref_slice %arg7[%dma_wait3A_980, %add3A_845] : memref<2x10000xi32, #tpu.memory_space<vmem>> -> memref<1x40xi32, #tpu.memory_space<vmem>>
      %dma_wait3A_988 = tpu.memref_squeeze %dma_wait3A_987 : memref<1x40xi32, #tpu.memory_space<vmem>> -> memref<40xi32, #tpu.memory_space<vmem>>
      %dma_wait3A_989 = arith.constant 0 : i32
      %dma_wait3A_990 = arith.constant 0 : i32
      %dma_wait3A_991 = tpu.memref_slice %arg2[%dma_wait3A_989, %dma_wait3A_990] : memref<10000x64xf32, #tpu.memory_space<hbm>> -> memref<10000x64xf32, #tpu.memory_space<hbm>>
      tpu.wait_indirect_dma semaphore(%arg10 : memref<!tpu.dma_semaphore, #tpu.memory_space<semaphore_mem>>) src(%dma_wait3A_991 : memref<10000x64xf32, #tpu.memory_space<hbm>>) dst(%dma_wait3A_986 : memref<40x64xf32, #tpu.memory_space<vmem>>)
      %dma_wait3A_992 = arith.constant 0 : i32
      %dma_wait3A_993 = arith.constant 1 : i32
      %dma_wait3A_994 = arith.constant 4 : i32
      %dma_wait3A_995 = arith.constant 0 : i32
      %dma_wait3A_996 = arith.constant 0 : i32
      %dma_wait3A_997 = tpu.memref_slice %arg8[%dma_wait3A_993, %dma_wait3A_994, %dma_wait3A_995, %dma_wait3A_996] : memref<2x5x40x64xf32, #tpu.memory_space<vmem>> -> memref<1x1x40x64xf32, #tpu.memory_space<vmem>>
      %dma_wait3A_998 = tpu.memref_squeeze %dma_wait3A_997 : memref<1x1x40x64xf32, #tpu.memory_space<vmem>> -> memref<40x64xf32, #tpu.memory_space<vmem>>
      %dma_wait3A_999 = tpu.memref_slice %arg7[%dma_wait3A_992, %add3A_871] : memref<2x10000xi32, #tpu.memory_space<vmem>> -> memref<1x40xi32, #tpu.memory_space<vmem>>
      %dma_wait3A_1000 = tpu.memref_squeeze %dma_wait3A_999 : memref<1x40xi32, #tpu.memory_space<vmem>> -> memref<40xi32, #tpu.memory_space<vmem>>
      %dma_wait3A_1001 = arith.constant 0 : i32
      %dma_wait3A_1002 = arith.constant 0 : i32
      %dma_wait3A_1003 = tpu.memref_slice %arg2[%dma_wait3A_1001, %dma_wait3A_1002] : memref<10000x64xf32, #tpu.memory_space<hbm>> -> memref<10000x64xf32, #tpu.memory_space<hbm>>
      tpu.wait_indirect_dma semaphore(%arg10 : memref<!tpu.dma_semaphore, #tpu.memory_space<semaphore_mem>>) src(%dma_wait3A_1003 : memref<10000x64xf32, #tpu.memory_space<hbm>>) dst(%dma_wait3A_998 : memref<40x64xf32, #tpu.memory_space<vmem>>)
      %dma_wait3A_1004 = arith.constant 1 : i32
      %dma_wait3A_1005 = arith.constant 1 : i32
      %dma_wait3A_1006 = arith.constant 4 : i32
      %dma_wait3A_1007 = arith.constant 0 : i32
      %dma_wait3A_1008 = arith.constant 0 : i32
      %dma_wait3A_1009 = tpu.memref_slice %arg9[%dma_wait3A_1005, %dma_wait3A_1006, %dma_wait3A_1007, %dma_wait3A_1008] : memref<2x5x40x64xf32, #tpu.memory_space<vmem>> -> memref<1x1x40x64xf32, #tpu.memory_space<vmem>>
      %dma_wait3A_1010 = tpu.memref_squeeze %dma_wait3A_1009 : memref<1x1x40x64xf32, #tpu.memory_space<vmem>> -> memref<40x64xf32, #tpu.memory_space<vmem>>
      %dma_wait3A_1011 = tpu.memref_slice %arg7[%dma_wait3A_1004, %add3A_871] : memref<2x10000xi32, #tpu.memory_space<vmem>> -> memref<1x40xi32, #tpu.memory_space<vmem>>
      %dma_wait3A_1012 = tpu.memref_squeeze %dma_wait3A_1011 : memref<1x40xi32, #tpu.memory_space<vmem>> -> memref<40xi32, #tpu.memory_space<vmem>>
      %dma_wait3A_1013 = arith.constant 0 : i32
      %dma_wait3A_1014 = arith.constant 0 : i32
      %dma_wait3A_1015 = tpu.memref_slice %arg2[%dma_wait3A_1013, %dma_wait3A_1014] : memref<10000x64xf32, #tpu.memory_space<hbm>> -> memref<10000x64xf32, #tpu.memory_space<hbm>>
      tpu.wait_indirect_dma semaphore(%arg10 : memref<!tpu.dma_semaphore, #tpu.memory_space<semaphore_mem>>) src(%dma_wait3A_1015 : memref<10000x64xf32, #tpu.memory_space<hbm>>) dst(%dma_wait3A_1010 : memref<40x64xf32, #tpu.memory_space<vmem>>)
      %add3A_1016 = arith.addi %mul3A_2, %mul3A_765 : i32
      %add3A_1017 = arith.constant 0 : i32
      %add3A_1018 = arith.addi %add3A_1016, %add3A_1017 : i32
      %dma_start3A_1019 = arith.constant 1 : i32
      %dma_start3A_1020 = arith.constant 0 : i32
      %dma_start3A_1021 = arith.constant 0 : i32
      %dma_start3A_1022 = arith.constant 0 : i32
      %dma_start3A_1023 = tpu.memref_slice %arg8[%dma_start3A_1019, %dma_start3A_1020, %dma_start3A_1021, %dma_start3A_1022] : memref<2x5x40x64xf32, #tpu.memory_space<vmem>> -> memref<1x1x40x64xf32, #tpu.memory_space<vmem>>
      %dma_start3A_1024 = tpu.memref_squeeze %dma_start3A_1023 : memref<1x1x40x64xf32, #tpu.memory_space<vmem>> -> memref<40x64xf32, #tpu.memory_space<vmem>>
      %dma_start3A_1025 = arith.constant 0 : i32
      %dma_start3A_1026 = tpu.memref_slice %arg5[%add3A_1018, %dma_start3A_1025] : memref<320000x64xf32, #tpu.memory_space<hbm>> -> memref<40x64xf32, #tpu.memory_space<hbm>>
      %dma_start3A_1027 = arith.constant 0 : i32
      %dma_start3A_1028 = tpu.memref_slice %arg5[%add3A_1018, %dma_start3A_1027] : memref<320000x64xf32, #tpu.memory_space<hbm>> -> memref<40x64xf32, #tpu.memory_space<hbm>>
      %dma_start3A_1029 = arith.constant 0 : i32
      %dma_start3A_1030 = arith.constant 0 : i32
      %dma_start3A_1031 = tpu.memref_slice %arg8[%dma_start3A_1019, %dma_start3A_1020, %dma_start3A_1029, %dma_start3A_1030] : memref<2x5x40x64xf32, #tpu.memory_space<vmem>> -> memref<1x1x40x64xf32, #tpu.memory_space<vmem>>
      %dma_start3A_1032 = tpu.memref_squeeze %dma_start3A_1031 : memref<1x1x40x64xf32, #tpu.memory_space<vmem>> -> memref<40x64xf32, #tpu.memory_space<vmem>>
      tpu.enqueue_dma source(%dma_start3A_1032 : memref<40x64xf32, #tpu.memory_space<vmem>>) target(%dma_start3A_1028 : memref<40x64xf32, #tpu.memory_space<hbm>>) target_semaphore(%arg12 : memref<!tpu.dma_semaphore, #tpu.memory_space<semaphore_mem>>)
      %dma_start3A_1033 = arith.constant 1 : i32
      %dma_start3A_1034 = arith.constant 0 : i32
      %dma_start3A_1035 = arith.constant 0 : i32
      %dma_start3A_1036 = arith.constant 0 : i32
      %dma_start3A_1037 = tpu.memref_slice %arg9[%dma_start3A_1033, %dma_start3A_1034, %dma_start3A_1035, %dma_start3A_1036] : memref<2x5x40x64xf32, #tpu.memory_space<vmem>> -> memref<1x1x40x64xf32, #tpu.memory_space<vmem>>
      %dma_start3A_1038 = tpu.memref_squeeze %dma_start3A_1037 : memref<1x1x40x64xf32, #tpu.memory_space<vmem>> -> memref<40x64xf32, #tpu.memory_space<vmem>>
      %dma_start3A_1039 = arith.constant 0 : i32
      %dma_start3A_1040 = tpu.memref_slice %arg6[%add3A_1018, %dma_start3A_1039] : memref<320000x64xf32, #tpu.memory_space<hbm>> -> memref<40x64xf32, #tpu.memory_space<hbm>>
      %dma_start3A_1041 = arith.constant 0 : i32
      %dma_start3A_1042 = tpu.memref_slice %arg6[%add3A_1018, %dma_start3A_1041] : memref<320000x64xf32, #tpu.memory_space<hbm>> -> memref<40x64xf32, #tpu.memory_space<hbm>>
      %dma_start3A_1043 = arith.constant 0 : i32
      %dma_start3A_1044 = arith.constant 0 : i32
      %dma_start3A_1045 = tpu.memref_slice %arg9[%dma_start3A_1033, %dma_start3A_1034, %dma_start3A_1043, %dma_start3A_1044] : memref<2x5x40x64xf32, #tpu.memory_space<vmem>> -> memref<1x1x40x64xf32, #tpu.memory_space<vmem>>
      %dma_start3A_1046 = tpu.memref_squeeze %dma_start3A_1045 : memref<1x1x40x64xf32, #tpu.memory_space<vmem>> -> memref<40x64xf32, #tpu.memory_space<vmem>>
      tpu.enqueue_dma source(%dma_start3A_1046 : memref<40x64xf32, #tpu.memory_space<vmem>>) target(%dma_start3A_1042 : memref<40x64xf32, #tpu.memory_space<hbm>>) target_semaphore(%arg12 : memref<!tpu.dma_semaphore, #tpu.memory_space<semaphore_mem>>)
      %add3A_1047 = arith.addi %mul3A_2, %mul3A_765 : i32
      %add3A_1048 = arith.constant 40 : i32
      %add3A_1049 = arith.addi %add3A_1047, %add3A_1048 : i32
      %dma_start3A_1050 = arith.constant 1 : i32
      %dma_start3A_1051 = arith.constant 1 : i32
      %dma_start3A_1052 = arith.constant 0 : i32
      %dma_start3A_1053 = arith.constant 0 : i32
      %dma_start3A_1054 = tpu.memref_slice %arg8[%dma_start3A_1050, %dma_start3A_1051, %dma_start3A_1052, %dma_start3A_1053] : memref<2x5x40x64xf32, #tpu.memory_space<vmem>> -> memref<1x1x40x64xf32, #tpu.memory_space<vmem>>
      %dma_start3A_1055 = tpu.memref_squeeze %dma_start3A_1054 : memref<1x1x40x64xf32, #tpu.memory_space<vmem>> -> memref<40x64xf32, #tpu.memory_space<vmem>>
      %dma_start3A_1056 = arith.constant 0 : i32
      %dma_start3A_1057 = tpu.memref_slice %arg5[%add3A_1049, %dma_start3A_1056] : memref<320000x64xf32, #tpu.memory_space<hbm>> -> memref<40x64xf32, #tpu.memory_space<hbm>>
      %dma_start3A_1058 = arith.constant 0 : i32
      %dma_start3A_1059 = tpu.memref_slice %arg5[%add3A_1049, %dma_start3A_1058] : memref<320000x64xf32, #tpu.memory_space<hbm>> -> memref<40x64xf32, #tpu.memory_space<hbm>>
      %dma_start3A_1060 = arith.constant 0 : i32
      %dma_start3A_1061 = arith.constant 0 : i32
      %dma_start3A_1062 = tpu.memref_slice %arg8[%dma_start3A_1050, %dma_start3A_1051, %dma_start3A_1060, %dma_start3A_1061] : memref<2x5x40x64xf32, #tpu.memory_space<vmem>> -> memref<1x1x40x64xf32, #tpu.memory_space<vmem>>
      %dma_start3A_1063 = tpu.memref_squeeze %dma_start3A_1062 : memref<1x1x40x64xf32, #tpu.memory_space<vmem>> -> memref<40x64xf32, #tpu.memory_space<vmem>>
      tpu.enqueue_dma source(%dma_start3A_1063 : memref<40x64xf32, #tpu.memory_space<vmem>>) target(%dma_start3A_1059 : memref<40x64xf32, #tpu.memory_space<hbm>>) target_semaphore(%arg12 : memref<!tpu.dma_semaphore, #tpu.memory_space<semaphore_mem>>)
      %dma_start3A_1064 = arith.constant 1 : i32
      %dma_start3A_1065 = arith.constant 1 : i32
      %dma_start3A_1066 = arith.constant 0 : i32
      %dma_start3A_1067 = arith.constant 0 : i32
      %dma_start3A_1068 = tpu.memref_slice %arg9[%dma_start3A_1064, %dma_start3A_1065, %dma_start3A_1066, %dma_start3A_1067] : memref<2x5x40x64xf32, #tpu.memory_space<vmem>> -> memref<1x1x40x64xf32, #tpu.memory_space<vmem>>
      %dma_start3A_1069 = tpu.memref_squeeze %dma_start3A_1068 : memref<1x1x40x64xf32, #tpu.memory_space<vmem>> -> memref<40x64xf32, #tpu.memory_space<vmem>>
      %dma_start3A_1070 = arith.constant 0 : i32
      %dma_start3A_1071 = tpu.memref_slice %arg6[%add3A_1049, %dma_start3A_1070] : memref<320000x64xf32, #tpu.memory_space<hbm>> -> memref<40x64xf32, #tpu.memory_space<hbm>>
      %dma_start3A_1072 = arith.constant 0 : i32
      %dma_start3A_1073 = tpu.memref_slice %arg6[%add3A_1049, %dma_start3A_1072] : memref<320000x64xf32, #tpu.memory_space<hbm>> -> memref<40x64xf32, #tpu.memory_space<hbm>>
      %dma_start3A_1074 = arith.constant 0 : i32
      %dma_start3A_1075 = arith.constant 0 : i32
      %dma_start3A_1076 = tpu.memref_slice %arg9[%dma_start3A_1064, %dma_start3A_1065, %dma_start3A_1074, %dma_start3A_1075] : memref<2x5x40x64xf32, #tpu.memory_space<vmem>> -> memref<1x1x40x64xf32, #tpu.memory_space<vmem>>
      %dma_start3A_1077 = tpu.memref_squeeze %dma_start3A_1076 : memref<1x1x40x64xf32, #tpu.memory_space<vmem>> -> memref<40x64xf32, #tpu.memory_space<vmem>>
      tpu.enqueue_dma source(%dma_start3A_1077 : memref<40x64xf32, #tpu.memory_space<vmem>>) target(%dma_start3A_1073 : memref<40x64xf32, #tpu.memory_space<hbm>>) target_semaphore(%arg12 : memref<!tpu.dma_semaphore, #tpu.memory_space<semaphore_mem>>)
      %add3A_1078 = arith.addi %mul3A_2, %mul3A_765 : i32
      %add3A_1079 = arith.constant 80 : i32
      %add3A_1080 = arith.addi %add3A_1078, %add3A_1079 : i32
      %dma_start3A_1081 = arith.constant 1 : i32
      %dma_start3A_1082 = arith.constant 2 : i32
      %dma_start3A_1083 = arith.constant 0 : i32
      %dma_start3A_1084 = arith.constant 0 : i32
      %dma_start3A_1085 = tpu.memref_slice %arg8[%dma_start3A_1081, %dma_start3A_1082, %dma_start3A_1083, %dma_start3A_1084] : memref<2x5x40x64xf32, #tpu.memory_space<vmem>> -> memref<1x1x40x64xf32, #tpu.memory_space<vmem>>
      %dma_start3A_1086 = tpu.memref_squeeze %dma_start3A_1085 : memref<1x1x40x64xf32, #tpu.memory_space<vmem>> -> memref<40x64xf32, #tpu.memory_space<vmem>>
      %dma_start3A_1087 = arith.constant 0 : i32
      %dma_start3A_1088 = tpu.memref_slice %arg5[%add3A_1080, %dma_start3A_1087] : memref<320000x64xf32, #tpu.memory_space<hbm>> -> memref<40x64xf32, #tpu.memory_space<hbm>>
      %dma_start3A_1089 = arith.constant 0 : i32
      %dma_start3A_1090 = tpu.memref_slice %arg5[%add3A_1080, %dma_start3A_1089] : memref<320000x64xf32, #tpu.memory_space<hbm>> -> memref<40x64xf32, #tpu.memory_space<hbm>>
      %dma_start3A_1091 = arith.constant 0 : i32
      %dma_start3A_1092 = arith.constant 0 : i32
      %dma_start3A_1093 = tpu.memref_slice %arg8[%dma_start3A_1081, %dma_start3A_1082, %dma_start3A_1091, %dma_start3A_1092] : memref<2x5x40x64xf32, #tpu.memory_space<vmem>> -> memref<1x1x40x64xf32, #tpu.memory_space<vmem>>
      %dma_start3A_1094 = tpu.memref_squeeze %dma_start3A_1093 : memref<1x1x40x64xf32, #tpu.memory_space<vmem>> -> memref<40x64xf32, #tpu.memory_space<vmem>>
      tpu.enqueue_dma source(%dma_start3A_1094 : memref<40x64xf32, #tpu.memory_space<vmem>>) target(%dma_start3A_1090 : memref<40x64xf32, #tpu.memory_space<hbm>>) target_semaphore(%arg12 : memref<!tpu.dma_semaphore, #tpu.memory_space<semaphore_mem>>)
      %dma_start3A_1095 = arith.constant 1 : i32
      %dma_start3A_1096 = arith.constant 2 : i32
      %dma_start3A_1097 = arith.constant 0 : i32
      %dma_start3A_1098 = arith.constant 0 : i32
      %dma_start3A_1099 = tpu.memref_slice %arg9[%dma_start3A_1095, %dma_start3A_1096, %dma_start3A_1097, %dma_start3A_1098] : memref<2x5x40x64xf32, #tpu.memory_space<vmem>> -> memref<1x1x40x64xf32, #tpu.memory_space<vmem>>
      %dma_start3A_1100 = tpu.memref_squeeze %dma_start3A_1099 : memref<1x1x40x64xf32, #tpu.memory_space<vmem>> -> memref<40x64xf32, #tpu.memory_space<vmem>>
      %dma_start3A_1101 = arith.constant 0 : i32
      %dma_start3A_1102 = tpu.memref_slice %arg6[%add3A_1080, %dma_start3A_1101] : memref<320000x64xf32, #tpu.memory_space<hbm>> -> memref<40x64xf32, #tpu.memory_space<hbm>>
      %dma_start3A_1103 = arith.constant 0 : i32
      %dma_start3A_1104 = tpu.memref_slice %arg6[%add3A_1080, %dma_start3A_1103] : memref<320000x64xf32, #tpu.memory_space<hbm>> -> memref<40x64xf32, #tpu.memory_space<hbm>>
      %dma_start3A_1105 = arith.constant 0 : i32
      %dma_start3A_1106 = arith.constant 0 : i32
      %dma_start3A_1107 = tpu.memref_slice %arg9[%dma_start3A_1095, %dma_start3A_1096, %dma_start3A_1105, %dma_start3A_1106] : memref<2x5x40x64xf32, #tpu.memory_space<vmem>> -> memref<1x1x40x64xf32, #tpu.memory_space<vmem>>
      %dma_start3A_1108 = tpu.memref_squeeze %dma_start3A_1107 : memref<1x1x40x64xf32, #tpu.memory_space<vmem>> -> memref<40x64xf32, #tpu.memory_space<vmem>>
      tpu.enqueue_dma source(%dma_start3A_1108 : memref<40x64xf32, #tpu.memory_space<vmem>>) target(%dma_start3A_1104 : memref<40x64xf32, #tpu.memory_space<hbm>>) target_semaphore(%arg12 : memref<!tpu.dma_semaphore, #tpu.memory_space<semaphore_mem>>)
      %add3A_1109 = arith.addi %mul3A_2, %mul3A_765 : i32
      %add3A_1110 = arith.constant 120 : i32
      %add3A_1111 = arith.addi %add3A_1109, %add3A_1110 : i32
      %dma_start3A_1112 = arith.constant 1 : i32
      %dma_start3A_1113 = arith.constant 3 : i32
      %dma_start3A_1114 = arith.constant 0 : i32
      %dma_start3A_1115 = arith.constant 0 : i32
      %dma_start3A_1116 = tpu.memref_slice %arg8[%dma_start3A_1112, %dma_start3A_1113, %dma_start3A_1114, %dma_start3A_1115] : memref<2x5x40x64xf32, #tpu.memory_space<vmem>> -> memref<1x1x40x64xf32, #tpu.memory_space<vmem>>
      %dma_start3A_1117 = tpu.memref_squeeze %dma_start3A_1116 : memref<1x1x40x64xf32, #tpu.memory_space<vmem>> -> memref<40x64xf32, #tpu.memory_space<vmem>>
      %dma_start3A_1118 = arith.constant 0 : i32
      %dma_start3A_1119 = tpu.memref_slice %arg5[%add3A_1111, %dma_start3A_1118] : memref<320000x64xf32, #tpu.memory_space<hbm>> -> memref<40x64xf32, #tpu.memory_space<hbm>>
      %dma_start3A_1120 = arith.constant 0 : i32
      %dma_start3A_1121 = tpu.memref_slice %arg5[%add3A_1111, %dma_start3A_1120] : memref<320000x64xf32, #tpu.memory_space<hbm>> -> memref<40x64xf32, #tpu.memory_space<hbm>>
      %dma_start3A_1122 = arith.constant 0 : i32
      %dma_start3A_1123 = arith.constant 0 : i32
      %dma_start3A_1124 = tpu.memref_slice %arg8[%dma_start3A_1112, %dma_start3A_1113, %dma_start3A_1122, %dma_start3A_1123] : memref<2x5x40x64xf32, #tpu.memory_space<vmem>> -> memref<1x1x40x64xf32, #tpu.memory_space<vmem>>
      %dma_start3A_1125 = tpu.memref_squeeze %dma_start3A_1124 : memref<1x1x40x64xf32, #tpu.memory_space<vmem>> -> memref<40x64xf32, #tpu.memory_space<vmem>>
      tpu.enqueue_dma source(%dma_start3A_1125 : memref<40x64xf32, #tpu.memory_space<vmem>>) target(%dma_start3A_1121 : memref<40x64xf32, #tpu.memory_space<hbm>>) target_semaphore(%arg12 : memref<!tpu.dma_semaphore, #tpu.memory_space<semaphore_mem>>)
      %dma_start3A_1126 = arith.constant 1 : i32
      %dma_start3A_1127 = arith.constant 3 : i32
      %dma_start3A_1128 = arith.constant 0 : i32
      %dma_start3A_1129 = arith.constant 0 : i32
      %dma_start3A_1130 = tpu.memref_slice %arg9[%dma_start3A_1126, %dma_start3A_1127, %dma_start3A_1128, %dma_start3A_1129] : memref<2x5x40x64xf32, #tpu.memory_space<vmem>> -> memref<1x1x40x64xf32, #tpu.memory_space<vmem>>
      %dma_start3A_1131 = tpu.memref_squeeze %dma_start3A_1130 : memref<1x1x40x64xf32, #tpu.memory_space<vmem>> -> memref<40x64xf32, #tpu.memory_space<vmem>>
      %dma_start3A_1132 = arith.constant 0 : i32
      %dma_start3A_1133 = tpu.memref_slice %arg6[%add3A_1111, %dma_start3A_1132] : memref<320000x64xf32, #tpu.memory_space<hbm>> -> memref<40x64xf32, #tpu.memory_space<hbm>>
      %dma_start3A_1134 = arith.constant 0 : i32
      %dma_start3A_1135 = tpu.memref_slice %arg6[%add3A_1111, %dma_start3A_1134] : memref<320000x64xf32, #tpu.memory_space<hbm>> -> memref<40x64xf32, #tpu.memory_space<hbm>>
      %dma_start3A_1136 = arith.constant 0 : i32
      %dma_start3A_1137 = arith.constant 0 : i32
      %dma_start3A_1138 = tpu.memref_slice %arg9[%dma_start3A_1126, %dma_start3A_1127, %dma_start3A_1136, %dma_start3A_1137] : memref<2x5x40x64xf32, #tpu.memory_space<vmem>> -> memref<1x1x40x64xf32, #tpu.memory_space<vmem>>
      %dma_start3A_1139 = tpu.memref_squeeze %dma_start3A_1138 : memref<1x1x40x64xf32, #tpu.memory_space<vmem>> -> memref<40x64xf32, #tpu.memory_space<vmem>>
      tpu.enqueue_dma source(%dma_start3A_1139 : memref<40x64xf32, #tpu.memory_space<vmem>>) target(%dma_start3A_1135 : memref<40x64xf32, #tpu.memory_space<hbm>>) target_semaphore(%arg12 : memref<!tpu.dma_semaphore, #tpu.memory_space<semaphore_mem>>)
      %add3A_1140 = arith.addi %mul3A_2, %mul3A_765 : i32
      %add3A_1141 = arith.constant 160 : i32
      %add3A_1142 = arith.addi %add3A_1140, %add3A_1141 : i32
      %dma_start3A_1143 = arith.constant 1 : i32
      %dma_start3A_1144 = arith.constant 4 : i32
      %dma_start3A_1145 = arith.constant 0 : i32
      %dma_start3A_1146 = arith.constant 0 : i32
      %dma_start3A_1147 = tpu.memref_slice %arg8[%dma_start3A_1143, %dma_start3A_1144, %dma_start3A_1145, %dma_start3A_1146] : memref<2x5x40x64xf32, #tpu.memory_space<vmem>> -> memref<1x1x40x64xf32, #tpu.memory_space<vmem>>
      %dma_start3A_1148 = tpu.memref_squeeze %dma_start3A_1147 : memref<1x1x40x64xf32, #tpu.memory_space<vmem>> -> memref<40x64xf32, #tpu.memory_space<vmem>>
      %dma_start3A_1149 = arith.constant 0 : i32
      %dma_start3A_1150 = tpu.memref_slice %arg5[%add3A_1142, %dma_start3A_1149] : memref<320000x64xf32, #tpu.memory_space<hbm>> -> memref<40x64xf32, #tpu.memory_space<hbm>>
      %dma_start3A_1151 = arith.constant 0 : i32
      %dma_start3A_1152 = tpu.memref_slice %arg5[%add3A_1142, %dma_start3A_1151] : memref<320000x64xf32, #tpu.memory_space<hbm>> -> memref<40x64xf32, #tpu.memory_space<hbm>>
      %dma_start3A_1153 = arith.constant 0 : i32
      %dma_start3A_1154 = arith.constant 0 : i32
      %dma_start3A_1155 = tpu.memref_slice %arg8[%dma_start3A_1143, %dma_start3A_1144, %dma_start3A_1153, %dma_start3A_1154] : memref<2x5x40x64xf32, #tpu.memory_space<vmem>> -> memref<1x1x40x64xf32, #tpu.memory_space<vmem>>
      %dma_start3A_1156 = tpu.memref_squeeze %dma_start3A_1155 : memref<1x1x40x64xf32, #tpu.memory_space<vmem>> -> memref<40x64xf32, #tpu.memory_space<vmem>>
      tpu.enqueue_dma source(%dma_start3A_1156 : memref<40x64xf32, #tpu.memory_space<vmem>>) target(%dma_start3A_1152 : memref<40x64xf32, #tpu.memory_space<hbm>>) target_semaphore(%arg12 : memref<!tpu.dma_semaphore, #tpu.memory_space<semaphore_mem>>)
      %dma_start3A_1157 = arith.constant 1 : i32
      %dma_start3A_1158 = arith.constant 4 : i32
      %dma_start3A_1159 = arith.constant 0 : i32
      %dma_start3A_1160 = arith.constant 0 : i32
      %dma_start3A_1161 = tpu.memref_slice %arg9[%dma_start3A_1157, %dma_start3A_1158, %dma_start3A_1159, %dma_start3A_1160] : memref<2x5x40x64xf32, #tpu.memory_space<vmem>> -> memref<1x1x40x64xf32, #tpu.memory_space<vmem>>
      %dma_start3A_1162 = tpu.memref_squeeze %dma_start3A_1161 : memref<1x1x40x64xf32, #tpu.memory_space<vmem>> -> memref<40x64xf32, #tpu.memory_space<vmem>>
      %dma_start3A_1163 = arith.constant 0 : i32
      %dma_start3A_1164 = tpu.memref_slice %arg6[%add3A_1142, %dma_start3A_1163] : memref<320000x64xf32, #tpu.memory_space<hbm>> -> memref<40x64xf32, #tpu.memory_space<hbm>>
      %dma_start3A_1165 = arith.constant 0 : i32
      %dma_start3A_1166 = tpu.memref_slice %arg6[%add3A_1142, %dma_start3A_1165] : memref<320000x64xf32, #tpu.memory_space<hbm>> -> memref<40x64xf32, #tpu.memory_space<hbm>>
      %dma_start3A_1167 = arith.constant 0 : i32
      %dma_start3A_1168 = arith.constant 0 : i32
      %dma_start3A_1169 = tpu.memref_slice %arg9[%dma_start3A_1157, %dma_start3A_1158, %dma_start3A_1167, %dma_start3A_1168] : memref<2x5x40x64xf32, #tpu.memory_space<vmem>> -> memref<1x1x40x64xf32, #tpu.memory_space<vmem>>
      %dma_start3A_1170 = tpu.memref_squeeze %dma_start3A_1169 : memref<1x1x40x64xf32, #tpu.memory_space<vmem>> -> memref<40x64xf32, #tpu.memory_space<vmem>>
      tpu.enqueue_dma source(%dma_start3A_1170 : memref<40x64xf32, #tpu.memory_space<vmem>>) target(%dma_start3A_1166 : memref<40x64xf32, #tpu.memory_space<hbm>>) target_semaphore(%arg12 : memref<!tpu.dma_semaphore, #tpu.memory_space<semaphore_mem>>)
    }
    %scan3A_8 = arith.constant 25 : i32
    %mul3A_9 = arith.constant 48 : i32
    %mul3A_10 = arith.constant 5 : i32
    %mul3A_11 = arith.muli %mul3A_9, %mul3A_10 : i32
    %mul3A_12 = arith.constant 40 : i32
    %mul3A_13 = arith.muli %mul3A_11, %mul3A_12 : i32
    %add3A_14 = arith.addi %mul3A_2, %mul3A_13 : i32
    %add3A_15 = arith.constant 0 : i32
    %add3A_16 = arith.addi %add3A_14, %add3A_15 : i32
    %dma_wait3A = arith.constant 0 : i32
    %dma_wait3A_17 = arith.constant 0 : i32
    %dma_wait3A_18 = arith.constant 0 : i32
    %dma_wait3A_19 = arith.constant 0 : i32
    %dma_wait3A_20 = tpu.memref_slice %arg8[%dma_wait3A, %dma_wait3A_17, %dma_wait3A_18, %dma_wait3A_19] : memref<2x5x40x64xf32, #tpu.memory_space<vmem>> -> memref<1x1x40x64xf32, #tpu.memory_space<vmem>>
    %dma_wait3A_21 = tpu.memref_squeeze %dma_wait3A_20 : memref<1x1x40x64xf32, #tpu.memory_space<vmem>> -> memref<40x64xf32, #tpu.memory_space<vmem>>
    %dma_wait3A_22 = arith.constant 0 : i32
    %dma_wait3A_23 = tpu.memref_slice %arg5[%add3A_16, %dma_wait3A_22] : memref<320000x64xf32, #tpu.memory_space<hbm>> -> memref<40x64xf32, #tpu.memory_space<hbm>>
    %dma_wait3A_24 = arith.constant 0 : i32
    %dma_wait3A_25 = tpu.memref_slice %arg5[%add3A_16, %dma_wait3A_24] : memref<320000x64xf32, #tpu.memory_space<hbm>> -> memref<40x64xf32, #tpu.memory_space<hbm>>
    %dma_wait3A_26 = arith.constant 0 : i32
    %dma_wait3A_27 = arith.constant 0 : i32
    %dma_wait3A_28 = tpu.memref_slice %arg8[%dma_wait3A, %dma_wait3A_17, %dma_wait3A_26, %dma_wait3A_27] : memref<2x5x40x64xf32, #tpu.memory_space<vmem>> -> memref<1x1x40x64xf32, #tpu.memory_space<vmem>>
    %dma_wait3A_29 = tpu.memref_squeeze %dma_wait3A_28 : memref<1x1x40x64xf32, #tpu.memory_space<vmem>> -> memref<40x64xf32, #tpu.memory_space<vmem>>
    tpu.wait_dma2 semaphore(%arg11 : memref<!tpu.dma_semaphore, #tpu.memory_space<semaphore_mem>>) src(%dma_wait3A_29 : memref<40x64xf32, #tpu.memory_space<vmem>>) dst(%dma_wait3A_25 : memref<40x64xf32, #tpu.memory_space<hbm>>)
    %add3A_30 = arith.constant 0 : i32
    %add3A_31 = arith.addi %add3A_14, %add3A_30 : i32
    %dma_wait3A_32 = arith.constant 0 : i32
    %dma_wait3A_33 = arith.constant 0 : i32
    %dma_wait3A_34 = arith.constant 0 : i32
    %dma_wait3A_35 = arith.constant 0 : i32
    %dma_wait3A_36 = tpu.memref_slice %arg9[%dma_wait3A_32, %dma_wait3A_33, %dma_wait3A_34, %dma_wait3A_35] : memref<2x5x40x64xf32, #tpu.memory_space<vmem>> -> memref<1x1x40x64xf32, #tpu.memory_space<vmem>>
    %dma_wait3A_37 = tpu.memref_squeeze %dma_wait3A_36 : memref<1x1x40x64xf32, #tpu.memory_space<vmem>> -> memref<40x64xf32, #tpu.memory_space<vmem>>
    %dma_wait3A_38 = arith.constant 0 : i32
    %dma_wait3A_39 = tpu.memref_slice %arg6[%add3A_31, %dma_wait3A_38] : memref<320000x64xf32, #tpu.memory_space<hbm>> -> memref<40x64xf32, #tpu.memory_space<hbm>>
    %dma_wait3A_40 = arith.constant 0 : i32
    %dma_wait3A_41 = tpu.memref_slice %arg6[%add3A_31, %dma_wait3A_40] : memref<320000x64xf32, #tpu.memory_space<hbm>> -> memref<40x64xf32, #tpu.memory_space<hbm>>
    %dma_wait3A_42 = arith.constant 0 : i32
    %dma_wait3A_43 = arith.constant 0 : i32
    %dma_wait3A_44 = tpu.memref_slice %arg9[%dma_wait3A_32, %dma_wait3A_33, %dma_wait3A_42, %dma_wait3A_43] : memref<2x5x40x64xf32, #tpu.memory_space<vmem>> -> memref<1x1x40x64xf32, #tpu.memory_space<vmem>>
    %dma_wait3A_45 = tpu.memref_squeeze %dma_wait3A_44 : memref<1x1x40x64xf32, #tpu.memory_space<vmem>> -> memref<40x64xf32, #tpu.memory_space<vmem>>
    tpu.wait_dma2 semaphore(%arg11 : memref<!tpu.dma_semaphore, #tpu.memory_space<semaphore_mem>>) src(%dma_wait3A_45 : memref<40x64xf32, #tpu.memory_space<vmem>>) dst(%dma_wait3A_41 : memref<40x64xf32, #tpu.memory_space<hbm>>)
    %add3A_46 = arith.constant 40 : i32
    %add3A_47 = arith.addi %add3A_14, %add3A_46 : i32
    %dma_wait3A_48 = arith.constant 0 : i32
    %dma_wait3A_49 = arith.constant 1 : i32
    %dma_wait3A_50 = arith.constant 0 : i32
    %dma_wait3A_51 = arith.constant 0 : i32
    %dma_wait3A_52 = tpu.memref_slice %arg8[%dma_wait3A_48, %dma_wait3A_49, %dma_wait3A_50, %dma_wait3A_51] : memref<2x5x40x64xf32, #tpu.memory_space<vmem>> -> memref<1x1x40x64xf32, #tpu.memory_space<vmem>>
    %dma_wait3A_53 = tpu.memref_squeeze %dma_wait3A_52 : memref<1x1x40x64xf32, #tpu.memory_space<vmem>> -> memref<40x64xf32, #tpu.memory_space<vmem>>
    %dma_wait3A_54 = arith.constant 0 : i32
    %dma_wait3A_55 = tpu.memref_slice %arg5[%add3A_47, %dma_wait3A_54] : memref<320000x64xf32, #tpu.memory_space<hbm>> -> memref<40x64xf32, #tpu.memory_space<hbm>>
    %dma_wait3A_56 = arith.constant 0 : i32
    %dma_wait3A_57 = tpu.memref_slice %arg5[%add3A_47, %dma_wait3A_56] : memref<320000x64xf32, #tpu.memory_space<hbm>> -> memref<40x64xf32, #tpu.memory_space<hbm>>
    %dma_wait3A_58 = arith.constant 0 : i32
    %dma_wait3A_59 = arith.constant 0 : i32
    %dma_wait3A_60 = tpu.memref_slice %arg8[%dma_wait3A_48, %dma_wait3A_49, %dma_wait3A_58, %dma_wait3A_59] : memref<2x5x40x64xf32, #tpu.memory_space<vmem>> -> memref<1x1x40x64xf32, #tpu.memory_space<vmem>>
    %dma_wait3A_61 = tpu.memref_squeeze %dma_wait3A_60 : memref<1x1x40x64xf32, #tpu.memory_space<vmem>> -> memref<40x64xf32, #tpu.memory_space<vmem>>
    tpu.wait_dma2 semaphore(%arg11 : memref<!tpu.dma_semaphore, #tpu.memory_space<semaphore_mem>>) src(%dma_wait3A_61 : memref<40x64xf32, #tpu.memory_space<vmem>>) dst(%dma_wait3A_57 : memref<40x64xf32, #tpu.memory_space<hbm>>)
    %add3A_62 = arith.constant 40 : i32
    %add3A_63 = arith.addi %add3A_14, %add3A_62 : i32
    %dma_wait3A_64 = arith.constant 0 : i32
    %dma_wait3A_65 = arith.constant 1 : i32
    %dma_wait3A_66 = arith.constant 0 : i32
    %dma_wait3A_67 = arith.constant 0 : i32
    %dma_wait3A_68 = tpu.memref_slice %arg9[%dma_wait3A_64, %dma_wait3A_65, %dma_wait3A_66, %dma_wait3A_67] : memref<2x5x40x64xf32, #tpu.memory_space<vmem>> -> memref<1x1x40x64xf32, #tpu.memory_space<vmem>>
    %dma_wait3A_69 = tpu.memref_squeeze %dma_wait3A_68 : memref<1x1x40x64xf32, #tpu.memory_space<vmem>> -> memref<40x64xf32, #tpu.memory_space<vmem>>
    %dma_wait3A_70 = arith.constant 0 : i32
    %dma_wait3A_71 = tpu.memref_slice %arg6[%add3A_63, %dma_wait3A_70] : memref<320000x64xf32, #tpu.memory_space<hbm>> -> memref<40x64xf32, #tpu.memory_space<hbm>>
    %dma_wait3A_72 = arith.constant 0 : i32
    %dma_wait3A_73 = tpu.memref_slice %arg6[%add3A_63, %dma_wait3A_72] : memref<320000x64xf32, #tpu.memory_space<hbm>> -> memref<40x64xf32, #tpu.memory_space<hbm>>
    %dma_wait3A_74 = arith.constant 0 : i32
    %dma_wait3A_75 = arith.constant 0 : i32
    %dma_wait3A_76 = tpu.memref_slice %arg9[%dma_wait3A_64, %dma_wait3A_65, %dma_wait3A_74, %dma_wait3A_75] : memref<2x5x40x64xf32, #tpu.memory_space<vmem>> -> memref<1x1x40x64xf32, #tpu.memory_space<vmem>>
    %dma_wait3A_77 = tpu.memref_squeeze %dma_wait3A_76 : memref<1x1x40x64xf32, #tpu.memory_space<vmem>> -> memref<40x64xf32, #tpu.memory_space<vmem>>
    tpu.wait_dma2 semaphore(%arg11 : memref<!tpu.dma_semaphore, #tpu.memory_space<semaphore_mem>>) src(%dma_wait3A_77 : memref<40x64xf32, #tpu.memory_space<vmem>>) dst(%dma_wait3A_73 : memref<40x64xf32, #tpu.memory_space<hbm>>)
    %add3A_78 = arith.constant 80 : i32
    %add3A_79 = arith.addi %add3A_14, %add3A_78 : i32
    %dma_wait3A_80 = arith.constant 0 : i32
    %dma_wait3A_81 = arith.constant 2 : i32
    %dma_wait3A_82 = arith.constant 0 : i32
    %dma_wait3A_83 = arith.constant 0 : i32
    %dma_wait3A_84 = tpu.memref_slice %arg8[%dma_wait3A_80, %dma_wait3A_81, %dma_wait3A_82, %dma_wait3A_83] : memref<2x5x40x64xf32, #tpu.memory_space<vmem>> -> memref<1x1x40x64xf32, #tpu.memory_space<vmem>>
    %dma_wait3A_85 = tpu.memref_squeeze %dma_wait3A_84 : memref<1x1x40x64xf32, #tpu.memory_space<vmem>> -> memref<40x64xf32, #tpu.memory_space<vmem>>
    %dma_wait3A_86 = arith.constant 0 : i32
    %dma_wait3A_87 = tpu.memref_slice %arg5[%add3A_79, %dma_wait3A_86] : memref<320000x64xf32, #tpu.memory_space<hbm>> -> memref<40x64xf32, #tpu.memory_space<hbm>>
    %dma_wait3A_88 = arith.constant 0 : i32
    %dma_wait3A_89 = tpu.memref_slice %arg5[%add3A_79, %dma_wait3A_88] : memref<320000x64xf32, #tpu.memory_space<hbm>> -> memref<40x64xf32, #tpu.memory_space<hbm>>
    %dma_wait3A_90 = arith.constant 0 : i32
    %dma_wait3A_91 = arith.constant 0 : i32
    %dma_wait3A_92 = tpu.memref_slice %arg8[%dma_wait3A_80, %dma_wait3A_81, %dma_wait3A_90, %dma_wait3A_91] : memref<2x5x40x64xf32, #tpu.memory_space<vmem>> -> memref<1x1x40x64xf32, #tpu.memory_space<vmem>>
    %dma_wait3A_93 = tpu.memref_squeeze %dma_wait3A_92 : memref<1x1x40x64xf32, #tpu.memory_space<vmem>> -> memref<40x64xf32, #tpu.memory_space<vmem>>
    tpu.wait_dma2 semaphore(%arg11 : memref<!tpu.dma_semaphore, #tpu.memory_space<semaphore_mem>>) src(%dma_wait3A_93 : memref<40x64xf32, #tpu.memory_space<vmem>>) dst(%dma_wait3A_89 : memref<40x64xf32, #tpu.memory_space<hbm>>)
    %add3A_94 = arith.constant 80 : i32
    %add3A_95 = arith.addi %add3A_14, %add3A_94 : i32
    %dma_wait3A_96 = arith.constant 0 : i32
    %dma_wait3A_97 = arith.constant 2 : i32
    %dma_wait3A_98 = arith.constant 0 : i32
    %dma_wait3A_99 = arith.constant 0 : i32
    %dma_wait3A_100 = tpu.memref_slice %arg9[%dma_wait3A_96, %dma_wait3A_97, %dma_wait3A_98, %dma_wait3A_99] : memref<2x5x40x64xf32, #tpu.memory_space<vmem>> -> memref<1x1x40x64xf32, #tpu.memory_space<vmem>>
    %dma_wait3A_101 = tpu.memref_squeeze %dma_wait3A_100 : memref<1x1x40x64xf32, #tpu.memory_space<vmem>> -> memref<40x64xf32, #tpu.memory_space<vmem>>
    %dma_wait3A_102 = arith.constant 0 : i32
    %dma_wait3A_103 = tpu.memref_slice %arg6[%add3A_95, %dma_wait3A_102] : memref<320000x64xf32, #tpu.memory_space<hbm>> -> memref<40x64xf32, #tpu.memory_space<hbm>>
    %dma_wait3A_104 = arith.constant 0 : i32
    %dma_wait3A_105 = tpu.memref_slice %arg6[%add3A_95, %dma_wait3A_104] : memref<320000x64xf32, #tpu.memory_space<hbm>> -> memref<40x64xf32, #tpu.memory_space<hbm>>
    %dma_wait3A_106 = arith.constant 0 : i32
    %dma_wait3A_107 = arith.constant 0 : i32
    %dma_wait3A_108 = tpu.memref_slice %arg9[%dma_wait3A_96, %dma_wait3A_97, %dma_wait3A_106, %dma_wait3A_107] : memref<2x5x40x64xf32, #tpu.memory_space<vmem>> -> memref<1x1x40x64xf32, #tpu.memory_space<vmem>>
    %dma_wait3A_109 = tpu.memref_squeeze %dma_wait3A_108 : memref<1x1x40x64xf32, #tpu.memory_space<vmem>> -> memref<40x64xf32, #tpu.memory_space<vmem>>
    tpu.wait_dma2 semaphore(%arg11 : memref<!tpu.dma_semaphore, #tpu.memory_space<semaphore_mem>>) src(%dma_wait3A_109 : memref<40x64xf32, #tpu.memory_space<vmem>>) dst(%dma_wait3A_105 : memref<40x64xf32, #tpu.memory_space<hbm>>)
    %add3A_110 = arith.constant 120 : i32
    %add3A_111 = arith.addi %add3A_14, %add3A_110 : i32
    %dma_wait3A_112 = arith.constant 0 : i32
    %dma_wait3A_113 = arith.constant 3 : i32
    %dma_wait3A_114 = arith.constant 0 : i32
    %dma_wait3A_115 = arith.constant 0 : i32
    %dma_wait3A_116 = tpu.memref_slice %arg8[%dma_wait3A_112, %dma_wait3A_113, %dma_wait3A_114, %dma_wait3A_115] : memref<2x5x40x64xf32, #tpu.memory_space<vmem>> -> memref<1x1x40x64xf32, #tpu.memory_space<vmem>>
    %dma_wait3A_117 = tpu.memref_squeeze %dma_wait3A_116 : memref<1x1x40x64xf32, #tpu.memory_space<vmem>> -> memref<40x64xf32, #tpu.memory_space<vmem>>
    %dma_wait3A_118 = arith.constant 0 : i32
    %dma_wait3A_119 = tpu.memref_slice %arg5[%add3A_111, %dma_wait3A_118] : memref<320000x64xf32, #tpu.memory_space<hbm>> -> memref<40x64xf32, #tpu.memory_space<hbm>>
    %dma_wait3A_120 = arith.constant 0 : i32
    %dma_wait3A_121 = tpu.memref_slice %arg5[%add3A_111, %dma_wait3A_120] : memref<320000x64xf32, #tpu.memory_space<hbm>> -> memref<40x64xf32, #tpu.memory_space<hbm>>
    %dma_wait3A_122 = arith.constant 0 : i32
    %dma_wait3A_123 = arith.constant 0 : i32
    %dma_wait3A_124 = tpu.memref_slice %arg8[%dma_wait3A_112, %dma_wait3A_113, %dma_wait3A_122, %dma_wait3A_123] : memref<2x5x40x64xf32, #tpu.memory_space<vmem>> -> memref<1x1x40x64xf32, #tpu.memory_space<vmem>>
    %dma_wait3A_125 = tpu.memref_squeeze %dma_wait3A_124 : memref<1x1x40x64xf32, #tpu.memory_space<vmem>> -> memref<40x64xf32, #tpu.memory_space<vmem>>
    tpu.wait_dma2 semaphore(%arg11 : memref<!tpu.dma_semaphore, #tpu.memory_space<semaphore_mem>>) src(%dma_wait3A_125 : memref<40x64xf32, #tpu.memory_space<vmem>>) dst(%dma_wait3A_121 : memref<40x64xf32, #tpu.memory_space<hbm>>)
    %add3A_126 = arith.constant 120 : i32
    %add3A_127 = arith.addi %add3A_14, %add3A_126 : i32
    %dma_wait3A_128 = arith.constant 0 : i32
    %dma_wait3A_129 = arith.constant 3 : i32
    %dma_wait3A_130 = arith.constant 0 : i32
    %dma_wait3A_131 = arith.constant 0 : i32
    %dma_wait3A_132 = tpu.memref_slice %arg9[%dma_wait3A_128, %dma_wait3A_129, %dma_wait3A_130, %dma_wait3A_131] : memref<2x5x40x64xf32, #tpu.memory_space<vmem>> -> memref<1x1x40x64xf32, #tpu.memory_space<vmem>>
    %dma_wait3A_133 = tpu.memref_squeeze %dma_wait3A_132 : memref<1x1x40x64xf32, #tpu.memory_space<vmem>> -> memref<40x64xf32, #tpu.memory_space<vmem>>
    %dma_wait3A_134 = arith.constant 0 : i32
    %dma_wait3A_135 = tpu.memref_slice %arg6[%add3A_127, %dma_wait3A_134] : memref<320000x64xf32, #tpu.memory_space<hbm>> -> memref<40x64xf32, #tpu.memory_space<hbm>>
    %dma_wait3A_136 = arith.constant 0 : i32
    %dma_wait3A_137 = tpu.memref_slice %arg6[%add3A_127, %dma_wait3A_136] : memref<320000x64xf32, #tpu.memory_space<hbm>> -> memref<40x64xf32, #tpu.memory_space<hbm>>
    %dma_wait3A_138 = arith.constant 0 : i32
    %dma_wait3A_139 = arith.constant 0 : i32
    %dma_wait3A_140 = tpu.memref_slice %arg9[%dma_wait3A_128, %dma_wait3A_129, %dma_wait3A_138, %dma_wait3A_139] : memref<2x5x40x64xf32, #tpu.memory_space<vmem>> -> memref<1x1x40x64xf32, #tpu.memory_space<vmem>>
    %dma_wait3A_141 = tpu.memref_squeeze %dma_wait3A_140 : memref<1x1x40x64xf32, #tpu.memory_space<vmem>> -> memref<40x64xf32, #tpu.memory_space<vmem>>
    tpu.wait_dma2 semaphore(%arg11 : memref<!tpu.dma_semaphore, #tpu.memory_space<semaphore_mem>>) src(%dma_wait3A_141 : memref<40x64xf32, #tpu.memory_space<vmem>>) dst(%dma_wait3A_137 : memref<40x64xf32, #tpu.memory_space<hbm>>)
    %add3A_142 = arith.constant 160 : i32
    %add3A_143 = arith.addi %add3A_14, %add3A_142 : i32
    %dma_wait3A_144 = arith.constant 0 : i32
    %dma_wait3A_145 = arith.constant 4 : i32
    %dma_wait3A_146 = arith.constant 0 : i32
    %dma_wait3A_147 = arith.constant 0 : i32
    %dma_wait3A_148 = tpu.memref_slice %arg8[%dma_wait3A_144, %dma_wait3A_145, %dma_wait3A_146, %dma_wait3A_147] : memref<2x5x40x64xf32, #tpu.memory_space<vmem>> -> memref<1x1x40x64xf32, #tpu.memory_space<vmem>>
    %dma_wait3A_149 = tpu.memref_squeeze %dma_wait3A_148 : memref<1x1x40x64xf32, #tpu.memory_space<vmem>> -> memref<40x64xf32, #tpu.memory_space<vmem>>
    %dma_wait3A_150 = arith.constant 0 : i32
    %dma_wait3A_151 = tpu.memref_slice %arg5[%add3A_143, %dma_wait3A_150] : memref<320000x64xf32, #tpu.memory_space<hbm>> -> memref<40x64xf32, #tpu.memory_space<hbm>>
    %dma_wait3A_152 = arith.constant 0 : i32
    %dma_wait3A_153 = tpu.memref_slice %arg5[%add3A_143, %dma_wait3A_152] : memref<320000x64xf32, #tpu.memory_space<hbm>> -> memref<40x64xf32, #tpu.memory_space<hbm>>
    %dma_wait3A_154 = arith.constant 0 : i32
    %dma_wait3A_155 = arith.constant 0 : i32
    %dma_wait3A_156 = tpu.memref_slice %arg8[%dma_wait3A_144, %dma_wait3A_145, %dma_wait3A_154, %dma_wait3A_155] : memref<2x5x40x64xf32, #tpu.memory_space<vmem>> -> memref<1x1x40x64xf32, #tpu.memory_space<vmem>>
    %dma_wait3A_157 = tpu.memref_squeeze %dma_wait3A_156 : memref<1x1x40x64xf32, #tpu.memory_space<vmem>> -> memref<40x64xf32, #tpu.memory_space<vmem>>
    tpu.wait_dma2 semaphore(%arg11 : memref<!tpu.dma_semaphore, #tpu.memory_space<semaphore_mem>>) src(%dma_wait3A_157 : memref<40x64xf32, #tpu.memory_space<vmem>>) dst(%dma_wait3A_153 : memref<40x64xf32, #tpu.memory_space<hbm>>)
    %add3A_158 = arith.constant 160 : i32
    %add3A_159 = arith.addi %add3A_14, %add3A_158 : i32
    %dma_wait3A_160 = arith.constant 0 : i32
    %dma_wait3A_161 = arith.constant 4 : i32
    %dma_wait3A_162 = arith.constant 0 : i32
    %dma_wait3A_163 = arith.constant 0 : i32
    %dma_wait3A_164 = tpu.memref_slice %arg9[%dma_wait3A_160, %dma_wait3A_161, %dma_wait3A_162, %dma_wait3A_163] : memref<2x5x40x64xf32, #tpu.memory_space<vmem>> -> memref<1x1x40x64xf32, #tpu.memory_space<vmem>>
    %dma_wait3A_165 = tpu.memref_squeeze %dma_wait3A_164 : memref<1x1x40x64xf32, #tpu.memory_space<vmem>> -> memref<40x64xf32, #tpu.memory_space<vmem>>
    %dma_wait3A_166 = arith.constant 0 : i32
    %dma_wait3A_167 = tpu.memref_slice %arg6[%add3A_159, %dma_wait3A_166] : memref<320000x64xf32, #tpu.memory_space<hbm>> -> memref<40x64xf32, #tpu.memory_space<hbm>>
    %dma_wait3A_168 = arith.constant 0 : i32
    %dma_wait3A_169 = tpu.memref_slice %arg6[%add3A_159, %dma_wait3A_168] : memref<320000x64xf32, #tpu.memory_space<hbm>> -> memref<40x64xf32, #tpu.memory_space<hbm>>
    %dma_wait3A_170 = arith.constant 0 : i32
    %dma_wait3A_171 = arith.constant 0 : i32
    %dma_wait3A_172 = tpu.memref_slice %arg9[%dma_wait3A_160, %dma_wait3A_161, %dma_wait3A_170, %dma_wait3A_171] : memref<2x5x40x64xf32, #tpu.memory_space<vmem>> -> memref<1x1x40x64xf32, #tpu.memory_space<vmem>>
    %dma_wait3A_173 = tpu.memref_squeeze %dma_wait3A_172 : memref<1x1x40x64xf32, #tpu.memory_space<vmem>> -> memref<40x64xf32, #tpu.memory_space<vmem>>
    tpu.wait_dma2 semaphore(%arg11 : memref<!tpu.dma_semaphore, #tpu.memory_space<semaphore_mem>>) src(%dma_wait3A_173 : memref<40x64xf32, #tpu.memory_space<vmem>>) dst(%dma_wait3A_169 : memref<40x64xf32, #tpu.memory_space<hbm>>)
    %mul3A_174 = arith.constant 49 : i32
    %mul3A_175 = arith.constant 5 : i32
    %mul3A_176 = arith.muli %mul3A_174, %mul3A_175 : i32
    %mul3A_177 = arith.constant 40 : i32
    %mul3A_178 = arith.muli %mul3A_176, %mul3A_177 : i32
    %add3A_179 = arith.addi %mul3A_2, %mul3A_178 : i32
    %add3A_180 = arith.constant 0 : i32
    %add3A_181 = arith.addi %add3A_179, %add3A_180 : i32
    %dma_wait3A_182 = arith.constant 1 : i32
    %dma_wait3A_183 = arith.constant 0 : i32
    %dma_wait3A_184 = arith.constant 0 : i32
    %dma_wait3A_185 = arith.constant 0 : i32
    %dma_wait3A_186 = tpu.memref_slice %arg8[%dma_wait3A_182, %dma_wait3A_183, %dma_wait3A_184, %dma_wait3A_185] : memref<2x5x40x64xf32, #tpu.memory_space<vmem>> -> memref<1x1x40x64xf32, #tpu.memory_space<vmem>>
    %dma_wait3A_187 = tpu.memref_squeeze %dma_wait3A_186 : memref<1x1x40x64xf32, #tpu.memory_space<vmem>> -> memref<40x64xf32, #tpu.memory_space<vmem>>
    %dma_wait3A_188 = arith.constant 0 : i32
    %dma_wait3A_189 = tpu.memref_slice %arg5[%add3A_181, %dma_wait3A_188] : memref<320000x64xf32, #tpu.memory_space<hbm>> -> memref<40x64xf32, #tpu.memory_space<hbm>>
    %dma_wait3A_190 = arith.constant 0 : i32
    %dma_wait3A_191 = tpu.memref_slice %arg5[%add3A_181, %dma_wait3A_190] : memref<320000x64xf32, #tpu.memory_space<hbm>> -> memref<40x64xf32, #tpu.memory_space<hbm>>
    %dma_wait3A_192 = arith.constant 0 : i32
    %dma_wait3A_193 = arith.constant 0 : i32
    %dma_wait3A_194 = tpu.memref_slice %arg8[%dma_wait3A_182, %dma_wait3A_183, %dma_wait3A_192, %dma_wait3A_193] : memref<2x5x40x64xf32, #tpu.memory_space<vmem>> -> memref<1x1x40x64xf32, #tpu.memory_space<vmem>>
    %dma_wait3A_195 = tpu.memref_squeeze %dma_wait3A_194 : memref<1x1x40x64xf32, #tpu.memory_space<vmem>> -> memref<40x64xf32, #tpu.memory_space<vmem>>
    tpu.wait_dma2 semaphore(%arg12 : memref<!tpu.dma_semaphore, #tpu.memory_space<semaphore_mem>>) src(%dma_wait3A_195 : memref<40x64xf32, #tpu.memory_space<vmem>>) dst(%dma_wait3A_191 : memref<40x64xf32, #tpu.memory_space<hbm>>)
    %add3A_196 = arith.constant 0 : i32
    %add3A_197 = arith.addi %add3A_179, %add3A_196 : i32
    %dma_wait3A_198 = arith.constant 1 : i32
    %dma_wait3A_199 = arith.constant 0 : i32
    %dma_wait3A_200 = arith.constant 0 : i32
    %dma_wait3A_201 = arith.constant 0 : i32
    %dma_wait3A_202 = tpu.memref_slice %arg9[%dma_wait3A_198, %dma_wait3A_199, %dma_wait3A_200, %dma_wait3A_201] : memref<2x5x40x64xf32, #tpu.memory_space<vmem>> -> memref<1x1x40x64xf32, #tpu.memory_space<vmem>>
    %dma_wait3A_203 = tpu.memref_squeeze %dma_wait3A_202 : memref<1x1x40x64xf32, #tpu.memory_space<vmem>> -> memref<40x64xf32, #tpu.memory_space<vmem>>
    %dma_wait3A_204 = arith.constant 0 : i32
    %dma_wait3A_205 = tpu.memref_slice %arg6[%add3A_197, %dma_wait3A_204] : memref<320000x64xf32, #tpu.memory_space<hbm>> -> memref<40x64xf32, #tpu.memory_space<hbm>>
    %dma_wait3A_206 = arith.constant 0 : i32
    %dma_wait3A_207 = tpu.memref_slice %arg6[%add3A_197, %dma_wait3A_206] : memref<320000x64xf32, #tpu.memory_space<hbm>> -> memref<40x64xf32, #tpu.memory_space<hbm>>
    %dma_wait3A_208 = arith.constant 0 : i32
    %dma_wait3A_209 = arith.constant 0 : i32
    %dma_wait3A_210 = tpu.memref_slice %arg9[%dma_wait3A_198, %dma_wait3A_199, %dma_wait3A_208, %dma_wait3A_209] : memref<2x5x40x64xf32, #tpu.memory_space<vmem>> -> memref<1x1x40x64xf32, #tpu.memory_space<vmem>>
    %dma_wait3A_211 = tpu.memref_squeeze %dma_wait3A_210 : memref<1x1x40x64xf32, #tpu.memory_space<vmem>> -> memref<40x64xf32, #tpu.memory_space<vmem>>
    tpu.wait_dma2 semaphore(%arg12 : memref<!tpu.dma_semaphore, #tpu.memory_space<semaphore_mem>>) src(%dma_wait3A_211 : memref<40x64xf32, #tpu.memory_space<vmem>>) dst(%dma_wait3A_207 : memref<40x64xf32, #tpu.memory_space<hbm>>)
    %add3A_212 = arith.constant 40 : i32
    %add3A_213 = arith.addi %add3A_179, %add3A_212 : i32
    %dma_wait3A_214 = arith.constant 1 : i32
    %dma_wait3A_215 = arith.constant 1 : i32
    %dma_wait3A_216 = arith.constant 0 : i32
    %dma_wait3A_217 = arith.constant 0 : i32
    %dma_wait3A_218 = tpu.memref_slice %arg8[%dma_wait3A_214, %dma_wait3A_215, %dma_wait3A_216, %dma_wait3A_217] : memref<2x5x40x64xf32, #tpu.memory_space<vmem>> -> memref<1x1x40x64xf32, #tpu.memory_space<vmem>>
    %dma_wait3A_219 = tpu.memref_squeeze %dma_wait3A_218 : memref<1x1x40x64xf32, #tpu.memory_space<vmem>> -> memref<40x64xf32, #tpu.memory_space<vmem>>
    %dma_wait3A_220 = arith.constant 0 : i32
    %dma_wait3A_221 = tpu.memref_slice %arg5[%add3A_213, %dma_wait3A_220] : memref<320000x64xf32, #tpu.memory_space<hbm>> -> memref<40x64xf32, #tpu.memory_space<hbm>>
    %dma_wait3A_222 = arith.constant 0 : i32
    %dma_wait3A_223 = tpu.memref_slice %arg5[%add3A_213, %dma_wait3A_222] : memref<320000x64xf32, #tpu.memory_space<hbm>> -> memref<40x64xf32, #tpu.memory_space<hbm>>
    %dma_wait3A_224 = arith.constant 0 : i32
    %dma_wait3A_225 = arith.constant 0 : i32
    %dma_wait3A_226 = tpu.memref_slice %arg8[%dma_wait3A_214, %dma_wait3A_215, %dma_wait3A_224, %dma_wait3A_225] : memref<2x5x40x64xf32, #tpu.memory_space<vmem>> -> memref<1x1x40x64xf32, #tpu.memory_space<vmem>>
    %dma_wait3A_227 = tpu.memref_squeeze %dma_wait3A_226 : memref<1x1x40x64xf32, #tpu.memory_space<vmem>> -> memref<40x64xf32, #tpu.memory_space<vmem>>
    tpu.wait_dma2 semaphore(%arg12 : memref<!tpu.dma_semaphore, #tpu.memory_space<semaphore_mem>>) src(%dma_wait3A_227 : memref<40x64xf32, #tpu.memory_space<vmem>>) dst(%dma_wait3A_223 : memref<40x64xf32, #tpu.memory_space<hbm>>)
    %add3A_228 = arith.constant 40 : i32
    %add3A_229 = arith.addi %add3A_179, %add3A_228 : i32
    %dma_wait3A_230 = arith.constant 1 : i32
    %dma_wait3A_231 = arith.constant 1 : i32
    %dma_wait3A_232 = arith.constant 0 : i32
    %dma_wait3A_233 = arith.constant 0 : i32
    %dma_wait3A_234 = tpu.memref_slice %arg9[%dma_wait3A_230, %dma_wait3A_231, %dma_wait3A_232, %dma_wait3A_233] : memref<2x5x40x64xf32, #tpu.memory_space<vmem>> -> memref<1x1x40x64xf32, #tpu.memory_space<vmem>>
    %dma_wait3A_235 = tpu.memref_squeeze %dma_wait3A_234 : memref<1x1x40x64xf32, #tpu.memory_space<vmem>> -> memref<40x64xf32, #tpu.memory_space<vmem>>
    %dma_wait3A_236 = arith.constant 0 : i32
    %dma_wait3A_237 = tpu.memref_slice %arg6[%add3A_229, %dma_wait3A_236] : memref<320000x64xf32, #tpu.memory_space<hbm>> -> memref<40x64xf32, #tpu.memory_space<hbm>>
    %dma_wait3A_238 = arith.constant 0 : i32
    %dma_wait3A_239 = tpu.memref_slice %arg6[%add3A_229, %dma_wait3A_238] : memref<320000x64xf32, #tpu.memory_space<hbm>> -> memref<40x64xf32, #tpu.memory_space<hbm>>
    %dma_wait3A_240 = arith.constant 0 : i32
    %dma_wait3A_241 = arith.constant 0 : i32
    %dma_wait3A_242 = tpu.memref_slice %arg9[%dma_wait3A_230, %dma_wait3A_231, %dma_wait3A_240, %dma_wait3A_241] : memref<2x5x40x64xf32, #tpu.memory_space<vmem>> -> memref<1x1x40x64xf32, #tpu.memory_space<vmem>>
    %dma_wait3A_243 = tpu.memref_squeeze %dma_wait3A_242 : memref<1x1x40x64xf32, #tpu.memory_space<vmem>> -> memref<40x64xf32, #tpu.memory_space<vmem>>
    tpu.wait_dma2 semaphore(%arg12 : memref<!tpu.dma_semaphore, #tpu.memory_space<semaphore_mem>>) src(%dma_wait3A_243 : memref<40x64xf32, #tpu.memory_space<vmem>>) dst(%dma_wait3A_239 : memref<40x64xf32, #tpu.memory_space<hbm>>)
    %add3A_244 = arith.constant 80 : i32
    %add3A_245 = arith.addi %add3A_179, %add3A_244 : i32
    %dma_wait3A_246 = arith.constant 1 : i32
    %dma_wait3A_247 = arith.constant 2 : i32
    %dma_wait3A_248 = arith.constant 0 : i32
    %dma_wait3A_249 = arith.constant 0 : i32
    %dma_wait3A_250 = tpu.memref_slice %arg8[%dma_wait3A_246, %dma_wait3A_247, %dma_wait3A_248, %dma_wait3A_249] : memref<2x5x40x64xf32, #tpu.memory_space<vmem>> -> memref<1x1x40x64xf32, #tpu.memory_space<vmem>>
    %dma_wait3A_251 = tpu.memref_squeeze %dma_wait3A_250 : memref<1x1x40x64xf32, #tpu.memory_space<vmem>> -> memref<40x64xf32, #tpu.memory_space<vmem>>
    %dma_wait3A_252 = arith.constant 0 : i32
    %dma_wait3A_253 = tpu.memref_slice %arg5[%add3A_245, %dma_wait3A_252] : memref<320000x64xf32, #tpu.memory_space<hbm>> -> memref<40x64xf32, #tpu.memory_space<hbm>>
    %dma_wait3A_254 = arith.constant 0 : i32
    %dma_wait3A_255 = tpu.memref_slice %arg5[%add3A_245, %dma_wait3A_254] : memref<320000x64xf32, #tpu.memory_space<hbm>> -> memref<40x64xf32, #tpu.memory_space<hbm>>
    %dma_wait3A_256 = arith.constant 0 : i32
    %dma_wait3A_257 = arith.constant 0 : i32
    %dma_wait3A_258 = tpu.memref_slice %arg8[%dma_wait3A_246, %dma_wait3A_247, %dma_wait3A_256, %dma_wait3A_257] : memref<2x5x40x64xf32, #tpu.memory_space<vmem>> -> memref<1x1x40x64xf32, #tpu.memory_space<vmem>>
    %dma_wait3A_259 = tpu.memref_squeeze %dma_wait3A_258 : memref<1x1x40x64xf32, #tpu.memory_space<vmem>> -> memref<40x64xf32, #tpu.memory_space<vmem>>
    tpu.wait_dma2 semaphore(%arg12 : memref<!tpu.dma_semaphore, #tpu.memory_space<semaphore_mem>>) src(%dma_wait3A_259 : memref<40x64xf32, #tpu.memory_space<vmem>>) dst(%dma_wait3A_255 : memref<40x64xf32, #tpu.memory_space<hbm>>)
    %add3A_260 = arith.constant 80 : i32
    %add3A_261 = arith.addi %add3A_179, %add3A_260 : i32
    %dma_wait3A_262 = arith.constant 1 : i32
    %dma_wait3A_263 = arith.constant 2 : i32
    %dma_wait3A_264 = arith.constant 0 : i32
    %dma_wait3A_265 = arith.constant 0 : i32
    %dma_wait3A_266 = tpu.memref_slice %arg9[%dma_wait3A_262, %dma_wait3A_263, %dma_wait3A_264, %dma_wait3A_265] : memref<2x5x40x64xf32, #tpu.memory_space<vmem>> -> memref<1x1x40x64xf32, #tpu.memory_space<vmem>>
    %dma_wait3A_267 = tpu.memref_squeeze %dma_wait3A_266 : memref<1x1x40x64xf32, #tpu.memory_space<vmem>> -> memref<40x64xf32, #tpu.memory_space<vmem>>
    %dma_wait3A_268 = arith.constant 0 : i32
    %dma_wait3A_269 = tpu.memref_slice %arg6[%add3A_261, %dma_wait3A_268] : memref<320000x64xf32, #tpu.memory_space<hbm>> -> memref<40x64xf32, #tpu.memory_space<hbm>>
    %dma_wait3A_270 = arith.constant 0 : i32
    %dma_wait3A_271 = tpu.memref_slice %arg6[%add3A_261, %dma_wait3A_270] : memref<320000x64xf32, #tpu.memory_space<hbm>> -> memref<40x64xf32, #tpu.memory_space<hbm>>
    %dma_wait3A_272 = arith.constant 0 : i32
    %dma_wait3A_273 = arith.constant 0 : i32
    %dma_wait3A_274 = tpu.memref_slice %arg9[%dma_wait3A_262, %dma_wait3A_263, %dma_wait3A_272, %dma_wait3A_273] : memref<2x5x40x64xf32, #tpu.memory_space<vmem>> -> memref<1x1x40x64xf32, #tpu.memory_space<vmem>>
    %dma_wait3A_275 = tpu.memref_squeeze %dma_wait3A_274 : memref<1x1x40x64xf32, #tpu.memory_space<vmem>> -> memref<40x64xf32, #tpu.memory_space<vmem>>
    tpu.wait_dma2 semaphore(%arg12 : memref<!tpu.dma_semaphore, #tpu.memory_space<semaphore_mem>>) src(%dma_wait3A_275 : memref<40x64xf32, #tpu.memory_space<vmem>>) dst(%dma_wait3A_271 : memref<40x64xf32, #tpu.memory_space<hbm>>)
    %add3A_276 = arith.constant 120 : i32
    %add3A_277 = arith.addi %add3A_179, %add3A_276 : i32
    %dma_wait3A_278 = arith.constant 1 : i32
    %dma_wait3A_279 = arith.constant 3 : i32
    %dma_wait3A_280 = arith.constant 0 : i32
    %dma_wait3A_281 = arith.constant 0 : i32
    %dma_wait3A_282 = tpu.memref_slice %arg8[%dma_wait3A_278, %dma_wait3A_279, %dma_wait3A_280, %dma_wait3A_281] : memref<2x5x40x64xf32, #tpu.memory_space<vmem>> -> memref<1x1x40x64xf32, #tpu.memory_space<vmem>>
    %dma_wait3A_283 = tpu.memref_squeeze %dma_wait3A_282 : memref<1x1x40x64xf32, #tpu.memory_space<vmem>> -> memref<40x64xf32, #tpu.memory_space<vmem>>
    %dma_wait3A_284 = arith.constant 0 : i32
    %dma_wait3A_285 = tpu.memref_slice %arg5[%add3A_277, %dma_wait3A_284] : memref<320000x64xf32, #tpu.memory_space<hbm>> -> memref<40x64xf32, #tpu.memory_space<hbm>>
    %dma_wait3A_286 = arith.constant 0 : i32
    %dma_wait3A_287 = tpu.memref_slice %arg5[%add3A_277, %dma_wait3A_286] : memref<320000x64xf32, #tpu.memory_space<hbm>> -> memref<40x64xf32, #tpu.memory_space<hbm>>
    %dma_wait3A_288 = arith.constant 0 : i32
    %dma_wait3A_289 = arith.constant 0 : i32
    %dma_wait3A_290 = tpu.memref_slice %arg8[%dma_wait3A_278, %dma_wait3A_279, %dma_wait3A_288, %dma_wait3A_289] : memref<2x5x40x64xf32, #tpu.memory_space<vmem>> -> memref<1x1x40x64xf32, #tpu.memory_space<vmem>>
    %dma_wait3A_291 = tpu.memref_squeeze %dma_wait3A_290 : memref<1x1x40x64xf32, #tpu.memory_space<vmem>> -> memref<40x64xf32, #tpu.memory_space<vmem>>
    tpu.wait_dma2 semaphore(%arg12 : memref<!tpu.dma_semaphore, #tpu.memory_space<semaphore_mem>>) src(%dma_wait3A_291 : memref<40x64xf32, #tpu.memory_space<vmem>>) dst(%dma_wait3A_287 : memref<40x64xf32, #tpu.memory_space<hbm>>)
    %add3A_292 = arith.constant 120 : i32
    %add3A_293 = arith.addi %add3A_179, %add3A_292 : i32
    %dma_wait3A_294 = arith.constant 1 : i32
    %dma_wait3A_295 = arith.constant 3 : i32
    %dma_wait3A_296 = arith.constant 0 : i32
    %dma_wait3A_297 = arith.constant 0 : i32
    %dma_wait3A_298 = tpu.memref_slice %arg9[%dma_wait3A_294, %dma_wait3A_295, %dma_wait3A_296, %dma_wait3A_297] : memref<2x5x40x64xf32, #tpu.memory_space<vmem>> -> memref<1x1x40x64xf32, #tpu.memory_space<vmem>>
    %dma_wait3A_299 = tpu.memref_squeeze %dma_wait3A_298 : memref<1x1x40x64xf32, #tpu.memory_space<vmem>> -> memref<40x64xf32, #tpu.memory_space<vmem>>
    %dma_wait3A_300 = arith.constant 0 : i32
    %dma_wait3A_301 = tpu.memref_slice %arg6[%add3A_293, %dma_wait3A_300] : memref<320000x64xf32, #tpu.memory_space<hbm>> -> memref<40x64xf32, #tpu.memory_space<hbm>>
    %dma_wait3A_302 = arith.constant 0 : i32
    %dma_wait3A_303 = tpu.memref_slice %arg6[%add3A_293, %dma_wait3A_302] : memref<320000x64xf32, #tpu.memory_space<hbm>> -> memref<40x64xf32, #tpu.memory_space<hbm>>
    %dma_wait3A_304 = arith.constant 0 : i32
    %dma_wait3A_305 = arith.constant 0 : i32
    %dma_wait3A_306 = tpu.memref_slice %arg9[%dma_wait3A_294, %dma_wait3A_295, %dma_wait3A_304, %dma_wait3A_305] : memref<2x5x40x64xf32, #tpu.memory_space<vmem>> -> memref<1x1x40x64xf32, #tpu.memory_space<vmem>>
    %dma_wait3A_307 = tpu.memref_squeeze %dma_wait3A_306 : memref<1x1x40x64xf32, #tpu.memory_space<vmem>> -> memref<40x64xf32, #tpu.memory_space<vmem>>
    tpu.wait_dma2 semaphore(%arg12 : memref<!tpu.dma_semaphore, #tpu.memory_space<semaphore_mem>>) src(%dma_wait3A_307 : memref<40x64xf32, #tpu.memory_space<vmem>>) dst(%dma_wait3A_303 : memref<40x64xf32, #tpu.memory_space<hbm>>)
    %add3A_308 = arith.constant 160 : i32
    %add3A_309 = arith.addi %add3A_179, %add3A_308 : i32
    %dma_wait3A_310 = arith.constant 1 : i32
    %dma_wait3A_311 = arith.constant 4 : i32
    %dma_wait3A_312 = arith.constant 0 : i32
    %dma_wait3A_313 = arith.constant 0 : i32
    %dma_wait3A_314 = tpu.memref_slice %arg8[%dma_wait3A_310, %dma_wait3A_311, %dma_wait3A_312, %dma_wait3A_313] : memref<2x5x40x64xf32, #tpu.memory_space<vmem>> -> memref<1x1x40x64xf32, #tpu.memory_space<vmem>>
    %dma_wait3A_315 = tpu.memref_squeeze %dma_wait3A_314 : memref<1x1x40x64xf32, #tpu.memory_space<vmem>> -> memref<40x64xf32, #tpu.memory_space<vmem>>
    %dma_wait3A_316 = arith.constant 0 : i32
    %dma_wait3A_317 = tpu.memref_slice %arg5[%add3A_309, %dma_wait3A_316] : memref<320000x64xf32, #tpu.memory_space<hbm>> -> memref<40x64xf32, #tpu.memory_space<hbm>>
    %dma_wait3A_318 = arith.constant 0 : i32
    %dma_wait3A_319 = tpu.memref_slice %arg5[%add3A_309, %dma_wait3A_318] : memref<320000x64xf32, #tpu.memory_space<hbm>> -> memref<40x64xf32, #tpu.memory_space<hbm>>
    %dma_wait3A_320 = arith.constant 0 : i32
    %dma_wait3A_321 = arith.constant 0 : i32
    %dma_wait3A_322 = tpu.memref_slice %arg8[%dma_wait3A_310, %dma_wait3A_311, %dma_wait3A_320, %dma_wait3A_321] : memref<2x5x40x64xf32, #tpu.memory_space<vmem>> -> memref<1x1x40x64xf32, #tpu.memory_space<vmem>>
    %dma_wait3A_323 = tpu.memref_squeeze %dma_wait3A_322 : memref<1x1x40x64xf32, #tpu.memory_space<vmem>> -> memref<40x64xf32, #tpu.memory_space<vmem>>
    tpu.wait_dma2 semaphore(%arg12 : memref<!tpu.dma_semaphore, #tpu.memory_space<semaphore_mem>>) src(%dma_wait3A_323 : memref<40x64xf32, #tpu.memory_space<vmem>>) dst(%dma_wait3A_319 : memref<40x64xf32, #tpu.memory_space<hbm>>)
    %add3A_324 = arith.constant 160 : i32
    %add3A_325 = arith.addi %add3A_179, %add3A_324 : i32
    %dma_wait3A_326 = arith.constant 1 : i32
    %dma_wait3A_327 = arith.constant 4 : i32
    %dma_wait3A_328 = arith.constant 0 : i32
    %dma_wait3A_329 = arith.constant 0 : i32
    %dma_wait3A_330 = tpu.memref_slice %arg9[%dma_wait3A_326, %dma_wait3A_327, %dma_wait3A_328, %dma_wait3A_329] : memref<2x5x40x64xf32, #tpu.memory_space<vmem>> -> memref<1x1x40x64xf32, #tpu.memory_space<vmem>>
    %dma_wait3A_331 = tpu.memref_squeeze %dma_wait3A_330 : memref<1x1x40x64xf32, #tpu.memory_space<vmem>> -> memref<40x64xf32, #tpu.memory_space<vmem>>
    %dma_wait3A_332 = arith.constant 0 : i32
    %dma_wait3A_333 = tpu.memref_slice %arg6[%add3A_325, %dma_wait3A_332] : memref<320000x64xf32, #tpu.memory_space<hbm>> -> memref<40x64xf32, #tpu.memory_space<hbm>>
    %dma_wait3A_334 = arith.constant 0 : i32
    %dma_wait3A_335 = tpu.memref_slice %arg6[%add3A_325, %dma_wait3A_334] : memref<320000x64xf32, #tpu.memory_space<hbm>> -> memref<40x64xf32, #tpu.memory_space<hbm>>
    %dma_wait3A_336 = arith.constant 0 : i32
    %dma_wait3A_337 = arith.constant 0 : i32
    %dma_wait3A_338 = tpu.memref_slice %arg9[%dma_wait3A_326, %dma_wait3A_327, %dma_wait3A_336, %dma_wait3A_337] : memref<2x5x40x64xf32, #tpu.memory_space<vmem>> -> memref<1x1x40x64xf32, #tpu.memory_space<vmem>>
    %dma_wait3A_339 = tpu.memref_squeeze %dma_wait3A_338 : memref<1x1x40x64xf32, #tpu.memory_space<vmem>> -> memref<40x64xf32, #tpu.memory_space<vmem>>
    tpu.wait_dma2 semaphore(%arg12 : memref<!tpu.dma_semaphore, #tpu.memory_space<semaphore_mem>>) src(%dma_wait3A_339 : memref<40x64xf32, #tpu.memory_space<vmem>>) dst(%dma_wait3A_335 : memref<40x64xf32, #tpu.memory_space<hbm>>)
    return
  }
}

#map = affine_map<(d0, d1) -> (0, 0)>
#map1 = affine_map<(d0, d1) -> (0, 0, 0)>
module attributes {stable_mosaic.version = 14 : i64} {
  func.func @_scatter_body(%arg0: i32, %arg1: i32, %arg2: memref<320000x64xf32, #tpu.memory_space<hbm>>, %arg3: memref<320000x64xf32, #tpu.memory_space<hbm>>, %arg4: memref<16x500x40xi32, #tpu.memory_space<hbm>>, %arg5: memref<640x64xf32, #tpu.memory_space<hbm>>, %arg6: memref<640x16xf32, #tpu.memory_space<hbm>>, %arg7: memref<40x16xf32, #tpu.memory_space<hbm>>, %arg8: memref<2x10240x64xf32, #tpu.memory_space<hbm>>, %arg9: memref<2x10240x16xf32, #tpu.memory_space<hbm>>, %arg10: memref<500x40xi32, #tpu.memory_space<vmem>>, %arg11: memref<2x5x40x64xf32, #tpu.memory_space<vmem>>, %arg12: memref<40x16xf32, #tpu.memory_space<vmem>>, %arg13: memref<160x64xf32, #tpu.memory_space<vmem>>, %arg14: memref<320x16xf32, #tpu.memory_space<vmem>>, %arg15: memref<10240x64xf32, #tpu.memory_space<vmem_shared>>, %arg16: memref<10240x16xf32, #tpu.memory_space<vmem_shared>>, %arg17: memref<!tpu.dma_semaphore, #tpu.memory_space<semaphore_mem>>, %arg18: memref<!tpu.dma_semaphore, #tpu.memory_space<semaphore_mem>>, %arg19: memref<!tpu.dma_semaphore, #tpu.memory_space<semaphore_mem>>) attributes {dimension_semantics = [#tpu.dimension_semantics<core_parallel>, #tpu.dimension_semantics<subcore_parallel>], iteration_bounds = array<i64: 2, 16>, scalar_prefetch = 0 : i64, scratch_operands = 10 : i64, tpu.core_type = #tpu.core_type<sc_vector_subcore>, window_params = [{transform_indices = #map}, {transform_indices = #map}, {transform_indices = #map1}, {transform_indices = #map}, {transform_indices = #map}, {transform_indices = #map}, {transform_indices = #map1}, {transform_indices = #map1}]} {
    %mul3A = arith.constant 640 : i32
    %mul3A_0 = arith.muli %arg1, %mul3A : i32
    "tpu.region"() ({
      %run_scoped3A = tpu.sem_alloc : memref<!tpu.dma_semaphore, #tpu.memory_space<semaphore_mem>>
      %dma_start3A = arith.constant 0 : i32
      %dma_start3A_240 = tpu.memref_slice %arg15[%mul3A_0, %dma_start3A] : memref<10240x64xf32, #tpu.memory_space<vmem_shared>> -> memref<640x64xf32, #tpu.memory_space<vmem_shared>>
      tpu.enqueue_dma source(%arg5 : memref<640x64xf32, #tpu.memory_space<hbm>>) target(%dma_start3A_240 : memref<640x64xf32, #tpu.memory_space<vmem_shared>>) target_semaphore(%run_scoped3A : memref<!tpu.dma_semaphore, #tpu.memory_space<semaphore_mem>>)
      %dma_wait3A_241 = arith.constant 0 : i32
      %dma_wait3A_242 = tpu.memref_slice %arg15[%mul3A_0, %dma_wait3A_241] : memref<10240x64xf32, #tpu.memory_space<vmem_shared>> -> memref<640x64xf32, #tpu.memory_space<vmem_shared>>
      tpu.wait_dma2 semaphore(%run_scoped3A : memref<!tpu.dma_semaphore, #tpu.memory_space<semaphore_mem>>) src(%arg5 : memref<640x64xf32, #tpu.memory_space<hbm>>) dst(%dma_wait3A_242 : memref<640x64xf32, #tpu.memory_space<vmem_shared>>)
      tpu.yield
    }) : () -> ()
    %mul3A_1 = arith.constant 640 : i32
    %mul3A_2 = arith.muli %arg1, %mul3A_1 : i32
    "tpu.region"() ({
      %run_scoped3A = tpu.sem_alloc : memref<!tpu.dma_semaphore, #tpu.memory_space<semaphore_mem>>
      %dma_start3A = arith.constant 0 : i32
      %dma_start3A_240 = tpu.memref_slice %arg16[%mul3A_2, %dma_start3A] : memref<10240x16xf32, #tpu.memory_space<vmem_shared>> -> memref<640x16xf32, #tpu.memory_space<vmem_shared>>
      tpu.enqueue_dma source(%arg6 : memref<640x16xf32, #tpu.memory_space<hbm>>) target(%dma_start3A_240 : memref<640x16xf32, #tpu.memory_space<vmem_shared>>) target_semaphore(%run_scoped3A : memref<!tpu.dma_semaphore, #tpu.memory_space<semaphore_mem>>)
      %dma_wait3A_241 = arith.constant 0 : i32
      %dma_wait3A_242 = tpu.memref_slice %arg16[%mul3A_2, %dma_wait3A_241] : memref<10240x16xf32, #tpu.memory_space<vmem_shared>> -> memref<640x16xf32, #tpu.memory_space<vmem_shared>>
      tpu.wait_dma2 semaphore(%run_scoped3A : memref<!tpu.dma_semaphore, #tpu.memory_space<semaphore_mem>>) src(%arg6 : memref<640x16xf32, #tpu.memory_space<hbm>>) dst(%dma_wait3A_242 : memref<640x16xf32, #tpu.memory_space<vmem_shared>>)
      tpu.yield
    }) : () -> ()
    "tpu.region"() ({
      %run_scoped3A = tpu.sem_alloc : memref<!tpu.dma_semaphore, #tpu.memory_space<semaphore_mem>>
      tpu.enqueue_dma source(%arg7 : memref<40x16xf32, #tpu.memory_space<hbm>>) target(%arg12 : memref<40x16xf32, #tpu.memory_space<vmem>>) target_semaphore(%run_scoped3A : memref<!tpu.dma_semaphore, #tpu.memory_space<semaphore_mem>>)
      tpu.wait_dma2 semaphore(%run_scoped3A : memref<!tpu.dma_semaphore, #tpu.memory_space<semaphore_mem>>) src(%arg7 : memref<40x16xf32, #tpu.memory_space<hbm>>) dst(%arg12 : memref<40x16xf32, #tpu.memory_space<vmem>>)
      tpu.yield
    }) : () -> ()
    "tpu.region"() ({
      %run_scoped3A = tpu.sem_alloc : memref<!tpu.dma_semaphore, #tpu.memory_space<semaphore_mem>>
      %dma_start3A = arith.constant 0 : i32
      %dma_start3A_240 = arith.constant 0 : i32
      %dma_start3A_241 = tpu.memref_slice %arg4[%arg1, %dma_start3A, %dma_start3A_240] : memref<16x500x40xi32, #tpu.memory_space<hbm>> -> memref<1x500x40xi32, #tpu.memory_space<hbm>>
      %dma_start3A_242 = tpu.memref_squeeze %dma_start3A_241 : memref<1x500x40xi32, #tpu.memory_space<hbm>> -> memref<500x40xi32, #tpu.memory_space<hbm>>
      %dma_start3A_243 = arith.constant 0 : i32
      %dma_start3A_244 = arith.constant 0 : i32
      %dma_start3A_245 = tpu.memref_slice %arg4[%arg1, %dma_start3A_243, %dma_start3A_244] : memref<16x500x40xi32, #tpu.memory_space<hbm>> -> memref<1x500x40xi32, #tpu.memory_space<hbm>>
      %dma_start3A_246 = tpu.memref_squeeze %dma_start3A_245 : memref<1x500x40xi32, #tpu.memory_space<hbm>> -> memref<500x40xi32, #tpu.memory_space<hbm>>
      tpu.enqueue_dma source(%dma_start3A_246 : memref<500x40xi32, #tpu.memory_space<hbm>>) target(%arg10 : memref<500x40xi32, #tpu.memory_space<vmem>>) target_semaphore(%run_scoped3A : memref<!tpu.dma_semaphore, #tpu.memory_space<semaphore_mem>>)
      %dma_wait3A_247 = arith.constant 0 : i32
      %dma_wait3A_248 = arith.constant 0 : i32
      %dma_wait3A_249 = tpu.memref_slice %arg4[%arg1, %dma_wait3A_247, %dma_wait3A_248] : memref<16x500x40xi32, #tpu.memory_space<hbm>> -> memref<1x500x40xi32, #tpu.memory_space<hbm>>
      %dma_wait3A_250 = tpu.memref_squeeze %dma_wait3A_249 : memref<1x500x40xi32, #tpu.memory_space<hbm>> -> memref<500x40xi32, #tpu.memory_space<hbm>>
      %dma_wait3A_251 = arith.constant 0 : i32
      %dma_wait3A_252 = arith.constant 0 : i32
      %dma_wait3A_253 = tpu.memref_slice %arg4[%arg1, %dma_wait3A_251, %dma_wait3A_252] : memref<16x500x40xi32, #tpu.memory_space<hbm>> -> memref<1x500x40xi32, #tpu.memory_space<hbm>>
      %dma_wait3A_254 = tpu.memref_squeeze %dma_wait3A_253 : memref<1x500x40xi32, #tpu.memory_space<hbm>> -> memref<500x40xi32, #tpu.memory_space<hbm>>
      tpu.wait_dma2 semaphore(%run_scoped3A : memref<!tpu.dma_semaphore, #tpu.memory_space<semaphore_mem>>) src(%dma_wait3A_254 : memref<500x40xi32, #tpu.memory_space<hbm>>) dst(%arg10 : memref<500x40xi32, #tpu.memory_space<vmem>>)
      tpu.yield
    }) : () -> ()
    %barrier3A = arith.constant 0 : index
    tpu.barrier barrier_id(%barrier3A)
    %mul3A_3 = arith.constant 20000 : i32
    %mul3A_4 = arith.muli %arg1, %mul3A_3 : i32
    %scan3A = arith.constant 0 : i32
    %scan3A_5 = arith.constant 0 : i32
    %scan3A_6 = arith.constant 50 : i32
    %scan3A_7 = arith.addi %scan3A_5, %scan3A_6 : i32
    %scan3A_8 = arith.constant 1 : i32
    scf.for %scan3A_240 = %scan3A_5 to %scan3A_7 step %scan3A_8  : i32 {
      %mul3A_241 = arith.constant 2 : i32
      %mul3A_242 = arith.muli %mul3A_241, %scan3A_240 : i32
      %ge3A = arith.constant 2 : i32
      %ge3A_243 = arith.cmpi sge, %mul3A_242, %ge3A : i32
      %convert_element_type3A_244 = arith.extui %ge3A_243 : i1 to i32
      %cond3A_245 = arith.constant 0 : i32
      %cond3A_246 = arith.cmpi ne, %convert_element_type3A_244, %cond3A_245 : i32
      scf.if %cond3A_246 {
        %dma_wait3A_493 = arith.constant 0 : i32
        %dma_wait3A_494 = arith.constant 0 : i32
        %dma_wait3A_495 = arith.constant 0 : i32
        %dma_wait3A_496 = arith.constant 0 : i32
        %dma_wait3A_497 = tpu.memref_slice %arg11[%dma_wait3A_493, %dma_wait3A_494, %dma_wait3A_495, %dma_wait3A_496] : memref<2x5x40x64xf32, #tpu.memory_space<vmem>> -> memref<1x1x40x64xf32, #tpu.memory_space<vmem>>
        %dma_wait3A_498 = tpu.memref_squeeze %dma_wait3A_497 : memref<1x1x40x64xf32, #tpu.memory_space<vmem>> -> memref<40x64xf32, #tpu.memory_space<vmem>>
        %dma_wait3A_499 = arith.constant 0 : i32
        %dma_wait3A_500 = arith.constant 0 : i32
        %dma_wait3A_501 = tpu.memref_slice %arg15[%dma_wait3A_499, %dma_wait3A_500] : memref<10240x64xf32, #tpu.memory_space<vmem_shared>> -> memref<40x64xf32, #tpu.memory_space<vmem_shared>>
        %dma_wait3A_502 = arith.constant 0 : i32
        %dma_wait3A_503 = arith.constant 0 : i32
        %dma_wait3A_504 = tpu.memref_slice %arg15[%dma_wait3A_502, %dma_wait3A_503] : memref<10240x64xf32, #tpu.memory_space<vmem_shared>> -> memref<40x64xf32, #tpu.memory_space<vmem_shared>>
        %dma_wait3A_505 = arith.constant 0 : i32
        %dma_wait3A_506 = arith.constant 0 : i32
        %dma_wait3A_507 = tpu.memref_slice %arg11[%dma_wait3A_493, %dma_wait3A_494, %dma_wait3A_505, %dma_wait3A_506] : memref<2x5x40x64xf32, #tpu.memory_space<vmem>> -> memref<1x1x40x64xf32, #tpu.memory_space<vmem>>
        %dma_wait3A_508 = tpu.memref_squeeze %dma_wait3A_507 : memref<1x1x40x64xf32, #tpu.memory_space<vmem>> -> memref<40x64xf32, #tpu.memory_space<vmem>>
        tpu.wait_dma2 semaphore(%arg18 : memref<!tpu.dma_semaphore, #tpu.memory_space<semaphore_mem>>) src(%dma_wait3A_508 : memref<40x64xf32, #tpu.memory_space<vmem>>) dst(%dma_wait3A_504 : memref<40x64xf32, #tpu.memory_space<vmem_shared>>)
        %eq3A_509 = arith.constant 0 : i32
        %eq3A_510 = arith.cmpi eq, %arg0, %eq3A_509 : i32
        %convert_element_type3A_511 = arith.extui %eq3A_510 : i1 to i32
        %cond3A_512 = arith.constant 0 : i32
        %cond3A_513 = arith.cmpi ne, %convert_element_type3A_511, %cond3A_512 : i32
        scf.if %cond3A_513 {
          %dma_wait3A_598 = arith.constant 0 : i32
          %dma_wait3A_599 = arith.constant 0 : i32
          %dma_wait3A_600 = tpu.memref_slice %arg16[%dma_wait3A_598, %dma_wait3A_599] : memref<10240x16xf32, #tpu.memory_space<vmem_shared>> -> memref<40x16xf32, #tpu.memory_space<vmem_shared>>
          %dma_wait3A_601 = arith.constant 0 : i32
          %dma_wait3A_602 = arith.constant 0 : i32
          %dma_wait3A_603 = tpu.memref_slice %arg16[%dma_wait3A_601, %dma_wait3A_602] : memref<10240x16xf32, #tpu.memory_space<vmem_shared>> -> memref<40x16xf32, #tpu.memory_space<vmem_shared>>
          tpu.wait_dma2 semaphore(%arg18 : memref<!tpu.dma_semaphore, #tpu.memory_space<semaphore_mem>>) src(%arg12 : memref<40x16xf32, #tpu.memory_space<vmem>>) dst(%dma_wait3A_603 : memref<40x16xf32, #tpu.memory_space<vmem_shared>>)
        } else {
        }
        %dma_wait3A_514 = arith.constant 0 : i32
        %dma_wait3A_515 = arith.constant 1 : i32
        %dma_wait3A_516 = arith.constant 0 : i32
        %dma_wait3A_517 = arith.constant 0 : i32
        %dma_wait3A_518 = tpu.memref_slice %arg11[%dma_wait3A_514, %dma_wait3A_515, %dma_wait3A_516, %dma_wait3A_517] : memref<2x5x40x64xf32, #tpu.memory_space<vmem>> -> memref<1x1x40x64xf32, #tpu.memory_space<vmem>>
        %dma_wait3A_519 = tpu.memref_squeeze %dma_wait3A_518 : memref<1x1x40x64xf32, #tpu.memory_space<vmem>> -> memref<40x64xf32, #tpu.memory_space<vmem>>
        %dma_wait3A_520 = arith.constant 0 : i32
        %dma_wait3A_521 = arith.constant 0 : i32
        %dma_wait3A_522 = tpu.memref_slice %arg15[%dma_wait3A_520, %dma_wait3A_521] : memref<10240x64xf32, #tpu.memory_space<vmem_shared>> -> memref<40x64xf32, #tpu.memory_space<vmem_shared>>
        %dma_wait3A_523 = arith.constant 0 : i32
        %dma_wait3A_524 = arith.constant 0 : i32
        %dma_wait3A_525 = tpu.memref_slice %arg15[%dma_wait3A_523, %dma_wait3A_524] : memref<10240x64xf32, #tpu.memory_space<vmem_shared>> -> memref<40x64xf32, #tpu.memory_space<vmem_shared>>
        %dma_wait3A_526 = arith.constant 0 : i32
        %dma_wait3A_527 = arith.constant 0 : i32
        %dma_wait3A_528 = tpu.memref_slice %arg11[%dma_wait3A_514, %dma_wait3A_515, %dma_wait3A_526, %dma_wait3A_527] : memref<2x5x40x64xf32, #tpu.memory_space<vmem>> -> memref<1x1x40x64xf32, #tpu.memory_space<vmem>>
        %dma_wait3A_529 = tpu.memref_squeeze %dma_wait3A_528 : memref<1x1x40x64xf32, #tpu.memory_space<vmem>> -> memref<40x64xf32, #tpu.memory_space<vmem>>
        tpu.wait_dma2 semaphore(%arg18 : memref<!tpu.dma_semaphore, #tpu.memory_space<semaphore_mem>>) src(%dma_wait3A_529 : memref<40x64xf32, #tpu.memory_space<vmem>>) dst(%dma_wait3A_525 : memref<40x64xf32, #tpu.memory_space<vmem_shared>>)
        %eq3A_530 = arith.constant 0 : i32
        %eq3A_531 = arith.cmpi eq, %arg0, %eq3A_530 : i32
        %convert_element_type3A_532 = arith.extui %eq3A_531 : i1 to i32
        %cond3A_533 = arith.constant 0 : i32
        %cond3A_534 = arith.cmpi ne, %convert_element_type3A_532, %cond3A_533 : i32
        scf.if %cond3A_534 {
          %dma_wait3A_598 = arith.constant 0 : i32
          %dma_wait3A_599 = arith.constant 0 : i32
          %dma_wait3A_600 = tpu.memref_slice %arg16[%dma_wait3A_598, %dma_wait3A_599] : memref<10240x16xf32, #tpu.memory_space<vmem_shared>> -> memref<40x16xf32, #tpu.memory_space<vmem_shared>>
          %dma_wait3A_601 = arith.constant 0 : i32
          %dma_wait3A_602 = arith.constant 0 : i32
          %dma_wait3A_603 = tpu.memref_slice %arg16[%dma_wait3A_601, %dma_wait3A_602] : memref<10240x16xf32, #tpu.memory_space<vmem_shared>> -> memref<40x16xf32, #tpu.memory_space<vmem_shared>>
          tpu.wait_dma2 semaphore(%arg18 : memref<!tpu.dma_semaphore, #tpu.memory_space<semaphore_mem>>) src(%arg12 : memref<40x16xf32, #tpu.memory_space<vmem>>) dst(%dma_wait3A_603 : memref<40x16xf32, #tpu.memory_space<vmem_shared>>)
        } else {
        }
        %dma_wait3A_535 = arith.constant 0 : i32
        %dma_wait3A_536 = arith.constant 2 : i32
        %dma_wait3A_537 = arith.constant 0 : i32
        %dma_wait3A_538 = arith.constant 0 : i32
        %dma_wait3A_539 = tpu.memref_slice %arg11[%dma_wait3A_535, %dma_wait3A_536, %dma_wait3A_537, %dma_wait3A_538] : memref<2x5x40x64xf32, #tpu.memory_space<vmem>> -> memref<1x1x40x64xf32, #tpu.memory_space<vmem>>
        %dma_wait3A_540 = tpu.memref_squeeze %dma_wait3A_539 : memref<1x1x40x64xf32, #tpu.memory_space<vmem>> -> memref<40x64xf32, #tpu.memory_space<vmem>>
        %dma_wait3A_541 = arith.constant 0 : i32
        %dma_wait3A_542 = arith.constant 0 : i32
        %dma_wait3A_543 = tpu.memref_slice %arg15[%dma_wait3A_541, %dma_wait3A_542] : memref<10240x64xf32, #tpu.memory_space<vmem_shared>> -> memref<40x64xf32, #tpu.memory_space<vmem_shared>>
        %dma_wait3A_544 = arith.constant 0 : i32
        %dma_wait3A_545 = arith.constant 0 : i32
        %dma_wait3A_546 = tpu.memref_slice %arg15[%dma_wait3A_544, %dma_wait3A_545] : memref<10240x64xf32, #tpu.memory_space<vmem_shared>> -> memref<40x64xf32, #tpu.memory_space<vmem_shared>>
        %dma_wait3A_547 = arith.constant 0 : i32
        %dma_wait3A_548 = arith.constant 0 : i32
        %dma_wait3A_549 = tpu.memref_slice %arg11[%dma_wait3A_535, %dma_wait3A_536, %dma_wait3A_547, %dma_wait3A_548] : memref<2x5x40x64xf32, #tpu.memory_space<vmem>> -> memref<1x1x40x64xf32, #tpu.memory_space<vmem>>
        %dma_wait3A_550 = tpu.memref_squeeze %dma_wait3A_549 : memref<1x1x40x64xf32, #tpu.memory_space<vmem>> -> memref<40x64xf32, #tpu.memory_space<vmem>>
        tpu.wait_dma2 semaphore(%arg18 : memref<!tpu.dma_semaphore, #tpu.memory_space<semaphore_mem>>) src(%dma_wait3A_550 : memref<40x64xf32, #tpu.memory_space<vmem>>) dst(%dma_wait3A_546 : memref<40x64xf32, #tpu.memory_space<vmem_shared>>)
        %eq3A_551 = arith.constant 0 : i32
        %eq3A_552 = arith.cmpi eq, %arg0, %eq3A_551 : i32
        %convert_element_type3A_553 = arith.extui %eq3A_552 : i1 to i32
        %cond3A_554 = arith.constant 0 : i32
        %cond3A_555 = arith.cmpi ne, %convert_element_type3A_553, %cond3A_554 : i32
        scf.if %cond3A_555 {
          %dma_wait3A_598 = arith.constant 0 : i32
          %dma_wait3A_599 = arith.constant 0 : i32
          %dma_wait3A_600 = tpu.memref_slice %arg16[%dma_wait3A_598, %dma_wait3A_599] : memref<10240x16xf32, #tpu.memory_space<vmem_shared>> -> memref<40x16xf32, #tpu.memory_space<vmem_shared>>
          %dma_wait3A_601 = arith.constant 0 : i32
          %dma_wait3A_602 = arith.constant 0 : i32
          %dma_wait3A_603 = tpu.memref_slice %arg16[%dma_wait3A_601, %dma_wait3A_602] : memref<10240x16xf32, #tpu.memory_space<vmem_shared>> -> memref<40x16xf32, #tpu.memory_space<vmem_shared>>
          tpu.wait_dma2 semaphore(%arg18 : memref<!tpu.dma_semaphore, #tpu.memory_space<semaphore_mem>>) src(%arg12 : memref<40x16xf32, #tpu.memory_space<vmem>>) dst(%dma_wait3A_603 : memref<40x16xf32, #tpu.memory_space<vmem_shared>>)
        } else {
        }
        %dma_wait3A_556 = arith.constant 0 : i32
        %dma_wait3A_557 = arith.constant 3 : i32
        %dma_wait3A_558 = arith.constant 0 : i32
        %dma_wait3A_559 = arith.constant 0 : i32
        %dma_wait3A_560 = tpu.memref_slice %arg11[%dma_wait3A_556, %dma_wait3A_557, %dma_wait3A_558, %dma_wait3A_559] : memref<2x5x40x64xf32, #tpu.memory_space<vmem>> -> memref<1x1x40x64xf32, #tpu.memory_space<vmem>>
        %dma_wait3A_561 = tpu.memref_squeeze %dma_wait3A_560 : memref<1x1x40x64xf32, #tpu.memory_space<vmem>> -> memref<40x64xf32, #tpu.memory_space<vmem>>
        %dma_wait3A_562 = arith.constant 0 : i32
        %dma_wait3A_563 = arith.constant 0 : i32
        %dma_wait3A_564 = tpu.memref_slice %arg15[%dma_wait3A_562, %dma_wait3A_563] : memref<10240x64xf32, #tpu.memory_space<vmem_shared>> -> memref<40x64xf32, #tpu.memory_space<vmem_shared>>
        %dma_wait3A_565 = arith.constant 0 : i32
        %dma_wait3A_566 = arith.constant 0 : i32
        %dma_wait3A_567 = tpu.memref_slice %arg15[%dma_wait3A_565, %dma_wait3A_566] : memref<10240x64xf32, #tpu.memory_space<vmem_shared>> -> memref<40x64xf32, #tpu.memory_space<vmem_shared>>
        %dma_wait3A_568 = arith.constant 0 : i32
        %dma_wait3A_569 = arith.constant 0 : i32
        %dma_wait3A_570 = tpu.memref_slice %arg11[%dma_wait3A_556, %dma_wait3A_557, %dma_wait3A_568, %dma_wait3A_569] : memref<2x5x40x64xf32, #tpu.memory_space<vmem>> -> memref<1x1x40x64xf32, #tpu.memory_space<vmem>>
        %dma_wait3A_571 = tpu.memref_squeeze %dma_wait3A_570 : memref<1x1x40x64xf32, #tpu.memory_space<vmem>> -> memref<40x64xf32, #tpu.memory_space<vmem>>
        tpu.wait_dma2 semaphore(%arg18 : memref<!tpu.dma_semaphore, #tpu.memory_space<semaphore_mem>>) src(%dma_wait3A_571 : memref<40x64xf32, #tpu.memory_space<vmem>>) dst(%dma_wait3A_567 : memref<40x64xf32, #tpu.memory_space<vmem_shared>>)
        %eq3A_572 = arith.constant 0 : i32
        %eq3A_573 = arith.cmpi eq, %arg0, %eq3A_572 : i32
        %convert_element_type3A_574 = arith.extui %eq3A_573 : i1 to i32
        %cond3A_575 = arith.constant 0 : i32
        %cond3A_576 = arith.cmpi ne, %convert_element_type3A_574, %cond3A_575 : i32
        scf.if %cond3A_576 {
          %dma_wait3A_598 = arith.constant 0 : i32
          %dma_wait3A_599 = arith.constant 0 : i32
          %dma_wait3A_600 = tpu.memref_slice %arg16[%dma_wait3A_598, %dma_wait3A_599] : memref<10240x16xf32, #tpu.memory_space<vmem_shared>> -> memref<40x16xf32, #tpu.memory_space<vmem_shared>>
          %dma_wait3A_601 = arith.constant 0 : i32
          %dma_wait3A_602 = arith.constant 0 : i32
          %dma_wait3A_603 = tpu.memref_slice %arg16[%dma_wait3A_601, %dma_wait3A_602] : memref<10240x16xf32, #tpu.memory_space<vmem_shared>> -> memref<40x16xf32, #tpu.memory_space<vmem_shared>>
          tpu.wait_dma2 semaphore(%arg18 : memref<!tpu.dma_semaphore, #tpu.memory_space<semaphore_mem>>) src(%arg12 : memref<40x16xf32, #tpu.memory_space<vmem>>) dst(%dma_wait3A_603 : memref<40x16xf32, #tpu.memory_space<vmem_shared>>)
        } else {
        }
        %dma_wait3A_577 = arith.constant 0 : i32
        %dma_wait3A_578 = arith.constant 4 : i32
        %dma_wait3A_579 = arith.constant 0 : i32
        %dma_wait3A_580 = arith.constant 0 : i32
        %dma_wait3A_581 = tpu.memref_slice %arg11[%dma_wait3A_577, %dma_wait3A_578, %dma_wait3A_579, %dma_wait3A_580] : memref<2x5x40x64xf32, #tpu.memory_space<vmem>> -> memref<1x1x40x64xf32, #tpu.memory_space<vmem>>
        %dma_wait3A_582 = tpu.memref_squeeze %dma_wait3A_581 : memref<1x1x40x64xf32, #tpu.memory_space<vmem>> -> memref<40x64xf32, #tpu.memory_space<vmem>>
        %dma_wait3A_583 = arith.constant 0 : i32
        %dma_wait3A_584 = arith.constant 0 : i32
        %dma_wait3A_585 = tpu.memref_slice %arg15[%dma_wait3A_583, %dma_wait3A_584] : memref<10240x64xf32, #tpu.memory_space<vmem_shared>> -> memref<40x64xf32, #tpu.memory_space<vmem_shared>>
        %dma_wait3A_586 = arith.constant 0 : i32
        %dma_wait3A_587 = arith.constant 0 : i32
        %dma_wait3A_588 = tpu.memref_slice %arg15[%dma_wait3A_586, %dma_wait3A_587] : memref<10240x64xf32, #tpu.memory_space<vmem_shared>> -> memref<40x64xf32, #tpu.memory_space<vmem_shared>>
        %dma_wait3A_589 = arith.constant 0 : i32
        %dma_wait3A_590 = arith.constant 0 : i32
        %dma_wait3A_591 = tpu.memref_slice %arg11[%dma_wait3A_577, %dma_wait3A_578, %dma_wait3A_589, %dma_wait3A_590] : memref<2x5x40x64xf32, #tpu.memory_space<vmem>> -> memref<1x1x40x64xf32, #tpu.memory_space<vmem>>
        %dma_wait3A_592 = tpu.memref_squeeze %dma_wait3A_591 : memref<1x1x40x64xf32, #tpu.memory_space<vmem>> -> memref<40x64xf32, #tpu.memory_space<vmem>>
        tpu.wait_dma2 semaphore(%arg18 : memref<!tpu.dma_semaphore, #tpu.memory_space<semaphore_mem>>) src(%dma_wait3A_592 : memref<40x64xf32, #tpu.memory_space<vmem>>) dst(%dma_wait3A_588 : memref<40x64xf32, #tpu.memory_space<vmem_shared>>)
        %eq3A_593 = arith.constant 0 : i32
        %eq3A_594 = arith.cmpi eq, %arg0, %eq3A_593 : i32
        %convert_element_type3A_595 = arith.extui %eq3A_594 : i1 to i32
        %cond3A_596 = arith.constant 0 : i32
        %cond3A_597 = arith.cmpi ne, %convert_element_type3A_595, %cond3A_596 : i32
        scf.if %cond3A_597 {
          %dma_wait3A_598 = arith.constant 0 : i32
          %dma_wait3A_599 = arith.constant 0 : i32
          %dma_wait3A_600 = tpu.memref_slice %arg16[%dma_wait3A_598, %dma_wait3A_599] : memref<10240x16xf32, #tpu.memory_space<vmem_shared>> -> memref<40x16xf32, #tpu.memory_space<vmem_shared>>
          %dma_wait3A_601 = arith.constant 0 : i32
          %dma_wait3A_602 = arith.constant 0 : i32
          %dma_wait3A_603 = tpu.memref_slice %arg16[%dma_wait3A_601, %dma_wait3A_602] : memref<10240x16xf32, #tpu.memory_space<vmem_shared>> -> memref<40x16xf32, #tpu.memory_space<vmem_shared>>
          tpu.wait_dma2 semaphore(%arg18 : memref<!tpu.dma_semaphore, #tpu.memory_space<semaphore_mem>>) src(%arg12 : memref<40x16xf32, #tpu.memory_space<vmem>>) dst(%dma_wait3A_603 : memref<40x16xf32, #tpu.memory_space<vmem_shared>>)
        } else {
        }
      } else {
      }
      %mul3A_247 = arith.constant 5 : i32
      %mul3A_248 = arith.muli %mul3A_242, %mul3A_247 : i32
      %mul3A_249 = arith.constant 40 : i32
      %mul3A_250 = arith.muli %mul3A_248, %mul3A_249 : i32
      %eq3A_251 = arith.constant 0 : i32
      %eq3A_252 = arith.cmpi eq, %arg0, %eq3A_251 : i32
      %convert_element_type3A_253 = arith.extui %eq3A_252 : i1 to i32
      %cond3A_254 = arith.constant 0 : i32
      %cond3A_255 = arith.cmpi ne, %convert_element_type3A_253, %cond3A_254 : i32
      scf.if %cond3A_255 {
        %add3A_493 = arith.addi %mul3A_4, %mul3A_250 : i32
        %add3A_494 = arith.constant 0 : i32
        %add3A_495 = arith.addi %add3A_493, %add3A_494 : i32
        %dma_start3A_496 = arith.constant 0 : i32
        %dma_start3A_497 = arith.constant 0 : i32
        %dma_start3A_498 = arith.constant 0 : i32
        %dma_start3A_499 = arith.constant 0 : i32
        %dma_start3A_500 = tpu.memref_slice %arg11[%dma_start3A_496, %dma_start3A_497, %dma_start3A_498, %dma_start3A_499] : memref<2x5x40x64xf32, #tpu.memory_space<vmem>> -> memref<1x1x40x64xf32, #tpu.memory_space<vmem>>
        %dma_start3A_501 = tpu.memref_squeeze %dma_start3A_500 : memref<1x1x40x64xf32, #tpu.memory_space<vmem>> -> memref<40x64xf32, #tpu.memory_space<vmem>>
        %dma_start3A_502 = arith.constant 0 : i32
        %dma_start3A_503 = tpu.memref_slice %arg2[%add3A_495, %dma_start3A_502] : memref<320000x64xf32, #tpu.memory_space<hbm>> -> memref<40x64xf32, #tpu.memory_space<hbm>>
        %dma_start3A_504 = arith.constant 0 : i32
        %dma_start3A_505 = arith.constant 0 : i32
        %dma_start3A_506 = tpu.memref_slice %arg11[%dma_start3A_496, %dma_start3A_497, %dma_start3A_504, %dma_start3A_505] : memref<2x5x40x64xf32, #tpu.memory_space<vmem>> -> memref<1x1x40x64xf32, #tpu.memory_space<vmem>>
        %dma_start3A_507 = tpu.memref_squeeze %dma_start3A_506 : memref<1x1x40x64xf32, #tpu.memory_space<vmem>> -> memref<40x64xf32, #tpu.memory_space<vmem>>
        %dma_start3A_508 = arith.constant 0 : i32
        %dma_start3A_509 = tpu.memref_slice %arg2[%add3A_495, %dma_start3A_508] : memref<320000x64xf32, #tpu.memory_space<hbm>> -> memref<40x64xf32, #tpu.memory_space<hbm>>
        tpu.enqueue_dma source(%dma_start3A_509 : memref<40x64xf32, #tpu.memory_space<hbm>>) target(%dma_start3A_507 : memref<40x64xf32, #tpu.memory_space<vmem>>) target_semaphore(%arg17 : memref<!tpu.dma_semaphore, #tpu.memory_space<semaphore_mem>>)
        %add3A_510 = arith.addi %mul3A_4, %mul3A_250 : i32
        %add3A_511 = arith.constant 40 : i32
        %add3A_512 = arith.addi %add3A_510, %add3A_511 : i32
        %dma_start3A_513 = arith.constant 0 : i32
        %dma_start3A_514 = arith.constant 1 : i32
        %dma_start3A_515 = arith.constant 0 : i32
        %dma_start3A_516 = arith.constant 0 : i32
        %dma_start3A_517 = tpu.memref_slice %arg11[%dma_start3A_513, %dma_start3A_514, %dma_start3A_515, %dma_start3A_516] : memref<2x5x40x64xf32, #tpu.memory_space<vmem>> -> memref<1x1x40x64xf32, #tpu.memory_space<vmem>>
        %dma_start3A_518 = tpu.memref_squeeze %dma_start3A_517 : memref<1x1x40x64xf32, #tpu.memory_space<vmem>> -> memref<40x64xf32, #tpu.memory_space<vmem>>
        %dma_start3A_519 = arith.constant 0 : i32
        %dma_start3A_520 = tpu.memref_slice %arg2[%add3A_512, %dma_start3A_519] : memref<320000x64xf32, #tpu.memory_space<hbm>> -> memref<40x64xf32, #tpu.memory_space<hbm>>
        %dma_start3A_521 = arith.constant 0 : i32
        %dma_start3A_522 = arith.constant 0 : i32
        %dma_start3A_523 = tpu.memref_slice %arg11[%dma_start3A_513, %dma_start3A_514, %dma_start3A_521, %dma_start3A_522] : memref<2x5x40x64xf32, #tpu.memory_space<vmem>> -> memref<1x1x40x64xf32, #tpu.memory_space<vmem>>
        %dma_start3A_524 = tpu.memref_squeeze %dma_start3A_523 : memref<1x1x40x64xf32, #tpu.memory_space<vmem>> -> memref<40x64xf32, #tpu.memory_space<vmem>>
        %dma_start3A_525 = arith.constant 0 : i32
        %dma_start3A_526 = tpu.memref_slice %arg2[%add3A_512, %dma_start3A_525] : memref<320000x64xf32, #tpu.memory_space<hbm>> -> memref<40x64xf32, #tpu.memory_space<hbm>>
        tpu.enqueue_dma source(%dma_start3A_526 : memref<40x64xf32, #tpu.memory_space<hbm>>) target(%dma_start3A_524 : memref<40x64xf32, #tpu.memory_space<vmem>>) target_semaphore(%arg17 : memref<!tpu.dma_semaphore, #tpu.memory_space<semaphore_mem>>)
        %add3A_527 = arith.addi %mul3A_4, %mul3A_250 : i32
        %add3A_528 = arith.constant 80 : i32
        %add3A_529 = arith.addi %add3A_527, %add3A_528 : i32
        %dma_start3A_530 = arith.constant 0 : i32
        %dma_start3A_531 = arith.constant 2 : i32
        %dma_start3A_532 = arith.constant 0 : i32
        %dma_start3A_533 = arith.constant 0 : i32
        %dma_start3A_534 = tpu.memref_slice %arg11[%dma_start3A_530, %dma_start3A_531, %dma_start3A_532, %dma_start3A_533] : memref<2x5x40x64xf32, #tpu.memory_space<vmem>> -> memref<1x1x40x64xf32, #tpu.memory_space<vmem>>
        %dma_start3A_535 = tpu.memref_squeeze %dma_start3A_534 : memref<1x1x40x64xf32, #tpu.memory_space<vmem>> -> memref<40x64xf32, #tpu.memory_space<vmem>>
        %dma_start3A_536 = arith.constant 0 : i32
        %dma_start3A_537 = tpu.memref_slice %arg2[%add3A_529, %dma_start3A_536] : memref<320000x64xf32, #tpu.memory_space<hbm>> -> memref<40x64xf32, #tpu.memory_space<hbm>>
        %dma_start3A_538 = arith.constant 0 : i32
        %dma_start3A_539 = arith.constant 0 : i32
        %dma_start3A_540 = tpu.memref_slice %arg11[%dma_start3A_530, %dma_start3A_531, %dma_start3A_538, %dma_start3A_539] : memref<2x5x40x64xf32, #tpu.memory_space<vmem>> -> memref<1x1x40x64xf32, #tpu.memory_space<vmem>>
        %dma_start3A_541 = tpu.memref_squeeze %dma_start3A_540 : memref<1x1x40x64xf32, #tpu.memory_space<vmem>> -> memref<40x64xf32, #tpu.memory_space<vmem>>
        %dma_start3A_542 = arith.constant 0 : i32
        %dma_start3A_543 = tpu.memref_slice %arg2[%add3A_529, %dma_start3A_542] : memref<320000x64xf32, #tpu.memory_space<hbm>> -> memref<40x64xf32, #tpu.memory_space<hbm>>
        tpu.enqueue_dma source(%dma_start3A_543 : memref<40x64xf32, #tpu.memory_space<hbm>>) target(%dma_start3A_541 : memref<40x64xf32, #tpu.memory_space<vmem>>) target_semaphore(%arg17 : memref<!tpu.dma_semaphore, #tpu.memory_space<semaphore_mem>>)
        %add3A_544 = arith.addi %mul3A_4, %mul3A_250 : i32
        %add3A_545 = arith.constant 120 : i32
        %add3A_546 = arith.addi %add3A_544, %add3A_545 : i32
        %dma_start3A_547 = arith.constant 0 : i32
        %dma_start3A_548 = arith.constant 3 : i32
        %dma_start3A_549 = arith.constant 0 : i32
        %dma_start3A_550 = arith.constant 0 : i32
        %dma_start3A_551 = tpu.memref_slice %arg11[%dma_start3A_547, %dma_start3A_548, %dma_start3A_549, %dma_start3A_550] : memref<2x5x40x64xf32, #tpu.memory_space<vmem>> -> memref<1x1x40x64xf32, #tpu.memory_space<vmem>>
        %dma_start3A_552 = tpu.memref_squeeze %dma_start3A_551 : memref<1x1x40x64xf32, #tpu.memory_space<vmem>> -> memref<40x64xf32, #tpu.memory_space<vmem>>
        %dma_start3A_553 = arith.constant 0 : i32
        %dma_start3A_554 = tpu.memref_slice %arg2[%add3A_546, %dma_start3A_553] : memref<320000x64xf32, #tpu.memory_space<hbm>> -> memref<40x64xf32, #tpu.memory_space<hbm>>
        %dma_start3A_555 = arith.constant 0 : i32
        %dma_start3A_556 = arith.constant 0 : i32
        %dma_start3A_557 = tpu.memref_slice %arg11[%dma_start3A_547, %dma_start3A_548, %dma_start3A_555, %dma_start3A_556] : memref<2x5x40x64xf32, #tpu.memory_space<vmem>> -> memref<1x1x40x64xf32, #tpu.memory_space<vmem>>
        %dma_start3A_558 = tpu.memref_squeeze %dma_start3A_557 : memref<1x1x40x64xf32, #tpu.memory_space<vmem>> -> memref<40x64xf32, #tpu.memory_space<vmem>>
        %dma_start3A_559 = arith.constant 0 : i32
        %dma_start3A_560 = tpu.memref_slice %arg2[%add3A_546, %dma_start3A_559] : memref<320000x64xf32, #tpu.memory_space<hbm>> -> memref<40x64xf32, #tpu.memory_space<hbm>>
        tpu.enqueue_dma source(%dma_start3A_560 : memref<40x64xf32, #tpu.memory_space<hbm>>) target(%dma_start3A_558 : memref<40x64xf32, #tpu.memory_space<vmem>>) target_semaphore(%arg17 : memref<!tpu.dma_semaphore, #tpu.memory_space<semaphore_mem>>)
        %add3A_561 = arith.addi %mul3A_4, %mul3A_250 : i32
        %add3A_562 = arith.constant 160 : i32
        %add3A_563 = arith.addi %add3A_561, %add3A_562 : i32
        %dma_start3A_564 = arith.constant 0 : i32
        %dma_start3A_565 = arith.constant 4 : i32
        %dma_start3A_566 = arith.constant 0 : i32
        %dma_start3A_567 = arith.constant 0 : i32
        %dma_start3A_568 = tpu.memref_slice %arg11[%dma_start3A_564, %dma_start3A_565, %dma_start3A_566, %dma_start3A_567] : memref<2x5x40x64xf32, #tpu.memory_space<vmem>> -> memref<1x1x40x64xf32, #tpu.memory_space<vmem>>
        %dma_start3A_569 = tpu.memref_squeeze %dma_start3A_568 : memref<1x1x40x64xf32, #tpu.memory_space<vmem>> -> memref<40x64xf32, #tpu.memory_space<vmem>>
        %dma_start3A_570 = arith.constant 0 : i32
        %dma_start3A_571 = tpu.memref_slice %arg2[%add3A_563, %dma_start3A_570] : memref<320000x64xf32, #tpu.memory_space<hbm>> -> memref<40x64xf32, #tpu.memory_space<hbm>>
        %dma_start3A_572 = arith.constant 0 : i32
        %dma_start3A_573 = arith.constant 0 : i32
        %dma_start3A_574 = tpu.memref_slice %arg11[%dma_start3A_564, %dma_start3A_565, %dma_start3A_572, %dma_start3A_573] : memref<2x5x40x64xf32, #tpu.memory_space<vmem>> -> memref<1x1x40x64xf32, #tpu.memory_space<vmem>>
        %dma_start3A_575 = tpu.memref_squeeze %dma_start3A_574 : memref<1x1x40x64xf32, #tpu.memory_space<vmem>> -> memref<40x64xf32, #tpu.memory_space<vmem>>
        %dma_start3A_576 = arith.constant 0 : i32
        %dma_start3A_577 = tpu.memref_slice %arg2[%add3A_563, %dma_start3A_576] : memref<320000x64xf32, #tpu.memory_space<hbm>> -> memref<40x64xf32, #tpu.memory_space<hbm>>
        tpu.enqueue_dma source(%dma_start3A_577 : memref<40x64xf32, #tpu.memory_space<hbm>>) target(%dma_start3A_575 : memref<40x64xf32, #tpu.memory_space<vmem>>) target_semaphore(%arg17 : memref<!tpu.dma_semaphore, #tpu.memory_space<semaphore_mem>>)
        %dma_wait3A_578 = arith.constant 0 : i32
        %dma_wait3A_579 = arith.constant 0 : i32
        %dma_wait3A_580 = arith.constant 0 : i32
        %dma_wait3A_581 = arith.constant 0 : i32
        %dma_wait3A_582 = tpu.memref_slice %arg11[%dma_wait3A_578, %dma_wait3A_579, %dma_wait3A_580, %dma_wait3A_581] : memref<2x5x40x64xf32, #tpu.memory_space<vmem>> -> memref<1x1x40x64xf32, #tpu.memory_space<vmem>>
        %dma_wait3A_583 = tpu.memref_squeeze %dma_wait3A_582 : memref<1x1x40x64xf32, #tpu.memory_space<vmem>> -> memref<40x64xf32, #tpu.memory_space<vmem>>
        %dma_wait3A_584 = arith.constant 0 : i32
        %dma_wait3A_585 = tpu.memref_slice %arg2[%add3A_495, %dma_wait3A_584] : memref<320000x64xf32, #tpu.memory_space<hbm>> -> memref<40x64xf32, #tpu.memory_space<hbm>>
        %dma_wait3A_586 = arith.constant 0 : i32
        %dma_wait3A_587 = arith.constant 0 : i32
        %dma_wait3A_588 = tpu.memref_slice %arg11[%dma_wait3A_578, %dma_wait3A_579, %dma_wait3A_586, %dma_wait3A_587] : memref<2x5x40x64xf32, #tpu.memory_space<vmem>> -> memref<1x1x40x64xf32, #tpu.memory_space<vmem>>
        %dma_wait3A_589 = tpu.memref_squeeze %dma_wait3A_588 : memref<1x1x40x64xf32, #tpu.memory_space<vmem>> -> memref<40x64xf32, #tpu.memory_space<vmem>>
        %dma_wait3A_590 = arith.constant 0 : i32
        %dma_wait3A_591 = tpu.memref_slice %arg2[%add3A_495, %dma_wait3A_590] : memref<320000x64xf32, #tpu.memory_space<hbm>> -> memref<40x64xf32, #tpu.memory_space<hbm>>
        tpu.wait_dma2 semaphore(%arg17 : memref<!tpu.dma_semaphore, #tpu.memory_space<semaphore_mem>>) src(%dma_wait3A_591 : memref<40x64xf32, #tpu.memory_space<hbm>>) dst(%dma_wait3A_589 : memref<40x64xf32, #tpu.memory_space<vmem>>)
        %dma_wait3A_592 = arith.constant 0 : i32
        %dma_wait3A_593 = arith.constant 1 : i32
        %dma_wait3A_594 = arith.constant 0 : i32
        %dma_wait3A_595 = arith.constant 0 : i32
        %dma_wait3A_596 = tpu.memref_slice %arg11[%dma_wait3A_592, %dma_wait3A_593, %dma_wait3A_594, %dma_wait3A_595] : memref<2x5x40x64xf32, #tpu.memory_space<vmem>> -> memref<1x1x40x64xf32, #tpu.memory_space<vmem>>
        %dma_wait3A_597 = tpu.memref_squeeze %dma_wait3A_596 : memref<1x1x40x64xf32, #tpu.memory_space<vmem>> -> memref<40x64xf32, #tpu.memory_space<vmem>>
        %dma_wait3A_598 = arith.constant 0 : i32
        %dma_wait3A_599 = tpu.memref_slice %arg2[%add3A_512, %dma_wait3A_598] : memref<320000x64xf32, #tpu.memory_space<hbm>> -> memref<40x64xf32, #tpu.memory_space<hbm>>
        %dma_wait3A_600 = arith.constant 0 : i32
        %dma_wait3A_601 = arith.constant 0 : i32
        %dma_wait3A_602 = tpu.memref_slice %arg11[%dma_wait3A_592, %dma_wait3A_593, %dma_wait3A_600, %dma_wait3A_601] : memref<2x5x40x64xf32, #tpu.memory_space<vmem>> -> memref<1x1x40x64xf32, #tpu.memory_space<vmem>>
        %dma_wait3A_603 = tpu.memref_squeeze %dma_wait3A_602 : memref<1x1x40x64xf32, #tpu.memory_space<vmem>> -> memref<40x64xf32, #tpu.memory_space<vmem>>
        %dma_wait3A_604 = arith.constant 0 : i32
        %dma_wait3A_605 = tpu.memref_slice %arg2[%add3A_512, %dma_wait3A_604] : memref<320000x64xf32, #tpu.memory_space<hbm>> -> memref<40x64xf32, #tpu.memory_space<hbm>>
        tpu.wait_dma2 semaphore(%arg17 : memref<!tpu.dma_semaphore, #tpu.memory_space<semaphore_mem>>) src(%dma_wait3A_605 : memref<40x64xf32, #tpu.memory_space<hbm>>) dst(%dma_wait3A_603 : memref<40x64xf32, #tpu.memory_space<vmem>>)
        %dma_wait3A_606 = arith.constant 0 : i32
        %dma_wait3A_607 = arith.constant 2 : i32
        %dma_wait3A_608 = arith.constant 0 : i32
        %dma_wait3A_609 = arith.constant 0 : i32
        %dma_wait3A_610 = tpu.memref_slice %arg11[%dma_wait3A_606, %dma_wait3A_607, %dma_wait3A_608, %dma_wait3A_609] : memref<2x5x40x64xf32, #tpu.memory_space<vmem>> -> memref<1x1x40x64xf32, #tpu.memory_space<vmem>>
        %dma_wait3A_611 = tpu.memref_squeeze %dma_wait3A_610 : memref<1x1x40x64xf32, #tpu.memory_space<vmem>> -> memref<40x64xf32, #tpu.memory_space<vmem>>
        %dma_wait3A_612 = arith.constant 0 : i32
        %dma_wait3A_613 = tpu.memref_slice %arg2[%add3A_529, %dma_wait3A_612] : memref<320000x64xf32, #tpu.memory_space<hbm>> -> memref<40x64xf32, #tpu.memory_space<hbm>>
        %dma_wait3A_614 = arith.constant 0 : i32
        %dma_wait3A_615 = arith.constant 0 : i32
        %dma_wait3A_616 = tpu.memref_slice %arg11[%dma_wait3A_606, %dma_wait3A_607, %dma_wait3A_614, %dma_wait3A_615] : memref<2x5x40x64xf32, #tpu.memory_space<vmem>> -> memref<1x1x40x64xf32, #tpu.memory_space<vmem>>
        %dma_wait3A_617 = tpu.memref_squeeze %dma_wait3A_616 : memref<1x1x40x64xf32, #tpu.memory_space<vmem>> -> memref<40x64xf32, #tpu.memory_space<vmem>>
        %dma_wait3A_618 = arith.constant 0 : i32
        %dma_wait3A_619 = tpu.memref_slice %arg2[%add3A_529, %dma_wait3A_618] : memref<320000x64xf32, #tpu.memory_space<hbm>> -> memref<40x64xf32, #tpu.memory_space<hbm>>
        tpu.wait_dma2 semaphore(%arg17 : memref<!tpu.dma_semaphore, #tpu.memory_space<semaphore_mem>>) src(%dma_wait3A_619 : memref<40x64xf32, #tpu.memory_space<hbm>>) dst(%dma_wait3A_617 : memref<40x64xf32, #tpu.memory_space<vmem>>)
        %dma_wait3A_620 = arith.constant 0 : i32
        %dma_wait3A_621 = arith.constant 3 : i32
        %dma_wait3A_622 = arith.constant 0 : i32
        %dma_wait3A_623 = arith.constant 0 : i32
        %dma_wait3A_624 = tpu.memref_slice %arg11[%dma_wait3A_620, %dma_wait3A_621, %dma_wait3A_622, %dma_wait3A_623] : memref<2x5x40x64xf32, #tpu.memory_space<vmem>> -> memref<1x1x40x64xf32, #tpu.memory_space<vmem>>
        %dma_wait3A_625 = tpu.memref_squeeze %dma_wait3A_624 : memref<1x1x40x64xf32, #tpu.memory_space<vmem>> -> memref<40x64xf32, #tpu.memory_space<vmem>>
        %dma_wait3A_626 = arith.constant 0 : i32
        %dma_wait3A_627 = tpu.memref_slice %arg2[%add3A_546, %dma_wait3A_626] : memref<320000x64xf32, #tpu.memory_space<hbm>> -> memref<40x64xf32, #tpu.memory_space<hbm>>
        %dma_wait3A_628 = arith.constant 0 : i32
        %dma_wait3A_629 = arith.constant 0 : i32
        %dma_wait3A_630 = tpu.memref_slice %arg11[%dma_wait3A_620, %dma_wait3A_621, %dma_wait3A_628, %dma_wait3A_629] : memref<2x5x40x64xf32, #tpu.memory_space<vmem>> -> memref<1x1x40x64xf32, #tpu.memory_space<vmem>>
        %dma_wait3A_631 = tpu.memref_squeeze %dma_wait3A_630 : memref<1x1x40x64xf32, #tpu.memory_space<vmem>> -> memref<40x64xf32, #tpu.memory_space<vmem>>
        %dma_wait3A_632 = arith.constant 0 : i32
        %dma_wait3A_633 = tpu.memref_slice %arg2[%add3A_546, %dma_wait3A_632] : memref<320000x64xf32, #tpu.memory_space<hbm>> -> memref<40x64xf32, #tpu.memory_space<hbm>>
        tpu.wait_dma2 semaphore(%arg17 : memref<!tpu.dma_semaphore, #tpu.memory_space<semaphore_mem>>) src(%dma_wait3A_633 : memref<40x64xf32, #tpu.memory_space<hbm>>) dst(%dma_wait3A_631 : memref<40x64xf32, #tpu.memory_space<vmem>>)
        %dma_wait3A_634 = arith.constant 0 : i32
        %dma_wait3A_635 = arith.constant 4 : i32
        %dma_wait3A_636 = arith.constant 0 : i32
        %dma_wait3A_637 = arith.constant 0 : i32
        %dma_wait3A_638 = tpu.memref_slice %arg11[%dma_wait3A_634, %dma_wait3A_635, %dma_wait3A_636, %dma_wait3A_637] : memref<2x5x40x64xf32, #tpu.memory_space<vmem>> -> memref<1x1x40x64xf32, #tpu.memory_space<vmem>>
        %dma_wait3A_639 = tpu.memref_squeeze %dma_wait3A_638 : memref<1x1x40x64xf32, #tpu.memory_space<vmem>> -> memref<40x64xf32, #tpu.memory_space<vmem>>
        %dma_wait3A_640 = arith.constant 0 : i32
        %dma_wait3A_641 = tpu.memref_slice %arg2[%add3A_563, %dma_wait3A_640] : memref<320000x64xf32, #tpu.memory_space<hbm>> -> memref<40x64xf32, #tpu.memory_space<hbm>>
        %dma_wait3A_642 = arith.constant 0 : i32
        %dma_wait3A_643 = arith.constant 0 : i32
        %dma_wait3A_644 = tpu.memref_slice %arg11[%dma_wait3A_634, %dma_wait3A_635, %dma_wait3A_642, %dma_wait3A_643] : memref<2x5x40x64xf32, #tpu.memory_space<vmem>> -> memref<1x1x40x64xf32, #tpu.memory_space<vmem>>
        %dma_wait3A_645 = tpu.memref_squeeze %dma_wait3A_644 : memref<1x1x40x64xf32, #tpu.memory_space<vmem>> -> memref<40x64xf32, #tpu.memory_space<vmem>>
        %dma_wait3A_646 = arith.constant 0 : i32
        %dma_wait3A_647 = tpu.memref_slice %arg2[%add3A_563, %dma_wait3A_646] : memref<320000x64xf32, #tpu.memory_space<hbm>> -> memref<40x64xf32, #tpu.memory_space<hbm>>
        tpu.wait_dma2 semaphore(%arg17 : memref<!tpu.dma_semaphore, #tpu.memory_space<semaphore_mem>>) src(%dma_wait3A_647 : memref<40x64xf32, #tpu.memory_space<hbm>>) dst(%dma_wait3A_645 : memref<40x64xf32, #tpu.memory_space<vmem>>)
      } else {
      }
      %eq3A_256 = arith.constant 1 : i32
      %eq3A_257 = arith.cmpi eq, %arg0, %eq3A_256 : i32
      %convert_element_type3A_258 = arith.extui %eq3A_257 : i1 to i32
      %cond3A_259 = arith.constant 0 : i32
      %cond3A_260 = arith.cmpi ne, %convert_element_type3A_258, %cond3A_259 : i32
      scf.if %cond3A_260 {
        %add3A_493 = arith.addi %mul3A_4, %mul3A_250 : i32
        %add3A_494 = arith.constant 0 : i32
        %add3A_495 = arith.addi %add3A_493, %add3A_494 : i32
        %dma_start3A_496 = arith.constant 0 : i32
        %dma_start3A_497 = arith.constant 0 : i32
        %dma_start3A_498 = arith.constant 0 : i32
        %dma_start3A_499 = arith.constant 0 : i32
        %dma_start3A_500 = tpu.memref_slice %arg11[%dma_start3A_496, %dma_start3A_497, %dma_start3A_498, %dma_start3A_499] : memref<2x5x40x64xf32, #tpu.memory_space<vmem>> -> memref<1x1x40x64xf32, #tpu.memory_space<vmem>>
        %dma_start3A_501 = tpu.memref_squeeze %dma_start3A_500 : memref<1x1x40x64xf32, #tpu.memory_space<vmem>> -> memref<40x64xf32, #tpu.memory_space<vmem>>
        %dma_start3A_502 = arith.constant 0 : i32
        %dma_start3A_503 = tpu.memref_slice %arg3[%add3A_495, %dma_start3A_502] : memref<320000x64xf32, #tpu.memory_space<hbm>> -> memref<40x64xf32, #tpu.memory_space<hbm>>
        %dma_start3A_504 = arith.constant 0 : i32
        %dma_start3A_505 = arith.constant 0 : i32
        %dma_start3A_506 = tpu.memref_slice %arg11[%dma_start3A_496, %dma_start3A_497, %dma_start3A_504, %dma_start3A_505] : memref<2x5x40x64xf32, #tpu.memory_space<vmem>> -> memref<1x1x40x64xf32, #tpu.memory_space<vmem>>
        %dma_start3A_507 = tpu.memref_squeeze %dma_start3A_506 : memref<1x1x40x64xf32, #tpu.memory_space<vmem>> -> memref<40x64xf32, #tpu.memory_space<vmem>>
        %dma_start3A_508 = arith.constant 0 : i32
        %dma_start3A_509 = tpu.memref_slice %arg3[%add3A_495, %dma_start3A_508] : memref<320000x64xf32, #tpu.memory_space<hbm>> -> memref<40x64xf32, #tpu.memory_space<hbm>>
        tpu.enqueue_dma source(%dma_start3A_509 : memref<40x64xf32, #tpu.memory_space<hbm>>) target(%dma_start3A_507 : memref<40x64xf32, #tpu.memory_space<vmem>>) target_semaphore(%arg17 : memref<!tpu.dma_semaphore, #tpu.memory_space<semaphore_mem>>)
        %add3A_510 = arith.addi %mul3A_4, %mul3A_250 : i32
        %add3A_511 = arith.constant 40 : i32
        %add3A_512 = arith.addi %add3A_510, %add3A_511 : i32
        %dma_start3A_513 = arith.constant 0 : i32
        %dma_start3A_514 = arith.constant 1 : i32
        %dma_start3A_515 = arith.constant 0 : i32
        %dma_start3A_516 = arith.constant 0 : i32
        %dma_start3A_517 = tpu.memref_slice %arg11[%dma_start3A_513, %dma_start3A_514, %dma_start3A_515, %dma_start3A_516] : memref<2x5x40x64xf32, #tpu.memory_space<vmem>> -> memref<1x1x40x64xf32, #tpu.memory_space<vmem>>
        %dma_start3A_518 = tpu.memref_squeeze %dma_start3A_517 : memref<1x1x40x64xf32, #tpu.memory_space<vmem>> -> memref<40x64xf32, #tpu.memory_space<vmem>>
        %dma_start3A_519 = arith.constant 0 : i32
        %dma_start3A_520 = tpu.memref_slice %arg3[%add3A_512, %dma_start3A_519] : memref<320000x64xf32, #tpu.memory_space<hbm>> -> memref<40x64xf32, #tpu.memory_space<hbm>>
        %dma_start3A_521 = arith.constant 0 : i32
        %dma_start3A_522 = arith.constant 0 : i32
        %dma_start3A_523 = tpu.memref_slice %arg11[%dma_start3A_513, %dma_start3A_514, %dma_start3A_521, %dma_start3A_522] : memref<2x5x40x64xf32, #tpu.memory_space<vmem>> -> memref<1x1x40x64xf32, #tpu.memory_space<vmem>>
        %dma_start3A_524 = tpu.memref_squeeze %dma_start3A_523 : memref<1x1x40x64xf32, #tpu.memory_space<vmem>> -> memref<40x64xf32, #tpu.memory_space<vmem>>
        %dma_start3A_525 = arith.constant 0 : i32
        %dma_start3A_526 = tpu.memref_slice %arg3[%add3A_512, %dma_start3A_525] : memref<320000x64xf32, #tpu.memory_space<hbm>> -> memref<40x64xf32, #tpu.memory_space<hbm>>
        tpu.enqueue_dma source(%dma_start3A_526 : memref<40x64xf32, #tpu.memory_space<hbm>>) target(%dma_start3A_524 : memref<40x64xf32, #tpu.memory_space<vmem>>) target_semaphore(%arg17 : memref<!tpu.dma_semaphore, #tpu.memory_space<semaphore_mem>>)
        %add3A_527 = arith.addi %mul3A_4, %mul3A_250 : i32
        %add3A_528 = arith.constant 80 : i32
        %add3A_529 = arith.addi %add3A_527, %add3A_528 : i32
        %dma_start3A_530 = arith.constant 0 : i32
        %dma_start3A_531 = arith.constant 2 : i32
        %dma_start3A_532 = arith.constant 0 : i32
        %dma_start3A_533 = arith.constant 0 : i32
        %dma_start3A_534 = tpu.memref_slice %arg11[%dma_start3A_530, %dma_start3A_531, %dma_start3A_532, %dma_start3A_533] : memref<2x5x40x64xf32, #tpu.memory_space<vmem>> -> memref<1x1x40x64xf32, #tpu.memory_space<vmem>>
        %dma_start3A_535 = tpu.memref_squeeze %dma_start3A_534 : memref<1x1x40x64xf32, #tpu.memory_space<vmem>> -> memref<40x64xf32, #tpu.memory_space<vmem>>
        %dma_start3A_536 = arith.constant 0 : i32
        %dma_start3A_537 = tpu.memref_slice %arg3[%add3A_529, %dma_start3A_536] : memref<320000x64xf32, #tpu.memory_space<hbm>> -> memref<40x64xf32, #tpu.memory_space<hbm>>
        %dma_start3A_538 = arith.constant 0 : i32
        %dma_start3A_539 = arith.constant 0 : i32
        %dma_start3A_540 = tpu.memref_slice %arg11[%dma_start3A_530, %dma_start3A_531, %dma_start3A_538, %dma_start3A_539] : memref<2x5x40x64xf32, #tpu.memory_space<vmem>> -> memref<1x1x40x64xf32, #tpu.memory_space<vmem>>
        %dma_start3A_541 = tpu.memref_squeeze %dma_start3A_540 : memref<1x1x40x64xf32, #tpu.memory_space<vmem>> -> memref<40x64xf32, #tpu.memory_space<vmem>>
        %dma_start3A_542 = arith.constant 0 : i32
        %dma_start3A_543 = tpu.memref_slice %arg3[%add3A_529, %dma_start3A_542] : memref<320000x64xf32, #tpu.memory_space<hbm>> -> memref<40x64xf32, #tpu.memory_space<hbm>>
        tpu.enqueue_dma source(%dma_start3A_543 : memref<40x64xf32, #tpu.memory_space<hbm>>) target(%dma_start3A_541 : memref<40x64xf32, #tpu.memory_space<vmem>>) target_semaphore(%arg17 : memref<!tpu.dma_semaphore, #tpu.memory_space<semaphore_mem>>)
        %add3A_544 = arith.addi %mul3A_4, %mul3A_250 : i32
        %add3A_545 = arith.constant 120 : i32
        %add3A_546 = arith.addi %add3A_544, %add3A_545 : i32
        %dma_start3A_547 = arith.constant 0 : i32
        %dma_start3A_548 = arith.constant 3 : i32
        %dma_start3A_549 = arith.constant 0 : i32
        %dma_start3A_550 = arith.constant 0 : i32
        %dma_start3A_551 = tpu.memref_slice %arg11[%dma_start3A_547, %dma_start3A_548, %dma_start3A_549, %dma_start3A_550] : memref<2x5x40x64xf32, #tpu.memory_space<vmem>> -> memref<1x1x40x64xf32, #tpu.memory_space<vmem>>
        %dma_start3A_552 = tpu.memref_squeeze %dma_start3A_551 : memref<1x1x40x64xf32, #tpu.memory_space<vmem>> -> memref<40x64xf32, #tpu.memory_space<vmem>>
        %dma_start3A_553 = arith.constant 0 : i32
        %dma_start3A_554 = tpu.memref_slice %arg3[%add3A_546, %dma_start3A_553] : memref<320000x64xf32, #tpu.memory_space<hbm>> -> memref<40x64xf32, #tpu.memory_space<hbm>>
        %dma_start3A_555 = arith.constant 0 : i32
        %dma_start3A_556 = arith.constant 0 : i32
        %dma_start3A_557 = tpu.memref_slice %arg11[%dma_start3A_547, %dma_start3A_548, %dma_start3A_555, %dma_start3A_556] : memref<2x5x40x64xf32, #tpu.memory_space<vmem>> -> memref<1x1x40x64xf32, #tpu.memory_space<vmem>>
        %dma_start3A_558 = tpu.memref_squeeze %dma_start3A_557 : memref<1x1x40x64xf32, #tpu.memory_space<vmem>> -> memref<40x64xf32, #tpu.memory_space<vmem>>
        %dma_start3A_559 = arith.constant 0 : i32
        %dma_start3A_560 = tpu.memref_slice %arg3[%add3A_546, %dma_start3A_559] : memref<320000x64xf32, #tpu.memory_space<hbm>> -> memref<40x64xf32, #tpu.memory_space<hbm>>
        tpu.enqueue_dma source(%dma_start3A_560 : memref<40x64xf32, #tpu.memory_space<hbm>>) target(%dma_start3A_558 : memref<40x64xf32, #tpu.memory_space<vmem>>) target_semaphore(%arg17 : memref<!tpu.dma_semaphore, #tpu.memory_space<semaphore_mem>>)
        %add3A_561 = arith.addi %mul3A_4, %mul3A_250 : i32
        %add3A_562 = arith.constant 160 : i32
        %add3A_563 = arith.addi %add3A_561, %add3A_562 : i32
        %dma_start3A_564 = arith.constant 0 : i32
        %dma_start3A_565 = arith.constant 4 : i32
        %dma_start3A_566 = arith.constant 0 : i32
        %dma_start3A_567 = arith.constant 0 : i32
        %dma_start3A_568 = tpu.memref_slice %arg11[%dma_start3A_564, %dma_start3A_565, %dma_start3A_566, %dma_start3A_567] : memref<2x5x40x64xf32, #tpu.memory_space<vmem>> -> memref<1x1x40x64xf32, #tpu.memory_space<vmem>>
        %dma_start3A_569 = tpu.memref_squeeze %dma_start3A_568 : memref<1x1x40x64xf32, #tpu.memory_space<vmem>> -> memref<40x64xf32, #tpu.memory_space<vmem>>
        %dma_start3A_570 = arith.constant 0 : i32
        %dma_start3A_571 = tpu.memref_slice %arg3[%add3A_563, %dma_start3A_570] : memref<320000x64xf32, #tpu.memory_space<hbm>> -> memref<40x64xf32, #tpu.memory_space<hbm>>
        %dma_start3A_572 = arith.constant 0 : i32
        %dma_start3A_573 = arith.constant 0 : i32
        %dma_start3A_574 = tpu.memref_slice %arg11[%dma_start3A_564, %dma_start3A_565, %dma_start3A_572, %dma_start3A_573] : memref<2x5x40x64xf32, #tpu.memory_space<vmem>> -> memref<1x1x40x64xf32, #tpu.memory_space<vmem>>
        %dma_start3A_575 = tpu.memref_squeeze %dma_start3A_574 : memref<1x1x40x64xf32, #tpu.memory_space<vmem>> -> memref<40x64xf32, #tpu.memory_space<vmem>>
        %dma_start3A_576 = arith.constant 0 : i32
        %dma_start3A_577 = tpu.memref_slice %arg3[%add3A_563, %dma_start3A_576] : memref<320000x64xf32, #tpu.memory_space<hbm>> -> memref<40x64xf32, #tpu.memory_space<hbm>>
        tpu.enqueue_dma source(%dma_start3A_577 : memref<40x64xf32, #tpu.memory_space<hbm>>) target(%dma_start3A_575 : memref<40x64xf32, #tpu.memory_space<vmem>>) target_semaphore(%arg17 : memref<!tpu.dma_semaphore, #tpu.memory_space<semaphore_mem>>)
        %dma_wait3A_578 = arith.constant 0 : i32
        %dma_wait3A_579 = arith.constant 0 : i32
        %dma_wait3A_580 = arith.constant 0 : i32
        %dma_wait3A_581 = arith.constant 0 : i32
        %dma_wait3A_582 = tpu.memref_slice %arg11[%dma_wait3A_578, %dma_wait3A_579, %dma_wait3A_580, %dma_wait3A_581] : memref<2x5x40x64xf32, #tpu.memory_space<vmem>> -> memref<1x1x40x64xf32, #tpu.memory_space<vmem>>
        %dma_wait3A_583 = tpu.memref_squeeze %dma_wait3A_582 : memref<1x1x40x64xf32, #tpu.memory_space<vmem>> -> memref<40x64xf32, #tpu.memory_space<vmem>>
        %dma_wait3A_584 = arith.constant 0 : i32
        %dma_wait3A_585 = tpu.memref_slice %arg3[%add3A_495, %dma_wait3A_584] : memref<320000x64xf32, #tpu.memory_space<hbm>> -> memref<40x64xf32, #tpu.memory_space<hbm>>
        %dma_wait3A_586 = arith.constant 0 : i32
        %dma_wait3A_587 = arith.constant 0 : i32
        %dma_wait3A_588 = tpu.memref_slice %arg11[%dma_wait3A_578, %dma_wait3A_579, %dma_wait3A_586, %dma_wait3A_587] : memref<2x5x40x64xf32, #tpu.memory_space<vmem>> -> memref<1x1x40x64xf32, #tpu.memory_space<vmem>>
        %dma_wait3A_589 = tpu.memref_squeeze %dma_wait3A_588 : memref<1x1x40x64xf32, #tpu.memory_space<vmem>> -> memref<40x64xf32, #tpu.memory_space<vmem>>
        %dma_wait3A_590 = arith.constant 0 : i32
        %dma_wait3A_591 = tpu.memref_slice %arg3[%add3A_495, %dma_wait3A_590] : memref<320000x64xf32, #tpu.memory_space<hbm>> -> memref<40x64xf32, #tpu.memory_space<hbm>>
        tpu.wait_dma2 semaphore(%arg17 : memref<!tpu.dma_semaphore, #tpu.memory_space<semaphore_mem>>) src(%dma_wait3A_591 : memref<40x64xf32, #tpu.memory_space<hbm>>) dst(%dma_wait3A_589 : memref<40x64xf32, #tpu.memory_space<vmem>>)
        %dma_wait3A_592 = arith.constant 0 : i32
        %dma_wait3A_593 = arith.constant 1 : i32
        %dma_wait3A_594 = arith.constant 0 : i32
        %dma_wait3A_595 = arith.constant 0 : i32
        %dma_wait3A_596 = tpu.memref_slice %arg11[%dma_wait3A_592, %dma_wait3A_593, %dma_wait3A_594, %dma_wait3A_595] : memref<2x5x40x64xf32, #tpu.memory_space<vmem>> -> memref<1x1x40x64xf32, #tpu.memory_space<vmem>>
        %dma_wait3A_597 = tpu.memref_squeeze %dma_wait3A_596 : memref<1x1x40x64xf32, #tpu.memory_space<vmem>> -> memref<40x64xf32, #tpu.memory_space<vmem>>
        %dma_wait3A_598 = arith.constant 0 : i32
        %dma_wait3A_599 = tpu.memref_slice %arg3[%add3A_512, %dma_wait3A_598] : memref<320000x64xf32, #tpu.memory_space<hbm>> -> memref<40x64xf32, #tpu.memory_space<hbm>>
        %dma_wait3A_600 = arith.constant 0 : i32
        %dma_wait3A_601 = arith.constant 0 : i32
        %dma_wait3A_602 = tpu.memref_slice %arg11[%dma_wait3A_592, %dma_wait3A_593, %dma_wait3A_600, %dma_wait3A_601] : memref<2x5x40x64xf32, #tpu.memory_space<vmem>> -> memref<1x1x40x64xf32, #tpu.memory_space<vmem>>
        %dma_wait3A_603 = tpu.memref_squeeze %dma_wait3A_602 : memref<1x1x40x64xf32, #tpu.memory_space<vmem>> -> memref<40x64xf32, #tpu.memory_space<vmem>>
        %dma_wait3A_604 = arith.constant 0 : i32
        %dma_wait3A_605 = tpu.memref_slice %arg3[%add3A_512, %dma_wait3A_604] : memref<320000x64xf32, #tpu.memory_space<hbm>> -> memref<40x64xf32, #tpu.memory_space<hbm>>
        tpu.wait_dma2 semaphore(%arg17 : memref<!tpu.dma_semaphore, #tpu.memory_space<semaphore_mem>>) src(%dma_wait3A_605 : memref<40x64xf32, #tpu.memory_space<hbm>>) dst(%dma_wait3A_603 : memref<40x64xf32, #tpu.memory_space<vmem>>)
        %dma_wait3A_606 = arith.constant 0 : i32
        %dma_wait3A_607 = arith.constant 2 : i32
        %dma_wait3A_608 = arith.constant 0 : i32
        %dma_wait3A_609 = arith.constant 0 : i32
        %dma_wait3A_610 = tpu.memref_slice %arg11[%dma_wait3A_606, %dma_wait3A_607, %dma_wait3A_608, %dma_wait3A_609] : memref<2x5x40x64xf32, #tpu.memory_space<vmem>> -> memref<1x1x40x64xf32, #tpu.memory_space<vmem>>
        %dma_wait3A_611 = tpu.memref_squeeze %dma_wait3A_610 : memref<1x1x40x64xf32, #tpu.memory_space<vmem>> -> memref<40x64xf32, #tpu.memory_space<vmem>>
        %dma_wait3A_612 = arith.constant 0 : i32
        %dma_wait3A_613 = tpu.memref_slice %arg3[%add3A_529, %dma_wait3A_612] : memref<320000x64xf32, #tpu.memory_space<hbm>> -> memref<40x64xf32, #tpu.memory_space<hbm>>
        %dma_wait3A_614 = arith.constant 0 : i32
        %dma_wait3A_615 = arith.constant 0 : i32
        %dma_wait3A_616 = tpu.memref_slice %arg11[%dma_wait3A_606, %dma_wait3A_607, %dma_wait3A_614, %dma_wait3A_615] : memref<2x5x40x64xf32, #tpu.memory_space<vmem>> -> memref<1x1x40x64xf32, #tpu.memory_space<vmem>>
        %dma_wait3A_617 = tpu.memref_squeeze %dma_wait3A_616 : memref<1x1x40x64xf32, #tpu.memory_space<vmem>> -> memref<40x64xf32, #tpu.memory_space<vmem>>
        %dma_wait3A_618 = arith.constant 0 : i32
        %dma_wait3A_619 = tpu.memref_slice %arg3[%add3A_529, %dma_wait3A_618] : memref<320000x64xf32, #tpu.memory_space<hbm>> -> memref<40x64xf32, #tpu.memory_space<hbm>>
        tpu.wait_dma2 semaphore(%arg17 : memref<!tpu.dma_semaphore, #tpu.memory_space<semaphore_mem>>) src(%dma_wait3A_619 : memref<40x64xf32, #tpu.memory_space<hbm>>) dst(%dma_wait3A_617 : memref<40x64xf32, #tpu.memory_space<vmem>>)
        %dma_wait3A_620 = arith.constant 0 : i32
        %dma_wait3A_621 = arith.constant 3 : i32
        %dma_wait3A_622 = arith.constant 0 : i32
        %dma_wait3A_623 = arith.constant 0 : i32
        %dma_wait3A_624 = tpu.memref_slice %arg11[%dma_wait3A_620, %dma_wait3A_621, %dma_wait3A_622, %dma_wait3A_623] : memref<2x5x40x64xf32, #tpu.memory_space<vmem>> -> memref<1x1x40x64xf32, #tpu.memory_space<vmem>>
        %dma_wait3A_625 = tpu.memref_squeeze %dma_wait3A_624 : memref<1x1x40x64xf32, #tpu.memory_space<vmem>> -> memref<40x64xf32, #tpu.memory_space<vmem>>
        %dma_wait3A_626 = arith.constant 0 : i32
        %dma_wait3A_627 = tpu.memref_slice %arg3[%add3A_546, %dma_wait3A_626] : memref<320000x64xf32, #tpu.memory_space<hbm>> -> memref<40x64xf32, #tpu.memory_space<hbm>>
        %dma_wait3A_628 = arith.constant 0 : i32
        %dma_wait3A_629 = arith.constant 0 : i32
        %dma_wait3A_630 = tpu.memref_slice %arg11[%dma_wait3A_620, %dma_wait3A_621, %dma_wait3A_628, %dma_wait3A_629] : memref<2x5x40x64xf32, #tpu.memory_space<vmem>> -> memref<1x1x40x64xf32, #tpu.memory_space<vmem>>
        %dma_wait3A_631 = tpu.memref_squeeze %dma_wait3A_630 : memref<1x1x40x64xf32, #tpu.memory_space<vmem>> -> memref<40x64xf32, #tpu.memory_space<vmem>>
        %dma_wait3A_632 = arith.constant 0 : i32
        %dma_wait3A_633 = tpu.memref_slice %arg3[%add3A_546, %dma_wait3A_632] : memref<320000x64xf32, #tpu.memory_space<hbm>> -> memref<40x64xf32, #tpu.memory_space<hbm>>
        tpu.wait_dma2 semaphore(%arg17 : memref<!tpu.dma_semaphore, #tpu.memory_space<semaphore_mem>>) src(%dma_wait3A_633 : memref<40x64xf32, #tpu.memory_space<hbm>>) dst(%dma_wait3A_631 : memref<40x64xf32, #tpu.memory_space<vmem>>)
        %dma_wait3A_634 = arith.constant 0 : i32
        %dma_wait3A_635 = arith.constant 4 : i32
        %dma_wait3A_636 = arith.constant 0 : i32
        %dma_wait3A_637 = arith.constant 0 : i32
        %dma_wait3A_638 = tpu.memref_slice %arg11[%dma_wait3A_634, %dma_wait3A_635, %dma_wait3A_636, %dma_wait3A_637] : memref<2x5x40x64xf32, #tpu.memory_space<vmem>> -> memref<1x1x40x64xf32, #tpu.memory_space<vmem>>
        %dma_wait3A_639 = tpu.memref_squeeze %dma_wait3A_638 : memref<1x1x40x64xf32, #tpu.memory_space<vmem>> -> memref<40x64xf32, #tpu.memory_space<vmem>>
        %dma_wait3A_640 = arith.constant 0 : i32
        %dma_wait3A_641 = tpu.memref_slice %arg3[%add3A_563, %dma_wait3A_640] : memref<320000x64xf32, #tpu.memory_space<hbm>> -> memref<40x64xf32, #tpu.memory_space<hbm>>
        %dma_wait3A_642 = arith.constant 0 : i32
        %dma_wait3A_643 = arith.constant 0 : i32
        %dma_wait3A_644 = tpu.memref_slice %arg11[%dma_wait3A_634, %dma_wait3A_635, %dma_wait3A_642, %dma_wait3A_643] : memref<2x5x40x64xf32, #tpu.memory_space<vmem>> -> memref<1x1x40x64xf32, #tpu.memory_space<vmem>>
        %dma_wait3A_645 = tpu.memref_squeeze %dma_wait3A_644 : memref<1x1x40x64xf32, #tpu.memory_space<vmem>> -> memref<40x64xf32, #tpu.memory_space<vmem>>
        %dma_wait3A_646 = arith.constant 0 : i32
        %dma_wait3A_647 = tpu.memref_slice %arg3[%add3A_563, %dma_wait3A_646] : memref<320000x64xf32, #tpu.memory_space<hbm>> -> memref<40x64xf32, #tpu.memory_space<hbm>>
        tpu.wait_dma2 semaphore(%arg17 : memref<!tpu.dma_semaphore, #tpu.memory_space<semaphore_mem>>) src(%dma_wait3A_647 : memref<40x64xf32, #tpu.memory_space<hbm>>) dst(%dma_wait3A_645 : memref<40x64xf32, #tpu.memory_space<vmem>>)
      } else {
      }
      %mul3A_261 = arith.constant 5 : i32
      %mul3A_262 = arith.muli %mul3A_242, %mul3A_261 : i32
      %add3A_263 = arith.constant 0 : i32
      %add3A_264 = arith.addi %mul3A_262, %add3A_263 : i32
      %dma_start3A = arith.constant 0 : i32
      %dma_start3A_265 = arith.constant 0 : i32
      %dma_start3A_266 = arith.constant 0 : i32
      %dma_start3A_267 = arith.constant 0 : i32
      %dma_start3A_268 = tpu.memref_slice %arg11[%dma_start3A, %dma_start3A_265, %dma_start3A_266, %dma_start3A_267] : memref<2x5x40x64xf32, #tpu.memory_space<vmem>> -> memref<1x1x40x64xf32, #tpu.memory_space<vmem>>
      %dma_start3A_269 = tpu.memref_squeeze %dma_start3A_268 : memref<1x1x40x64xf32, #tpu.memory_space<vmem>> -> memref<40x64xf32, #tpu.memory_space<vmem>>
      %dma_start3A_270 = arith.constant 0 : i32
      %dma_start3A_271 = tpu.memref_slice %arg10[%add3A_264, %dma_start3A_270] : memref<500x40xi32, #tpu.memory_space<vmem>> -> memref<1x40xi32, #tpu.memory_space<vmem>>
      %dma_start3A_272 = tpu.memref_squeeze %dma_start3A_271 : memref<1x40xi32, #tpu.memory_space<vmem>> -> memref<40xi32, #tpu.memory_space<vmem>>
      %dma_start3A_273 = arith.constant 0 : i32
      %dma_start3A_274 = arith.constant 0 : i32
      %dma_start3A_275 = tpu.memref_slice %arg15[%dma_start3A_273, %dma_start3A_274] : memref<10240x64xf32, #tpu.memory_space<vmem_shared>> -> memref<10240x64xf32, #tpu.memory_space<vmem_shared>>
      tpu.enqueue_indirect_dma source(%dma_start3A_269 : memref<40x64xf32, #tpu.memory_space<vmem>>) target(%dma_start3A_275 : memref<10240x64xf32, #tpu.memory_space<vmem_shared>>) offsets(%dma_start3A_272 : memref<40xi32, #tpu.memory_space<vmem>>) semaphore(%arg18 : memref<!tpu.dma_semaphore, #tpu.memory_space<semaphore_mem>>) {add = true}
      %eq3A_276 = arith.constant 0 : i32
      %eq3A_277 = arith.cmpi eq, %arg0, %eq3A_276 : i32
      %convert_element_type3A_278 = arith.extui %eq3A_277 : i1 to i32
      %cond3A_279 = arith.constant 0 : i32
      %cond3A_280 = arith.cmpi ne, %convert_element_type3A_278, %cond3A_279 : i32
      scf.if %cond3A_280 {
        %mul3A_493 = arith.constant 5 : i32
        %mul3A_494 = arith.muli %mul3A_242, %mul3A_493 : i32
        %add3A_495 = arith.constant 0 : i32
        %add3A_496 = arith.addi %mul3A_494, %add3A_495 : i32
        %dma_start3A_497 = arith.constant 0 : i32
        %dma_start3A_498 = tpu.memref_slice %arg10[%add3A_496, %dma_start3A_497] : memref<500x40xi32, #tpu.memory_space<vmem>> -> memref<1x40xi32, #tpu.memory_space<vmem>>
        %dma_start3A_499 = tpu.memref_squeeze %dma_start3A_498 : memref<1x40xi32, #tpu.memory_space<vmem>> -> memref<40xi32, #tpu.memory_space<vmem>>
        %dma_start3A_500 = arith.constant 0 : i32
        %dma_start3A_501 = arith.constant 0 : i32
        %dma_start3A_502 = tpu.memref_slice %arg16[%dma_start3A_500, %dma_start3A_501] : memref<10240x16xf32, #tpu.memory_space<vmem_shared>> -> memref<10240x16xf32, #tpu.memory_space<vmem_shared>>
        tpu.enqueue_indirect_dma source(%arg12 : memref<40x16xf32, #tpu.memory_space<vmem>>) target(%dma_start3A_502 : memref<10240x16xf32, #tpu.memory_space<vmem_shared>>) offsets(%dma_start3A_499 : memref<40xi32, #tpu.memory_space<vmem>>) semaphore(%arg18 : memref<!tpu.dma_semaphore, #tpu.memory_space<semaphore_mem>>) {add = true}
      } else {
      }
      %mul3A_281 = arith.constant 5 : i32
      %mul3A_282 = arith.muli %mul3A_242, %mul3A_281 : i32
      %add3A_283 = arith.constant 1 : i32
      %add3A_284 = arith.addi %mul3A_282, %add3A_283 : i32
      %dma_start3A_285 = arith.constant 0 : i32
      %dma_start3A_286 = arith.constant 1 : i32
      %dma_start3A_287 = arith.constant 0 : i32
      %dma_start3A_288 = arith.constant 0 : i32
      %dma_start3A_289 = tpu.memref_slice %arg11[%dma_start3A_285, %dma_start3A_286, %dma_start3A_287, %dma_start3A_288] : memref<2x5x40x64xf32, #tpu.memory_space<vmem>> -> memref<1x1x40x64xf32, #tpu.memory_space<vmem>>
      %dma_start3A_290 = tpu.memref_squeeze %dma_start3A_289 : memref<1x1x40x64xf32, #tpu.memory_space<vmem>> -> memref<40x64xf32, #tpu.memory_space<vmem>>
      %dma_start3A_291 = arith.constant 0 : i32
      %dma_start3A_292 = tpu.memref_slice %arg10[%add3A_284, %dma_start3A_291] : memref<500x40xi32, #tpu.memory_space<vmem>> -> memref<1x40xi32, #tpu.memory_space<vmem>>
      %dma_start3A_293 = tpu.memref_squeeze %dma_start3A_292 : memref<1x40xi32, #tpu.memory_space<vmem>> -> memref<40xi32, #tpu.memory_space<vmem>>
      %dma_start3A_294 = arith.constant 0 : i32
      %dma_start3A_295 = arith.constant 0 : i32
      %dma_start3A_296 = tpu.memref_slice %arg15[%dma_start3A_294, %dma_start3A_295] : memref<10240x64xf32, #tpu.memory_space<vmem_shared>> -> memref<10240x64xf32, #tpu.memory_space<vmem_shared>>
      tpu.enqueue_indirect_dma source(%dma_start3A_290 : memref<40x64xf32, #tpu.memory_space<vmem>>) target(%dma_start3A_296 : memref<10240x64xf32, #tpu.memory_space<vmem_shared>>) offsets(%dma_start3A_293 : memref<40xi32, #tpu.memory_space<vmem>>) semaphore(%arg18 : memref<!tpu.dma_semaphore, #tpu.memory_space<semaphore_mem>>) {add = true}
      %eq3A_297 = arith.constant 0 : i32
      %eq3A_298 = arith.cmpi eq, %arg0, %eq3A_297 : i32
      %convert_element_type3A_299 = arith.extui %eq3A_298 : i1 to i32
      %cond3A_300 = arith.constant 0 : i32
      %cond3A_301 = arith.cmpi ne, %convert_element_type3A_299, %cond3A_300 : i32
      scf.if %cond3A_301 {
        %mul3A_493 = arith.constant 5 : i32
        %mul3A_494 = arith.muli %mul3A_242, %mul3A_493 : i32
        %add3A_495 = arith.constant 1 : i32
        %add3A_496 = arith.addi %mul3A_494, %add3A_495 : i32
        %dma_start3A_497 = arith.constant 0 : i32
        %dma_start3A_498 = tpu.memref_slice %arg10[%add3A_496, %dma_start3A_497] : memref<500x40xi32, #tpu.memory_space<vmem>> -> memref<1x40xi32, #tpu.memory_space<vmem>>
        %dma_start3A_499 = tpu.memref_squeeze %dma_start3A_498 : memref<1x40xi32, #tpu.memory_space<vmem>> -> memref<40xi32, #tpu.memory_space<vmem>>
        %dma_start3A_500 = arith.constant 0 : i32
        %dma_start3A_501 = arith.constant 0 : i32
        %dma_start3A_502 = tpu.memref_slice %arg16[%dma_start3A_500, %dma_start3A_501] : memref<10240x16xf32, #tpu.memory_space<vmem_shared>> -> memref<10240x16xf32, #tpu.memory_space<vmem_shared>>
        tpu.enqueue_indirect_dma source(%arg12 : memref<40x16xf32, #tpu.memory_space<vmem>>) target(%dma_start3A_502 : memref<10240x16xf32, #tpu.memory_space<vmem_shared>>) offsets(%dma_start3A_499 : memref<40xi32, #tpu.memory_space<vmem>>) semaphore(%arg18 : memref<!tpu.dma_semaphore, #tpu.memory_space<semaphore_mem>>) {add = true}
      } else {
      }
      %mul3A_302 = arith.constant 5 : i32
      %mul3A_303 = arith.muli %mul3A_242, %mul3A_302 : i32
      %add3A_304 = arith.constant 2 : i32
      %add3A_305 = arith.addi %mul3A_303, %add3A_304 : i32
      %dma_start3A_306 = arith.constant 0 : i32
      %dma_start3A_307 = arith.constant 2 : i32
      %dma_start3A_308 = arith.constant 0 : i32
      %dma_start3A_309 = arith.constant 0 : i32
      %dma_start3A_310 = tpu.memref_slice %arg11[%dma_start3A_306, %dma_start3A_307, %dma_start3A_308, %dma_start3A_309] : memref<2x5x40x64xf32, #tpu.memory_space<vmem>> -> memref<1x1x40x64xf32, #tpu.memory_space<vmem>>
      %dma_start3A_311 = tpu.memref_squeeze %dma_start3A_310 : memref<1x1x40x64xf32, #tpu.memory_space<vmem>> -> memref<40x64xf32, #tpu.memory_space<vmem>>
      %dma_start3A_312 = arith.constant 0 : i32
      %dma_start3A_313 = tpu.memref_slice %arg10[%add3A_305, %dma_start3A_312] : memref<500x40xi32, #tpu.memory_space<vmem>> -> memref<1x40xi32, #tpu.memory_space<vmem>>
      %dma_start3A_314 = tpu.memref_squeeze %dma_start3A_313 : memref<1x40xi32, #tpu.memory_space<vmem>> -> memref<40xi32, #tpu.memory_space<vmem>>
      %dma_start3A_315 = arith.constant 0 : i32
      %dma_start3A_316 = arith.constant 0 : i32
      %dma_start3A_317 = tpu.memref_slice %arg15[%dma_start3A_315, %dma_start3A_316] : memref<10240x64xf32, #tpu.memory_space<vmem_shared>> -> memref<10240x64xf32, #tpu.memory_space<vmem_shared>>
      tpu.enqueue_indirect_dma source(%dma_start3A_311 : memref<40x64xf32, #tpu.memory_space<vmem>>) target(%dma_start3A_317 : memref<10240x64xf32, #tpu.memory_space<vmem_shared>>) offsets(%dma_start3A_314 : memref<40xi32, #tpu.memory_space<vmem>>) semaphore(%arg18 : memref<!tpu.dma_semaphore, #tpu.memory_space<semaphore_mem>>) {add = true}
      %eq3A_318 = arith.constant 0 : i32
      %eq3A_319 = arith.cmpi eq, %arg0, %eq3A_318 : i32
      %convert_element_type3A_320 = arith.extui %eq3A_319 : i1 to i32
      %cond3A_321 = arith.constant 0 : i32
      %cond3A_322 = arith.cmpi ne, %convert_element_type3A_320, %cond3A_321 : i32
      scf.if %cond3A_322 {
        %mul3A_493 = arith.constant 5 : i32
        %mul3A_494 = arith.muli %mul3A_242, %mul3A_493 : i32
        %add3A_495 = arith.constant 2 : i32
        %add3A_496 = arith.addi %mul3A_494, %add3A_495 : i32
        %dma_start3A_497 = arith.constant 0 : i32
        %dma_start3A_498 = tpu.memref_slice %arg10[%add3A_496, %dma_start3A_497] : memref<500x40xi32, #tpu.memory_space<vmem>> -> memref<1x40xi32, #tpu.memory_space<vmem>>
        %dma_start3A_499 = tpu.memref_squeeze %dma_start3A_498 : memref<1x40xi32, #tpu.memory_space<vmem>> -> memref<40xi32, #tpu.memory_space<vmem>>
        %dma_start3A_500 = arith.constant 0 : i32
        %dma_start3A_501 = arith.constant 0 : i32
        %dma_start3A_502 = tpu.memref_slice %arg16[%dma_start3A_500, %dma_start3A_501] : memref<10240x16xf32, #tpu.memory_space<vmem_shared>> -> memref<10240x16xf32, #tpu.memory_space<vmem_shared>>
        tpu.enqueue_indirect_dma source(%arg12 : memref<40x16xf32, #tpu.memory_space<vmem>>) target(%dma_start3A_502 : memref<10240x16xf32, #tpu.memory_space<vmem_shared>>) offsets(%dma_start3A_499 : memref<40xi32, #tpu.memory_space<vmem>>) semaphore(%arg18 : memref<!tpu.dma_semaphore, #tpu.memory_space<semaphore_mem>>) {add = true}
      } else {
      }
      %mul3A_323 = arith.constant 5 : i32
      %mul3A_324 = arith.muli %mul3A_242, %mul3A_323 : i32
      %add3A_325 = arith.constant 3 : i32
      %add3A_326 = arith.addi %mul3A_324, %add3A_325 : i32
      %dma_start3A_327 = arith.constant 0 : i32
      %dma_start3A_328 = arith.constant 3 : i32
      %dma_start3A_329 = arith.constant 0 : i32
      %dma_start3A_330 = arith.constant 0 : i32
      %dma_start3A_331 = tpu.memref_slice %arg11[%dma_start3A_327, %dma_start3A_328, %dma_start3A_329, %dma_start3A_330] : memref<2x5x40x64xf32, #tpu.memory_space<vmem>> -> memref<1x1x40x64xf32, #tpu.memory_space<vmem>>
      %dma_start3A_332 = tpu.memref_squeeze %dma_start3A_331 : memref<1x1x40x64xf32, #tpu.memory_space<vmem>> -> memref<40x64xf32, #tpu.memory_space<vmem>>
      %dma_start3A_333 = arith.constant 0 : i32
      %dma_start3A_334 = tpu.memref_slice %arg10[%add3A_326, %dma_start3A_333] : memref<500x40xi32, #tpu.memory_space<vmem>> -> memref<1x40xi32, #tpu.memory_space<vmem>>
      %dma_start3A_335 = tpu.memref_squeeze %dma_start3A_334 : memref<1x40xi32, #tpu.memory_space<vmem>> -> memref<40xi32, #tpu.memory_space<vmem>>
      %dma_start3A_336 = arith.constant 0 : i32
      %dma_start3A_337 = arith.constant 0 : i32
      %dma_start3A_338 = tpu.memref_slice %arg15[%dma_start3A_336, %dma_start3A_337] : memref<10240x64xf32, #tpu.memory_space<vmem_shared>> -> memref<10240x64xf32, #tpu.memory_space<vmem_shared>>
      tpu.enqueue_indirect_dma source(%dma_start3A_332 : memref<40x64xf32, #tpu.memory_space<vmem>>) target(%dma_start3A_338 : memref<10240x64xf32, #tpu.memory_space<vmem_shared>>) offsets(%dma_start3A_335 : memref<40xi32, #tpu.memory_space<vmem>>) semaphore(%arg18 : memref<!tpu.dma_semaphore, #tpu.memory_space<semaphore_mem>>) {add = true}
      %eq3A_339 = arith.constant 0 : i32
      %eq3A_340 = arith.cmpi eq, %arg0, %eq3A_339 : i32
      %convert_element_type3A_341 = arith.extui %eq3A_340 : i1 to i32
      %cond3A_342 = arith.constant 0 : i32
      %cond3A_343 = arith.cmpi ne, %convert_element_type3A_341, %cond3A_342 : i32
      scf.if %cond3A_343 {
        %mul3A_493 = arith.constant 5 : i32
        %mul3A_494 = arith.muli %mul3A_242, %mul3A_493 : i32
        %add3A_495 = arith.constant 3 : i32
        %add3A_496 = arith.addi %mul3A_494, %add3A_495 : i32
        %dma_start3A_497 = arith.constant 0 : i32
        %dma_start3A_498 = tpu.memref_slice %arg10[%add3A_496, %dma_start3A_497] : memref<500x40xi32, #tpu.memory_space<vmem>> -> memref<1x40xi32, #tpu.memory_space<vmem>>
        %dma_start3A_499 = tpu.memref_squeeze %dma_start3A_498 : memref<1x40xi32, #tpu.memory_space<vmem>> -> memref<40xi32, #tpu.memory_space<vmem>>
        %dma_start3A_500 = arith.constant 0 : i32
        %dma_start3A_501 = arith.constant 0 : i32
        %dma_start3A_502 = tpu.memref_slice %arg16[%dma_start3A_500, %dma_start3A_501] : memref<10240x16xf32, #tpu.memory_space<vmem_shared>> -> memref<10240x16xf32, #tpu.memory_space<vmem_shared>>
        tpu.enqueue_indirect_dma source(%arg12 : memref<40x16xf32, #tpu.memory_space<vmem>>) target(%dma_start3A_502 : memref<10240x16xf32, #tpu.memory_space<vmem_shared>>) offsets(%dma_start3A_499 : memref<40xi32, #tpu.memory_space<vmem>>) semaphore(%arg18 : memref<!tpu.dma_semaphore, #tpu.memory_space<semaphore_mem>>) {add = true}
      } else {
      }
      %mul3A_344 = arith.constant 5 : i32
      %mul3A_345 = arith.muli %mul3A_242, %mul3A_344 : i32
      %add3A_346 = arith.constant 4 : i32
      %add3A_347 = arith.addi %mul3A_345, %add3A_346 : i32
      %dma_start3A_348 = arith.constant 0 : i32
      %dma_start3A_349 = arith.constant 4 : i32
      %dma_start3A_350 = arith.constant 0 : i32
      %dma_start3A_351 = arith.constant 0 : i32
      %dma_start3A_352 = tpu.memref_slice %arg11[%dma_start3A_348, %dma_start3A_349, %dma_start3A_350, %dma_start3A_351] : memref<2x5x40x64xf32, #tpu.memory_space<vmem>> -> memref<1x1x40x64xf32, #tpu.memory_space<vmem>>
      %dma_start3A_353 = tpu.memref_squeeze %dma_start3A_352 : memref<1x1x40x64xf32, #tpu.memory_space<vmem>> -> memref<40x64xf32, #tpu.memory_space<vmem>>
      %dma_start3A_354 = arith.constant 0 : i32
      %dma_start3A_355 = tpu.memref_slice %arg10[%add3A_347, %dma_start3A_354] : memref<500x40xi32, #tpu.memory_space<vmem>> -> memref<1x40xi32, #tpu.memory_space<vmem>>
      %dma_start3A_356 = tpu.memref_squeeze %dma_start3A_355 : memref<1x40xi32, #tpu.memory_space<vmem>> -> memref<40xi32, #tpu.memory_space<vmem>>
      %dma_start3A_357 = arith.constant 0 : i32
      %dma_start3A_358 = arith.constant 0 : i32
      %dma_start3A_359 = tpu.memref_slice %arg15[%dma_start3A_357, %dma_start3A_358] : memref<10240x64xf32, #tpu.memory_space<vmem_shared>> -> memref<10240x64xf32, #tpu.memory_space<vmem_shared>>
      tpu.enqueue_indirect_dma source(%dma_start3A_353 : memref<40x64xf32, #tpu.memory_space<vmem>>) target(%dma_start3A_359 : memref<10240x64xf32, #tpu.memory_space<vmem_shared>>) offsets(%dma_start3A_356 : memref<40xi32, #tpu.memory_space<vmem>>) semaphore(%arg18 : memref<!tpu.dma_semaphore, #tpu.memory_space<semaphore_mem>>) {add = true}
      %eq3A_360 = arith.constant 0 : i32
      %eq3A_361 = arith.cmpi eq, %arg0, %eq3A_360 : i32
      %convert_element_type3A_362 = arith.extui %eq3A_361 : i1 to i32
      %cond3A_363 = arith.constant 0 : i32
      %cond3A_364 = arith.cmpi ne, %convert_element_type3A_362, %cond3A_363 : i32
      scf.if %cond3A_364 {
        %mul3A_493 = arith.constant 5 : i32
        %mul3A_494 = arith.muli %mul3A_242, %mul3A_493 : i32
        %add3A_495 = arith.constant 4 : i32
        %add3A_496 = arith.addi %mul3A_494, %add3A_495 : i32
        %dma_start3A_497 = arith.constant 0 : i32
        %dma_start3A_498 = tpu.memref_slice %arg10[%add3A_496, %dma_start3A_497] : memref<500x40xi32, #tpu.memory_space<vmem>> -> memref<1x40xi32, #tpu.memory_space<vmem>>
        %dma_start3A_499 = tpu.memref_squeeze %dma_start3A_498 : memref<1x40xi32, #tpu.memory_space<vmem>> -> memref<40xi32, #tpu.memory_space<vmem>>
        %dma_start3A_500 = arith.constant 0 : i32
        %dma_start3A_501 = arith.constant 0 : i32
        %dma_start3A_502 = tpu.memref_slice %arg16[%dma_start3A_500, %dma_start3A_501] : memref<10240x16xf32, #tpu.memory_space<vmem_shared>> -> memref<10240x16xf32, #tpu.memory_space<vmem_shared>>
        tpu.enqueue_indirect_dma source(%arg12 : memref<40x16xf32, #tpu.memory_space<vmem>>) target(%dma_start3A_502 : memref<10240x16xf32, #tpu.memory_space<vmem_shared>>) offsets(%dma_start3A_499 : memref<40xi32, #tpu.memory_space<vmem>>) semaphore(%arg18 : memref<!tpu.dma_semaphore, #tpu.memory_space<semaphore_mem>>) {add = true}
      } else {
      }
      %mul3A_365 = arith.constant 2 : i32
      %mul3A_366 = arith.muli %mul3A_365, %scan3A_240 : i32
      %add3A_367 = arith.constant 1 : i32
      %add3A_368 = arith.addi %mul3A_366, %add3A_367 : i32
      %ge3A_369 = arith.constant 2 : i32
      %ge3A_370 = arith.cmpi sge, %add3A_368, %ge3A_369 : i32
      %convert_element_type3A_371 = arith.extui %ge3A_370 : i1 to i32
      %cond3A_372 = arith.constant 0 : i32
      %cond3A_373 = arith.cmpi ne, %convert_element_type3A_371, %cond3A_372 : i32
      scf.if %cond3A_373 {
        %dma_wait3A_493 = arith.constant 1 : i32
        %dma_wait3A_494 = arith.constant 0 : i32
        %dma_wait3A_495 = arith.constant 0 : i32
        %dma_wait3A_496 = arith.constant 0 : i32
        %dma_wait3A_497 = tpu.memref_slice %arg11[%dma_wait3A_493, %dma_wait3A_494, %dma_wait3A_495, %dma_wait3A_496] : memref<2x5x40x64xf32, #tpu.memory_space<vmem>> -> memref<1x1x40x64xf32, #tpu.memory_space<vmem>>
        %dma_wait3A_498 = tpu.memref_squeeze %dma_wait3A_497 : memref<1x1x40x64xf32, #tpu.memory_space<vmem>> -> memref<40x64xf32, #tpu.memory_space<vmem>>
        %dma_wait3A_499 = arith.constant 0 : i32
        %dma_wait3A_500 = arith.constant 0 : i32
        %dma_wait3A_501 = tpu.memref_slice %arg15[%dma_wait3A_499, %dma_wait3A_500] : memref<10240x64xf32, #tpu.memory_space<vmem_shared>> -> memref<40x64xf32, #tpu.memory_space<vmem_shared>>
        %dma_wait3A_502 = arith.constant 0 : i32
        %dma_wait3A_503 = arith.constant 0 : i32
        %dma_wait3A_504 = tpu.memref_slice %arg15[%dma_wait3A_502, %dma_wait3A_503] : memref<10240x64xf32, #tpu.memory_space<vmem_shared>> -> memref<40x64xf32, #tpu.memory_space<vmem_shared>>
        %dma_wait3A_505 = arith.constant 0 : i32
        %dma_wait3A_506 = arith.constant 0 : i32
        %dma_wait3A_507 = tpu.memref_slice %arg11[%dma_wait3A_493, %dma_wait3A_494, %dma_wait3A_505, %dma_wait3A_506] : memref<2x5x40x64xf32, #tpu.memory_space<vmem>> -> memref<1x1x40x64xf32, #tpu.memory_space<vmem>>
        %dma_wait3A_508 = tpu.memref_squeeze %dma_wait3A_507 : memref<1x1x40x64xf32, #tpu.memory_space<vmem>> -> memref<40x64xf32, #tpu.memory_space<vmem>>
        tpu.wait_dma2 semaphore(%arg19 : memref<!tpu.dma_semaphore, #tpu.memory_space<semaphore_mem>>) src(%dma_wait3A_508 : memref<40x64xf32, #tpu.memory_space<vmem>>) dst(%dma_wait3A_504 : memref<40x64xf32, #tpu.memory_space<vmem_shared>>)
        %eq3A_509 = arith.constant 0 : i32
        %eq3A_510 = arith.cmpi eq, %arg0, %eq3A_509 : i32
        %convert_element_type3A_511 = arith.extui %eq3A_510 : i1 to i32
        %cond3A_512 = arith.constant 0 : i32
        %cond3A_513 = arith.cmpi ne, %convert_element_type3A_511, %cond3A_512 : i32
        scf.if %cond3A_513 {
          %dma_wait3A_598 = arith.constant 0 : i32
          %dma_wait3A_599 = arith.constant 0 : i32
          %dma_wait3A_600 = tpu.memref_slice %arg16[%dma_wait3A_598, %dma_wait3A_599] : memref<10240x16xf32, #tpu.memory_space<vmem_shared>> -> memref<40x16xf32, #tpu.memory_space<vmem_shared>>
          %dma_wait3A_601 = arith.constant 0 : i32
          %dma_wait3A_602 = arith.constant 0 : i32
          %dma_wait3A_603 = tpu.memref_slice %arg16[%dma_wait3A_601, %dma_wait3A_602] : memref<10240x16xf32, #tpu.memory_space<vmem_shared>> -> memref<40x16xf32, #tpu.memory_space<vmem_shared>>
          tpu.wait_dma2 semaphore(%arg19 : memref<!tpu.dma_semaphore, #tpu.memory_space<semaphore_mem>>) src(%arg12 : memref<40x16xf32, #tpu.memory_space<vmem>>) dst(%dma_wait3A_603 : memref<40x16xf32, #tpu.memory_space<vmem_shared>>)
        } else {
        }
        %dma_wait3A_514 = arith.constant 1 : i32
        %dma_wait3A_515 = arith.constant 1 : i32
        %dma_wait3A_516 = arith.constant 0 : i32
        %dma_wait3A_517 = arith.constant 0 : i32
        %dma_wait3A_518 = tpu.memref_slice %arg11[%dma_wait3A_514, %dma_wait3A_515, %dma_wait3A_516, %dma_wait3A_517] : memref<2x5x40x64xf32, #tpu.memory_space<vmem>> -> memref<1x1x40x64xf32, #tpu.memory_space<vmem>>
        %dma_wait3A_519 = tpu.memref_squeeze %dma_wait3A_518 : memref<1x1x40x64xf32, #tpu.memory_space<vmem>> -> memref<40x64xf32, #tpu.memory_space<vmem>>
        %dma_wait3A_520 = arith.constant 0 : i32
        %dma_wait3A_521 = arith.constant 0 : i32
        %dma_wait3A_522 = tpu.memref_slice %arg15[%dma_wait3A_520, %dma_wait3A_521] : memref<10240x64xf32, #tpu.memory_space<vmem_shared>> -> memref<40x64xf32, #tpu.memory_space<vmem_shared>>
        %dma_wait3A_523 = arith.constant 0 : i32
        %dma_wait3A_524 = arith.constant 0 : i32
        %dma_wait3A_525 = tpu.memref_slice %arg15[%dma_wait3A_523, %dma_wait3A_524] : memref<10240x64xf32, #tpu.memory_space<vmem_shared>> -> memref<40x64xf32, #tpu.memory_space<vmem_shared>>
        %dma_wait3A_526 = arith.constant 0 : i32
        %dma_wait3A_527 = arith.constant 0 : i32
        %dma_wait3A_528 = tpu.memref_slice %arg11[%dma_wait3A_514, %dma_wait3A_515, %dma_wait3A_526, %dma_wait3A_527] : memref<2x5x40x64xf32, #tpu.memory_space<vmem>> -> memref<1x1x40x64xf32, #tpu.memory_space<vmem>>
        %dma_wait3A_529 = tpu.memref_squeeze %dma_wait3A_528 : memref<1x1x40x64xf32, #tpu.memory_space<vmem>> -> memref<40x64xf32, #tpu.memory_space<vmem>>
        tpu.wait_dma2 semaphore(%arg19 : memref<!tpu.dma_semaphore, #tpu.memory_space<semaphore_mem>>) src(%dma_wait3A_529 : memref<40x64xf32, #tpu.memory_space<vmem>>) dst(%dma_wait3A_525 : memref<40x64xf32, #tpu.memory_space<vmem_shared>>)
        %eq3A_530 = arith.constant 0 : i32
        %eq3A_531 = arith.cmpi eq, %arg0, %eq3A_530 : i32
        %convert_element_type3A_532 = arith.extui %eq3A_531 : i1 to i32
        %cond3A_533 = arith.constant 0 : i32
        %cond3A_534 = arith.cmpi ne, %convert_element_type3A_532, %cond3A_533 : i32
        scf.if %cond3A_534 {
          %dma_wait3A_598 = arith.constant 0 : i32
          %dma_wait3A_599 = arith.constant 0 : i32
          %dma_wait3A_600 = tpu.memref_slice %arg16[%dma_wait3A_598, %dma_wait3A_599] : memref<10240x16xf32, #tpu.memory_space<vmem_shared>> -> memref<40x16xf32, #tpu.memory_space<vmem_shared>>
          %dma_wait3A_601 = arith.constant 0 : i32
          %dma_wait3A_602 = arith.constant 0 : i32
          %dma_wait3A_603 = tpu.memref_slice %arg16[%dma_wait3A_601, %dma_wait3A_602] : memref<10240x16xf32, #tpu.memory_space<vmem_shared>> -> memref<40x16xf32, #tpu.memory_space<vmem_shared>>
          tpu.wait_dma2 semaphore(%arg19 : memref<!tpu.dma_semaphore, #tpu.memory_space<semaphore_mem>>) src(%arg12 : memref<40x16xf32, #tpu.memory_space<vmem>>) dst(%dma_wait3A_603 : memref<40x16xf32, #tpu.memory_space<vmem_shared>>)
        } else {
        }
        %dma_wait3A_535 = arith.constant 1 : i32
        %dma_wait3A_536 = arith.constant 2 : i32
        %dma_wait3A_537 = arith.constant 0 : i32
        %dma_wait3A_538 = arith.constant 0 : i32
        %dma_wait3A_539 = tpu.memref_slice %arg11[%dma_wait3A_535, %dma_wait3A_536, %dma_wait3A_537, %dma_wait3A_538] : memref<2x5x40x64xf32, #tpu.memory_space<vmem>> -> memref<1x1x40x64xf32, #tpu.memory_space<vmem>>
        %dma_wait3A_540 = tpu.memref_squeeze %dma_wait3A_539 : memref<1x1x40x64xf32, #tpu.memory_space<vmem>> -> memref<40x64xf32, #tpu.memory_space<vmem>>
        %dma_wait3A_541 = arith.constant 0 : i32
        %dma_wait3A_542 = arith.constant 0 : i32
        %dma_wait3A_543 = tpu.memref_slice %arg15[%dma_wait3A_541, %dma_wait3A_542] : memref<10240x64xf32, #tpu.memory_space<vmem_shared>> -> memref<40x64xf32, #tpu.memory_space<vmem_shared>>
        %dma_wait3A_544 = arith.constant 0 : i32
        %dma_wait3A_545 = arith.constant 0 : i32
        %dma_wait3A_546 = tpu.memref_slice %arg15[%dma_wait3A_544, %dma_wait3A_545] : memref<10240x64xf32, #tpu.memory_space<vmem_shared>> -> memref<40x64xf32, #tpu.memory_space<vmem_shared>>
        %dma_wait3A_547 = arith.constant 0 : i32
        %dma_wait3A_548 = arith.constant 0 : i32
        %dma_wait3A_549 = tpu.memref_slice %arg11[%dma_wait3A_535, %dma_wait3A_536, %dma_wait3A_547, %dma_wait3A_548] : memref<2x5x40x64xf32, #tpu.memory_space<vmem>> -> memref<1x1x40x64xf32, #tpu.memory_space<vmem>>
        %dma_wait3A_550 = tpu.memref_squeeze %dma_wait3A_549 : memref<1x1x40x64xf32, #tpu.memory_space<vmem>> -> memref<40x64xf32, #tpu.memory_space<vmem>>
        tpu.wait_dma2 semaphore(%arg19 : memref<!tpu.dma_semaphore, #tpu.memory_space<semaphore_mem>>) src(%dma_wait3A_550 : memref<40x64xf32, #tpu.memory_space<vmem>>) dst(%dma_wait3A_546 : memref<40x64xf32, #tpu.memory_space<vmem_shared>>)
        %eq3A_551 = arith.constant 0 : i32
        %eq3A_552 = arith.cmpi eq, %arg0, %eq3A_551 : i32
        %convert_element_type3A_553 = arith.extui %eq3A_552 : i1 to i32
        %cond3A_554 = arith.constant 0 : i32
        %cond3A_555 = arith.cmpi ne, %convert_element_type3A_553, %cond3A_554 : i32
        scf.if %cond3A_555 {
          %dma_wait3A_598 = arith.constant 0 : i32
          %dma_wait3A_599 = arith.constant 0 : i32
          %dma_wait3A_600 = tpu.memref_slice %arg16[%dma_wait3A_598, %dma_wait3A_599] : memref<10240x16xf32, #tpu.memory_space<vmem_shared>> -> memref<40x16xf32, #tpu.memory_space<vmem_shared>>
          %dma_wait3A_601 = arith.constant 0 : i32
          %dma_wait3A_602 = arith.constant 0 : i32
          %dma_wait3A_603 = tpu.memref_slice %arg16[%dma_wait3A_601, %dma_wait3A_602] : memref<10240x16xf32, #tpu.memory_space<vmem_shared>> -> memref<40x16xf32, #tpu.memory_space<vmem_shared>>
          tpu.wait_dma2 semaphore(%arg19 : memref<!tpu.dma_semaphore, #tpu.memory_space<semaphore_mem>>) src(%arg12 : memref<40x16xf32, #tpu.memory_space<vmem>>) dst(%dma_wait3A_603 : memref<40x16xf32, #tpu.memory_space<vmem_shared>>)
        } else {
        }
        %dma_wait3A_556 = arith.constant 1 : i32
        %dma_wait3A_557 = arith.constant 3 : i32
        %dma_wait3A_558 = arith.constant 0 : i32
        %dma_wait3A_559 = arith.constant 0 : i32
        %dma_wait3A_560 = tpu.memref_slice %arg11[%dma_wait3A_556, %dma_wait3A_557, %dma_wait3A_558, %dma_wait3A_559] : memref<2x5x40x64xf32, #tpu.memory_space<vmem>> -> memref<1x1x40x64xf32, #tpu.memory_space<vmem>>
        %dma_wait3A_561 = tpu.memref_squeeze %dma_wait3A_560 : memref<1x1x40x64xf32, #tpu.memory_space<vmem>> -> memref<40x64xf32, #tpu.memory_space<vmem>>
        %dma_wait3A_562 = arith.constant 0 : i32
        %dma_wait3A_563 = arith.constant 0 : i32
        %dma_wait3A_564 = tpu.memref_slice %arg15[%dma_wait3A_562, %dma_wait3A_563] : memref<10240x64xf32, #tpu.memory_space<vmem_shared>> -> memref<40x64xf32, #tpu.memory_space<vmem_shared>>
        %dma_wait3A_565 = arith.constant 0 : i32
        %dma_wait3A_566 = arith.constant 0 : i32
        %dma_wait3A_567 = tpu.memref_slice %arg15[%dma_wait3A_565, %dma_wait3A_566] : memref<10240x64xf32, #tpu.memory_space<vmem_shared>> -> memref<40x64xf32, #tpu.memory_space<vmem_shared>>
        %dma_wait3A_568 = arith.constant 0 : i32
        %dma_wait3A_569 = arith.constant 0 : i32
        %dma_wait3A_570 = tpu.memref_slice %arg11[%dma_wait3A_556, %dma_wait3A_557, %dma_wait3A_568, %dma_wait3A_569] : memref<2x5x40x64xf32, #tpu.memory_space<vmem>> -> memref<1x1x40x64xf32, #tpu.memory_space<vmem>>
        %dma_wait3A_571 = tpu.memref_squeeze %dma_wait3A_570 : memref<1x1x40x64xf32, #tpu.memory_space<vmem>> -> memref<40x64xf32, #tpu.memory_space<vmem>>
        tpu.wait_dma2 semaphore(%arg19 : memref<!tpu.dma_semaphore, #tpu.memory_space<semaphore_mem>>) src(%dma_wait3A_571 : memref<40x64xf32, #tpu.memory_space<vmem>>) dst(%dma_wait3A_567 : memref<40x64xf32, #tpu.memory_space<vmem_shared>>)
        %eq3A_572 = arith.constant 0 : i32
        %eq3A_573 = arith.cmpi eq, %arg0, %eq3A_572 : i32
        %convert_element_type3A_574 = arith.extui %eq3A_573 : i1 to i32
        %cond3A_575 = arith.constant 0 : i32
        %cond3A_576 = arith.cmpi ne, %convert_element_type3A_574, %cond3A_575 : i32
        scf.if %cond3A_576 {
          %dma_wait3A_598 = arith.constant 0 : i32
          %dma_wait3A_599 = arith.constant 0 : i32
          %dma_wait3A_600 = tpu.memref_slice %arg16[%dma_wait3A_598, %dma_wait3A_599] : memref<10240x16xf32, #tpu.memory_space<vmem_shared>> -> memref<40x16xf32, #tpu.memory_space<vmem_shared>>
          %dma_wait3A_601 = arith.constant 0 : i32
          %dma_wait3A_602 = arith.constant 0 : i32
          %dma_wait3A_603 = tpu.memref_slice %arg16[%dma_wait3A_601, %dma_wait3A_602] : memref<10240x16xf32, #tpu.memory_space<vmem_shared>> -> memref<40x16xf32, #tpu.memory_space<vmem_shared>>
          tpu.wait_dma2 semaphore(%arg19 : memref<!tpu.dma_semaphore, #tpu.memory_space<semaphore_mem>>) src(%arg12 : memref<40x16xf32, #tpu.memory_space<vmem>>) dst(%dma_wait3A_603 : memref<40x16xf32, #tpu.memory_space<vmem_shared>>)
        } else {
        }
        %dma_wait3A_577 = arith.constant 1 : i32
        %dma_wait3A_578 = arith.constant 4 : i32
        %dma_wait3A_579 = arith.constant 0 : i32
        %dma_wait3A_580 = arith.constant 0 : i32
        %dma_wait3A_581 = tpu.memref_slice %arg11[%dma_wait3A_577, %dma_wait3A_578, %dma_wait3A_579, %dma_wait3A_580] : memref<2x5x40x64xf32, #tpu.memory_space<vmem>> -> memref<1x1x40x64xf32, #tpu.memory_space<vmem>>
        %dma_wait3A_582 = tpu.memref_squeeze %dma_wait3A_581 : memref<1x1x40x64xf32, #tpu.memory_space<vmem>> -> memref<40x64xf32, #tpu.memory_space<vmem>>
        %dma_wait3A_583 = arith.constant 0 : i32
        %dma_wait3A_584 = arith.constant 0 : i32
        %dma_wait3A_585 = tpu.memref_slice %arg15[%dma_wait3A_583, %dma_wait3A_584] : memref<10240x64xf32, #tpu.memory_space<vmem_shared>> -> memref<40x64xf32, #tpu.memory_space<vmem_shared>>
        %dma_wait3A_586 = arith.constant 0 : i32
        %dma_wait3A_587 = arith.constant 0 : i32
        %dma_wait3A_588 = tpu.memref_slice %arg15[%dma_wait3A_586, %dma_wait3A_587] : memref<10240x64xf32, #tpu.memory_space<vmem_shared>> -> memref<40x64xf32, #tpu.memory_space<vmem_shared>>
        %dma_wait3A_589 = arith.constant 0 : i32
        %dma_wait3A_590 = arith.constant 0 : i32
        %dma_wait3A_591 = tpu.memref_slice %arg11[%dma_wait3A_577, %dma_wait3A_578, %dma_wait3A_589, %dma_wait3A_590] : memref<2x5x40x64xf32, #tpu.memory_space<vmem>> -> memref<1x1x40x64xf32, #tpu.memory_space<vmem>>
        %dma_wait3A_592 = tpu.memref_squeeze %dma_wait3A_591 : memref<1x1x40x64xf32, #tpu.memory_space<vmem>> -> memref<40x64xf32, #tpu.memory_space<vmem>>
        tpu.wait_dma2 semaphore(%arg19 : memref<!tpu.dma_semaphore, #tpu.memory_space<semaphore_mem>>) src(%dma_wait3A_592 : memref<40x64xf32, #tpu.memory_space<vmem>>) dst(%dma_wait3A_588 : memref<40x64xf32, #tpu.memory_space<vmem_shared>>)
        %eq3A_593 = arith.constant 0 : i32
        %eq3A_594 = arith.cmpi eq, %arg0, %eq3A_593 : i32
        %convert_element_type3A_595 = arith.extui %eq3A_594 : i1 to i32
        %cond3A_596 = arith.constant 0 : i32
        %cond3A_597 = arith.cmpi ne, %convert_element_type3A_595, %cond3A_596 : i32
        scf.if %cond3A_597 {
          %dma_wait3A_598 = arith.constant 0 : i32
          %dma_wait3A_599 = arith.constant 0 : i32
          %dma_wait3A_600 = tpu.memref_slice %arg16[%dma_wait3A_598, %dma_wait3A_599] : memref<10240x16xf32, #tpu.memory_space<vmem_shared>> -> memref<40x16xf32, #tpu.memory_space<vmem_shared>>
          %dma_wait3A_601 = arith.constant 0 : i32
          %dma_wait3A_602 = arith.constant 0 : i32
          %dma_wait3A_603 = tpu.memref_slice %arg16[%dma_wait3A_601, %dma_wait3A_602] : memref<10240x16xf32, #tpu.memory_space<vmem_shared>> -> memref<40x16xf32, #tpu.memory_space<vmem_shared>>
          tpu.wait_dma2 semaphore(%arg19 : memref<!tpu.dma_semaphore, #tpu.memory_space<semaphore_mem>>) src(%arg12 : memref<40x16xf32, #tpu.memory_space<vmem>>) dst(%dma_wait3A_603 : memref<40x16xf32, #tpu.memory_space<vmem_shared>>)
        } else {
        }
      } else {
      }
      %mul3A_374 = arith.constant 5 : i32
      %mul3A_375 = arith.muli %add3A_368, %mul3A_374 : i32
      %mul3A_376 = arith.constant 40 : i32
      %mul3A_377 = arith.muli %mul3A_375, %mul3A_376 : i32
      %eq3A_378 = arith.constant 0 : i32
      %eq3A_379 = arith.cmpi eq, %arg0, %eq3A_378 : i32
      %convert_element_type3A_380 = arith.extui %eq3A_379 : i1 to i32
      %cond3A_381 = arith.constant 0 : i32
      %cond3A_382 = arith.cmpi ne, %convert_element_type3A_380, %cond3A_381 : i32
      scf.if %cond3A_382 {
        %add3A_493 = arith.addi %mul3A_4, %mul3A_377 : i32
        %add3A_494 = arith.constant 0 : i32
        %add3A_495 = arith.addi %add3A_493, %add3A_494 : i32
        %dma_start3A_496 = arith.constant 1 : i32
        %dma_start3A_497 = arith.constant 0 : i32
        %dma_start3A_498 = arith.constant 0 : i32
        %dma_start3A_499 = arith.constant 0 : i32
        %dma_start3A_500 = tpu.memref_slice %arg11[%dma_start3A_496, %dma_start3A_497, %dma_start3A_498, %dma_start3A_499] : memref<2x5x40x64xf32, #tpu.memory_space<vmem>> -> memref<1x1x40x64xf32, #tpu.memory_space<vmem>>
        %dma_start3A_501 = tpu.memref_squeeze %dma_start3A_500 : memref<1x1x40x64xf32, #tpu.memory_space<vmem>> -> memref<40x64xf32, #tpu.memory_space<vmem>>
        %dma_start3A_502 = arith.constant 0 : i32
        %dma_start3A_503 = tpu.memref_slice %arg2[%add3A_495, %dma_start3A_502] : memref<320000x64xf32, #tpu.memory_space<hbm>> -> memref<40x64xf32, #tpu.memory_space<hbm>>
        %dma_start3A_504 = arith.constant 0 : i32
        %dma_start3A_505 = arith.constant 0 : i32
        %dma_start3A_506 = tpu.memref_slice %arg11[%dma_start3A_496, %dma_start3A_497, %dma_start3A_504, %dma_start3A_505] : memref<2x5x40x64xf32, #tpu.memory_space<vmem>> -> memref<1x1x40x64xf32, #tpu.memory_space<vmem>>
        %dma_start3A_507 = tpu.memref_squeeze %dma_start3A_506 : memref<1x1x40x64xf32, #tpu.memory_space<vmem>> -> memref<40x64xf32, #tpu.memory_space<vmem>>
        %dma_start3A_508 = arith.constant 0 : i32
        %dma_start3A_509 = tpu.memref_slice %arg2[%add3A_495, %dma_start3A_508] : memref<320000x64xf32, #tpu.memory_space<hbm>> -> memref<40x64xf32, #tpu.memory_space<hbm>>
        tpu.enqueue_dma source(%dma_start3A_509 : memref<40x64xf32, #tpu.memory_space<hbm>>) target(%dma_start3A_507 : memref<40x64xf32, #tpu.memory_space<vmem>>) target_semaphore(%arg17 : memref<!tpu.dma_semaphore, #tpu.memory_space<semaphore_mem>>)
        %add3A_510 = arith.addi %mul3A_4, %mul3A_377 : i32
        %add3A_511 = arith.constant 40 : i32
        %add3A_512 = arith.addi %add3A_510, %add3A_511 : i32
        %dma_start3A_513 = arith.constant 1 : i32
        %dma_start3A_514 = arith.constant 1 : i32
        %dma_start3A_515 = arith.constant 0 : i32
        %dma_start3A_516 = arith.constant 0 : i32
        %dma_start3A_517 = tpu.memref_slice %arg11[%dma_start3A_513, %dma_start3A_514, %dma_start3A_515, %dma_start3A_516] : memref<2x5x40x64xf32, #tpu.memory_space<vmem>> -> memref<1x1x40x64xf32, #tpu.memory_space<vmem>>
        %dma_start3A_518 = tpu.memref_squeeze %dma_start3A_517 : memref<1x1x40x64xf32, #tpu.memory_space<vmem>> -> memref<40x64xf32, #tpu.memory_space<vmem>>
        %dma_start3A_519 = arith.constant 0 : i32
        %dma_start3A_520 = tpu.memref_slice %arg2[%add3A_512, %dma_start3A_519] : memref<320000x64xf32, #tpu.memory_space<hbm>> -> memref<40x64xf32, #tpu.memory_space<hbm>>
        %dma_start3A_521 = arith.constant 0 : i32
        %dma_start3A_522 = arith.constant 0 : i32
        %dma_start3A_523 = tpu.memref_slice %arg11[%dma_start3A_513, %dma_start3A_514, %dma_start3A_521, %dma_start3A_522] : memref<2x5x40x64xf32, #tpu.memory_space<vmem>> -> memref<1x1x40x64xf32, #tpu.memory_space<vmem>>
        %dma_start3A_524 = tpu.memref_squeeze %dma_start3A_523 : memref<1x1x40x64xf32, #tpu.memory_space<vmem>> -> memref<40x64xf32, #tpu.memory_space<vmem>>
        %dma_start3A_525 = arith.constant 0 : i32
        %dma_start3A_526 = tpu.memref_slice %arg2[%add3A_512, %dma_start3A_525] : memref<320000x64xf32, #tpu.memory_space<hbm>> -> memref<40x64xf32, #tpu.memory_space<hbm>>
        tpu.enqueue_dma source(%dma_start3A_526 : memref<40x64xf32, #tpu.memory_space<hbm>>) target(%dma_start3A_524 : memref<40x64xf32, #tpu.memory_space<vmem>>) target_semaphore(%arg17 : memref<!tpu.dma_semaphore, #tpu.memory_space<semaphore_mem>>)
        %add3A_527 = arith.addi %mul3A_4, %mul3A_377 : i32
        %add3A_528 = arith.constant 80 : i32
        %add3A_529 = arith.addi %add3A_527, %add3A_528 : i32
        %dma_start3A_530 = arith.constant 1 : i32
        %dma_start3A_531 = arith.constant 2 : i32
        %dma_start3A_532 = arith.constant 0 : i32
        %dma_start3A_533 = arith.constant 0 : i32
        %dma_start3A_534 = tpu.memref_slice %arg11[%dma_start3A_530, %dma_start3A_531, %dma_start3A_532, %dma_start3A_533] : memref<2x5x40x64xf32, #tpu.memory_space<vmem>> -> memref<1x1x40x64xf32, #tpu.memory_space<vmem>>
        %dma_start3A_535 = tpu.memref_squeeze %dma_start3A_534 : memref<1x1x40x64xf32, #tpu.memory_space<vmem>> -> memref<40x64xf32, #tpu.memory_space<vmem>>
        %dma_start3A_536 = arith.constant 0 : i32
        %dma_start3A_537 = tpu.memref_slice %arg2[%add3A_529, %dma_start3A_536] : memref<320000x64xf32, #tpu.memory_space<hbm>> -> memref<40x64xf32, #tpu.memory_space<hbm>>
        %dma_start3A_538 = arith.constant 0 : i32
        %dma_start3A_539 = arith.constant 0 : i32
        %dma_start3A_540 = tpu.memref_slice %arg11[%dma_start3A_530, %dma_start3A_531, %dma_start3A_538, %dma_start3A_539] : memref<2x5x40x64xf32, #tpu.memory_space<vmem>> -> memref<1x1x40x64xf32, #tpu.memory_space<vmem>>
        %dma_start3A_541 = tpu.memref_squeeze %dma_start3A_540 : memref<1x1x40x64xf32, #tpu.memory_space<vmem>> -> memref<40x64xf32, #tpu.memory_space<vmem>>
        %dma_start3A_542 = arith.constant 0 : i32
        %dma_start3A_543 = tpu.memref_slice %arg2[%add3A_529, %dma_start3A_542] : memref<320000x64xf32, #tpu.memory_space<hbm>> -> memref<40x64xf32, #tpu.memory_space<hbm>>
        tpu.enqueue_dma source(%dma_start3A_543 : memref<40x64xf32, #tpu.memory_space<hbm>>) target(%dma_start3A_541 : memref<40x64xf32, #tpu.memory_space<vmem>>) target_semaphore(%arg17 : memref<!tpu.dma_semaphore, #tpu.memory_space<semaphore_mem>>)
        %add3A_544 = arith.addi %mul3A_4, %mul3A_377 : i32
        %add3A_545 = arith.constant 120 : i32
        %add3A_546 = arith.addi %add3A_544, %add3A_545 : i32
        %dma_start3A_547 = arith.constant 1 : i32
        %dma_start3A_548 = arith.constant 3 : i32
        %dma_start3A_549 = arith.constant 0 : i32
        %dma_start3A_550 = arith.constant 0 : i32
        %dma_start3A_551 = tpu.memref_slice %arg11[%dma_start3A_547, %dma_start3A_548, %dma_start3A_549, %dma_start3A_550] : memref<2x5x40x64xf32, #tpu.memory_space<vmem>> -> memref<1x1x40x64xf32, #tpu.memory_space<vmem>>
        %dma_start3A_552 = tpu.memref_squeeze %dma_start3A_551 : memref<1x1x40x64xf32, #tpu.memory_space<vmem>> -> memref<40x64xf32, #tpu.memory_space<vmem>>
        %dma_start3A_553 = arith.constant 0 : i32
        %dma_start3A_554 = tpu.memref_slice %arg2[%add3A_546, %dma_start3A_553] : memref<320000x64xf32, #tpu.memory_space<hbm>> -> memref<40x64xf32, #tpu.memory_space<hbm>>
        %dma_start3A_555 = arith.constant 0 : i32
        %dma_start3A_556 = arith.constant 0 : i32
        %dma_start3A_557 = tpu.memref_slice %arg11[%dma_start3A_547, %dma_start3A_548, %dma_start3A_555, %dma_start3A_556] : memref<2x5x40x64xf32, #tpu.memory_space<vmem>> -> memref<1x1x40x64xf32, #tpu.memory_space<vmem>>
        %dma_start3A_558 = tpu.memref_squeeze %dma_start3A_557 : memref<1x1x40x64xf32, #tpu.memory_space<vmem>> -> memref<40x64xf32, #tpu.memory_space<vmem>>
        %dma_start3A_559 = arith.constant 0 : i32
        %dma_start3A_560 = tpu.memref_slice %arg2[%add3A_546, %dma_start3A_559] : memref<320000x64xf32, #tpu.memory_space<hbm>> -> memref<40x64xf32, #tpu.memory_space<hbm>>
        tpu.enqueue_dma source(%dma_start3A_560 : memref<40x64xf32, #tpu.memory_space<hbm>>) target(%dma_start3A_558 : memref<40x64xf32, #tpu.memory_space<vmem>>) target_semaphore(%arg17 : memref<!tpu.dma_semaphore, #tpu.memory_space<semaphore_mem>>)
        %add3A_561 = arith.addi %mul3A_4, %mul3A_377 : i32
        %add3A_562 = arith.constant 160 : i32
        %add3A_563 = arith.addi %add3A_561, %add3A_562 : i32
        %dma_start3A_564 = arith.constant 1 : i32
        %dma_start3A_565 = arith.constant 4 : i32
        %dma_start3A_566 = arith.constant 0 : i32
        %dma_start3A_567 = arith.constant 0 : i32
        %dma_start3A_568 = tpu.memref_slice %arg11[%dma_start3A_564, %dma_start3A_565, %dma_start3A_566, %dma_start3A_567] : memref<2x5x40x64xf32, #tpu.memory_space<vmem>> -> memref<1x1x40x64xf32, #tpu.memory_space<vmem>>
        %dma_start3A_569 = tpu.memref_squeeze %dma_start3A_568 : memref<1x1x40x64xf32, #tpu.memory_space<vmem>> -> memref<40x64xf32, #tpu.memory_space<vmem>>
        %dma_start3A_570 = arith.constant 0 : i32
        %dma_start3A_571 = tpu.memref_slice %arg2[%add3A_563, %dma_start3A_570] : memref<320000x64xf32, #tpu.memory_space<hbm>> -> memref<40x64xf32, #tpu.memory_space<hbm>>
        %dma_start3A_572 = arith.constant 0 : i32
        %dma_start3A_573 = arith.constant 0 : i32
        %dma_start3A_574 = tpu.memref_slice %arg11[%dma_start3A_564, %dma_start3A_565, %dma_start3A_572, %dma_start3A_573] : memref<2x5x40x64xf32, #tpu.memory_space<vmem>> -> memref<1x1x40x64xf32, #tpu.memory_space<vmem>>
        %dma_start3A_575 = tpu.memref_squeeze %dma_start3A_574 : memref<1x1x40x64xf32, #tpu.memory_space<vmem>> -> memref<40x64xf32, #tpu.memory_space<vmem>>
        %dma_start3A_576 = arith.constant 0 : i32
        %dma_start3A_577 = tpu.memref_slice %arg2[%add3A_563, %dma_start3A_576] : memref<320000x64xf32, #tpu.memory_space<hbm>> -> memref<40x64xf32, #tpu.memory_space<hbm>>
        tpu.enqueue_dma source(%dma_start3A_577 : memref<40x64xf32, #tpu.memory_space<hbm>>) target(%dma_start3A_575 : memref<40x64xf32, #tpu.memory_space<vmem>>) target_semaphore(%arg17 : memref<!tpu.dma_semaphore, #tpu.memory_space<semaphore_mem>>)
        %dma_wait3A_578 = arith.constant 1 : i32
        %dma_wait3A_579 = arith.constant 0 : i32
        %dma_wait3A_580 = arith.constant 0 : i32
        %dma_wait3A_581 = arith.constant 0 : i32
        %dma_wait3A_582 = tpu.memref_slice %arg11[%dma_wait3A_578, %dma_wait3A_579, %dma_wait3A_580, %dma_wait3A_581] : memref<2x5x40x64xf32, #tpu.memory_space<vmem>> -> memref<1x1x40x64xf32, #tpu.memory_space<vmem>>
        %dma_wait3A_583 = tpu.memref_squeeze %dma_wait3A_582 : memref<1x1x40x64xf32, #tpu.memory_space<vmem>> -> memref<40x64xf32, #tpu.memory_space<vmem>>
        %dma_wait3A_584 = arith.constant 0 : i32
        %dma_wait3A_585 = tpu.memref_slice %arg2[%add3A_495, %dma_wait3A_584] : memref<320000x64xf32, #tpu.memory_space<hbm>> -> memref<40x64xf32, #tpu.memory_space<hbm>>
        %dma_wait3A_586 = arith.constant 0 : i32
        %dma_wait3A_587 = arith.constant 0 : i32
        %dma_wait3A_588 = tpu.memref_slice %arg11[%dma_wait3A_578, %dma_wait3A_579, %dma_wait3A_586, %dma_wait3A_587] : memref<2x5x40x64xf32, #tpu.memory_space<vmem>> -> memref<1x1x40x64xf32, #tpu.memory_space<vmem>>
        %dma_wait3A_589 = tpu.memref_squeeze %dma_wait3A_588 : memref<1x1x40x64xf32, #tpu.memory_space<vmem>> -> memref<40x64xf32, #tpu.memory_space<vmem>>
        %dma_wait3A_590 = arith.constant 0 : i32
        %dma_wait3A_591 = tpu.memref_slice %arg2[%add3A_495, %dma_wait3A_590] : memref<320000x64xf32, #tpu.memory_space<hbm>> -> memref<40x64xf32, #tpu.memory_space<hbm>>
        tpu.wait_dma2 semaphore(%arg17 : memref<!tpu.dma_semaphore, #tpu.memory_space<semaphore_mem>>) src(%dma_wait3A_591 : memref<40x64xf32, #tpu.memory_space<hbm>>) dst(%dma_wait3A_589 : memref<40x64xf32, #tpu.memory_space<vmem>>)
        %dma_wait3A_592 = arith.constant 1 : i32
        %dma_wait3A_593 = arith.constant 1 : i32
        %dma_wait3A_594 = arith.constant 0 : i32
        %dma_wait3A_595 = arith.constant 0 : i32
        %dma_wait3A_596 = tpu.memref_slice %arg11[%dma_wait3A_592, %dma_wait3A_593, %dma_wait3A_594, %dma_wait3A_595] : memref<2x5x40x64xf32, #tpu.memory_space<vmem>> -> memref<1x1x40x64xf32, #tpu.memory_space<vmem>>
        %dma_wait3A_597 = tpu.memref_squeeze %dma_wait3A_596 : memref<1x1x40x64xf32, #tpu.memory_space<vmem>> -> memref<40x64xf32, #tpu.memory_space<vmem>>
        %dma_wait3A_598 = arith.constant 0 : i32
        %dma_wait3A_599 = tpu.memref_slice %arg2[%add3A_512, %dma_wait3A_598] : memref<320000x64xf32, #tpu.memory_space<hbm>> -> memref<40x64xf32, #tpu.memory_space<hbm>>
        %dma_wait3A_600 = arith.constant 0 : i32
        %dma_wait3A_601 = arith.constant 0 : i32
        %dma_wait3A_602 = tpu.memref_slice %arg11[%dma_wait3A_592, %dma_wait3A_593, %dma_wait3A_600, %dma_wait3A_601] : memref<2x5x40x64xf32, #tpu.memory_space<vmem>> -> memref<1x1x40x64xf32, #tpu.memory_space<vmem>>
        %dma_wait3A_603 = tpu.memref_squeeze %dma_wait3A_602 : memref<1x1x40x64xf32, #tpu.memory_space<vmem>> -> memref<40x64xf32, #tpu.memory_space<vmem>>
        %dma_wait3A_604 = arith.constant 0 : i32
        %dma_wait3A_605 = tpu.memref_slice %arg2[%add3A_512, %dma_wait3A_604] : memref<320000x64xf32, #tpu.memory_space<hbm>> -> memref<40x64xf32, #tpu.memory_space<hbm>>
        tpu.wait_dma2 semaphore(%arg17 : memref<!tpu.dma_semaphore, #tpu.memory_space<semaphore_mem>>) src(%dma_wait3A_605 : memref<40x64xf32, #tpu.memory_space<hbm>>) dst(%dma_wait3A_603 : memref<40x64xf32, #tpu.memory_space<vmem>>)
        %dma_wait3A_606 = arith.constant 1 : i32
        %dma_wait3A_607 = arith.constant 2 : i32
        %dma_wait3A_608 = arith.constant 0 : i32
        %dma_wait3A_609 = arith.constant 0 : i32
        %dma_wait3A_610 = tpu.memref_slice %arg11[%dma_wait3A_606, %dma_wait3A_607, %dma_wait3A_608, %dma_wait3A_609] : memref<2x5x40x64xf32, #tpu.memory_space<vmem>> -> memref<1x1x40x64xf32, #tpu.memory_space<vmem>>
        %dma_wait3A_611 = tpu.memref_squeeze %dma_wait3A_610 : memref<1x1x40x64xf32, #tpu.memory_space<vmem>> -> memref<40x64xf32, #tpu.memory_space<vmem>>
        %dma_wait3A_612 = arith.constant 0 : i32
        %dma_wait3A_613 = tpu.memref_slice %arg2[%add3A_529, %dma_wait3A_612] : memref<320000x64xf32, #tpu.memory_space<hbm>> -> memref<40x64xf32, #tpu.memory_space<hbm>>
        %dma_wait3A_614 = arith.constant 0 : i32
        %dma_wait3A_615 = arith.constant 0 : i32
        %dma_wait3A_616 = tpu.memref_slice %arg11[%dma_wait3A_606, %dma_wait3A_607, %dma_wait3A_614, %dma_wait3A_615] : memref<2x5x40x64xf32, #tpu.memory_space<vmem>> -> memref<1x1x40x64xf32, #tpu.memory_space<vmem>>
        %dma_wait3A_617 = tpu.memref_squeeze %dma_wait3A_616 : memref<1x1x40x64xf32, #tpu.memory_space<vmem>> -> memref<40x64xf32, #tpu.memory_space<vmem>>
        %dma_wait3A_618 = arith.constant 0 : i32
        %dma_wait3A_619 = tpu.memref_slice %arg2[%add3A_529, %dma_wait3A_618] : memref<320000x64xf32, #tpu.memory_space<hbm>> -> memref<40x64xf32, #tpu.memory_space<hbm>>
        tpu.wait_dma2 semaphore(%arg17 : memref<!tpu.dma_semaphore, #tpu.memory_space<semaphore_mem>>) src(%dma_wait3A_619 : memref<40x64xf32, #tpu.memory_space<hbm>>) dst(%dma_wait3A_617 : memref<40x64xf32, #tpu.memory_space<vmem>>)
        %dma_wait3A_620 = arith.constant 1 : i32
        %dma_wait3A_621 = arith.constant 3 : i32
        %dma_wait3A_622 = arith.constant 0 : i32
        %dma_wait3A_623 = arith.constant 0 : i32
        %dma_wait3A_624 = tpu.memref_slice %arg11[%dma_wait3A_620, %dma_wait3A_621, %dma_wait3A_622, %dma_wait3A_623] : memref<2x5x40x64xf32, #tpu.memory_space<vmem>> -> memref<1x1x40x64xf32, #tpu.memory_space<vmem>>
        %dma_wait3A_625 = tpu.memref_squeeze %dma_wait3A_624 : memref<1x1x40x64xf32, #tpu.memory_space<vmem>> -> memref<40x64xf32, #tpu.memory_space<vmem>>
        %dma_wait3A_626 = arith.constant 0 : i32
        %dma_wait3A_627 = tpu.memref_slice %arg2[%add3A_546, %dma_wait3A_626] : memref<320000x64xf32, #tpu.memory_space<hbm>> -> memref<40x64xf32, #tpu.memory_space<hbm>>
        %dma_wait3A_628 = arith.constant 0 : i32
        %dma_wait3A_629 = arith.constant 0 : i32
        %dma_wait3A_630 = tpu.memref_slice %arg11[%dma_wait3A_620, %dma_wait3A_621, %dma_wait3A_628, %dma_wait3A_629] : memref<2x5x40x64xf32, #tpu.memory_space<vmem>> -> memref<1x1x40x64xf32, #tpu.memory_space<vmem>>
        %dma_wait3A_631 = tpu.memref_squeeze %dma_wait3A_630 : memref<1x1x40x64xf32, #tpu.memory_space<vmem>> -> memref<40x64xf32, #tpu.memory_space<vmem>>
        %dma_wait3A_632 = arith.constant 0 : i32
        %dma_wait3A_633 = tpu.memref_slice %arg2[%add3A_546, %dma_wait3A_632] : memref<320000x64xf32, #tpu.memory_space<hbm>> -> memref<40x64xf32, #tpu.memory_space<hbm>>
        tpu.wait_dma2 semaphore(%arg17 : memref<!tpu.dma_semaphore, #tpu.memory_space<semaphore_mem>>) src(%dma_wait3A_633 : memref<40x64xf32, #tpu.memory_space<hbm>>) dst(%dma_wait3A_631 : memref<40x64xf32, #tpu.memory_space<vmem>>)
        %dma_wait3A_634 = arith.constant 1 : i32
        %dma_wait3A_635 = arith.constant 4 : i32
        %dma_wait3A_636 = arith.constant 0 : i32
        %dma_wait3A_637 = arith.constant 0 : i32
        %dma_wait3A_638 = tpu.memref_slice %arg11[%dma_wait3A_634, %dma_wait3A_635, %dma_wait3A_636, %dma_wait3A_637] : memref<2x5x40x64xf32, #tpu.memory_space<vmem>> -> memref<1x1x40x64xf32, #tpu.memory_space<vmem>>
        %dma_wait3A_639 = tpu.memref_squeeze %dma_wait3A_638 : memref<1x1x40x64xf32, #tpu.memory_space<vmem>> -> memref<40x64xf32, #tpu.memory_space<vmem>>
        %dma_wait3A_640 = arith.constant 0 : i32
        %dma_wait3A_641 = tpu.memref_slice %arg2[%add3A_563, %dma_wait3A_640] : memref<320000x64xf32, #tpu.memory_space<hbm>> -> memref<40x64xf32, #tpu.memory_space<hbm>>
        %dma_wait3A_642 = arith.constant 0 : i32
        %dma_wait3A_643 = arith.constant 0 : i32
        %dma_wait3A_644 = tpu.memref_slice %arg11[%dma_wait3A_634, %dma_wait3A_635, %dma_wait3A_642, %dma_wait3A_643] : memref<2x5x40x64xf32, #tpu.memory_space<vmem>> -> memref<1x1x40x64xf32, #tpu.memory_space<vmem>>
        %dma_wait3A_645 = tpu.memref_squeeze %dma_wait3A_644 : memref<1x1x40x64xf32, #tpu.memory_space<vmem>> -> memref<40x64xf32, #tpu.memory_space<vmem>>
        %dma_wait3A_646 = arith.constant 0 : i32
        %dma_wait3A_647 = tpu.memref_slice %arg2[%add3A_563, %dma_wait3A_646] : memref<320000x64xf32, #tpu.memory_space<hbm>> -> memref<40x64xf32, #tpu.memory_space<hbm>>
        tpu.wait_dma2 semaphore(%arg17 : memref<!tpu.dma_semaphore, #tpu.memory_space<semaphore_mem>>) src(%dma_wait3A_647 : memref<40x64xf32, #tpu.memory_space<hbm>>) dst(%dma_wait3A_645 : memref<40x64xf32, #tpu.memory_space<vmem>>)
      } else {
      }
      %eq3A_383 = arith.constant 1 : i32
      %eq3A_384 = arith.cmpi eq, %arg0, %eq3A_383 : i32
      %convert_element_type3A_385 = arith.extui %eq3A_384 : i1 to i32
      %cond3A_386 = arith.constant 0 : i32
      %cond3A_387 = arith.cmpi ne, %convert_element_type3A_385, %cond3A_386 : i32
      scf.if %cond3A_387 {
        %add3A_493 = arith.addi %mul3A_4, %mul3A_377 : i32
        %add3A_494 = arith.constant 0 : i32
        %add3A_495 = arith.addi %add3A_493, %add3A_494 : i32
        %dma_start3A_496 = arith.constant 1 : i32
        %dma_start3A_497 = arith.constant 0 : i32
        %dma_start3A_498 = arith.constant 0 : i32
        %dma_start3A_499 = arith.constant 0 : i32
        %dma_start3A_500 = tpu.memref_slice %arg11[%dma_start3A_496, %dma_start3A_497, %dma_start3A_498, %dma_start3A_499] : memref<2x5x40x64xf32, #tpu.memory_space<vmem>> -> memref<1x1x40x64xf32, #tpu.memory_space<vmem>>
        %dma_start3A_501 = tpu.memref_squeeze %dma_start3A_500 : memref<1x1x40x64xf32, #tpu.memory_space<vmem>> -> memref<40x64xf32, #tpu.memory_space<vmem>>
        %dma_start3A_502 = arith.constant 0 : i32
        %dma_start3A_503 = tpu.memref_slice %arg3[%add3A_495, %dma_start3A_502] : memref<320000x64xf32, #tpu.memory_space<hbm>> -> memref<40x64xf32, #tpu.memory_space<hbm>>
        %dma_start3A_504 = arith.constant 0 : i32
        %dma_start3A_505 = arith.constant 0 : i32
        %dma_start3A_506 = tpu.memref_slice %arg11[%dma_start3A_496, %dma_start3A_497, %dma_start3A_504, %dma_start3A_505] : memref<2x5x40x64xf32, #tpu.memory_space<vmem>> -> memref<1x1x40x64xf32, #tpu.memory_space<vmem>>
        %dma_start3A_507 = tpu.memref_squeeze %dma_start3A_506 : memref<1x1x40x64xf32, #tpu.memory_space<vmem>> -> memref<40x64xf32, #tpu.memory_space<vmem>>
        %dma_start3A_508 = arith.constant 0 : i32
        %dma_start3A_509 = tpu.memref_slice %arg3[%add3A_495, %dma_start3A_508] : memref<320000x64xf32, #tpu.memory_space<hbm>> -> memref<40x64xf32, #tpu.memory_space<hbm>>
        tpu.enqueue_dma source(%dma_start3A_509 : memref<40x64xf32, #tpu.memory_space<hbm>>) target(%dma_start3A_507 : memref<40x64xf32, #tpu.memory_space<vmem>>) target_semaphore(%arg17 : memref<!tpu.dma_semaphore, #tpu.memory_space<semaphore_mem>>)
        %add3A_510 = arith.addi %mul3A_4, %mul3A_377 : i32
        %add3A_511 = arith.constant 40 : i32
        %add3A_512 = arith.addi %add3A_510, %add3A_511 : i32
        %dma_start3A_513 = arith.constant 1 : i32
        %dma_start3A_514 = arith.constant 1 : i32
        %dma_start3A_515 = arith.constant 0 : i32
        %dma_start3A_516 = arith.constant 0 : i32
        %dma_start3A_517 = tpu.memref_slice %arg11[%dma_start3A_513, %dma_start3A_514, %dma_start3A_515, %dma_start3A_516] : memref<2x5x40x64xf32, #tpu.memory_space<vmem>> -> memref<1x1x40x64xf32, #tpu.memory_space<vmem>>
        %dma_start3A_518 = tpu.memref_squeeze %dma_start3A_517 : memref<1x1x40x64xf32, #tpu.memory_space<vmem>> -> memref<40x64xf32, #tpu.memory_space<vmem>>
        %dma_start3A_519 = arith.constant 0 : i32
        %dma_start3A_520 = tpu.memref_slice %arg3[%add3A_512, %dma_start3A_519] : memref<320000x64xf32, #tpu.memory_space<hbm>> -> memref<40x64xf32, #tpu.memory_space<hbm>>
        %dma_start3A_521 = arith.constant 0 : i32
        %dma_start3A_522 = arith.constant 0 : i32
        %dma_start3A_523 = tpu.memref_slice %arg11[%dma_start3A_513, %dma_start3A_514, %dma_start3A_521, %dma_start3A_522] : memref<2x5x40x64xf32, #tpu.memory_space<vmem>> -> memref<1x1x40x64xf32, #tpu.memory_space<vmem>>
        %dma_start3A_524 = tpu.memref_squeeze %dma_start3A_523 : memref<1x1x40x64xf32, #tpu.memory_space<vmem>> -> memref<40x64xf32, #tpu.memory_space<vmem>>
        %dma_start3A_525 = arith.constant 0 : i32
        %dma_start3A_526 = tpu.memref_slice %arg3[%add3A_512, %dma_start3A_525] : memref<320000x64xf32, #tpu.memory_space<hbm>> -> memref<40x64xf32, #tpu.memory_space<hbm>>
        tpu.enqueue_dma source(%dma_start3A_526 : memref<40x64xf32, #tpu.memory_space<hbm>>) target(%dma_start3A_524 : memref<40x64xf32, #tpu.memory_space<vmem>>) target_semaphore(%arg17 : memref<!tpu.dma_semaphore, #tpu.memory_space<semaphore_mem>>)
        %add3A_527 = arith.addi %mul3A_4, %mul3A_377 : i32
        %add3A_528 = arith.constant 80 : i32
        %add3A_529 = arith.addi %add3A_527, %add3A_528 : i32
        %dma_start3A_530 = arith.constant 1 : i32
        %dma_start3A_531 = arith.constant 2 : i32
        %dma_start3A_532 = arith.constant 0 : i32
        %dma_start3A_533 = arith.constant 0 : i32
        %dma_start3A_534 = tpu.memref_slice %arg11[%dma_start3A_530, %dma_start3A_531, %dma_start3A_532, %dma_start3A_533] : memref<2x5x40x64xf32, #tpu.memory_space<vmem>> -> memref<1x1x40x64xf32, #tpu.memory_space<vmem>>
        %dma_start3A_535 = tpu.memref_squeeze %dma_start3A_534 : memref<1x1x40x64xf32, #tpu.memory_space<vmem>> -> memref<40x64xf32, #tpu.memory_space<vmem>>
        %dma_start3A_536 = arith.constant 0 : i32
        %dma_start3A_537 = tpu.memref_slice %arg3[%add3A_529, %dma_start3A_536] : memref<320000x64xf32, #tpu.memory_space<hbm>> -> memref<40x64xf32, #tpu.memory_space<hbm>>
        %dma_start3A_538 = arith.constant 0 : i32
        %dma_start3A_539 = arith.constant 0 : i32
        %dma_start3A_540 = tpu.memref_slice %arg11[%dma_start3A_530, %dma_start3A_531, %dma_start3A_538, %dma_start3A_539] : memref<2x5x40x64xf32, #tpu.memory_space<vmem>> -> memref<1x1x40x64xf32, #tpu.memory_space<vmem>>
        %dma_start3A_541 = tpu.memref_squeeze %dma_start3A_540 : memref<1x1x40x64xf32, #tpu.memory_space<vmem>> -> memref<40x64xf32, #tpu.memory_space<vmem>>
        %dma_start3A_542 = arith.constant 0 : i32
        %dma_start3A_543 = tpu.memref_slice %arg3[%add3A_529, %dma_start3A_542] : memref<320000x64xf32, #tpu.memory_space<hbm>> -> memref<40x64xf32, #tpu.memory_space<hbm>>
        tpu.enqueue_dma source(%dma_start3A_543 : memref<40x64xf32, #tpu.memory_space<hbm>>) target(%dma_start3A_541 : memref<40x64xf32, #tpu.memory_space<vmem>>) target_semaphore(%arg17 : memref<!tpu.dma_semaphore, #tpu.memory_space<semaphore_mem>>)
        %add3A_544 = arith.addi %mul3A_4, %mul3A_377 : i32
        %add3A_545 = arith.constant 120 : i32
        %add3A_546 = arith.addi %add3A_544, %add3A_545 : i32
        %dma_start3A_547 = arith.constant 1 : i32
        %dma_start3A_548 = arith.constant 3 : i32
        %dma_start3A_549 = arith.constant 0 : i32
        %dma_start3A_550 = arith.constant 0 : i32
        %dma_start3A_551 = tpu.memref_slice %arg11[%dma_start3A_547, %dma_start3A_548, %dma_start3A_549, %dma_start3A_550] : memref<2x5x40x64xf32, #tpu.memory_space<vmem>> -> memref<1x1x40x64xf32, #tpu.memory_space<vmem>>
        %dma_start3A_552 = tpu.memref_squeeze %dma_start3A_551 : memref<1x1x40x64xf32, #tpu.memory_space<vmem>> -> memref<40x64xf32, #tpu.memory_space<vmem>>
        %dma_start3A_553 = arith.constant 0 : i32
        %dma_start3A_554 = tpu.memref_slice %arg3[%add3A_546, %dma_start3A_553] : memref<320000x64xf32, #tpu.memory_space<hbm>> -> memref<40x64xf32, #tpu.memory_space<hbm>>
        %dma_start3A_555 = arith.constant 0 : i32
        %dma_start3A_556 = arith.constant 0 : i32
        %dma_start3A_557 = tpu.memref_slice %arg11[%dma_start3A_547, %dma_start3A_548, %dma_start3A_555, %dma_start3A_556] : memref<2x5x40x64xf32, #tpu.memory_space<vmem>> -> memref<1x1x40x64xf32, #tpu.memory_space<vmem>>
        %dma_start3A_558 = tpu.memref_squeeze %dma_start3A_557 : memref<1x1x40x64xf32, #tpu.memory_space<vmem>> -> memref<40x64xf32, #tpu.memory_space<vmem>>
        %dma_start3A_559 = arith.constant 0 : i32
        %dma_start3A_560 = tpu.memref_slice %arg3[%add3A_546, %dma_start3A_559] : memref<320000x64xf32, #tpu.memory_space<hbm>> -> memref<40x64xf32, #tpu.memory_space<hbm>>
        tpu.enqueue_dma source(%dma_start3A_560 : memref<40x64xf32, #tpu.memory_space<hbm>>) target(%dma_start3A_558 : memref<40x64xf32, #tpu.memory_space<vmem>>) target_semaphore(%arg17 : memref<!tpu.dma_semaphore, #tpu.memory_space<semaphore_mem>>)
        %add3A_561 = arith.addi %mul3A_4, %mul3A_377 : i32
        %add3A_562 = arith.constant 160 : i32
        %add3A_563 = arith.addi %add3A_561, %add3A_562 : i32
        %dma_start3A_564 = arith.constant 1 : i32
        %dma_start3A_565 = arith.constant 4 : i32
        %dma_start3A_566 = arith.constant 0 : i32
        %dma_start3A_567 = arith.constant 0 : i32
        %dma_start3A_568 = tpu.memref_slice %arg11[%dma_start3A_564, %dma_start3A_565, %dma_start3A_566, %dma_start3A_567] : memref<2x5x40x64xf32, #tpu.memory_space<vmem>> -> memref<1x1x40x64xf32, #tpu.memory_space<vmem>>
        %dma_start3A_569 = tpu.memref_squeeze %dma_start3A_568 : memref<1x1x40x64xf32, #tpu.memory_space<vmem>> -> memref<40x64xf32, #tpu.memory_space<vmem>>
        %dma_start3A_570 = arith.constant 0 : i32
        %dma_start3A_571 = tpu.memref_slice %arg3[%add3A_563, %dma_start3A_570] : memref<320000x64xf32, #tpu.memory_space<hbm>> -> memref<40x64xf32, #tpu.memory_space<hbm>>
        %dma_start3A_572 = arith.constant 0 : i32
        %dma_start3A_573 = arith.constant 0 : i32
        %dma_start3A_574 = tpu.memref_slice %arg11[%dma_start3A_564, %dma_start3A_565, %dma_start3A_572, %dma_start3A_573] : memref<2x5x40x64xf32, #tpu.memory_space<vmem>> -> memref<1x1x40x64xf32, #tpu.memory_space<vmem>>
        %dma_start3A_575 = tpu.memref_squeeze %dma_start3A_574 : memref<1x1x40x64xf32, #tpu.memory_space<vmem>> -> memref<40x64xf32, #tpu.memory_space<vmem>>
        %dma_start3A_576 = arith.constant 0 : i32
        %dma_start3A_577 = tpu.memref_slice %arg3[%add3A_563, %dma_start3A_576] : memref<320000x64xf32, #tpu.memory_space<hbm>> -> memref<40x64xf32, #tpu.memory_space<hbm>>
        tpu.enqueue_dma source(%dma_start3A_577 : memref<40x64xf32, #tpu.memory_space<hbm>>) target(%dma_start3A_575 : memref<40x64xf32, #tpu.memory_space<vmem>>) target_semaphore(%arg17 : memref<!tpu.dma_semaphore, #tpu.memory_space<semaphore_mem>>)
        %dma_wait3A_578 = arith.constant 1 : i32
        %dma_wait3A_579 = arith.constant 0 : i32
        %dma_wait3A_580 = arith.constant 0 : i32
        %dma_wait3A_581 = arith.constant 0 : i32
        %dma_wait3A_582 = tpu.memref_slice %arg11[%dma_wait3A_578, %dma_wait3A_579, %dma_wait3A_580, %dma_wait3A_581] : memref<2x5x40x64xf32, #tpu.memory_space<vmem>> -> memref<1x1x40x64xf32, #tpu.memory_space<vmem>>
        %dma_wait3A_583 = tpu.memref_squeeze %dma_wait3A_582 : memref<1x1x40x64xf32, #tpu.memory_space<vmem>> -> memref<40x64xf32, #tpu.memory_space<vmem>>
        %dma_wait3A_584 = arith.constant 0 : i32
        %dma_wait3A_585 = tpu.memref_slice %arg3[%add3A_495, %dma_wait3A_584] : memref<320000x64xf32, #tpu.memory_space<hbm>> -> memref<40x64xf32, #tpu.memory_space<hbm>>
        %dma_wait3A_586 = arith.constant 0 : i32
        %dma_wait3A_587 = arith.constant 0 : i32
        %dma_wait3A_588 = tpu.memref_slice %arg11[%dma_wait3A_578, %dma_wait3A_579, %dma_wait3A_586, %dma_wait3A_587] : memref<2x5x40x64xf32, #tpu.memory_space<vmem>> -> memref<1x1x40x64xf32, #tpu.memory_space<vmem>>
        %dma_wait3A_589 = tpu.memref_squeeze %dma_wait3A_588 : memref<1x1x40x64xf32, #tpu.memory_space<vmem>> -> memref<40x64xf32, #tpu.memory_space<vmem>>
        %dma_wait3A_590 = arith.constant 0 : i32
        %dma_wait3A_591 = tpu.memref_slice %arg3[%add3A_495, %dma_wait3A_590] : memref<320000x64xf32, #tpu.memory_space<hbm>> -> memref<40x64xf32, #tpu.memory_space<hbm>>
        tpu.wait_dma2 semaphore(%arg17 : memref<!tpu.dma_semaphore, #tpu.memory_space<semaphore_mem>>) src(%dma_wait3A_591 : memref<40x64xf32, #tpu.memory_space<hbm>>) dst(%dma_wait3A_589 : memref<40x64xf32, #tpu.memory_space<vmem>>)
        %dma_wait3A_592 = arith.constant 1 : i32
        %dma_wait3A_593 = arith.constant 1 : i32
        %dma_wait3A_594 = arith.constant 0 : i32
        %dma_wait3A_595 = arith.constant 0 : i32
        %dma_wait3A_596 = tpu.memref_slice %arg11[%dma_wait3A_592, %dma_wait3A_593, %dma_wait3A_594, %dma_wait3A_595] : memref<2x5x40x64xf32, #tpu.memory_space<vmem>> -> memref<1x1x40x64xf32, #tpu.memory_space<vmem>>
        %dma_wait3A_597 = tpu.memref_squeeze %dma_wait3A_596 : memref<1x1x40x64xf32, #tpu.memory_space<vmem>> -> memref<40x64xf32, #tpu.memory_space<vmem>>
        %dma_wait3A_598 = arith.constant 0 : i32
        %dma_wait3A_599 = tpu.memref_slice %arg3[%add3A_512, %dma_wait3A_598] : memref<320000x64xf32, #tpu.memory_space<hbm>> -> memref<40x64xf32, #tpu.memory_space<hbm>>
        %dma_wait3A_600 = arith.constant 0 : i32
        %dma_wait3A_601 = arith.constant 0 : i32
        %dma_wait3A_602 = tpu.memref_slice %arg11[%dma_wait3A_592, %dma_wait3A_593, %dma_wait3A_600, %dma_wait3A_601] : memref<2x5x40x64xf32, #tpu.memory_space<vmem>> -> memref<1x1x40x64xf32, #tpu.memory_space<vmem>>
        %dma_wait3A_603 = tpu.memref_squeeze %dma_wait3A_602 : memref<1x1x40x64xf32, #tpu.memory_space<vmem>> -> memref<40x64xf32, #tpu.memory_space<vmem>>
        %dma_wait3A_604 = arith.constant 0 : i32
        %dma_wait3A_605 = tpu.memref_slice %arg3[%add3A_512, %dma_wait3A_604] : memref<320000x64xf32, #tpu.memory_space<hbm>> -> memref<40x64xf32, #tpu.memory_space<hbm>>
        tpu.wait_dma2 semaphore(%arg17 : memref<!tpu.dma_semaphore, #tpu.memory_space<semaphore_mem>>) src(%dma_wait3A_605 : memref<40x64xf32, #tpu.memory_space<hbm>>) dst(%dma_wait3A_603 : memref<40x64xf32, #tpu.memory_space<vmem>>)
        %dma_wait3A_606 = arith.constant 1 : i32
        %dma_wait3A_607 = arith.constant 2 : i32
        %dma_wait3A_608 = arith.constant 0 : i32
        %dma_wait3A_609 = arith.constant 0 : i32
        %dma_wait3A_610 = tpu.memref_slice %arg11[%dma_wait3A_606, %dma_wait3A_607, %dma_wait3A_608, %dma_wait3A_609] : memref<2x5x40x64xf32, #tpu.memory_space<vmem>> -> memref<1x1x40x64xf32, #tpu.memory_space<vmem>>
        %dma_wait3A_611 = tpu.memref_squeeze %dma_wait3A_610 : memref<1x1x40x64xf32, #tpu.memory_space<vmem>> -> memref<40x64xf32, #tpu.memory_space<vmem>>
        %dma_wait3A_612 = arith.constant 0 : i32
        %dma_wait3A_613 = tpu.memref_slice %arg3[%add3A_529, %dma_wait3A_612] : memref<320000x64xf32, #tpu.memory_space<hbm>> -> memref<40x64xf32, #tpu.memory_space<hbm>>
        %dma_wait3A_614 = arith.constant 0 : i32
        %dma_wait3A_615 = arith.constant 0 : i32
        %dma_wait3A_616 = tpu.memref_slice %arg11[%dma_wait3A_606, %dma_wait3A_607, %dma_wait3A_614, %dma_wait3A_615] : memref<2x5x40x64xf32, #tpu.memory_space<vmem>> -> memref<1x1x40x64xf32, #tpu.memory_space<vmem>>
        %dma_wait3A_617 = tpu.memref_squeeze %dma_wait3A_616 : memref<1x1x40x64xf32, #tpu.memory_space<vmem>> -> memref<40x64xf32, #tpu.memory_space<vmem>>
        %dma_wait3A_618 = arith.constant 0 : i32
        %dma_wait3A_619 = tpu.memref_slice %arg3[%add3A_529, %dma_wait3A_618] : memref<320000x64xf32, #tpu.memory_space<hbm>> -> memref<40x64xf32, #tpu.memory_space<hbm>>
        tpu.wait_dma2 semaphore(%arg17 : memref<!tpu.dma_semaphore, #tpu.memory_space<semaphore_mem>>) src(%dma_wait3A_619 : memref<40x64xf32, #tpu.memory_space<hbm>>) dst(%dma_wait3A_617 : memref<40x64xf32, #tpu.memory_space<vmem>>)
        %dma_wait3A_620 = arith.constant 1 : i32
        %dma_wait3A_621 = arith.constant 3 : i32
        %dma_wait3A_622 = arith.constant 0 : i32
        %dma_wait3A_623 = arith.constant 0 : i32
        %dma_wait3A_624 = tpu.memref_slice %arg11[%dma_wait3A_620, %dma_wait3A_621, %dma_wait3A_622, %dma_wait3A_623] : memref<2x5x40x64xf32, #tpu.memory_space<vmem>> -> memref<1x1x40x64xf32, #tpu.memory_space<vmem>>
        %dma_wait3A_625 = tpu.memref_squeeze %dma_wait3A_624 : memref<1x1x40x64xf32, #tpu.memory_space<vmem>> -> memref<40x64xf32, #tpu.memory_space<vmem>>
        %dma_wait3A_626 = arith.constant 0 : i32
        %dma_wait3A_627 = tpu.memref_slice %arg3[%add3A_546, %dma_wait3A_626] : memref<320000x64xf32, #tpu.memory_space<hbm>> -> memref<40x64xf32, #tpu.memory_space<hbm>>
        %dma_wait3A_628 = arith.constant 0 : i32
        %dma_wait3A_629 = arith.constant 0 : i32
        %dma_wait3A_630 = tpu.memref_slice %arg11[%dma_wait3A_620, %dma_wait3A_621, %dma_wait3A_628, %dma_wait3A_629] : memref<2x5x40x64xf32, #tpu.memory_space<vmem>> -> memref<1x1x40x64xf32, #tpu.memory_space<vmem>>
        %dma_wait3A_631 = tpu.memref_squeeze %dma_wait3A_630 : memref<1x1x40x64xf32, #tpu.memory_space<vmem>> -> memref<40x64xf32, #tpu.memory_space<vmem>>
        %dma_wait3A_632 = arith.constant 0 : i32
        %dma_wait3A_633 = tpu.memref_slice %arg3[%add3A_546, %dma_wait3A_632] : memref<320000x64xf32, #tpu.memory_space<hbm>> -> memref<40x64xf32, #tpu.memory_space<hbm>>
        tpu.wait_dma2 semaphore(%arg17 : memref<!tpu.dma_semaphore, #tpu.memory_space<semaphore_mem>>) src(%dma_wait3A_633 : memref<40x64xf32, #tpu.memory_space<hbm>>) dst(%dma_wait3A_631 : memref<40x64xf32, #tpu.memory_space<vmem>>)
        %dma_wait3A_634 = arith.constant 1 : i32
        %dma_wait3A_635 = arith.constant 4 : i32
        %dma_wait3A_636 = arith.constant 0 : i32
        %dma_wait3A_637 = arith.constant 0 : i32
        %dma_wait3A_638 = tpu.memref_slice %arg11[%dma_wait3A_634, %dma_wait3A_635, %dma_wait3A_636, %dma_wait3A_637] : memref<2x5x40x64xf32, #tpu.memory_space<vmem>> -> memref<1x1x40x64xf32, #tpu.memory_space<vmem>>
        %dma_wait3A_639 = tpu.memref_squeeze %dma_wait3A_638 : memref<1x1x40x64xf32, #tpu.memory_space<vmem>> -> memref<40x64xf32, #tpu.memory_space<vmem>>
        %dma_wait3A_640 = arith.constant 0 : i32
        %dma_wait3A_641 = tpu.memref_slice %arg3[%add3A_563, %dma_wait3A_640] : memref<320000x64xf32, #tpu.memory_space<hbm>> -> memref<40x64xf32, #tpu.memory_space<hbm>>
        %dma_wait3A_642 = arith.constant 0 : i32
        %dma_wait3A_643 = arith.constant 0 : i32
        %dma_wait3A_644 = tpu.memref_slice %arg11[%dma_wait3A_634, %dma_wait3A_635, %dma_wait3A_642, %dma_wait3A_643] : memref<2x5x40x64xf32, #tpu.memory_space<vmem>> -> memref<1x1x40x64xf32, #tpu.memory_space<vmem>>
        %dma_wait3A_645 = tpu.memref_squeeze %dma_wait3A_644 : memref<1x1x40x64xf32, #tpu.memory_space<vmem>> -> memref<40x64xf32, #tpu.memory_space<vmem>>
        %dma_wait3A_646 = arith.constant 0 : i32
        %dma_wait3A_647 = tpu.memref_slice %arg3[%add3A_563, %dma_wait3A_646] : memref<320000x64xf32, #tpu.memory_space<hbm>> -> memref<40x64xf32, #tpu.memory_space<hbm>>
        tpu.wait_dma2 semaphore(%arg17 : memref<!tpu.dma_semaphore, #tpu.memory_space<semaphore_mem>>) src(%dma_wait3A_647 : memref<40x64xf32, #tpu.memory_space<hbm>>) dst(%dma_wait3A_645 : memref<40x64xf32, #tpu.memory_space<vmem>>)
      } else {
      }
      %mul3A_388 = arith.constant 5 : i32
      %mul3A_389 = arith.muli %add3A_368, %mul3A_388 : i32
      %add3A_390 = arith.constant 0 : i32
      %add3A_391 = arith.addi %mul3A_389, %add3A_390 : i32
      %dma_start3A_392 = arith.constant 1 : i32
      %dma_start3A_393 = arith.constant 0 : i32
      %dma_start3A_394 = arith.constant 0 : i32
      %dma_start3A_395 = arith.constant 0 : i32
      %dma_start3A_396 = tpu.memref_slice %arg11[%dma_start3A_392, %dma_start3A_393, %dma_start3A_394, %dma_start3A_395] : memref<2x5x40x64xf32, #tpu.memory_space<vmem>> -> memref<1x1x40x64xf32, #tpu.memory_space<vmem>>
      %dma_start3A_397 = tpu.memref_squeeze %dma_start3A_396 : memref<1x1x40x64xf32, #tpu.memory_space<vmem>> -> memref<40x64xf32, #tpu.memory_space<vmem>>
      %dma_start3A_398 = arith.constant 0 : i32
      %dma_start3A_399 = tpu.memref_slice %arg10[%add3A_391, %dma_start3A_398] : memref<500x40xi32, #tpu.memory_space<vmem>> -> memref<1x40xi32, #tpu.memory_space<vmem>>
      %dma_start3A_400 = tpu.memref_squeeze %dma_start3A_399 : memref<1x40xi32, #tpu.memory_space<vmem>> -> memref<40xi32, #tpu.memory_space<vmem>>
      %dma_start3A_401 = arith.constant 0 : i32
      %dma_start3A_402 = arith.constant 0 : i32
      %dma_start3A_403 = tpu.memref_slice %arg15[%dma_start3A_401, %dma_start3A_402] : memref<10240x64xf32, #tpu.memory_space<vmem_shared>> -> memref<10240x64xf32, #tpu.memory_space<vmem_shared>>
      tpu.enqueue_indirect_dma source(%dma_start3A_397 : memref<40x64xf32, #tpu.memory_space<vmem>>) target(%dma_start3A_403 : memref<10240x64xf32, #tpu.memory_space<vmem_shared>>) offsets(%dma_start3A_400 : memref<40xi32, #tpu.memory_space<vmem>>) semaphore(%arg19 : memref<!tpu.dma_semaphore, #tpu.memory_space<semaphore_mem>>) {add = true}
      %eq3A_404 = arith.constant 0 : i32
      %eq3A_405 = arith.cmpi eq, %arg0, %eq3A_404 : i32
      %convert_element_type3A_406 = arith.extui %eq3A_405 : i1 to i32
      %cond3A_407 = arith.constant 0 : i32
      %cond3A_408 = arith.cmpi ne, %convert_element_type3A_406, %cond3A_407 : i32
      scf.if %cond3A_408 {
        %mul3A_493 = arith.constant 5 : i32
        %mul3A_494 = arith.muli %add3A_368, %mul3A_493 : i32
        %add3A_495 = arith.constant 0 : i32
        %add3A_496 = arith.addi %mul3A_494, %add3A_495 : i32
        %dma_start3A_497 = arith.constant 0 : i32
        %dma_start3A_498 = tpu.memref_slice %arg10[%add3A_496, %dma_start3A_497] : memref<500x40xi32, #tpu.memory_space<vmem>> -> memref<1x40xi32, #tpu.memory_space<vmem>>
        %dma_start3A_499 = tpu.memref_squeeze %dma_start3A_498 : memref<1x40xi32, #tpu.memory_space<vmem>> -> memref<40xi32, #tpu.memory_space<vmem>>
        %dma_start3A_500 = arith.constant 0 : i32
        %dma_start3A_501 = arith.constant 0 : i32
        %dma_start3A_502 = tpu.memref_slice %arg16[%dma_start3A_500, %dma_start3A_501] : memref<10240x16xf32, #tpu.memory_space<vmem_shared>> -> memref<10240x16xf32, #tpu.memory_space<vmem_shared>>
        tpu.enqueue_indirect_dma source(%arg12 : memref<40x16xf32, #tpu.memory_space<vmem>>) target(%dma_start3A_502 : memref<10240x16xf32, #tpu.memory_space<vmem_shared>>) offsets(%dma_start3A_499 : memref<40xi32, #tpu.memory_space<vmem>>) semaphore(%arg19 : memref<!tpu.dma_semaphore, #tpu.memory_space<semaphore_mem>>) {add = true}
      } else {
      }
      %mul3A_409 = arith.constant 5 : i32
      %mul3A_410 = arith.muli %add3A_368, %mul3A_409 : i32
      %add3A_411 = arith.constant 1 : i32
      %add3A_412 = arith.addi %mul3A_410, %add3A_411 : i32
      %dma_start3A_413 = arith.constant 1 : i32
      %dma_start3A_414 = arith.constant 1 : i32
      %dma_start3A_415 = arith.constant 0 : i32
      %dma_start3A_416 = arith.constant 0 : i32
      %dma_start3A_417 = tpu.memref_slice %arg11[%dma_start3A_413, %dma_start3A_414, %dma_start3A_415, %dma_start3A_416] : memref<2x5x40x64xf32, #tpu.memory_space<vmem>> -> memref<1x1x40x64xf32, #tpu.memory_space<vmem>>
      %dma_start3A_418 = tpu.memref_squeeze %dma_start3A_417 : memref<1x1x40x64xf32, #tpu.memory_space<vmem>> -> memref<40x64xf32, #tpu.memory_space<vmem>>
      %dma_start3A_419 = arith.constant 0 : i32
      %dma_start3A_420 = tpu.memref_slice %arg10[%add3A_412, %dma_start3A_419] : memref<500x40xi32, #tpu.memory_space<vmem>> -> memref<1x40xi32, #tpu.memory_space<vmem>>
      %dma_start3A_421 = tpu.memref_squeeze %dma_start3A_420 : memref<1x40xi32, #tpu.memory_space<vmem>> -> memref<40xi32, #tpu.memory_space<vmem>>
      %dma_start3A_422 = arith.constant 0 : i32
      %dma_start3A_423 = arith.constant 0 : i32
      %dma_start3A_424 = tpu.memref_slice %arg15[%dma_start3A_422, %dma_start3A_423] : memref<10240x64xf32, #tpu.memory_space<vmem_shared>> -> memref<10240x64xf32, #tpu.memory_space<vmem_shared>>
      tpu.enqueue_indirect_dma source(%dma_start3A_418 : memref<40x64xf32, #tpu.memory_space<vmem>>) target(%dma_start3A_424 : memref<10240x64xf32, #tpu.memory_space<vmem_shared>>) offsets(%dma_start3A_421 : memref<40xi32, #tpu.memory_space<vmem>>) semaphore(%arg19 : memref<!tpu.dma_semaphore, #tpu.memory_space<semaphore_mem>>) {add = true}
      %eq3A_425 = arith.constant 0 : i32
      %eq3A_426 = arith.cmpi eq, %arg0, %eq3A_425 : i32
      %convert_element_type3A_427 = arith.extui %eq3A_426 : i1 to i32
      %cond3A_428 = arith.constant 0 : i32
      %cond3A_429 = arith.cmpi ne, %convert_element_type3A_427, %cond3A_428 : i32
      scf.if %cond3A_429 {
        %mul3A_493 = arith.constant 5 : i32
        %mul3A_494 = arith.muli %add3A_368, %mul3A_493 : i32
        %add3A_495 = arith.constant 1 : i32
        %add3A_496 = arith.addi %mul3A_494, %add3A_495 : i32
        %dma_start3A_497 = arith.constant 0 : i32
        %dma_start3A_498 = tpu.memref_slice %arg10[%add3A_496, %dma_start3A_497] : memref<500x40xi32, #tpu.memory_space<vmem>> -> memref<1x40xi32, #tpu.memory_space<vmem>>
        %dma_start3A_499 = tpu.memref_squeeze %dma_start3A_498 : memref<1x40xi32, #tpu.memory_space<vmem>> -> memref<40xi32, #tpu.memory_space<vmem>>
        %dma_start3A_500 = arith.constant 0 : i32
        %dma_start3A_501 = arith.constant 0 : i32
        %dma_start3A_502 = tpu.memref_slice %arg16[%dma_start3A_500, %dma_start3A_501] : memref<10240x16xf32, #tpu.memory_space<vmem_shared>> -> memref<10240x16xf32, #tpu.memory_space<vmem_shared>>
        tpu.enqueue_indirect_dma source(%arg12 : memref<40x16xf32, #tpu.memory_space<vmem>>) target(%dma_start3A_502 : memref<10240x16xf32, #tpu.memory_space<vmem_shared>>) offsets(%dma_start3A_499 : memref<40xi32, #tpu.memory_space<vmem>>) semaphore(%arg19 : memref<!tpu.dma_semaphore, #tpu.memory_space<semaphore_mem>>) {add = true}
      } else {
      }
      %mul3A_430 = arith.constant 5 : i32
      %mul3A_431 = arith.muli %add3A_368, %mul3A_430 : i32
      %add3A_432 = arith.constant 2 : i32
      %add3A_433 = arith.addi %mul3A_431, %add3A_432 : i32
      %dma_start3A_434 = arith.constant 1 : i32
      %dma_start3A_435 = arith.constant 2 : i32
      %dma_start3A_436 = arith.constant 0 : i32
      %dma_start3A_437 = arith.constant 0 : i32
      %dma_start3A_438 = tpu.memref_slice %arg11[%dma_start3A_434, %dma_start3A_435, %dma_start3A_436, %dma_start3A_437] : memref<2x5x40x64xf32, #tpu.memory_space<vmem>> -> memref<1x1x40x64xf32, #tpu.memory_space<vmem>>
      %dma_start3A_439 = tpu.memref_squeeze %dma_start3A_438 : memref<1x1x40x64xf32, #tpu.memory_space<vmem>> -> memref<40x64xf32, #tpu.memory_space<vmem>>
      %dma_start3A_440 = arith.constant 0 : i32
      %dma_start3A_441 = tpu.memref_slice %arg10[%add3A_433, %dma_start3A_440] : memref<500x40xi32, #tpu.memory_space<vmem>> -> memref<1x40xi32, #tpu.memory_space<vmem>>
      %dma_start3A_442 = tpu.memref_squeeze %dma_start3A_441 : memref<1x40xi32, #tpu.memory_space<vmem>> -> memref<40xi32, #tpu.memory_space<vmem>>
      %dma_start3A_443 = arith.constant 0 : i32
      %dma_start3A_444 = arith.constant 0 : i32
      %dma_start3A_445 = tpu.memref_slice %arg15[%dma_start3A_443, %dma_start3A_444] : memref<10240x64xf32, #tpu.memory_space<vmem_shared>> -> memref<10240x64xf32, #tpu.memory_space<vmem_shared>>
      tpu.enqueue_indirect_dma source(%dma_start3A_439 : memref<40x64xf32, #tpu.memory_space<vmem>>) target(%dma_start3A_445 : memref<10240x64xf32, #tpu.memory_space<vmem_shared>>) offsets(%dma_start3A_442 : memref<40xi32, #tpu.memory_space<vmem>>) semaphore(%arg19 : memref<!tpu.dma_semaphore, #tpu.memory_space<semaphore_mem>>) {add = true}
      %eq3A_446 = arith.constant 0 : i32
      %eq3A_447 = arith.cmpi eq, %arg0, %eq3A_446 : i32
      %convert_element_type3A_448 = arith.extui %eq3A_447 : i1 to i32
      %cond3A_449 = arith.constant 0 : i32
      %cond3A_450 = arith.cmpi ne, %convert_element_type3A_448, %cond3A_449 : i32
      scf.if %cond3A_450 {
        %mul3A_493 = arith.constant 5 : i32
        %mul3A_494 = arith.muli %add3A_368, %mul3A_493 : i32
        %add3A_495 = arith.constant 2 : i32
        %add3A_496 = arith.addi %mul3A_494, %add3A_495 : i32
        %dma_start3A_497 = arith.constant 0 : i32
        %dma_start3A_498 = tpu.memref_slice %arg10[%add3A_496, %dma_start3A_497] : memref<500x40xi32, #tpu.memory_space<vmem>> -> memref<1x40xi32, #tpu.memory_space<vmem>>
        %dma_start3A_499 = tpu.memref_squeeze %dma_start3A_498 : memref<1x40xi32, #tpu.memory_space<vmem>> -> memref<40xi32, #tpu.memory_space<vmem>>
        %dma_start3A_500 = arith.constant 0 : i32
        %dma_start3A_501 = arith.constant 0 : i32
        %dma_start3A_502 = tpu.memref_slice %arg16[%dma_start3A_500, %dma_start3A_501] : memref<10240x16xf32, #tpu.memory_space<vmem_shared>> -> memref<10240x16xf32, #tpu.memory_space<vmem_shared>>
        tpu.enqueue_indirect_dma source(%arg12 : memref<40x16xf32, #tpu.memory_space<vmem>>) target(%dma_start3A_502 : memref<10240x16xf32, #tpu.memory_space<vmem_shared>>) offsets(%dma_start3A_499 : memref<40xi32, #tpu.memory_space<vmem>>) semaphore(%arg19 : memref<!tpu.dma_semaphore, #tpu.memory_space<semaphore_mem>>) {add = true}
      } else {
      }
      %mul3A_451 = arith.constant 5 : i32
      %mul3A_452 = arith.muli %add3A_368, %mul3A_451 : i32
      %add3A_453 = arith.constant 3 : i32
      %add3A_454 = arith.addi %mul3A_452, %add3A_453 : i32
      %dma_start3A_455 = arith.constant 1 : i32
      %dma_start3A_456 = arith.constant 3 : i32
      %dma_start3A_457 = arith.constant 0 : i32
      %dma_start3A_458 = arith.constant 0 : i32
      %dma_start3A_459 = tpu.memref_slice %arg11[%dma_start3A_455, %dma_start3A_456, %dma_start3A_457, %dma_start3A_458] : memref<2x5x40x64xf32, #tpu.memory_space<vmem>> -> memref<1x1x40x64xf32, #tpu.memory_space<vmem>>
      %dma_start3A_460 = tpu.memref_squeeze %dma_start3A_459 : memref<1x1x40x64xf32, #tpu.memory_space<vmem>> -> memref<40x64xf32, #tpu.memory_space<vmem>>
      %dma_start3A_461 = arith.constant 0 : i32
      %dma_start3A_462 = tpu.memref_slice %arg10[%add3A_454, %dma_start3A_461] : memref<500x40xi32, #tpu.memory_space<vmem>> -> memref<1x40xi32, #tpu.memory_space<vmem>>
      %dma_start3A_463 = tpu.memref_squeeze %dma_start3A_462 : memref<1x40xi32, #tpu.memory_space<vmem>> -> memref<40xi32, #tpu.memory_space<vmem>>
      %dma_start3A_464 = arith.constant 0 : i32
      %dma_start3A_465 = arith.constant 0 : i32
      %dma_start3A_466 = tpu.memref_slice %arg15[%dma_start3A_464, %dma_start3A_465] : memref<10240x64xf32, #tpu.memory_space<vmem_shared>> -> memref<10240x64xf32, #tpu.memory_space<vmem_shared>>
      tpu.enqueue_indirect_dma source(%dma_start3A_460 : memref<40x64xf32, #tpu.memory_space<vmem>>) target(%dma_start3A_466 : memref<10240x64xf32, #tpu.memory_space<vmem_shared>>) offsets(%dma_start3A_463 : memref<40xi32, #tpu.memory_space<vmem>>) semaphore(%arg19 : memref<!tpu.dma_semaphore, #tpu.memory_space<semaphore_mem>>) {add = true}
      %eq3A_467 = arith.constant 0 : i32
      %eq3A_468 = arith.cmpi eq, %arg0, %eq3A_467 : i32
      %convert_element_type3A_469 = arith.extui %eq3A_468 : i1 to i32
      %cond3A_470 = arith.constant 0 : i32
      %cond3A_471 = arith.cmpi ne, %convert_element_type3A_469, %cond3A_470 : i32
      scf.if %cond3A_471 {
        %mul3A_493 = arith.constant 5 : i32
        %mul3A_494 = arith.muli %add3A_368, %mul3A_493 : i32
        %add3A_495 = arith.constant 3 : i32
        %add3A_496 = arith.addi %mul3A_494, %add3A_495 : i32
        %dma_start3A_497 = arith.constant 0 : i32
        %dma_start3A_498 = tpu.memref_slice %arg10[%add3A_496, %dma_start3A_497] : memref<500x40xi32, #tpu.memory_space<vmem>> -> memref<1x40xi32, #tpu.memory_space<vmem>>
        %dma_start3A_499 = tpu.memref_squeeze %dma_start3A_498 : memref<1x40xi32, #tpu.memory_space<vmem>> -> memref<40xi32, #tpu.memory_space<vmem>>
        %dma_start3A_500 = arith.constant 0 : i32
        %dma_start3A_501 = arith.constant 0 : i32
        %dma_start3A_502 = tpu.memref_slice %arg16[%dma_start3A_500, %dma_start3A_501] : memref<10240x16xf32, #tpu.memory_space<vmem_shared>> -> memref<10240x16xf32, #tpu.memory_space<vmem_shared>>
        tpu.enqueue_indirect_dma source(%arg12 : memref<40x16xf32, #tpu.memory_space<vmem>>) target(%dma_start3A_502 : memref<10240x16xf32, #tpu.memory_space<vmem_shared>>) offsets(%dma_start3A_499 : memref<40xi32, #tpu.memory_space<vmem>>) semaphore(%arg19 : memref<!tpu.dma_semaphore, #tpu.memory_space<semaphore_mem>>) {add = true}
      } else {
      }
      %mul3A_472 = arith.constant 5 : i32
      %mul3A_473 = arith.muli %add3A_368, %mul3A_472 : i32
      %add3A_474 = arith.constant 4 : i32
      %add3A_475 = arith.addi %mul3A_473, %add3A_474 : i32
      %dma_start3A_476 = arith.constant 1 : i32
      %dma_start3A_477 = arith.constant 4 : i32
      %dma_start3A_478 = arith.constant 0 : i32
      %dma_start3A_479 = arith.constant 0 : i32
      %dma_start3A_480 = tpu.memref_slice %arg11[%dma_start3A_476, %dma_start3A_477, %dma_start3A_478, %dma_start3A_479] : memref<2x5x40x64xf32, #tpu.memory_space<vmem>> -> memref<1x1x40x64xf32, #tpu.memory_space<vmem>>
      %dma_start3A_481 = tpu.memref_squeeze %dma_start3A_480 : memref<1x1x40x64xf32, #tpu.memory_space<vmem>> -> memref<40x64xf32, #tpu.memory_space<vmem>>
      %dma_start3A_482 = arith.constant 0 : i32
      %dma_start3A_483 = tpu.memref_slice %arg10[%add3A_475, %dma_start3A_482] : memref<500x40xi32, #tpu.memory_space<vmem>> -> memref<1x40xi32, #tpu.memory_space<vmem>>
      %dma_start3A_484 = tpu.memref_squeeze %dma_start3A_483 : memref<1x40xi32, #tpu.memory_space<vmem>> -> memref<40xi32, #tpu.memory_space<vmem>>
      %dma_start3A_485 = arith.constant 0 : i32
      %dma_start3A_486 = arith.constant 0 : i32
      %dma_start3A_487 = tpu.memref_slice %arg15[%dma_start3A_485, %dma_start3A_486] : memref<10240x64xf32, #tpu.memory_space<vmem_shared>> -> memref<10240x64xf32, #tpu.memory_space<vmem_shared>>
      tpu.enqueue_indirect_dma source(%dma_start3A_481 : memref<40x64xf32, #tpu.memory_space<vmem>>) target(%dma_start3A_487 : memref<10240x64xf32, #tpu.memory_space<vmem_shared>>) offsets(%dma_start3A_484 : memref<40xi32, #tpu.memory_space<vmem>>) semaphore(%arg19 : memref<!tpu.dma_semaphore, #tpu.memory_space<semaphore_mem>>) {add = true}
      %eq3A_488 = arith.constant 0 : i32
      %eq3A_489 = arith.cmpi eq, %arg0, %eq3A_488 : i32
      %convert_element_type3A_490 = arith.extui %eq3A_489 : i1 to i32
      %cond3A_491 = arith.constant 0 : i32
      %cond3A_492 = arith.cmpi ne, %convert_element_type3A_490, %cond3A_491 : i32
      scf.if %cond3A_492 {
        %mul3A_493 = arith.constant 5 : i32
        %mul3A_494 = arith.muli %add3A_368, %mul3A_493 : i32
        %add3A_495 = arith.constant 4 : i32
        %add3A_496 = arith.addi %mul3A_494, %add3A_495 : i32
        %dma_start3A_497 = arith.constant 0 : i32
        %dma_start3A_498 = tpu.memref_slice %arg10[%add3A_496, %dma_start3A_497] : memref<500x40xi32, #tpu.memory_space<vmem>> -> memref<1x40xi32, #tpu.memory_space<vmem>>
        %dma_start3A_499 = tpu.memref_squeeze %dma_start3A_498 : memref<1x40xi32, #tpu.memory_space<vmem>> -> memref<40xi32, #tpu.memory_space<vmem>>
        %dma_start3A_500 = arith.constant 0 : i32
        %dma_start3A_501 = arith.constant 0 : i32
        %dma_start3A_502 = tpu.memref_slice %arg16[%dma_start3A_500, %dma_start3A_501] : memref<10240x16xf32, #tpu.memory_space<vmem_shared>> -> memref<10240x16xf32, #tpu.memory_space<vmem_shared>>
        tpu.enqueue_indirect_dma source(%arg12 : memref<40x16xf32, #tpu.memory_space<vmem>>) target(%dma_start3A_502 : memref<10240x16xf32, #tpu.memory_space<vmem_shared>>) offsets(%dma_start3A_499 : memref<40xi32, #tpu.memory_space<vmem>>) semaphore(%arg19 : memref<!tpu.dma_semaphore, #tpu.memory_space<semaphore_mem>>) {add = true}
      } else {
      }
    }
    %scan3A_9 = arith.constant 50 : i32
    %dma_wait3A = arith.constant 0 : i32
    %dma_wait3A_10 = arith.constant 0 : i32
    %dma_wait3A_11 = arith.constant 0 : i32
    %dma_wait3A_12 = arith.constant 0 : i32
    %dma_wait3A_13 = tpu.memref_slice %arg11[%dma_wait3A, %dma_wait3A_10, %dma_wait3A_11, %dma_wait3A_12] : memref<2x5x40x64xf32, #tpu.memory_space<vmem>> -> memref<1x1x40x64xf32, #tpu.memory_space<vmem>>
    %dma_wait3A_14 = tpu.memref_squeeze %dma_wait3A_13 : memref<1x1x40x64xf32, #tpu.memory_space<vmem>> -> memref<40x64xf32, #tpu.memory_space<vmem>>
    %dma_wait3A_15 = arith.constant 0 : i32
    %dma_wait3A_16 = arith.constant 0 : i32
    %dma_wait3A_17 = tpu.memref_slice %arg15[%dma_wait3A_15, %dma_wait3A_16] : memref<10240x64xf32, #tpu.memory_space<vmem_shared>> -> memref<40x64xf32, #tpu.memory_space<vmem_shared>>
    %dma_wait3A_18 = arith.constant 0 : i32
    %dma_wait3A_19 = arith.constant 0 : i32
    %dma_wait3A_20 = tpu.memref_slice %arg15[%dma_wait3A_18, %dma_wait3A_19] : memref<10240x64xf32, #tpu.memory_space<vmem_shared>> -> memref<40x64xf32, #tpu.memory_space<vmem_shared>>
    %dma_wait3A_21 = arith.constant 0 : i32
    %dma_wait3A_22 = arith.constant 0 : i32
    %dma_wait3A_23 = tpu.memref_slice %arg11[%dma_wait3A, %dma_wait3A_10, %dma_wait3A_21, %dma_wait3A_22] : memref<2x5x40x64xf32, #tpu.memory_space<vmem>> -> memref<1x1x40x64xf32, #tpu.memory_space<vmem>>
    %dma_wait3A_24 = tpu.memref_squeeze %dma_wait3A_23 : memref<1x1x40x64xf32, #tpu.memory_space<vmem>> -> memref<40x64xf32, #tpu.memory_space<vmem>>
    tpu.wait_dma2 semaphore(%arg18 : memref<!tpu.dma_semaphore, #tpu.memory_space<semaphore_mem>>) src(%dma_wait3A_24 : memref<40x64xf32, #tpu.memory_space<vmem>>) dst(%dma_wait3A_20 : memref<40x64xf32, #tpu.memory_space<vmem_shared>>)
    %eq3A = arith.constant 0 : i32
    %eq3A_25 = arith.cmpi eq, %arg0, %eq3A : i32
    %convert_element_type3A = arith.extui %eq3A_25 : i1 to i32
    %cond3A = arith.constant 0 : i32
    %cond3A_26 = arith.cmpi ne, %convert_element_type3A, %cond3A : i32
    scf.if %cond3A_26 {
      %dma_wait3A_240 = arith.constant 0 : i32
      %dma_wait3A_241 = arith.constant 0 : i32
      %dma_wait3A_242 = tpu.memref_slice %arg16[%dma_wait3A_240, %dma_wait3A_241] : memref<10240x16xf32, #tpu.memory_space<vmem_shared>> -> memref<40x16xf32, #tpu.memory_space<vmem_shared>>
      %dma_wait3A_243 = arith.constant 0 : i32
      %dma_wait3A_244 = arith.constant 0 : i32
      %dma_wait3A_245 = tpu.memref_slice %arg16[%dma_wait3A_243, %dma_wait3A_244] : memref<10240x16xf32, #tpu.memory_space<vmem_shared>> -> memref<40x16xf32, #tpu.memory_space<vmem_shared>>
      tpu.wait_dma2 semaphore(%arg18 : memref<!tpu.dma_semaphore, #tpu.memory_space<semaphore_mem>>) src(%arg12 : memref<40x16xf32, #tpu.memory_space<vmem>>) dst(%dma_wait3A_245 : memref<40x16xf32, #tpu.memory_space<vmem_shared>>)
    } else {
    }
    %dma_wait3A_27 = arith.constant 0 : i32
    %dma_wait3A_28 = arith.constant 1 : i32
    %dma_wait3A_29 = arith.constant 0 : i32
    %dma_wait3A_30 = arith.constant 0 : i32
    %dma_wait3A_31 = tpu.memref_slice %arg11[%dma_wait3A_27, %dma_wait3A_28, %dma_wait3A_29, %dma_wait3A_30] : memref<2x5x40x64xf32, #tpu.memory_space<vmem>> -> memref<1x1x40x64xf32, #tpu.memory_space<vmem>>
    %dma_wait3A_32 = tpu.memref_squeeze %dma_wait3A_31 : memref<1x1x40x64xf32, #tpu.memory_space<vmem>> -> memref<40x64xf32, #tpu.memory_space<vmem>>
    %dma_wait3A_33 = arith.constant 0 : i32
    %dma_wait3A_34 = arith.constant 0 : i32
    %dma_wait3A_35 = tpu.memref_slice %arg15[%dma_wait3A_33, %dma_wait3A_34] : memref<10240x64xf32, #tpu.memory_space<vmem_shared>> -> memref<40x64xf32, #tpu.memory_space<vmem_shared>>
    %dma_wait3A_36 = arith.constant 0 : i32
    %dma_wait3A_37 = arith.constant 0 : i32
    %dma_wait3A_38 = tpu.memref_slice %arg15[%dma_wait3A_36, %dma_wait3A_37] : memref<10240x64xf32, #tpu.memory_space<vmem_shared>> -> memref<40x64xf32, #tpu.memory_space<vmem_shared>>
    %dma_wait3A_39 = arith.constant 0 : i32
    %dma_wait3A_40 = arith.constant 0 : i32
    %dma_wait3A_41 = tpu.memref_slice %arg11[%dma_wait3A_27, %dma_wait3A_28, %dma_wait3A_39, %dma_wait3A_40] : memref<2x5x40x64xf32, #tpu.memory_space<vmem>> -> memref<1x1x40x64xf32, #tpu.memory_space<vmem>>
    %dma_wait3A_42 = tpu.memref_squeeze %dma_wait3A_41 : memref<1x1x40x64xf32, #tpu.memory_space<vmem>> -> memref<40x64xf32, #tpu.memory_space<vmem>>
    tpu.wait_dma2 semaphore(%arg18 : memref<!tpu.dma_semaphore, #tpu.memory_space<semaphore_mem>>) src(%dma_wait3A_42 : memref<40x64xf32, #tpu.memory_space<vmem>>) dst(%dma_wait3A_38 : memref<40x64xf32, #tpu.memory_space<vmem_shared>>)
    %eq3A_43 = arith.constant 0 : i32
    %eq3A_44 = arith.cmpi eq, %arg0, %eq3A_43 : i32
    %convert_element_type3A_45 = arith.extui %eq3A_44 : i1 to i32
    %cond3A_46 = arith.constant 0 : i32
    %cond3A_47 = arith.cmpi ne, %convert_element_type3A_45, %cond3A_46 : i32
    scf.if %cond3A_47 {
      %dma_wait3A_240 = arith.constant 0 : i32
      %dma_wait3A_241 = arith.constant 0 : i32
      %dma_wait3A_242 = tpu.memref_slice %arg16[%dma_wait3A_240, %dma_wait3A_241] : memref<10240x16xf32, #tpu.memory_space<vmem_shared>> -> memref<40x16xf32, #tpu.memory_space<vmem_shared>>
      %dma_wait3A_243 = arith.constant 0 : i32
      %dma_wait3A_244 = arith.constant 0 : i32
      %dma_wait3A_245 = tpu.memref_slice %arg16[%dma_wait3A_243, %dma_wait3A_244] : memref<10240x16xf32, #tpu.memory_space<vmem_shared>> -> memref<40x16xf32, #tpu.memory_space<vmem_shared>>
      tpu.wait_dma2 semaphore(%arg18 : memref<!tpu.dma_semaphore, #tpu.memory_space<semaphore_mem>>) src(%arg12 : memref<40x16xf32, #tpu.memory_space<vmem>>) dst(%dma_wait3A_245 : memref<40x16xf32, #tpu.memory_space<vmem_shared>>)
    } else {
    }
    %dma_wait3A_48 = arith.constant 0 : i32
    %dma_wait3A_49 = arith.constant 2 : i32
    %dma_wait3A_50 = arith.constant 0 : i32
    %dma_wait3A_51 = arith.constant 0 : i32
    %dma_wait3A_52 = tpu.memref_slice %arg11[%dma_wait3A_48, %dma_wait3A_49, %dma_wait3A_50, %dma_wait3A_51] : memref<2x5x40x64xf32, #tpu.memory_space<vmem>> -> memref<1x1x40x64xf32, #tpu.memory_space<vmem>>
    %dma_wait3A_53 = tpu.memref_squeeze %dma_wait3A_52 : memref<1x1x40x64xf32, #tpu.memory_space<vmem>> -> memref<40x64xf32, #tpu.memory_space<vmem>>
    %dma_wait3A_54 = arith.constant 0 : i32
    %dma_wait3A_55 = arith.constant 0 : i32
    %dma_wait3A_56 = tpu.memref_slice %arg15[%dma_wait3A_54, %dma_wait3A_55] : memref<10240x64xf32, #tpu.memory_space<vmem_shared>> -> memref<40x64xf32, #tpu.memory_space<vmem_shared>>
    %dma_wait3A_57 = arith.constant 0 : i32
    %dma_wait3A_58 = arith.constant 0 : i32
    %dma_wait3A_59 = tpu.memref_slice %arg15[%dma_wait3A_57, %dma_wait3A_58] : memref<10240x64xf32, #tpu.memory_space<vmem_shared>> -> memref<40x64xf32, #tpu.memory_space<vmem_shared>>
    %dma_wait3A_60 = arith.constant 0 : i32
    %dma_wait3A_61 = arith.constant 0 : i32
    %dma_wait3A_62 = tpu.memref_slice %arg11[%dma_wait3A_48, %dma_wait3A_49, %dma_wait3A_60, %dma_wait3A_61] : memref<2x5x40x64xf32, #tpu.memory_space<vmem>> -> memref<1x1x40x64xf32, #tpu.memory_space<vmem>>
    %dma_wait3A_63 = tpu.memref_squeeze %dma_wait3A_62 : memref<1x1x40x64xf32, #tpu.memory_space<vmem>> -> memref<40x64xf32, #tpu.memory_space<vmem>>
    tpu.wait_dma2 semaphore(%arg18 : memref<!tpu.dma_semaphore, #tpu.memory_space<semaphore_mem>>) src(%dma_wait3A_63 : memref<40x64xf32, #tpu.memory_space<vmem>>) dst(%dma_wait3A_59 : memref<40x64xf32, #tpu.memory_space<vmem_shared>>)
    %eq3A_64 = arith.constant 0 : i32
    %eq3A_65 = arith.cmpi eq, %arg0, %eq3A_64 : i32
    %convert_element_type3A_66 = arith.extui %eq3A_65 : i1 to i32
    %cond3A_67 = arith.constant 0 : i32
    %cond3A_68 = arith.cmpi ne, %convert_element_type3A_66, %cond3A_67 : i32
    scf.if %cond3A_68 {
      %dma_wait3A_240 = arith.constant 0 : i32
      %dma_wait3A_241 = arith.constant 0 : i32
      %dma_wait3A_242 = tpu.memref_slice %arg16[%dma_wait3A_240, %dma_wait3A_241] : memref<10240x16xf32, #tpu.memory_space<vmem_shared>> -> memref<40x16xf32, #tpu.memory_space<vmem_shared>>
      %dma_wait3A_243 = arith.constant 0 : i32
      %dma_wait3A_244 = arith.constant 0 : i32
      %dma_wait3A_245 = tpu.memref_slice %arg16[%dma_wait3A_243, %dma_wait3A_244] : memref<10240x16xf32, #tpu.memory_space<vmem_shared>> -> memref<40x16xf32, #tpu.memory_space<vmem_shared>>
      tpu.wait_dma2 semaphore(%arg18 : memref<!tpu.dma_semaphore, #tpu.memory_space<semaphore_mem>>) src(%arg12 : memref<40x16xf32, #tpu.memory_space<vmem>>) dst(%dma_wait3A_245 : memref<40x16xf32, #tpu.memory_space<vmem_shared>>)
    } else {
    }
    %dma_wait3A_69 = arith.constant 0 : i32
    %dma_wait3A_70 = arith.constant 3 : i32
    %dma_wait3A_71 = arith.constant 0 : i32
    %dma_wait3A_72 = arith.constant 0 : i32
    %dma_wait3A_73 = tpu.memref_slice %arg11[%dma_wait3A_69, %dma_wait3A_70, %dma_wait3A_71, %dma_wait3A_72] : memref<2x5x40x64xf32, #tpu.memory_space<vmem>> -> memref<1x1x40x64xf32, #tpu.memory_space<vmem>>
    %dma_wait3A_74 = tpu.memref_squeeze %dma_wait3A_73 : memref<1x1x40x64xf32, #tpu.memory_space<vmem>> -> memref<40x64xf32, #tpu.memory_space<vmem>>
    %dma_wait3A_75 = arith.constant 0 : i32
    %dma_wait3A_76 = arith.constant 0 : i32
    %dma_wait3A_77 = tpu.memref_slice %arg15[%dma_wait3A_75, %dma_wait3A_76] : memref<10240x64xf32, #tpu.memory_space<vmem_shared>> -> memref<40x64xf32, #tpu.memory_space<vmem_shared>>
    %dma_wait3A_78 = arith.constant 0 : i32
    %dma_wait3A_79 = arith.constant 0 : i32
    %dma_wait3A_80 = tpu.memref_slice %arg15[%dma_wait3A_78, %dma_wait3A_79] : memref<10240x64xf32, #tpu.memory_space<vmem_shared>> -> memref<40x64xf32, #tpu.memory_space<vmem_shared>>
    %dma_wait3A_81 = arith.constant 0 : i32
    %dma_wait3A_82 = arith.constant 0 : i32
    %dma_wait3A_83 = tpu.memref_slice %arg11[%dma_wait3A_69, %dma_wait3A_70, %dma_wait3A_81, %dma_wait3A_82] : memref<2x5x40x64xf32, #tpu.memory_space<vmem>> -> memref<1x1x40x64xf32, #tpu.memory_space<vmem>>
    %dma_wait3A_84 = tpu.memref_squeeze %dma_wait3A_83 : memref<1x1x40x64xf32, #tpu.memory_space<vmem>> -> memref<40x64xf32, #tpu.memory_space<vmem>>
    tpu.wait_dma2 semaphore(%arg18 : memref<!tpu.dma_semaphore, #tpu.memory_space<semaphore_mem>>) src(%dma_wait3A_84 : memref<40x64xf32, #tpu.memory_space<vmem>>) dst(%dma_wait3A_80 : memref<40x64xf32, #tpu.memory_space<vmem_shared>>)
    %eq3A_85 = arith.constant 0 : i32
    %eq3A_86 = arith.cmpi eq, %arg0, %eq3A_85 : i32
    %convert_element_type3A_87 = arith.extui %eq3A_86 : i1 to i32
    %cond3A_88 = arith.constant 0 : i32
    %cond3A_89 = arith.cmpi ne, %convert_element_type3A_87, %cond3A_88 : i32
    scf.if %cond3A_89 {
      %dma_wait3A_240 = arith.constant 0 : i32
      %dma_wait3A_241 = arith.constant 0 : i32
      %dma_wait3A_242 = tpu.memref_slice %arg16[%dma_wait3A_240, %dma_wait3A_241] : memref<10240x16xf32, #tpu.memory_space<vmem_shared>> -> memref<40x16xf32, #tpu.memory_space<vmem_shared>>
      %dma_wait3A_243 = arith.constant 0 : i32
      %dma_wait3A_244 = arith.constant 0 : i32
      %dma_wait3A_245 = tpu.memref_slice %arg16[%dma_wait3A_243, %dma_wait3A_244] : memref<10240x16xf32, #tpu.memory_space<vmem_shared>> -> memref<40x16xf32, #tpu.memory_space<vmem_shared>>
      tpu.wait_dma2 semaphore(%arg18 : memref<!tpu.dma_semaphore, #tpu.memory_space<semaphore_mem>>) src(%arg12 : memref<40x16xf32, #tpu.memory_space<vmem>>) dst(%dma_wait3A_245 : memref<40x16xf32, #tpu.memory_space<vmem_shared>>)
    } else {
    }
    %dma_wait3A_90 = arith.constant 0 : i32
    %dma_wait3A_91 = arith.constant 4 : i32
    %dma_wait3A_92 = arith.constant 0 : i32
    %dma_wait3A_93 = arith.constant 0 : i32
    %dma_wait3A_94 = tpu.memref_slice %arg11[%dma_wait3A_90, %dma_wait3A_91, %dma_wait3A_92, %dma_wait3A_93] : memref<2x5x40x64xf32, #tpu.memory_space<vmem>> -> memref<1x1x40x64xf32, #tpu.memory_space<vmem>>
    %dma_wait3A_95 = tpu.memref_squeeze %dma_wait3A_94 : memref<1x1x40x64xf32, #tpu.memory_space<vmem>> -> memref<40x64xf32, #tpu.memory_space<vmem>>
    %dma_wait3A_96 = arith.constant 0 : i32
    %dma_wait3A_97 = arith.constant 0 : i32
    %dma_wait3A_98 = tpu.memref_slice %arg15[%dma_wait3A_96, %dma_wait3A_97] : memref<10240x64xf32, #tpu.memory_space<vmem_shared>> -> memref<40x64xf32, #tpu.memory_space<vmem_shared>>
    %dma_wait3A_99 = arith.constant 0 : i32
    %dma_wait3A_100 = arith.constant 0 : i32
    %dma_wait3A_101 = tpu.memref_slice %arg15[%dma_wait3A_99, %dma_wait3A_100] : memref<10240x64xf32, #tpu.memory_space<vmem_shared>> -> memref<40x64xf32, #tpu.memory_space<vmem_shared>>
    %dma_wait3A_102 = arith.constant 0 : i32
    %dma_wait3A_103 = arith.constant 0 : i32
    %dma_wait3A_104 = tpu.memref_slice %arg11[%dma_wait3A_90, %dma_wait3A_91, %dma_wait3A_102, %dma_wait3A_103] : memref<2x5x40x64xf32, #tpu.memory_space<vmem>> -> memref<1x1x40x64xf32, #tpu.memory_space<vmem>>
    %dma_wait3A_105 = tpu.memref_squeeze %dma_wait3A_104 : memref<1x1x40x64xf32, #tpu.memory_space<vmem>> -> memref<40x64xf32, #tpu.memory_space<vmem>>
    tpu.wait_dma2 semaphore(%arg18 : memref<!tpu.dma_semaphore, #tpu.memory_space<semaphore_mem>>) src(%dma_wait3A_105 : memref<40x64xf32, #tpu.memory_space<vmem>>) dst(%dma_wait3A_101 : memref<40x64xf32, #tpu.memory_space<vmem_shared>>)
    %eq3A_106 = arith.constant 0 : i32
    %eq3A_107 = arith.cmpi eq, %arg0, %eq3A_106 : i32
    %convert_element_type3A_108 = arith.extui %eq3A_107 : i1 to i32
    %cond3A_109 = arith.constant 0 : i32
    %cond3A_110 = arith.cmpi ne, %convert_element_type3A_108, %cond3A_109 : i32
    scf.if %cond3A_110 {
      %dma_wait3A_240 = arith.constant 0 : i32
      %dma_wait3A_241 = arith.constant 0 : i32
      %dma_wait3A_242 = tpu.memref_slice %arg16[%dma_wait3A_240, %dma_wait3A_241] : memref<10240x16xf32, #tpu.memory_space<vmem_shared>> -> memref<40x16xf32, #tpu.memory_space<vmem_shared>>
      %dma_wait3A_243 = arith.constant 0 : i32
      %dma_wait3A_244 = arith.constant 0 : i32
      %dma_wait3A_245 = tpu.memref_slice %arg16[%dma_wait3A_243, %dma_wait3A_244] : memref<10240x16xf32, #tpu.memory_space<vmem_shared>> -> memref<40x16xf32, #tpu.memory_space<vmem_shared>>
      tpu.wait_dma2 semaphore(%arg18 : memref<!tpu.dma_semaphore, #tpu.memory_space<semaphore_mem>>) src(%arg12 : memref<40x16xf32, #tpu.memory_space<vmem>>) dst(%dma_wait3A_245 : memref<40x16xf32, #tpu.memory_space<vmem_shared>>)
    } else {
    }
    %dma_wait3A_111 = arith.constant 1 : i32
    %dma_wait3A_112 = arith.constant 0 : i32
    %dma_wait3A_113 = arith.constant 0 : i32
    %dma_wait3A_114 = arith.constant 0 : i32
    %dma_wait3A_115 = tpu.memref_slice %arg11[%dma_wait3A_111, %dma_wait3A_112, %dma_wait3A_113, %dma_wait3A_114] : memref<2x5x40x64xf32, #tpu.memory_space<vmem>> -> memref<1x1x40x64xf32, #tpu.memory_space<vmem>>
    %dma_wait3A_116 = tpu.memref_squeeze %dma_wait3A_115 : memref<1x1x40x64xf32, #tpu.memory_space<vmem>> -> memref<40x64xf32, #tpu.memory_space<vmem>>
    %dma_wait3A_117 = arith.constant 0 : i32
    %dma_wait3A_118 = arith.constant 0 : i32
    %dma_wait3A_119 = tpu.memref_slice %arg15[%dma_wait3A_117, %dma_wait3A_118] : memref<10240x64xf32, #tpu.memory_space<vmem_shared>> -> memref<40x64xf32, #tpu.memory_space<vmem_shared>>
    %dma_wait3A_120 = arith.constant 0 : i32
    %dma_wait3A_121 = arith.constant 0 : i32
    %dma_wait3A_122 = tpu.memref_slice %arg15[%dma_wait3A_120, %dma_wait3A_121] : memref<10240x64xf32, #tpu.memory_space<vmem_shared>> -> memref<40x64xf32, #tpu.memory_space<vmem_shared>>
    %dma_wait3A_123 = arith.constant 0 : i32
    %dma_wait3A_124 = arith.constant 0 : i32
    %dma_wait3A_125 = tpu.memref_slice %arg11[%dma_wait3A_111, %dma_wait3A_112, %dma_wait3A_123, %dma_wait3A_124] : memref<2x5x40x64xf32, #tpu.memory_space<vmem>> -> memref<1x1x40x64xf32, #tpu.memory_space<vmem>>
    %dma_wait3A_126 = tpu.memref_squeeze %dma_wait3A_125 : memref<1x1x40x64xf32, #tpu.memory_space<vmem>> -> memref<40x64xf32, #tpu.memory_space<vmem>>
    tpu.wait_dma2 semaphore(%arg19 : memref<!tpu.dma_semaphore, #tpu.memory_space<semaphore_mem>>) src(%dma_wait3A_126 : memref<40x64xf32, #tpu.memory_space<vmem>>) dst(%dma_wait3A_122 : memref<40x64xf32, #tpu.memory_space<vmem_shared>>)
    %eq3A_127 = arith.constant 0 : i32
    %eq3A_128 = arith.cmpi eq, %arg0, %eq3A_127 : i32
    %convert_element_type3A_129 = arith.extui %eq3A_128 : i1 to i32
    %cond3A_130 = arith.constant 0 : i32
    %cond3A_131 = arith.cmpi ne, %convert_element_type3A_129, %cond3A_130 : i32
    scf.if %cond3A_131 {
      %dma_wait3A_240 = arith.constant 0 : i32
      %dma_wait3A_241 = arith.constant 0 : i32
      %dma_wait3A_242 = tpu.memref_slice %arg16[%dma_wait3A_240, %dma_wait3A_241] : memref<10240x16xf32, #tpu.memory_space<vmem_shared>> -> memref<40x16xf32, #tpu.memory_space<vmem_shared>>
      %dma_wait3A_243 = arith.constant 0 : i32
      %dma_wait3A_244 = arith.constant 0 : i32
      %dma_wait3A_245 = tpu.memref_slice %arg16[%dma_wait3A_243, %dma_wait3A_244] : memref<10240x16xf32, #tpu.memory_space<vmem_shared>> -> memref<40x16xf32, #tpu.memory_space<vmem_shared>>
      tpu.wait_dma2 semaphore(%arg19 : memref<!tpu.dma_semaphore, #tpu.memory_space<semaphore_mem>>) src(%arg12 : memref<40x16xf32, #tpu.memory_space<vmem>>) dst(%dma_wait3A_245 : memref<40x16xf32, #tpu.memory_space<vmem_shared>>)
    } else {
    }
    %dma_wait3A_132 = arith.constant 1 : i32
    %dma_wait3A_133 = arith.constant 1 : i32
    %dma_wait3A_134 = arith.constant 0 : i32
    %dma_wait3A_135 = arith.constant 0 : i32
    %dma_wait3A_136 = tpu.memref_slice %arg11[%dma_wait3A_132, %dma_wait3A_133, %dma_wait3A_134, %dma_wait3A_135] : memref<2x5x40x64xf32, #tpu.memory_space<vmem>> -> memref<1x1x40x64xf32, #tpu.memory_space<vmem>>
    %dma_wait3A_137 = tpu.memref_squeeze %dma_wait3A_136 : memref<1x1x40x64xf32, #tpu.memory_space<vmem>> -> memref<40x64xf32, #tpu.memory_space<vmem>>
    %dma_wait3A_138 = arith.constant 0 : i32
    %dma_wait3A_139 = arith.constant 0 : i32
    %dma_wait3A_140 = tpu.memref_slice %arg15[%dma_wait3A_138, %dma_wait3A_139] : memref<10240x64xf32, #tpu.memory_space<vmem_shared>> -> memref<40x64xf32, #tpu.memory_space<vmem_shared>>
    %dma_wait3A_141 = arith.constant 0 : i32
    %dma_wait3A_142 = arith.constant 0 : i32
    %dma_wait3A_143 = tpu.memref_slice %arg15[%dma_wait3A_141, %dma_wait3A_142] : memref<10240x64xf32, #tpu.memory_space<vmem_shared>> -> memref<40x64xf32, #tpu.memory_space<vmem_shared>>
    %dma_wait3A_144 = arith.constant 0 : i32
    %dma_wait3A_145 = arith.constant 0 : i32
    %dma_wait3A_146 = tpu.memref_slice %arg11[%dma_wait3A_132, %dma_wait3A_133, %dma_wait3A_144, %dma_wait3A_145] : memref<2x5x40x64xf32, #tpu.memory_space<vmem>> -> memref<1x1x40x64xf32, #tpu.memory_space<vmem>>
    %dma_wait3A_147 = tpu.memref_squeeze %dma_wait3A_146 : memref<1x1x40x64xf32, #tpu.memory_space<vmem>> -> memref<40x64xf32, #tpu.memory_space<vmem>>
    tpu.wait_dma2 semaphore(%arg19 : memref<!tpu.dma_semaphore, #tpu.memory_space<semaphore_mem>>) src(%dma_wait3A_147 : memref<40x64xf32, #tpu.memory_space<vmem>>) dst(%dma_wait3A_143 : memref<40x64xf32, #tpu.memory_space<vmem_shared>>)
    %eq3A_148 = arith.constant 0 : i32
    %eq3A_149 = arith.cmpi eq, %arg0, %eq3A_148 : i32
    %convert_element_type3A_150 = arith.extui %eq3A_149 : i1 to i32
    %cond3A_151 = arith.constant 0 : i32
    %cond3A_152 = arith.cmpi ne, %convert_element_type3A_150, %cond3A_151 : i32
    scf.if %cond3A_152 {
      %dma_wait3A_240 = arith.constant 0 : i32
      %dma_wait3A_241 = arith.constant 0 : i32
      %dma_wait3A_242 = tpu.memref_slice %arg16[%dma_wait3A_240, %dma_wait3A_241] : memref<10240x16xf32, #tpu.memory_space<vmem_shared>> -> memref<40x16xf32, #tpu.memory_space<vmem_shared>>
      %dma_wait3A_243 = arith.constant 0 : i32
      %dma_wait3A_244 = arith.constant 0 : i32
      %dma_wait3A_245 = tpu.memref_slice %arg16[%dma_wait3A_243, %dma_wait3A_244] : memref<10240x16xf32, #tpu.memory_space<vmem_shared>> -> memref<40x16xf32, #tpu.memory_space<vmem_shared>>
      tpu.wait_dma2 semaphore(%arg19 : memref<!tpu.dma_semaphore, #tpu.memory_space<semaphore_mem>>) src(%arg12 : memref<40x16xf32, #tpu.memory_space<vmem>>) dst(%dma_wait3A_245 : memref<40x16xf32, #tpu.memory_space<vmem_shared>>)
    } else {
    }
    %dma_wait3A_153 = arith.constant 1 : i32
    %dma_wait3A_154 = arith.constant 2 : i32
    %dma_wait3A_155 = arith.constant 0 : i32
    %dma_wait3A_156 = arith.constant 0 : i32
    %dma_wait3A_157 = tpu.memref_slice %arg11[%dma_wait3A_153, %dma_wait3A_154, %dma_wait3A_155, %dma_wait3A_156] : memref<2x5x40x64xf32, #tpu.memory_space<vmem>> -> memref<1x1x40x64xf32, #tpu.memory_space<vmem>>
    %dma_wait3A_158 = tpu.memref_squeeze %dma_wait3A_157 : memref<1x1x40x64xf32, #tpu.memory_space<vmem>> -> memref<40x64xf32, #tpu.memory_space<vmem>>
    %dma_wait3A_159 = arith.constant 0 : i32
    %dma_wait3A_160 = arith.constant 0 : i32
    %dma_wait3A_161 = tpu.memref_slice %arg15[%dma_wait3A_159, %dma_wait3A_160] : memref<10240x64xf32, #tpu.memory_space<vmem_shared>> -> memref<40x64xf32, #tpu.memory_space<vmem_shared>>
    %dma_wait3A_162 = arith.constant 0 : i32
    %dma_wait3A_163 = arith.constant 0 : i32
    %dma_wait3A_164 = tpu.memref_slice %arg15[%dma_wait3A_162, %dma_wait3A_163] : memref<10240x64xf32, #tpu.memory_space<vmem_shared>> -> memref<40x64xf32, #tpu.memory_space<vmem_shared>>
    %dma_wait3A_165 = arith.constant 0 : i32
    %dma_wait3A_166 = arith.constant 0 : i32
    %dma_wait3A_167 = tpu.memref_slice %arg11[%dma_wait3A_153, %dma_wait3A_154, %dma_wait3A_165, %dma_wait3A_166] : memref<2x5x40x64xf32, #tpu.memory_space<vmem>> -> memref<1x1x40x64xf32, #tpu.memory_space<vmem>>
    %dma_wait3A_168 = tpu.memref_squeeze %dma_wait3A_167 : memref<1x1x40x64xf32, #tpu.memory_space<vmem>> -> memref<40x64xf32, #tpu.memory_space<vmem>>
    tpu.wait_dma2 semaphore(%arg19 : memref<!tpu.dma_semaphore, #tpu.memory_space<semaphore_mem>>) src(%dma_wait3A_168 : memref<40x64xf32, #tpu.memory_space<vmem>>) dst(%dma_wait3A_164 : memref<40x64xf32, #tpu.memory_space<vmem_shared>>)
    %eq3A_169 = arith.constant 0 : i32
    %eq3A_170 = arith.cmpi eq, %arg0, %eq3A_169 : i32
    %convert_element_type3A_171 = arith.extui %eq3A_170 : i1 to i32
    %cond3A_172 = arith.constant 0 : i32
    %cond3A_173 = arith.cmpi ne, %convert_element_type3A_171, %cond3A_172 : i32
    scf.if %cond3A_173 {
      %dma_wait3A_240 = arith.constant 0 : i32
      %dma_wait3A_241 = arith.constant 0 : i32
      %dma_wait3A_242 = tpu.memref_slice %arg16[%dma_wait3A_240, %dma_wait3A_241] : memref<10240x16xf32, #tpu.memory_space<vmem_shared>> -> memref<40x16xf32, #tpu.memory_space<vmem_shared>>
      %dma_wait3A_243 = arith.constant 0 : i32
      %dma_wait3A_244 = arith.constant 0 : i32
      %dma_wait3A_245 = tpu.memref_slice %arg16[%dma_wait3A_243, %dma_wait3A_244] : memref<10240x16xf32, #tpu.memory_space<vmem_shared>> -> memref<40x16xf32, #tpu.memory_space<vmem_shared>>
      tpu.wait_dma2 semaphore(%arg19 : memref<!tpu.dma_semaphore, #tpu.memory_space<semaphore_mem>>) src(%arg12 : memref<40x16xf32, #tpu.memory_space<vmem>>) dst(%dma_wait3A_245 : memref<40x16xf32, #tpu.memory_space<vmem_shared>>)
    } else {
    }
    %dma_wait3A_174 = arith.constant 1 : i32
    %dma_wait3A_175 = arith.constant 3 : i32
    %dma_wait3A_176 = arith.constant 0 : i32
    %dma_wait3A_177 = arith.constant 0 : i32
    %dma_wait3A_178 = tpu.memref_slice %arg11[%dma_wait3A_174, %dma_wait3A_175, %dma_wait3A_176, %dma_wait3A_177] : memref<2x5x40x64xf32, #tpu.memory_space<vmem>> -> memref<1x1x40x64xf32, #tpu.memory_space<vmem>>
    %dma_wait3A_179 = tpu.memref_squeeze %dma_wait3A_178 : memref<1x1x40x64xf32, #tpu.memory_space<vmem>> -> memref<40x64xf32, #tpu.memory_space<vmem>>
    %dma_wait3A_180 = arith.constant 0 : i32
    %dma_wait3A_181 = arith.constant 0 : i32
    %dma_wait3A_182 = tpu.memref_slice %arg15[%dma_wait3A_180, %dma_wait3A_181] : memref<10240x64xf32, #tpu.memory_space<vmem_shared>> -> memref<40x64xf32, #tpu.memory_space<vmem_shared>>
    %dma_wait3A_183 = arith.constant 0 : i32
    %dma_wait3A_184 = arith.constant 0 : i32
    %dma_wait3A_185 = tpu.memref_slice %arg15[%dma_wait3A_183, %dma_wait3A_184] : memref<10240x64xf32, #tpu.memory_space<vmem_shared>> -> memref<40x64xf32, #tpu.memory_space<vmem_shared>>
    %dma_wait3A_186 = arith.constant 0 : i32
    %dma_wait3A_187 = arith.constant 0 : i32
    %dma_wait3A_188 = tpu.memref_slice %arg11[%dma_wait3A_174, %dma_wait3A_175, %dma_wait3A_186, %dma_wait3A_187] : memref<2x5x40x64xf32, #tpu.memory_space<vmem>> -> memref<1x1x40x64xf32, #tpu.memory_space<vmem>>
    %dma_wait3A_189 = tpu.memref_squeeze %dma_wait3A_188 : memref<1x1x40x64xf32, #tpu.memory_space<vmem>> -> memref<40x64xf32, #tpu.memory_space<vmem>>
    tpu.wait_dma2 semaphore(%arg19 : memref<!tpu.dma_semaphore, #tpu.memory_space<semaphore_mem>>) src(%dma_wait3A_189 : memref<40x64xf32, #tpu.memory_space<vmem>>) dst(%dma_wait3A_185 : memref<40x64xf32, #tpu.memory_space<vmem_shared>>)
    %eq3A_190 = arith.constant 0 : i32
    %eq3A_191 = arith.cmpi eq, %arg0, %eq3A_190 : i32
    %convert_element_type3A_192 = arith.extui %eq3A_191 : i1 to i32
    %cond3A_193 = arith.constant 0 : i32
    %cond3A_194 = arith.cmpi ne, %convert_element_type3A_192, %cond3A_193 : i32
    scf.if %cond3A_194 {
      %dma_wait3A_240 = arith.constant 0 : i32
      %dma_wait3A_241 = arith.constant 0 : i32
      %dma_wait3A_242 = tpu.memref_slice %arg16[%dma_wait3A_240, %dma_wait3A_241] : memref<10240x16xf32, #tpu.memory_space<vmem_shared>> -> memref<40x16xf32, #tpu.memory_space<vmem_shared>>
      %dma_wait3A_243 = arith.constant 0 : i32
      %dma_wait3A_244 = arith.constant 0 : i32
      %dma_wait3A_245 = tpu.memref_slice %arg16[%dma_wait3A_243, %dma_wait3A_244] : memref<10240x16xf32, #tpu.memory_space<vmem_shared>> -> memref<40x16xf32, #tpu.memory_space<vmem_shared>>
      tpu.wait_dma2 semaphore(%arg19 : memref<!tpu.dma_semaphore, #tpu.memory_space<semaphore_mem>>) src(%arg12 : memref<40x16xf32, #tpu.memory_space<vmem>>) dst(%dma_wait3A_245 : memref<40x16xf32, #tpu.memory_space<vmem_shared>>)
    } else {
    }
    %dma_wait3A_195 = arith.constant 1 : i32
    %dma_wait3A_196 = arith.constant 4 : i32
    %dma_wait3A_197 = arith.constant 0 : i32
    %dma_wait3A_198 = arith.constant 0 : i32
    %dma_wait3A_199 = tpu.memref_slice %arg11[%dma_wait3A_195, %dma_wait3A_196, %dma_wait3A_197, %dma_wait3A_198] : memref<2x5x40x64xf32, #tpu.memory_space<vmem>> -> memref<1x1x40x64xf32, #tpu.memory_space<vmem>>
    %dma_wait3A_200 = tpu.memref_squeeze %dma_wait3A_199 : memref<1x1x40x64xf32, #tpu.memory_space<vmem>> -> memref<40x64xf32, #tpu.memory_space<vmem>>
    %dma_wait3A_201 = arith.constant 0 : i32
    %dma_wait3A_202 = arith.constant 0 : i32
    %dma_wait3A_203 = tpu.memref_slice %arg15[%dma_wait3A_201, %dma_wait3A_202] : memref<10240x64xf32, #tpu.memory_space<vmem_shared>> -> memref<40x64xf32, #tpu.memory_space<vmem_shared>>
    %dma_wait3A_204 = arith.constant 0 : i32
    %dma_wait3A_205 = arith.constant 0 : i32
    %dma_wait3A_206 = tpu.memref_slice %arg15[%dma_wait3A_204, %dma_wait3A_205] : memref<10240x64xf32, #tpu.memory_space<vmem_shared>> -> memref<40x64xf32, #tpu.memory_space<vmem_shared>>
    %dma_wait3A_207 = arith.constant 0 : i32
    %dma_wait3A_208 = arith.constant 0 : i32
    %dma_wait3A_209 = tpu.memref_slice %arg11[%dma_wait3A_195, %dma_wait3A_196, %dma_wait3A_207, %dma_wait3A_208] : memref<2x5x40x64xf32, #tpu.memory_space<vmem>> -> memref<1x1x40x64xf32, #tpu.memory_space<vmem>>
    %dma_wait3A_210 = tpu.memref_squeeze %dma_wait3A_209 : memref<1x1x40x64xf32, #tpu.memory_space<vmem>> -> memref<40x64xf32, #tpu.memory_space<vmem>>
    tpu.wait_dma2 semaphore(%arg19 : memref<!tpu.dma_semaphore, #tpu.memory_space<semaphore_mem>>) src(%dma_wait3A_210 : memref<40x64xf32, #tpu.memory_space<vmem>>) dst(%dma_wait3A_206 : memref<40x64xf32, #tpu.memory_space<vmem_shared>>)
    %eq3A_211 = arith.constant 0 : i32
    %eq3A_212 = arith.cmpi eq, %arg0, %eq3A_211 : i32
    %convert_element_type3A_213 = arith.extui %eq3A_212 : i1 to i32
    %cond3A_214 = arith.constant 0 : i32
    %cond3A_215 = arith.cmpi ne, %convert_element_type3A_213, %cond3A_214 : i32
    scf.if %cond3A_215 {
      %dma_wait3A_240 = arith.constant 0 : i32
      %dma_wait3A_241 = arith.constant 0 : i32
      %dma_wait3A_242 = tpu.memref_slice %arg16[%dma_wait3A_240, %dma_wait3A_241] : memref<10240x16xf32, #tpu.memory_space<vmem_shared>> -> memref<40x16xf32, #tpu.memory_space<vmem_shared>>
      %dma_wait3A_243 = arith.constant 0 : i32
      %dma_wait3A_244 = arith.constant 0 : i32
      %dma_wait3A_245 = tpu.memref_slice %arg16[%dma_wait3A_243, %dma_wait3A_244] : memref<10240x16xf32, #tpu.memory_space<vmem_shared>> -> memref<40x16xf32, #tpu.memory_space<vmem_shared>>
      tpu.wait_dma2 semaphore(%arg19 : memref<!tpu.dma_semaphore, #tpu.memory_space<semaphore_mem>>) src(%arg12 : memref<40x16xf32, #tpu.memory_space<vmem>>) dst(%dma_wait3A_245 : memref<40x16xf32, #tpu.memory_space<vmem_shared>>)
    } else {
    }
    %barrier3A_216 = arith.constant 0 : index
    tpu.barrier barrier_id(%barrier3A_216)
    %mul3A_217 = arith.constant 640 : i32
    %mul3A_218 = arith.muli %arg1, %mul3A_217 : i32
    %add3A = arith.constant 0 : i32
    %add3A_219 = arith.addi %mul3A_218, %add3A : i32
    "tpu.region"() ({
      %run_scoped3A = tpu.sem_alloc : memref<!tpu.dma_semaphore, #tpu.memory_space<semaphore_mem>>
      %dma_start3A = arith.constant 0 : i32
      %dma_start3A_240 = tpu.memref_slice %arg15[%add3A_219, %dma_start3A] : memref<10240x64xf32, #tpu.memory_space<vmem_shared>> -> memref<160x64xf32, #tpu.memory_space<vmem_shared>>
      %dma_start3A_241 = arith.constant 0 : i32
      %dma_start3A_242 = tpu.memref_slice %arg15[%add3A_219, %dma_start3A_241] : memref<10240x64xf32, #tpu.memory_space<vmem_shared>> -> memref<160x64xf32, #tpu.memory_space<vmem_shared>>
      tpu.enqueue_dma source(%dma_start3A_242 : memref<160x64xf32, #tpu.memory_space<vmem_shared>>) target(%arg13 : memref<160x64xf32, #tpu.memory_space<vmem>>) target_semaphore(%run_scoped3A : memref<!tpu.dma_semaphore, #tpu.memory_space<semaphore_mem>>)
      %dma_wait3A_243 = arith.constant 0 : i32
      %dma_wait3A_244 = tpu.memref_slice %arg15[%add3A_219, %dma_wait3A_243] : memref<10240x64xf32, #tpu.memory_space<vmem_shared>> -> memref<160x64xf32, #tpu.memory_space<vmem_shared>>
      %dma_wait3A_245 = arith.constant 0 : i32
      %dma_wait3A_246 = tpu.memref_slice %arg15[%add3A_219, %dma_wait3A_245] : memref<10240x64xf32, #tpu.memory_space<vmem_shared>> -> memref<160x64xf32, #tpu.memory_space<vmem_shared>>
      tpu.wait_dma2 semaphore(%run_scoped3A : memref<!tpu.dma_semaphore, #tpu.memory_space<semaphore_mem>>) src(%dma_wait3A_246 : memref<160x64xf32, #tpu.memory_space<vmem_shared>>) dst(%arg13 : memref<160x64xf32, #tpu.memory_space<vmem>>)
      tpu.yield
    }) : () -> ()
    "tpu.region"() ({
      %run_scoped3A = tpu.sem_alloc : memref<!tpu.dma_semaphore, #tpu.memory_space<semaphore_mem>>
      %dma_start3A = arith.constant 0 : i32
      %dma_start3A_240 = tpu.memref_slice %arg8[%arg0, %add3A_219, %dma_start3A] : memref<2x10240x64xf32, #tpu.memory_space<hbm>> -> memref<1x160x64xf32, #tpu.memory_space<hbm>>
      %dma_start3A_241 = tpu.memref_squeeze %dma_start3A_240 : memref<1x160x64xf32, #tpu.memory_space<hbm>> -> memref<160x64xf32, #tpu.memory_space<hbm>>
      %dma_start3A_242 = arith.constant 0 : i32
      %dma_start3A_243 = tpu.memref_slice %arg8[%arg0, %add3A_219, %dma_start3A_242] : memref<2x10240x64xf32, #tpu.memory_space<hbm>> -> memref<1x160x64xf32, #tpu.memory_space<hbm>>
      %dma_start3A_244 = tpu.memref_squeeze %dma_start3A_243 : memref<1x160x64xf32, #tpu.memory_space<hbm>> -> memref<160x64xf32, #tpu.memory_space<hbm>>
      tpu.enqueue_dma source(%arg13 : memref<160x64xf32, #tpu.memory_space<vmem>>) target(%dma_start3A_244 : memref<160x64xf32, #tpu.memory_space<hbm>>) target_semaphore(%run_scoped3A : memref<!tpu.dma_semaphore, #tpu.memory_space<semaphore_mem>>)
      %dma_wait3A_245 = arith.constant 0 : i32
      %dma_wait3A_246 = tpu.memref_slice %arg8[%arg0, %add3A_219, %dma_wait3A_245] : memref<2x10240x64xf32, #tpu.memory_space<hbm>> -> memref<1x160x64xf32, #tpu.memory_space<hbm>>
      %dma_wait3A_247 = tpu.memref_squeeze %dma_wait3A_246 : memref<1x160x64xf32, #tpu.memory_space<hbm>> -> memref<160x64xf32, #tpu.memory_space<hbm>>
      %dma_wait3A_248 = arith.constant 0 : i32
      %dma_wait3A_249 = tpu.memref_slice %arg8[%arg0, %add3A_219, %dma_wait3A_248] : memref<2x10240x64xf32, #tpu.memory_space<hbm>> -> memref<1x160x64xf32, #tpu.memory_space<hbm>>
      %dma_wait3A_250 = tpu.memref_squeeze %dma_wait3A_249 : memref<1x160x64xf32, #tpu.memory_space<hbm>> -> memref<160x64xf32, #tpu.memory_space<hbm>>
      tpu.wait_dma2 semaphore(%run_scoped3A : memref<!tpu.dma_semaphore, #tpu.memory_space<semaphore_mem>>) src(%arg13 : memref<160x64xf32, #tpu.memory_space<vmem>>) dst(%dma_wait3A_250 : memref<160x64xf32, #tpu.memory_space<hbm>>)
      tpu.yield
    }) : () -> ()
    %mul3A_220 = arith.constant 640 : i32
    %mul3A_221 = arith.muli %arg1, %mul3A_220 : i32
    %add3A_222 = arith.constant 160 : i32
    %add3A_223 = arith.addi %mul3A_221, %add3A_222 : i32
    "tpu.region"() ({
      %run_scoped3A = tpu.sem_alloc : memref<!tpu.dma_semaphore, #tpu.memory_space<semaphore_mem>>
      %dma_start3A = arith.constant 0 : i32
      %dma_start3A_240 = tpu.memref_slice %arg15[%add3A_223, %dma_start3A] : memref<10240x64xf32, #tpu.memory_space<vmem_shared>> -> memref<160x64xf32, #tpu.memory_space<vmem_shared>>
      %dma_start3A_241 = arith.constant 0 : i32
      %dma_start3A_242 = tpu.memref_slice %arg15[%add3A_223, %dma_start3A_241] : memref<10240x64xf32, #tpu.memory_space<vmem_shared>> -> memref<160x64xf32, #tpu.memory_space<vmem_shared>>
      tpu.enqueue_dma source(%dma_start3A_242 : memref<160x64xf32, #tpu.memory_space<vmem_shared>>) target(%arg13 : memref<160x64xf32, #tpu.memory_space<vmem>>) target_semaphore(%run_scoped3A : memref<!tpu.dma_semaphore, #tpu.memory_space<semaphore_mem>>)
      %dma_wait3A_243 = arith.constant 0 : i32
      %dma_wait3A_244 = tpu.memref_slice %arg15[%add3A_223, %dma_wait3A_243] : memref<10240x64xf32, #tpu.memory_space<vmem_shared>> -> memref<160x64xf32, #tpu.memory_space<vmem_shared>>
      %dma_wait3A_245 = arith.constant 0 : i32
      %dma_wait3A_246 = tpu.memref_slice %arg15[%add3A_223, %dma_wait3A_245] : memref<10240x64xf32, #tpu.memory_space<vmem_shared>> -> memref<160x64xf32, #tpu.memory_space<vmem_shared>>
      tpu.wait_dma2 semaphore(%run_scoped3A : memref<!tpu.dma_semaphore, #tpu.memory_space<semaphore_mem>>) src(%dma_wait3A_246 : memref<160x64xf32, #tpu.memory_space<vmem_shared>>) dst(%arg13 : memref<160x64xf32, #tpu.memory_space<vmem>>)
      tpu.yield
    }) : () -> ()
    "tpu.region"() ({
      %run_scoped3A = tpu.sem_alloc : memref<!tpu.dma_semaphore, #tpu.memory_space<semaphore_mem>>
      %dma_start3A = arith.constant 0 : i32
      %dma_start3A_240 = tpu.memref_slice %arg8[%arg0, %add3A_223, %dma_start3A] : memref<2x10240x64xf32, #tpu.memory_space<hbm>> -> memref<1x160x64xf32, #tpu.memory_space<hbm>>
      %dma_start3A_241 = tpu.memref_squeeze %dma_start3A_240 : memref<1x160x64xf32, #tpu.memory_space<hbm>> -> memref<160x64xf32, #tpu.memory_space<hbm>>
      %dma_start3A_242 = arith.constant 0 : i32
      %dma_start3A_243 = tpu.memref_slice %arg8[%arg0, %add3A_223, %dma_start3A_242] : memref<2x10240x64xf32, #tpu.memory_space<hbm>> -> memref<1x160x64xf32, #tpu.memory_space<hbm>>
      %dma_start3A_244 = tpu.memref_squeeze %dma_start3A_243 : memref<1x160x64xf32, #tpu.memory_space<hbm>> -> memref<160x64xf32, #tpu.memory_space<hbm>>
      tpu.enqueue_dma source(%arg13 : memref<160x64xf32, #tpu.memory_space<vmem>>) target(%dma_start3A_244 : memref<160x64xf32, #tpu.memory_space<hbm>>) target_semaphore(%run_scoped3A : memref<!tpu.dma_semaphore, #tpu.memory_space<semaphore_mem>>)
      %dma_wait3A_245 = arith.constant 0 : i32
      %dma_wait3A_246 = tpu.memref_slice %arg8[%arg0, %add3A_223, %dma_wait3A_245] : memref<2x10240x64xf32, #tpu.memory_space<hbm>> -> memref<1x160x64xf32, #tpu.memory_space<hbm>>
      %dma_wait3A_247 = tpu.memref_squeeze %dma_wait3A_246 : memref<1x160x64xf32, #tpu.memory_space<hbm>> -> memref<160x64xf32, #tpu.memory_space<hbm>>
      %dma_wait3A_248 = arith.constant 0 : i32
      %dma_wait3A_249 = tpu.memref_slice %arg8[%arg0, %add3A_223, %dma_wait3A_248] : memref<2x10240x64xf32, #tpu.memory_space<hbm>> -> memref<1x160x64xf32, #tpu.memory_space<hbm>>
      %dma_wait3A_250 = tpu.memref_squeeze %dma_wait3A_249 : memref<1x160x64xf32, #tpu.memory_space<hbm>> -> memref<160x64xf32, #tpu.memory_space<hbm>>
      tpu.wait_dma2 semaphore(%run_scoped3A : memref<!tpu.dma_semaphore, #tpu.memory_space<semaphore_mem>>) src(%arg13 : memref<160x64xf32, #tpu.memory_space<vmem>>) dst(%dma_wait3A_250 : memref<160x64xf32, #tpu.memory_space<hbm>>)
      tpu.yield
    }) : () -> ()
    %mul3A_224 = arith.constant 640 : i32
    %mul3A_225 = arith.muli %arg1, %mul3A_224 : i32
    %add3A_226 = arith.constant 320 : i32
    %add3A_227 = arith.addi %mul3A_225, %add3A_226 : i32
    "tpu.region"() ({
      %run_scoped3A = tpu.sem_alloc : memref<!tpu.dma_semaphore, #tpu.memory_space<semaphore_mem>>
      %dma_start3A = arith.constant 0 : i32
      %dma_start3A_240 = tpu.memref_slice %arg15[%add3A_227, %dma_start3A] : memref<10240x64xf32, #tpu.memory_space<vmem_shared>> -> memref<160x64xf32, #tpu.memory_space<vmem_shared>>
      %dma_start3A_241 = arith.constant 0 : i32
      %dma_start3A_242 = tpu.memref_slice %arg15[%add3A_227, %dma_start3A_241] : memref<10240x64xf32, #tpu.memory_space<vmem_shared>> -> memref<160x64xf32, #tpu.memory_space<vmem_shared>>
      tpu.enqueue_dma source(%dma_start3A_242 : memref<160x64xf32, #tpu.memory_space<vmem_shared>>) target(%arg13 : memref<160x64xf32, #tpu.memory_space<vmem>>) target_semaphore(%run_scoped3A : memref<!tpu.dma_semaphore, #tpu.memory_space<semaphore_mem>>)
      %dma_wait3A_243 = arith.constant 0 : i32
      %dma_wait3A_244 = tpu.memref_slice %arg15[%add3A_227, %dma_wait3A_243] : memref<10240x64xf32, #tpu.memory_space<vmem_shared>> -> memref<160x64xf32, #tpu.memory_space<vmem_shared>>
      %dma_wait3A_245 = arith.constant 0 : i32
      %dma_wait3A_246 = tpu.memref_slice %arg15[%add3A_227, %dma_wait3A_245] : memref<10240x64xf32, #tpu.memory_space<vmem_shared>> -> memref<160x64xf32, #tpu.memory_space<vmem_shared>>
      tpu.wait_dma2 semaphore(%run_scoped3A : memref<!tpu.dma_semaphore, #tpu.memory_space<semaphore_mem>>) src(%dma_wait3A_246 : memref<160x64xf32, #tpu.memory_space<vmem_shared>>) dst(%arg13 : memref<160x64xf32, #tpu.memory_space<vmem>>)
      tpu.yield
    }) : () -> ()
    "tpu.region"() ({
      %run_scoped3A = tpu.sem_alloc : memref<!tpu.dma_semaphore, #tpu.memory_space<semaphore_mem>>
      %dma_start3A = arith.constant 0 : i32
      %dma_start3A_240 = tpu.memref_slice %arg8[%arg0, %add3A_227, %dma_start3A] : memref<2x10240x64xf32, #tpu.memory_space<hbm>> -> memref<1x160x64xf32, #tpu.memory_space<hbm>>
      %dma_start3A_241 = tpu.memref_squeeze %dma_start3A_240 : memref<1x160x64xf32, #tpu.memory_space<hbm>> -> memref<160x64xf32, #tpu.memory_space<hbm>>
      %dma_start3A_242 = arith.constant 0 : i32
      %dma_start3A_243 = tpu.memref_slice %arg8[%arg0, %add3A_227, %dma_start3A_242] : memref<2x10240x64xf32, #tpu.memory_space<hbm>> -> memref<1x160x64xf32, #tpu.memory_space<hbm>>
      %dma_start3A_244 = tpu.memref_squeeze %dma_start3A_243 : memref<1x160x64xf32, #tpu.memory_space<hbm>> -> memref<160x64xf32, #tpu.memory_space<hbm>>
      tpu.enqueue_dma source(%arg13 : memref<160x64xf32, #tpu.memory_space<vmem>>) target(%dma_start3A_244 : memref<160x64xf32, #tpu.memory_space<hbm>>) target_semaphore(%run_scoped3A : memref<!tpu.dma_semaphore, #tpu.memory_space<semaphore_mem>>)
      %dma_wait3A_245 = arith.constant 0 : i32
      %dma_wait3A_246 = tpu.memref_slice %arg8[%arg0, %add3A_227, %dma_wait3A_245] : memref<2x10240x64xf32, #tpu.memory_space<hbm>> -> memref<1x160x64xf32, #tpu.memory_space<hbm>>
      %dma_wait3A_247 = tpu.memref_squeeze %dma_wait3A_246 : memref<1x160x64xf32, #tpu.memory_space<hbm>> -> memref<160x64xf32, #tpu.memory_space<hbm>>
      %dma_wait3A_248 = arith.constant 0 : i32
      %dma_wait3A_249 = tpu.memref_slice %arg8[%arg0, %add3A_227, %dma_wait3A_248] : memref<2x10240x64xf32, #tpu.memory_space<hbm>> -> memref<1x160x64xf32, #tpu.memory_space<hbm>>
      %dma_wait3A_250 = tpu.memref_squeeze %dma_wait3A_249 : memref<1x160x64xf32, #tpu.memory_space<hbm>> -> memref<160x64xf32, #tpu.memory_space<hbm>>
      tpu.wait_dma2 semaphore(%run_scoped3A : memref<!tpu.dma_semaphore, #tpu.memory_space<semaphore_mem>>) src(%arg13 : memref<160x64xf32, #tpu.memory_space<vmem>>) dst(%dma_wait3A_250 : memref<160x64xf32, #tpu.memory_space<hbm>>)
      tpu.yield
    }) : () -> ()
    %mul3A_228 = arith.constant 640 : i32
    %mul3A_229 = arith.muli %arg1, %mul3A_228 : i32
    %add3A_230 = arith.constant 480 : i32
    %add3A_231 = arith.addi %mul3A_229, %add3A_230 : i32
    "tpu.region"() ({
      %run_scoped3A = tpu.sem_alloc : memref<!tpu.dma_semaphore, #tpu.memory_space<semaphore_mem>>
      %dma_start3A = arith.constant 0 : i32
      %dma_start3A_240 = tpu.memref_slice %arg15[%add3A_231, %dma_start3A] : memref<10240x64xf32, #tpu.memory_space<vmem_shared>> -> memref<160x64xf32, #tpu.memory_space<vmem_shared>>
      %dma_start3A_241 = arith.constant 0 : i32
      %dma_start3A_242 = tpu.memref_slice %arg15[%add3A_231, %dma_start3A_241] : memref<10240x64xf32, #tpu.memory_space<vmem_shared>> -> memref<160x64xf32, #tpu.memory_space<vmem_shared>>
      tpu.enqueue_dma source(%dma_start3A_242 : memref<160x64xf32, #tpu.memory_space<vmem_shared>>) target(%arg13 : memref<160x64xf32, #tpu.memory_space<vmem>>) target_semaphore(%run_scoped3A : memref<!tpu.dma_semaphore, #tpu.memory_space<semaphore_mem>>)
      %dma_wait3A_243 = arith.constant 0 : i32
      %dma_wait3A_244 = tpu.memref_slice %arg15[%add3A_231, %dma_wait3A_243] : memref<10240x64xf32, #tpu.memory_space<vmem_shared>> -> memref<160x64xf32, #tpu.memory_space<vmem_shared>>
      %dma_wait3A_245 = arith.constant 0 : i32
      %dma_wait3A_246 = tpu.memref_slice %arg15[%add3A_231, %dma_wait3A_245] : memref<10240x64xf32, #tpu.memory_space<vmem_shared>> -> memref<160x64xf32, #tpu.memory_space<vmem_shared>>
      tpu.wait_dma2 semaphore(%run_scoped3A : memref<!tpu.dma_semaphore, #tpu.memory_space<semaphore_mem>>) src(%dma_wait3A_246 : memref<160x64xf32, #tpu.memory_space<vmem_shared>>) dst(%arg13 : memref<160x64xf32, #tpu.memory_space<vmem>>)
      tpu.yield
    }) : () -> ()
    "tpu.region"() ({
      %run_scoped3A = tpu.sem_alloc : memref<!tpu.dma_semaphore, #tpu.memory_space<semaphore_mem>>
      %dma_start3A = arith.constant 0 : i32
      %dma_start3A_240 = tpu.memref_slice %arg8[%arg0, %add3A_231, %dma_start3A] : memref<2x10240x64xf32, #tpu.memory_space<hbm>> -> memref<1x160x64xf32, #tpu.memory_space<hbm>>
      %dma_start3A_241 = tpu.memref_squeeze %dma_start3A_240 : memref<1x160x64xf32, #tpu.memory_space<hbm>> -> memref<160x64xf32, #tpu.memory_space<hbm>>
      %dma_start3A_242 = arith.constant 0 : i32
      %dma_start3A_243 = tpu.memref_slice %arg8[%arg0, %add3A_231, %dma_start3A_242] : memref<2x10240x64xf32, #tpu.memory_space<hbm>> -> memref<1x160x64xf32, #tpu.memory_space<hbm>>
      %dma_start3A_244 = tpu.memref_squeeze %dma_start3A_243 : memref<1x160x64xf32, #tpu.memory_space<hbm>> -> memref<160x64xf32, #tpu.memory_space<hbm>>
      tpu.enqueue_dma source(%arg13 : memref<160x64xf32, #tpu.memory_space<vmem>>) target(%dma_start3A_244 : memref<160x64xf32, #tpu.memory_space<hbm>>) target_semaphore(%run_scoped3A : memref<!tpu.dma_semaphore, #tpu.memory_space<semaphore_mem>>)
      %dma_wait3A_245 = arith.constant 0 : i32
      %dma_wait3A_246 = tpu.memref_slice %arg8[%arg0, %add3A_231, %dma_wait3A_245] : memref<2x10240x64xf32, #tpu.memory_space<hbm>> -> memref<1x160x64xf32, #tpu.memory_space<hbm>>
      %dma_wait3A_247 = tpu.memref_squeeze %dma_wait3A_246 : memref<1x160x64xf32, #tpu.memory_space<hbm>> -> memref<160x64xf32, #tpu.memory_space<hbm>>
      %dma_wait3A_248 = arith.constant 0 : i32
      %dma_wait3A_249 = tpu.memref_slice %arg8[%arg0, %add3A_231, %dma_wait3A_248] : memref<2x10240x64xf32, #tpu.memory_space<hbm>> -> memref<1x160x64xf32, #tpu.memory_space<hbm>>
      %dma_wait3A_250 = tpu.memref_squeeze %dma_wait3A_249 : memref<1x160x64xf32, #tpu.memory_space<hbm>> -> memref<160x64xf32, #tpu.memory_space<hbm>>
      tpu.wait_dma2 semaphore(%run_scoped3A : memref<!tpu.dma_semaphore, #tpu.memory_space<semaphore_mem>>) src(%arg13 : memref<160x64xf32, #tpu.memory_space<vmem>>) dst(%dma_wait3A_250 : memref<160x64xf32, #tpu.memory_space<hbm>>)
      tpu.yield
    }) : () -> ()
    %mul3A_232 = arith.constant 640 : i32
    %mul3A_233 = arith.muli %arg1, %mul3A_232 : i32
    %add3A_234 = arith.constant 0 : i32
    %add3A_235 = arith.addi %mul3A_233, %add3A_234 : i32
    "tpu.region"() ({
      %run_scoped3A = tpu.sem_alloc : memref<!tpu.dma_semaphore, #tpu.memory_space<semaphore_mem>>
      %dma_start3A = arith.constant 0 : i32
      %dma_start3A_240 = tpu.memref_slice %arg16[%add3A_235, %dma_start3A] : memref<10240x16xf32, #tpu.memory_space<vmem_shared>> -> memref<320x16xf32, #tpu.memory_space<vmem_shared>>
      %dma_start3A_241 = arith.constant 0 : i32
      %dma_start3A_242 = tpu.memref_slice %arg16[%add3A_235, %dma_start3A_241] : memref<10240x16xf32, #tpu.memory_space<vmem_shared>> -> memref<320x16xf32, #tpu.memory_space<vmem_shared>>
      tpu.enqueue_dma source(%dma_start3A_242 : memref<320x16xf32, #tpu.memory_space<vmem_shared>>) target(%arg14 : memref<320x16xf32, #tpu.memory_space<vmem>>) target_semaphore(%run_scoped3A : memref<!tpu.dma_semaphore, #tpu.memory_space<semaphore_mem>>)
      %dma_wait3A_243 = arith.constant 0 : i32
      %dma_wait3A_244 = tpu.memref_slice %arg16[%add3A_235, %dma_wait3A_243] : memref<10240x16xf32, #tpu.memory_space<vmem_shared>> -> memref<320x16xf32, #tpu.memory_space<vmem_shared>>
      %dma_wait3A_245 = arith.constant 0 : i32
      %dma_wait3A_246 = tpu.memref_slice %arg16[%add3A_235, %dma_wait3A_245] : memref<10240x16xf32, #tpu.memory_space<vmem_shared>> -> memref<320x16xf32, #tpu.memory_space<vmem_shared>>
      tpu.wait_dma2 semaphore(%run_scoped3A : memref<!tpu.dma_semaphore, #tpu.memory_space<semaphore_mem>>) src(%dma_wait3A_246 : memref<320x16xf32, #tpu.memory_space<vmem_shared>>) dst(%arg14 : memref<320x16xf32, #tpu.memory_space<vmem>>)
      tpu.yield
    }) : () -> ()
    "tpu.region"() ({
      %run_scoped3A = tpu.sem_alloc : memref<!tpu.dma_semaphore, #tpu.memory_space<semaphore_mem>>
      %dma_start3A = arith.constant 0 : i32
      %dma_start3A_240 = tpu.memref_slice %arg9[%arg0, %add3A_235, %dma_start3A] : memref<2x10240x16xf32, #tpu.memory_space<hbm>> -> memref<1x320x16xf32, #tpu.memory_space<hbm>>
      %dma_start3A_241 = tpu.memref_squeeze %dma_start3A_240 : memref<1x320x16xf32, #tpu.memory_space<hbm>> -> memref<320x16xf32, #tpu.memory_space<hbm>>
      %dma_start3A_242 = arith.constant 0 : i32
      %dma_start3A_243 = tpu.memref_slice %arg9[%arg0, %add3A_235, %dma_start3A_242] : memref<2x10240x16xf32, #tpu.memory_space<hbm>> -> memref<1x320x16xf32, #tpu.memory_space<hbm>>
      %dma_start3A_244 = tpu.memref_squeeze %dma_start3A_243 : memref<1x320x16xf32, #tpu.memory_space<hbm>> -> memref<320x16xf32, #tpu.memory_space<hbm>>
      tpu.enqueue_dma source(%arg14 : memref<320x16xf32, #tpu.memory_space<vmem>>) target(%dma_start3A_244 : memref<320x16xf32, #tpu.memory_space<hbm>>) target_semaphore(%run_scoped3A : memref<!tpu.dma_semaphore, #tpu.memory_space<semaphore_mem>>)
      %dma_wait3A_245 = arith.constant 0 : i32
      %dma_wait3A_246 = tpu.memref_slice %arg9[%arg0, %add3A_235, %dma_wait3A_245] : memref<2x10240x16xf32, #tpu.memory_space<hbm>> -> memref<1x320x16xf32, #tpu.memory_space<hbm>>
      %dma_wait3A_247 = tpu.memref_squeeze %dma_wait3A_246 : memref<1x320x16xf32, #tpu.memory_space<hbm>> -> memref<320x16xf32, #tpu.memory_space<hbm>>
      %dma_wait3A_248 = arith.constant 0 : i32
      %dma_wait3A_249 = tpu.memref_slice %arg9[%arg0, %add3A_235, %dma_wait3A_248] : memref<2x10240x16xf32, #tpu.memory_space<hbm>> -> memref<1x320x16xf32, #tpu.memory_space<hbm>>
      %dma_wait3A_250 = tpu.memref_squeeze %dma_wait3A_249 : memref<1x320x16xf32, #tpu.memory_space<hbm>> -> memref<320x16xf32, #tpu.memory_space<hbm>>
      tpu.wait_dma2 semaphore(%run_scoped3A : memref<!tpu.dma_semaphore, #tpu.memory_space<semaphore_mem>>) src(%arg14 : memref<320x16xf32, #tpu.memory_space<vmem>>) dst(%dma_wait3A_250 : memref<320x16xf32, #tpu.memory_space<hbm>>)
      tpu.yield
    }) : () -> ()
    %mul3A_236 = arith.constant 640 : i32
    %mul3A_237 = arith.muli %arg1, %mul3A_236 : i32
    %add3A_238 = arith.constant 320 : i32
    %add3A_239 = arith.addi %mul3A_237, %add3A_238 : i32
    "tpu.region"() ({
      %run_scoped3A = tpu.sem_alloc : memref<!tpu.dma_semaphore, #tpu.memory_space<semaphore_mem>>
      %dma_start3A = arith.constant 0 : i32
      %dma_start3A_240 = tpu.memref_slice %arg16[%add3A_239, %dma_start3A] : memref<10240x16xf32, #tpu.memory_space<vmem_shared>> -> memref<320x16xf32, #tpu.memory_space<vmem_shared>>
      %dma_start3A_241 = arith.constant 0 : i32
      %dma_start3A_242 = tpu.memref_slice %arg16[%add3A_239, %dma_start3A_241] : memref<10240x16xf32, #tpu.memory_space<vmem_shared>> -> memref<320x16xf32, #tpu.memory_space<vmem_shared>>
      tpu.enqueue_dma source(%dma_start3A_242 : memref<320x16xf32, #tpu.memory_space<vmem_shared>>) target(%arg14 : memref<320x16xf32, #tpu.memory_space<vmem>>) target_semaphore(%run_scoped3A : memref<!tpu.dma_semaphore, #tpu.memory_space<semaphore_mem>>)
      %dma_wait3A_243 = arith.constant 0 : i32
      %dma_wait3A_244 = tpu.memref_slice %arg16[%add3A_239, %dma_wait3A_243] : memref<10240x16xf32, #tpu.memory_space<vmem_shared>> -> memref<320x16xf32, #tpu.memory_space<vmem_shared>>
      %dma_wait3A_245 = arith.constant 0 : i32
      %dma_wait3A_246 = tpu.memref_slice %arg16[%add3A_239, %dma_wait3A_245] : memref<10240x16xf32, #tpu.memory_space<vmem_shared>> -> memref<320x16xf32, #tpu.memory_space<vmem_shared>>
      tpu.wait_dma2 semaphore(%run_scoped3A : memref<!tpu.dma_semaphore, #tpu.memory_space<semaphore_mem>>) src(%dma_wait3A_246 : memref<320x16xf32, #tpu.memory_space<vmem_shared>>) dst(%arg14 : memref<320x16xf32, #tpu.memory_space<vmem>>)
      tpu.yield
    }) : () -> ()
    "tpu.region"() ({
      %run_scoped3A = tpu.sem_alloc : memref<!tpu.dma_semaphore, #tpu.memory_space<semaphore_mem>>
      %dma_start3A = arith.constant 0 : i32
      %dma_start3A_240 = tpu.memref_slice %arg9[%arg0, %add3A_239, %dma_start3A] : memref<2x10240x16xf32, #tpu.memory_space<hbm>> -> memref<1x320x16xf32, #tpu.memory_space<hbm>>
      %dma_start3A_241 = tpu.memref_squeeze %dma_start3A_240 : memref<1x320x16xf32, #tpu.memory_space<hbm>> -> memref<320x16xf32, #tpu.memory_space<hbm>>
      %dma_start3A_242 = arith.constant 0 : i32
      %dma_start3A_243 = tpu.memref_slice %arg9[%arg0, %add3A_239, %dma_start3A_242] : memref<2x10240x16xf32, #tpu.memory_space<hbm>> -> memref<1x320x16xf32, #tpu.memory_space<hbm>>
      %dma_start3A_244 = tpu.memref_squeeze %dma_start3A_243 : memref<1x320x16xf32, #tpu.memory_space<hbm>> -> memref<320x16xf32, #tpu.memory_space<hbm>>
      tpu.enqueue_dma source(%arg14 : memref<320x16xf32, #tpu.memory_space<vmem>>) target(%dma_start3A_244 : memref<320x16xf32, #tpu.memory_space<hbm>>) target_semaphore(%run_scoped3A : memref<!tpu.dma_semaphore, #tpu.memory_space<semaphore_mem>>)
      %dma_wait3A_245 = arith.constant 0 : i32
      %dma_wait3A_246 = tpu.memref_slice %arg9[%arg0, %add3A_239, %dma_wait3A_245] : memref<2x10240x16xf32, #tpu.memory_space<hbm>> -> memref<1x320x16xf32, #tpu.memory_space<hbm>>
      %dma_wait3A_247 = tpu.memref_squeeze %dma_wait3A_246 : memref<1x320x16xf32, #tpu.memory_space<hbm>> -> memref<320x16xf32, #tpu.memory_space<hbm>>
      %dma_wait3A_248 = arith.constant 0 : i32
      %dma_wait3A_249 = tpu.memref_slice %arg9[%arg0, %add3A_239, %dma_wait3A_248] : memref<2x10240x16xf32, #tpu.memory_space<hbm>> -> memref<1x320x16xf32, #tpu.memory_space<hbm>>
      %dma_wait3A_250 = tpu.memref_squeeze %dma_wait3A_249 : memref<1x320x16xf32, #tpu.memory_space<hbm>> -> memref<320x16xf32, #tpu.memory_space<hbm>>
      tpu.wait_dma2 semaphore(%run_scoped3A : memref<!tpu.dma_semaphore, #tpu.memory_space<semaphore_mem>>) src(%arg14 : memref<320x16xf32, #tpu.memory_space<vmem>>) dst(%dma_wait3A_250 : memref<320x16xf32, #tpu.memory_space<hbm>>)
      tpu.yield
    }) : () -> ()
    return
  }
}

module attributes {stable_mosaic.version = 14 : i64} {
  func.func @_dense_body(%arg0: i32, %arg1: memref<4000x128xf32, #tpu.memory_space<vmem>>, %arg2: memref<4000x128xf32, #tpu.memory_space<vmem>>, %arg3: memref<4000x2xf32, #tpu.memory_space<vmem>>, %arg4: memref<128x2xf32, #tpu.memory_space<vmem>>, %arg5: memref<2x128xf32, #tpu.memory_space<vmem>>, %arg6: memref<1x128xf32, #tpu.memory_space<vmem>>, %arg7: memref<1x128xf32, #tpu.memory_space<vmem>>, %arg8: memref<1x128xf32, #tpu.memory_space<vmem>>, %arg9: memref<1x128xf32, #tpu.memory_space<vmem>>, %arg10: memref<1x128xf32, #tpu.memory_space<vmem>>, %arg11: memref<1x128xf32, #tpu.memory_space<vmem>>, %arg12: memref<1x128xf32, #tpu.memory_space<vmem>>, %arg13: memref<1x128xf32, #tpu.memory_space<vmem>>, %arg14: memref<1x128xf32, #tpu.memory_space<vmem>>, %arg15: memref<128x128xf32, #tpu.memory_space<vmem>>, %arg16: memref<128x128xf32, #tpu.memory_space<vmem>>, %arg17: memref<128x128xf32, #tpu.memory_space<vmem>>, %arg18: memref<128x128xf32, #tpu.memory_space<vmem>>, %arg19: memref<4000x128xf32, #tpu.memory_space<vmem>>, %arg20: memref<4000x128xf32, #tpu.memory_space<vmem>>) attributes {dimension_semantics = [#tpu.dimension_semantics<arbitrary>], iteration_bounds = array<i64: 40>, scalar_prefetch = 0 : i64, scratch_operands = 0 : i64, tpu.core_type = #tpu.core_type<tc>, window_params = [{transform_indices = @transform_0, window_bounds = array<i64: 4000, 128>}, {transform_indices = @transform_1, window_bounds = array<i64: 4000, 128>}, {transform_indices = @transform_2, window_bounds = array<i64: 4000, 2>}, {pipeline_mode = #tpu.pipeline_mode<synchronous>, transform_indices = @transform_3, window_bounds = array<i64: 128, 2>}, {pipeline_mode = #tpu.pipeline_mode<synchronous>, transform_indices = @transform_4, window_bounds = array<i64: 2, 128>}, {pipeline_mode = #tpu.pipeline_mode<synchronous>, transform_indices = @transform_5, window_bounds = array<i64: 1, 128>}, {pipeline_mode = #tpu.pipeline_mode<synchronous>, transform_indices = @transform_6, window_bounds = array<i64: 1, 128>}, {pipeline_mode = #tpu.pipeline_mode<synchronous>, transform_indices = @transform_7, window_bounds = array<i64: 1, 128>}, {pipeline_mode = #tpu.pipeline_mode<synchronous>, transform_indices = @transform_8, window_bounds = array<i64: 1, 128>}, {pipeline_mode = #tpu.pipeline_mode<synchronous>, transform_indices = @transform_9, window_bounds = array<i64: 1, 128>}, {pipeline_mode = #tpu.pipeline_mode<synchronous>, transform_indices = @transform_10, window_bounds = array<i64: 1, 128>}, {pipeline_mode = #tpu.pipeline_mode<synchronous>, transform_indices = @transform_11, window_bounds = array<i64: 1, 128>}, {pipeline_mode = #tpu.pipeline_mode<synchronous>, transform_indices = @transform_12, window_bounds = array<i64: 1, 128>}, {pipeline_mode = #tpu.pipeline_mode<synchronous>, transform_indices = @transform_13, window_bounds = array<i64: 1, 128>}, {pipeline_mode = #tpu.pipeline_mode<synchronous>, transform_indices = @transform_14, window_bounds = array<i64: 128, 128>}, {pipeline_mode = #tpu.pipeline_mode<synchronous>, transform_indices = @transform_15, window_bounds = array<i64: 128, 128>}, {pipeline_mode = #tpu.pipeline_mode<synchronous>, transform_indices = @transform_16, window_bounds = array<i64: 128, 128>}, {pipeline_mode = #tpu.pipeline_mode<synchronous>, transform_indices = @transform_17, window_bounds = array<i64: 128, 128>}, {transform_indices = @transform_18, window_bounds = array<i64: 4000, 128>}, {transform_indices = @transform_19, window_bounds = array<i64: 4000, 128>}]} {
    %get3A = arith.constant 0 : index
    %get3A_0 = arith.constant 0 : index
    %get3A_1 = vector.load %arg1[%get3A, %get3A_0] : memref<4000x128xf32, #tpu.memory_space<vmem>>, vector<4000x128xf32>
    %bitcast_convert_type3A = tpu.bitcast %get3A_1 : vector<4000x128xf32> -> vector<4000x128xi32>
    %shift_left3A = arith.constant 16 : i32
    %shift_left3A_2 = vector.broadcast %shift_left3A : i32 to vector<4000x128xi32>
    %shift_left3A_3 = arith.shli %bitcast_convert_type3A, %shift_left3A_2 : vector<4000x128xi32>
    %bitcast_convert_type3A_4 = tpu.bitcast %shift_left3A_3 : vector<4000x128xi32> -> vector<4000x128xf32>
    %and3A = arith.constant -65536 : i32
    %and3A_5 = vector.broadcast %and3A : i32 to vector<4000x128xi32>
    %and3A_6 = arith.andi %bitcast_convert_type3A, %and3A_5 : vector<4000x128xi32>
    %bitcast_convert_type3A_7 = tpu.bitcast %and3A_6 : vector<4000x128xi32> -> vector<4000x128xf32>
    %get3A_8 = arith.constant 0 : index
    %get3A_9 = arith.constant 0 : index
    %get3A_10 = vector.load %arg2[%get3A_8, %get3A_9] : memref<4000x128xf32, #tpu.memory_space<vmem>>, vector<4000x128xf32>
    %bitcast_convert_type3A_11 = tpu.bitcast %get3A_10 : vector<4000x128xf32> -> vector<4000x128xi32>
    %shift_left3A_12 = arith.constant 16 : i32
    %shift_left3A_13 = vector.broadcast %shift_left3A_12 : i32 to vector<4000x128xi32>
    %shift_left3A_14 = arith.shli %bitcast_convert_type3A_11, %shift_left3A_13 : vector<4000x128xi32>
    %bitcast_convert_type3A_15 = tpu.bitcast %shift_left3A_14 : vector<4000x128xi32> -> vector<4000x128xf32>
    %and3A_16 = arith.constant -65536 : i32
    %and3A_17 = vector.broadcast %and3A_16 : i32 to vector<4000x128xi32>
    %and3A_18 = arith.andi %bitcast_convert_type3A_11, %and3A_17 : vector<4000x128xi32>
    %bitcast_convert_type3A_19 = tpu.bitcast %and3A_18 : vector<4000x128xi32> -> vector<4000x128xf32>
    %get3A_20 = arith.constant 0 : index
    %get3A_21 = arith.constant 0 : index
    %get3A_22 = vector.load %arg4[%get3A_20, %get3A_21] : memref<128x2xf32, #tpu.memory_space<vmem>>, vector<128x2xf32>
    %convert_element_type3A = arith.truncf %get3A_22 : vector<128x2xf32> to vector<128x2xbf16>
    %get3A_23 = arith.constant 0 : index
    %get3A_24 = arith.constant 0 : index
    %get3A_25 = vector.load %arg5[%get3A_23, %get3A_24] : memref<2x128xf32, #tpu.memory_space<vmem>>, vector<2x128xf32>
    %add3A = arith.addf %bitcast_convert_type3A_4, %bitcast_convert_type3A_7 : vector<4000x128xf32>
    %add3A_26 = arith.addf %add3A, %bitcast_convert_type3A_15 : vector<4000x128xf32>
    %add3A_27 = arith.addf %add3A_26, %bitcast_convert_type3A_19 : vector<4000x128xf32>
    %mul3A = arith.mulf %bitcast_convert_type3A_4, %bitcast_convert_type3A_4 : vector<4000x128xf32>
    %mul3A_28 = arith.mulf %bitcast_convert_type3A_7, %bitcast_convert_type3A_7 : vector<4000x128xf32>
    %add3A_29 = arith.addf %mul3A, %mul3A_28 : vector<4000x128xf32>
    %mul3A_30 = arith.mulf %bitcast_convert_type3A_15, %bitcast_convert_type3A_15 : vector<4000x128xf32>
    %add3A_31 = arith.addf %add3A_29, %mul3A_30 : vector<4000x128xf32>
    %mul3A_32 = arith.mulf %bitcast_convert_type3A_19, %bitcast_convert_type3A_19 : vector<4000x128xf32>
    %add3A_33 = arith.addf %add3A_31, %mul3A_32 : vector<4000x128xf32>
    %convert_element_type3A_34 = arith.truncf %add3A_27 : vector<4000x128xf32> to vector<4000x128xbf16>
    %dot_general3A = arith.constant dense<0.000000e+00> : vector<4000x2xf32>
    %dot_general3A_35 = tpu.matmul %convert_element_type3A_34, %convert_element_type3A, %dot_general3A {dimension_numbers = #tpu.dot_dimension_numbers<[1], [0], [0], [1], [0, 0, 1, 1], [], []>, transpose_lhs_hint = false} : vector<4000x128xbf16>, vector<128x2xbf16>, vector<4000x2xf32> -> vector<4000x2xf32>
    %convert_element_type3A_36 = arith.truncf %add3A_33 : vector<4000x128xf32> to vector<4000x128xbf16>
    %dot_general3A_37 = arith.constant dense<0.000000e+00> : vector<4000x2xf32>
    %dot_general3A_38 = tpu.matmul %convert_element_type3A_36, %convert_element_type3A, %dot_general3A_37 {dimension_numbers = #tpu.dot_dimension_numbers<[1], [0], [0], [1], [0, 0, 1, 1], [], []>, transpose_lhs_hint = false} : vector<4000x128xbf16>, vector<128x2xbf16>, vector<4000x2xf32> -> vector<4000x2xf32>
    %mul3A_39 = arith.constant 3.906250e-03 : f32
    %mul3A_40 = vector.broadcast %mul3A_39 : f32 to vector<4000x2xf32>
    %mul3A_41 = arith.mulf %dot_general3A_35, %mul3A_40 : vector<4000x2xf32>
    %mul3A_42 = arith.constant 3.906250e-03 : f32
    %mul3A_43 = vector.broadcast %mul3A_42 : f32 to vector<4000x2xf32>
    %mul3A_44 = arith.mulf %dot_general3A_38, %mul3A_43 : vector<4000x2xf32>
    %mul3A_45 = arith.mulf %mul3A_41, %mul3A_41 : vector<4000x2xf32>
    %sub3A = arith.subf %mul3A_44, %mul3A_45 : vector<4000x2xf32>
    %add3A_46 = arith.constant 9.99999974E-6 : f32
    %add3A_47 = vector.broadcast %add3A_46 : f32 to vector<4000x2xf32>
    %add3A_48 = arith.addf %sub3A, %add3A_47 : vector<4000x2xf32>
    %rsqrt3A = math.rsqrt %add3A_48 : vector<4000x2xf32>
    %dot_general3A_49 = arith.constant dense<0.000000e+00> : vector<4000x128xf32>
    %dot_general3A_50 = tpu.matmul %mul3A_41, %get3A_25, %dot_general3A_49 {dimension_numbers = #tpu.dot_dimension_numbers<[1], [0], [0], [1], [0, 0, 1, 1], [], []>, transpose_lhs_hint = false} : vector<4000x2xf32>, vector<2x128xf32>, vector<4000x128xf32> -> vector<4000x128xf32>
    %dot_general3A_51 = arith.constant dense<0.000000e+00> : vector<4000x128xf32>
    %dot_general3A_52 = tpu.matmul %rsqrt3A, %get3A_25, %dot_general3A_51 {dimension_numbers = #tpu.dot_dimension_numbers<[1], [0], [0], [1], [0, 0, 1, 1], [], []>, transpose_lhs_hint = false} : vector<4000x2xf32>, vector<2x128xf32>, vector<4000x128xf32> -> vector<4000x128xf32>
    %sub3A_53 = arith.subf %bitcast_convert_type3A_4, %dot_general3A_50 : vector<4000x128xf32>
    %mul3A_54 = arith.mulf %sub3A_53, %dot_general3A_52 : vector<4000x128xf32>
    %get3A_55 = arith.constant 0 : index
    %get3A_56 = arith.constant 0 : index
    %get3A_57 = vector.load %arg6[%get3A_55, %get3A_56] : memref<1x128xf32, #tpu.memory_space<vmem>>, vector<1x128xf32>
    %mul3A_58 = vector.broadcast %get3A_57 : vector<1x128xf32> to vector<4000x128xf32>
    %mul3A_59 = arith.mulf %mul3A_54, %mul3A_58 : vector<4000x128xf32>
    %get3A_60 = arith.constant 0 : index
    %get3A_61 = arith.constant 0 : index
    %get3A_62 = vector.load %arg10[%get3A_60, %get3A_61] : memref<1x128xf32, #tpu.memory_space<vmem>>, vector<1x128xf32>
    %add3A_63 = vector.broadcast %get3A_62 : vector<1x128xf32> to vector<4000x128xf32>
    %add3A_64 = arith.addf %mul3A_59, %add3A_63 : vector<4000x128xf32>
    %max3A = arith.constant 0.000000e+00 : f32
    %max3A_65 = vector.broadcast %max3A : f32 to vector<4000x128xf32>
    %max3A_66 = arith.maximumf %add3A_64, %max3A_65 : vector<4000x128xf32>
    %sub3A_67 = arith.subf %bitcast_convert_type3A_7, %dot_general3A_50 : vector<4000x128xf32>
    %mul3A_68 = arith.mulf %sub3A_67, %dot_general3A_52 : vector<4000x128xf32>
    %get3A_69 = arith.constant 0 : index
    %get3A_70 = arith.constant 0 : index
    %get3A_71 = vector.load %arg7[%get3A_69, %get3A_70] : memref<1x128xf32, #tpu.memory_space<vmem>>, vector<1x128xf32>
    %mul3A_72 = vector.broadcast %get3A_71 : vector<1x128xf32> to vector<4000x128xf32>
    %mul3A_73 = arith.mulf %mul3A_68, %mul3A_72 : vector<4000x128xf32>
    %get3A_74 = arith.constant 0 : index
    %get3A_75 = arith.constant 0 : index
    %get3A_76 = vector.load %arg11[%get3A_74, %get3A_75] : memref<1x128xf32, #tpu.memory_space<vmem>>, vector<1x128xf32>
    %add3A_77 = vector.broadcast %get3A_76 : vector<1x128xf32> to vector<4000x128xf32>
    %add3A_78 = arith.addf %mul3A_73, %add3A_77 : vector<4000x128xf32>
    %max3A_79 = arith.constant 0.000000e+00 : f32
    %max3A_80 = vector.broadcast %max3A_79 : f32 to vector<4000x128xf32>
    %max3A_81 = arith.maximumf %add3A_78, %max3A_80 : vector<4000x128xf32>
    %sub3A_82 = arith.subf %bitcast_convert_type3A_15, %dot_general3A_50 : vector<4000x128xf32>
    %mul3A_83 = arith.mulf %sub3A_82, %dot_general3A_52 : vector<4000x128xf32>
    %get3A_84 = arith.constant 0 : index
    %get3A_85 = arith.constant 0 : index
    %get3A_86 = vector.load %arg8[%get3A_84, %get3A_85] : memref<1x128xf32, #tpu.memory_space<vmem>>, vector<1x128xf32>
    %mul3A_87 = vector.broadcast %get3A_86 : vector<1x128xf32> to vector<4000x128xf32>
    %mul3A_88 = arith.mulf %mul3A_83, %mul3A_87 : vector<4000x128xf32>
    %get3A_89 = arith.constant 0 : index
    %get3A_90 = arith.constant 0 : index
    %get3A_91 = vector.load %arg12[%get3A_89, %get3A_90] : memref<1x128xf32, #tpu.memory_space<vmem>>, vector<1x128xf32>
    %add3A_92 = vector.broadcast %get3A_91 : vector<1x128xf32> to vector<4000x128xf32>
    %add3A_93 = arith.addf %mul3A_88, %add3A_92 : vector<4000x128xf32>
    %max3A_94 = arith.constant 0.000000e+00 : f32
    %max3A_95 = vector.broadcast %max3A_94 : f32 to vector<4000x128xf32>
    %max3A_96 = arith.maximumf %add3A_93, %max3A_95 : vector<4000x128xf32>
    %sub3A_97 = arith.subf %bitcast_convert_type3A_19, %dot_general3A_50 : vector<4000x128xf32>
    %mul3A_98 = arith.mulf %sub3A_97, %dot_general3A_52 : vector<4000x128xf32>
    %get3A_99 = arith.constant 0 : index
    %get3A_100 = arith.constant 0 : index
    %get3A_101 = vector.load %arg9[%get3A_99, %get3A_100] : memref<1x128xf32, #tpu.memory_space<vmem>>, vector<1x128xf32>
    %mul3A_102 = vector.broadcast %get3A_101 : vector<1x128xf32> to vector<4000x128xf32>
    %mul3A_103 = arith.mulf %mul3A_98, %mul3A_102 : vector<4000x128xf32>
    %get3A_104 = arith.constant 0 : index
    %get3A_105 = arith.constant 0 : index
    %get3A_106 = vector.load %arg13[%get3A_104, %get3A_105] : memref<1x128xf32, #tpu.memory_space<vmem>>, vector<1x128xf32>
    %add3A_107 = vector.broadcast %get3A_106 : vector<1x128xf32> to vector<4000x128xf32>
    %add3A_108 = arith.addf %mul3A_103, %add3A_107 : vector<4000x128xf32>
    %max3A_109 = arith.constant 0.000000e+00 : f32
    %max3A_110 = vector.broadcast %max3A_109 : f32 to vector<4000x128xf32>
    %max3A_111 = arith.maximumf %add3A_108, %max3A_110 : vector<4000x128xf32>
    %convert_element_type3A_112 = arith.truncf %max3A_66 : vector<4000x128xf32> to vector<4000x128xbf16>
    %get3A_113 = arith.constant 0 : index
    %get3A_114 = arith.constant 0 : index
    %get3A_115 = vector.load %arg15[%get3A_113, %get3A_114] : memref<128x128xf32, #tpu.memory_space<vmem>>, vector<128x128xf32>
    %convert_element_type3A_116 = arith.truncf %get3A_115 : vector<128x128xf32> to vector<128x128xbf16>
    %dot_general3A_117 = arith.constant dense<0.000000e+00> : vector<4000x128xf32>
    %dot_general3A_118 = tpu.matmul %convert_element_type3A_112, %convert_element_type3A_116, %dot_general3A_117 {dimension_numbers = #tpu.dot_dimension_numbers<[1], [0], [0], [1], [0, 0, 1, 1], [], []>, transpose_lhs_hint = false} : vector<4000x128xbf16>, vector<128x128xbf16>, vector<4000x128xf32> -> vector<4000x128xf32>
    %convert_element_type3A_119 = arith.truncf %max3A_81 : vector<4000x128xf32> to vector<4000x128xbf16>
    %get3A_120 = arith.constant 0 : index
    %get3A_121 = arith.constant 0 : index
    %get3A_122 = vector.load %arg16[%get3A_120, %get3A_121] : memref<128x128xf32, #tpu.memory_space<vmem>>, vector<128x128xf32>
    %convert_element_type3A_123 = arith.truncf %get3A_122 : vector<128x128xf32> to vector<128x128xbf16>
    %dot_general3A_124 = arith.constant dense<0.000000e+00> : vector<4000x128xf32>
    %dot_general3A_125 = tpu.matmul %convert_element_type3A_119, %convert_element_type3A_123, %dot_general3A_124 {dimension_numbers = #tpu.dot_dimension_numbers<[1], [0], [0], [1], [0, 0, 1, 1], [], []>, transpose_lhs_hint = false} : vector<4000x128xbf16>, vector<128x128xbf16>, vector<4000x128xf32> -> vector<4000x128xf32>
    %add3A_126 = arith.addf %dot_general3A_118, %dot_general3A_125 : vector<4000x128xf32>
    %convert_element_type3A_127 = arith.truncf %max3A_96 : vector<4000x128xf32> to vector<4000x128xbf16>
    %get3A_128 = arith.constant 0 : index
    %get3A_129 = arith.constant 0 : index
    %get3A_130 = vector.load %arg17[%get3A_128, %get3A_129] : memref<128x128xf32, #tpu.memory_space<vmem>>, vector<128x128xf32>
    %convert_element_type3A_131 = arith.truncf %get3A_130 : vector<128x128xf32> to vector<128x128xbf16>
    %dot_general3A_132 = arith.constant dense<0.000000e+00> : vector<4000x128xf32>
    %dot_general3A_133 = tpu.matmul %convert_element_type3A_127, %convert_element_type3A_131, %dot_general3A_132 {dimension_numbers = #tpu.dot_dimension_numbers<[1], [0], [0], [1], [0, 0, 1, 1], [], []>, transpose_lhs_hint = false} : vector<4000x128xbf16>, vector<128x128xbf16>, vector<4000x128xf32> -> vector<4000x128xf32>
    %add3A_134 = arith.addf %add3A_126, %dot_general3A_133 : vector<4000x128xf32>
    %convert_element_type3A_135 = arith.truncf %max3A_111 : vector<4000x128xf32> to vector<4000x128xbf16>
    %get3A_136 = arith.constant 0 : index
    %get3A_137 = arith.constant 0 : index
    %get3A_138 = vector.load %arg18[%get3A_136, %get3A_137] : memref<128x128xf32, #tpu.memory_space<vmem>>, vector<128x128xf32>
    %convert_element_type3A_139 = arith.truncf %get3A_138 : vector<128x128xf32> to vector<128x128xbf16>
    %dot_general3A_140 = arith.constant dense<0.000000e+00> : vector<4000x128xf32>
    %dot_general3A_141 = tpu.matmul %convert_element_type3A_135, %convert_element_type3A_139, %dot_general3A_140 {dimension_numbers = #tpu.dot_dimension_numbers<[1], [0], [0], [1], [0, 0, 1, 1], [], []>, transpose_lhs_hint = false} : vector<4000x128xbf16>, vector<128x128xbf16>, vector<4000x128xf32> -> vector<4000x128xf32>
    %add3A_142 = arith.addf %add3A_134, %dot_general3A_141 : vector<4000x128xf32>
    %get3A_143 = arith.constant 0 : index
    %get3A_144 = arith.constant 0 : index
    %get3A_145 = vector.load %arg14[%get3A_143, %get3A_144] : memref<1x128xf32, #tpu.memory_space<vmem>>, vector<1x128xf32>
    %add3A_146 = vector.broadcast %get3A_145 : vector<1x128xf32> to vector<4000x128xf32>
    %add3A_147 = arith.addf %add3A_142, %add3A_146 : vector<4000x128xf32>
    %logistic3A = arith.negf %add3A_147 : vector<4000x128xf32>
    %logistic3A_148 = math.exp %logistic3A : vector<4000x128xf32>
    %logistic3A_149 = arith.constant 1.000000e+00 : f32
    %logistic3A_150 = vector.broadcast %logistic3A_149 : f32 to vector<4000x128xf32>
    %logistic3A_151 = arith.addf %logistic3A_150, %logistic3A_148 : vector<4000x128xf32>
    %logistic3A_152 = arith.divf %logistic3A_150, %logistic3A_151 : vector<4000x128xf32>
    %convert_element_type3A_153 = arith.truncf %logistic3A_152 : vector<4000x128xf32> to vector<4000x128xbf16>
    %dot_general3A_154 = arith.constant dense<0.000000e+00> : vector<4000x2xf32>
    %dot_general3A_155 = tpu.matmul %convert_element_type3A_153, %convert_element_type3A, %dot_general3A_154 {dimension_numbers = #tpu.dot_dimension_numbers<[1], [0], [0], [1], [0, 0, 1, 1], [], []>, transpose_lhs_hint = false} : vector<4000x128xbf16>, vector<128x2xbf16>, vector<4000x2xf32> -> vector<4000x2xf32>
    %mul3A_156 = arith.constant 1.562500e-02 : f32
    %mul3A_157 = vector.broadcast %mul3A_156 : f32 to vector<4000x2xf32>
    %mul3A_158 = arith.mulf %dot_general3A_155, %mul3A_157 : vector<4000x2xf32>
    %get3A_159 = arith.constant 0 : index
    %get3A_160 = arith.constant 0 : index
    %get3A_161 = vector.load %arg3[%get3A_159, %get3A_160] : memref<4000x2xf32, #tpu.memory_space<vmem>>, vector<4000x2xf32>
    %mul3A_162 = arith.mulf %mul3A_158, %get3A_161 : vector<4000x2xf32>
    %dot_general3A_163 = arith.constant dense<0.000000e+00> : vector<4000x128xf32>
    %dot_general3A_164 = tpu.matmul %mul3A_162, %get3A_25, %dot_general3A_163 {dimension_numbers = #tpu.dot_dimension_numbers<[1], [0], [0], [1], [0, 0, 1, 1], [], []>, transpose_lhs_hint = false} : vector<4000x2xf32>, vector<2x128xf32>, vector<4000x128xf32> -> vector<4000x128xf32>
    %mul3A_165 = arith.mulf %bitcast_convert_type3A_15, %dot_general3A_164 : vector<4000x128xf32>
    %swap3A = arith.constant 0 : index
    %swap3A_166 = arith.constant 0 : index
    %swap3A_167 = vector.load %arg19[%swap3A, %swap3A_166] : memref<4000x128xf32, #tpu.memory_space<vmem>>, vector<4000x128xf32>
    tpu.vector_store %arg19[%swap3A, %swap3A_166], %mul3A_165 {strides = array<i32>} : memref<4000x128xf32, #tpu.memory_space<vmem>>, vector<4000x128xf32>,
    %mul3A_168 = arith.mulf %bitcast_convert_type3A_19, %dot_general3A_164 : vector<4000x128xf32>
    %swap3A_169 = arith.constant 0 : index
    %swap3A_170 = arith.constant 0 : index
    %swap3A_171 = vector.load %arg20[%swap3A_169, %swap3A_170] : memref<4000x128xf32, #tpu.memory_space<vmem>>, vector<4000x128xf32>
    tpu.vector_store %arg20[%swap3A_169, %swap3A_170], %mul3A_168 {strides = array<i32>} : memref<4000x128xf32, #tpu.memory_space<vmem>>, vector<4000x128xf32>,
    return
  }
  func.func @transform_0(%arg0: i32) -> (i32, i32) {
    %c0_i32 = arith.constant 0 : i32
    %c0_i32_0 = arith.constant 0 : i32
    return %arg0, %c0_i32 : i32, i32
  }
  func.func @transform_1(%arg0: i32) -> (i32, i32) {
    %c0_i32 = arith.constant 0 : i32
    %c0_i32_0 = arith.constant 0 : i32
    return %arg0, %c0_i32 : i32, i32
  }
  func.func @transform_2(%arg0: i32) -> (i32, i32) {
    %c0_i32 = arith.constant 0 : i32
    %c0_i32_0 = arith.constant 0 : i32
    return %arg0, %c0_i32 : i32, i32
  }
  func.func @transform_3(%arg0: i32) -> (i32, i32) {
    %c0_i32 = arith.constant 0 : i32
    %c0_i32_0 = arith.constant 0 : i32
    %c0_i32_1 = arith.constant 0 : i32
    return %c0_i32, %c0_i32_0 : i32, i32
  }
  func.func @transform_4(%arg0: i32) -> (i32, i32) {
    %c0_i32 = arith.constant 0 : i32
    %c0_i32_0 = arith.constant 0 : i32
    %c0_i32_1 = arith.constant 0 : i32
    return %c0_i32, %c0_i32_0 : i32, i32
  }
  func.func @transform_5(%arg0: i32) -> (i32, i32) {
    %c0_i32 = arith.constant 0 : i32
    %c0_i32_0 = arith.constant 0 : i32
    %c0_i32_1 = arith.constant 0 : i32
    return %c0_i32, %c0_i32_0 : i32, i32
  }
  func.func @transform_6(%arg0: i32) -> (i32, i32) {
    %c0_i32 = arith.constant 0 : i32
    %c0_i32_0 = arith.constant 0 : i32
    %c0_i32_1 = arith.constant 0 : i32
    return %c0_i32, %c0_i32_0 : i32, i32
  }
  func.func @transform_7(%arg0: i32) -> (i32, i32) {
    %c0_i32 = arith.constant 0 : i32
    %c0_i32_0 = arith.constant 0 : i32
    %c0_i32_1 = arith.constant 0 : i32
    return %c0_i32, %c0_i32_0 : i32, i32
  }
  func.func @transform_8(%arg0: i32) -> (i32, i32) {
    %c0_i32 = arith.constant 0 : i32
    %c0_i32_0 = arith.constant 0 : i32
    %c0_i32_1 = arith.constant 0 : i32
    return %c0_i32, %c0_i32_0 : i32, i32
  }
  func.func @transform_9(%arg0: i32) -> (i32, i32) {
    %c0_i32 = arith.constant 0 : i32
    %c0_i32_0 = arith.constant 0 : i32
    %c0_i32_1 = arith.constant 0 : i32
    return %c0_i32, %c0_i32_0 : i32, i32
  }
  func.func @transform_10(%arg0: i32) -> (i32, i32) {
    %c0_i32 = arith.constant 0 : i32
    %c0_i32_0 = arith.constant 0 : i32
    %c0_i32_1 = arith.constant 0 : i32
    return %c0_i32, %c0_i32_0 : i32, i32
  }
  func.func @transform_11(%arg0: i32) -> (i32, i32) {
    %c0_i32 = arith.constant 0 : i32
    %c0_i32_0 = arith.constant 0 : i32
    %c0_i32_1 = arith.constant 0 : i32
    return %c0_i32, %c0_i32_0 : i32, i32
  }
  func.func @transform_12(%arg0: i32) -> (i32, i32) {
    %c0_i32 = arith.constant 0 : i32
    %c0_i32_0 = arith.constant 0 : i32
    %c0_i32_1 = arith.constant 0 : i32
    return %c0_i32, %c0_i32_0 : i32, i32
  }
  func.func @transform_13(%arg0: i32) -> (i32, i32) {
    %c0_i32 = arith.constant 0 : i32
    %c0_i32_0 = arith.constant 0 : i32
    %c0_i32_1 = arith.constant 0 : i32
    return %c0_i32, %c0_i32_0 : i32, i32
  }
  func.func @transform_14(%arg0: i32) -> (i32, i32) {
    %c0_i32 = arith.constant 0 : i32
    %c0_i32_0 = arith.constant 0 : i32
    %c0_i32_1 = arith.constant 0 : i32
    return %c0_i32, %c0_i32_0 : i32, i32
  }
  func.func @transform_15(%arg0: i32) -> (i32, i32) {
    %c0_i32 = arith.constant 0 : i32
    %c0_i32_0 = arith.constant 0 : i32
    %c0_i32_1 = arith.constant 0 : i32
    return %c0_i32, %c0_i32_0 : i32, i32
  }
  func.func @transform_16(%arg0: i32) -> (i32, i32) {
    %c0_i32 = arith.constant 0 : i32
    %c0_i32_0 = arith.constant 0 : i32
    %c0_i32_1 = arith.constant 0 : i32
    return %c0_i32, %c0_i32_0 : i32, i32
  }
  func.func @transform_17(%arg0: i32) -> (i32, i32) {
    %c0_i32 = arith.constant 0 : i32
    %c0_i32_0 = arith.constant 0 : i32
    %c0_i32_1 = arith.constant 0 : i32
    return %c0_i32, %c0_i32_0 : i32, i32
  }
  func.func @transform_18(%arg0: i32) -> (i32, i32) {
    %c0_i32 = arith.constant 0 : i32
    %c0_i32_0 = arith.constant 0 : i32
    return %arg0, %c0_i32 : i32, i32
  }
  func.func @transform_19(%arg0: i32) -> (i32, i32) {
    %c0_i32 = arith.constant 0 : i32
    %c0_i32_0 = arith.constant 0 : i32
    return %arg0, %c0_i32 : i32, i32
  }
}

module attributes {stable_mosaic.version = 14 : i64} {
  func.func @_combine_body(%arg0: i32, %arg1: memref<2x2000x64xf32, #tpu.memory_space<vmem>>, %arg2: memref<2x2000x16xf32, #tpu.memory_space<vmem>>, %arg3: memref<2000x128xf32, #tpu.memory_space<vmem>>) attributes {dimension_semantics = [#tpu.dimension_semantics<arbitrary>], iteration_bounds = array<i64: 5>, scalar_prefetch = 0 : i64, scratch_operands = 0 : i64, tpu.core_type = #tpu.core_type<tc>, window_params = [{transform_indices = @transform_0, window_bounds = array<i64: 2, 2000, 64>}, {transform_indices = @transform_1, window_bounds = array<i64: 2, 2000, 16>}, {transform_indices = @transform_2, window_bounds = array<i64: 2000, 128>}]} {
    %get3A = arith.constant 0 : index
    %get3A_0 = arith.constant 0 : index
    %get3A_1 = arith.constant 0 : index
    %get3A_2 = vector.load %arg1[%get3A, %get3A_0, %get3A_1] : memref<2x2000x64xf32, #tpu.memory_space<vmem>>, vector<1x2000x64xf32>
    %get3A_3 = vector.shape_cast %get3A_2 : vector<1x2000x64xf32> to vector<2000x64xf32>
    %get3A_4 = arith.constant 1 : index
    %get3A_5 = arith.constant 0 : index
    %get3A_6 = arith.constant 0 : index
    %get3A_7 = vector.load %arg1[%get3A_4, %get3A_5, %get3A_6] : memref<2x2000x64xf32, #tpu.memory_space<vmem>>, vector<1x2000x64xf32>
    %get3A_8 = vector.shape_cast %get3A_7 : vector<1x2000x64xf32> to vector<2000x64xf32>
    %concatenate3A = tpu.concatenate %get3A_3, %get3A_8 in 1 : vector<2000x64xf32>, vector<2000x64xf32> -> vector<2000x128xf32>
    %get3A_9 = arith.constant 0 : index
    %get3A_10 = arith.constant 0 : index
    %get3A_11 = arith.constant 0 : index
    %get3A_12 = vector.load %arg2[%get3A_9, %get3A_10, %get3A_11] : memref<2x2000x16xf32, #tpu.memory_space<vmem>>, vector<1x2000x1xf32>
    %get3A_13 = vector.shape_cast %get3A_12 : vector<1x2000x1xf32> to vector<2000x1xf32>
    %max3A = arith.constant 1.000000e+00 : f32
    %max3A_14 = vector.broadcast %max3A : f32 to vector<2000x1xf32>
    %max3A_15 = arith.maximumf %get3A_13, %max3A_14 : vector<2000x1xf32>
    %div3A = vector.broadcast %max3A_15 : vector<2000x1xf32> to vector<2000x128xf32>
    %div3A_16 = arith.divf %concatenate3A, %div3A : vector<2000x128xf32>
    %swap3A = arith.constant 0 : index
    %swap3A_17 = arith.constant 0 : index
    %swap3A_18 = vector.load %arg3[%swap3A, %swap3A_17] : memref<2000x128xf32, #tpu.memory_space<vmem>>, vector<2000x128xf32>
    tpu.vector_store %arg3[%swap3A, %swap3A_17], %div3A_16 {strides = array<i32>} : memref<2000x128xf32, #tpu.memory_space<vmem>>, vector<2000x128xf32>,
    return
  }
  func.func @transform_0(%arg0: i32) -> (i32, i32, i32) {
    %c0_i32 = arith.constant 0 : i32
    %c0_i32_0 = arith.constant 0 : i32
    %c0_i32_1 = arith.constant 0 : i32
    return %c0_i32, %arg0, %c0_i32_0 : i32, i32, i32
  }
  func.func @transform_1(%arg0: i32) -> (i32, i32, i32) {
    %c0_i32 = arith.constant 0 : i32
    %c0_i32_0 = arith.constant 0 : i32
    %c0_i32_1 = arith.constant 0 : i32
    return %c0_i32, %arg0, %c0_i32_0 : i32, i32, i32
  }
  func.func @transform_2(%arg0: i32) -> (i32, i32) {
    %c0_i32 = arith.constant 0 : i32
    %c0_i32_0 = arith.constant 0 : i32
    return %arg0, %c0_i32 : i32, i32
  }
}

</mosaic_0001>

<sc_bundles>
// kernel: kernel.6.cloned.1.call-start
scs
__scs_entry_jumppad:
0x0: {  	(pc) =	sbr.rel $0x88, $3  }
0x1: {  	(tag) =	ssettag $0x0;
	lr =	simm.s32 $0x1  }
0x2: {  	[smem:$0x3F9A] =	sst lr;
	_ =	strace $0xD0000000  }
0x3: {  	_ = 	snop  }
0x4: {  	_ = 	snop  }
0x5: {  	_ = 	snop  }
0x6: {  	_ = 	snop  }
0x7: {  	_ = 	snop  }
__scs_overlays_trampoline_lowered:
0x8: {  	[smem:$0x3FA9] =	sst s0  }
0x9: {  	[smem:$0x3FAA] =	sst s1  }
0xa: {  	[smem:$0x3FAB] =	sst s2  }
0xb: {  	[smem:$0x3FAC] =	sst s3  }
0xc: {  	[smem:$0x3FAD] =	sst s4  }
0xd: {  	[smem:$0x3FAE] =	sst s5  }
0xe: {  	[smem:$0x3FAF] =	sst s6  }
0xf: {  	[smem:$0x3FB0] =	sst s7  }
0x10: {  	[smem:$0x3FB1] =	sst s8  }
0x11: {  	[smem:$0x3FB2] =	sst s9;
	s0 =	simm.s32 @!p0 $0x0  }
0x12: {  	s1 =	sld [smem:$0x3F98];
	s0 =	simm.s32 @p0 $0x1  }
0x13: {  	[smem:$0x3FB3] =	sst s0;
	s0 =	simm.s32 @!p1 $0x0  }
0x14: {  	s2 =	sld [smem:$0x3F97];
	s0 =	simm.s32 @p1 $0x1  }
0x15: {  	[smem:$0x3FB4] =	sst s0;
	s0 =	simm.s32 @!p2 $0x0  }
0x16: {  	s3 =	sld [smem:$0x3FDB];
	s0 =	simm.s32 @p2 $0x1  }
0x17: {  	s4 =	simm.s32 $0x1BF5;
	[smem:$0x3FB6] =	sst s0  }
0x18: {  	s0 =	sld [smem:$0x3F99];
	_ =	swait.ge [sflag:s4], $0x0  }
0x19: {  	s7 =	sld [smem:$0x3F9A]  }
0x1a: {  	s8 =	sadd.s32 $0xFFFFE003, lr  }
0x1b: {  	s9 =	sadd.s32 $0xFFFFFEF7, lr;
	s5 =	simm.s32 $0xFFFFFFFF;
	p2 =	slt.u32 s8, $0xFFFFF086  }
0x1c: {  	p1 =	slt.u32 s9, $0xF7A;
	s5 =	simm.s32 @!p2 $0x0  }
0x1d: {  	s5 =	simm.s32 @p1 $0x1;
	p0 =	seq.s32 s7, s2  }
0x1e: {  	s7 =	smul.u32 @!p0 $0xF7A, s2;
	p2 =	seq.s32 @!p0 s5, $0x0  }
0x1f: {  	s9 =	smul.u32 $0xF7A, s1;
	s8 =	simm.s32 @!p0 $0x1BF5;
	p2 =	por !p2, p0  }
0x20: {  	[sflag:s8] =	ssyncset.s32 @!p0 $0xFFFFF086;
	s6 =	sadd.s32 @!p0 s3, s7;
	s7 =	simm.s32 @!p0 $0x108  }
0x21: {  	s3 =	sadd.s32 s3, s9;
	s6 =	sadd.s32 @!p0 $0x88, s6;
	s7 =	simm.s32 @p2 $0x1082  }
0x22: {  	[simem:s7], [sflag:s8] =	dma.local @!p0 [hbm:s6], $0xF7A  }
0x23: {  	s9 =	sor.u32 $0xD0000000, s2;
	s6 =	simm.s32 $0x108;
	_ =	swait.ge @!p0 [sflag:s8], $0x0  }
0x24: {  	s3 =	sadd.s32 $0x88, s3;
	s6 =	simm.s32 @!p1 $0x1082;
	[sflag:s4] =	ssyncset.s32 $0xFFFFF086  }
0x25: {  	[simem:s6], [sflag:s4] =	dma.local [hbm:s3], $0xF7A  }
0x26: {  	[smem:$0x3F9A] =	sst s1;
	(tag) =	ssettag s2;
	_ =	strace s9  }
0x27: {  	s1 =	sld [smem:$0x3FAA]  }
0x28: {  	s2 =	sld [smem:$0x3FAB]  }
0x29: {  	s4 =	sld [smem:$0x3FAD]  }
0x2a: {  	p0 =	seq.s32 s5, $0x0;
	s5 =	sld [smem:$0x3FAE]  }
0x2b: {  	s6 =	sld [smem:$0x3FAF]  }
0x2c: {  	s7 =	sld [smem:$0x3FB0]  }
0x2d: {  	s3 =	simm.s32 $0x108;
	s8 =	sld [smem:$0x3FB1]  }
0x2e: {  	s3 =	simm.s32 @!p0 $0x1082;
	s9 =	sld [smem:$0x3FB2]  }
0x2f: {  	lr =	sadd.s32 s0, s3;
	s0 =	sld [smem:$0x3FA9]  }
0x30: {  	s3 =	sld [smem:$0x3FAC]  }
0x31: {  	[smem:$0x3FB5] =	sst s10  }
0x32: {  	s10 =	sld [smem:$0x3FB3];
	_ =	sdelay $0x3  }
0x33: {  	p0 =	seq.s32 s10, $0x1;
	s10 =	sld [smem:$0x3FB5];
	_ =	sdelay $0x3  }
0x34: {  	[smem:$0x3FB5] =	sst s10  }
0x35: {  	s10 =	sld [smem:$0x3FB4];
	_ =	sdelay $0x3  }
0x36: {  	p1 =	seq.s32 s10, $0x1;
	s10 =	sld [smem:$0x3FB5];
	_ =	sdelay $0x3  }
0x37: {  	[smem:$0x3FB5] =	sst s10  }
0x38: {  	s10 =	sld [smem:$0x3FB6]  }
0x39: {  	_ = 	snop;
	(pc) =	sbr.ind lr, $3  }
0x3a: {  	_ = 	snop  }
0x3b: {  	_ = 	snop  }
0x3c: {  	p2 =	seq.s32 s10, $0x1;
	s10 =	sld [smem:$0x3FB5]  }
0x3d: {  	_ =	shalt  }
0x3e: {  	_ =	shalt  }
0x3f: {  	_ =	shalt  }
0x40: {  	_ =	shalt  }
0x41: {  	_ =	shalt  }
0x42: {  	_ =	shalt  }
0x43: {  	_ =	shalt  }
0x44: {  	_ =	shalt  }
0x45: {  	_ =	shalt  }
0x46: {  	_ =	shalt  }
0x47: {  	_ =	shalt  }
0x48: {  	_ =	shalt  }
0x49: {  	_ =	shalt  }
0x4a: {  	_ =	shalt  }
0x4b: {  	_ =	shalt  }
0x4c: {  	_ =	shalt  }
0x4d: {  	_ =	shalt  }
0x4e: {  	_ =	shalt  }
0x4f: {  	_ =	shalt  }
0x50: {  	_ =	shalt  }
0x51: {  	_ =	shalt  }
0x52: {  	_ =	shalt  }
0x53: {  	_ =	shalt  }
0x54: {  	_ =	shalt  }
0x55: {  	_ =	shalt  }
0x56: {  	_ =	shalt  }
0x57: {  	_ =	shalt  }
0x58: {  	_ =	shalt  }
0x59: {  	_ =	shalt  }
0x5a: {  	_ =	shalt  }
0x5b: {  	_ =	shalt  }
0x5c: {  	_ =	shalt  }
0x5d: {  	_ =	shalt  }
0x5e: {  	_ =	shalt  }
0x5f: {  	_ =	shalt  }
0x60: {  	_ =	shalt  }
0x61: {  	_ =	shalt  }
0x62: {  	_ =	shalt  }
0x63: {  	_ =	shalt  }
0x64: {  	_ =	shalt  }
0x65: {  	_ =	shalt  }
0x66: {  	_ =	shalt  }
0x67: {  	_ =	shalt  }
0x68: {  	_ =	shalt  }
0x69: {  	_ =	shalt  }
0x6a: {  	_ =	shalt  }
0x6b: {  	_ =	shalt  }
0x6c: {  	_ =	shalt  }
0x6d: {  	_ =	shalt  }
0x6e: {  	_ =	shalt  }
0x6f: {  	_ =	shalt  }
0x70: {  	_ =	shalt  }
0x71: {  	_ =	shalt  }
0x72: {  	_ =	shalt  }
0x73: {  	_ =	shalt  }
0x74: {  	_ =	shalt  }
0x75: {  	_ =	shalt  }
0x76: {  	_ =	shalt  }
0x77: {  	_ =	shalt  }
0x78: {  	_ =	shalt  }
0x79: {  	_ =	shalt  }
0x7a: {  	_ =	shalt  }
0x7b: {  	_ =	shalt  }
0x7c: {  	_ =	shalt  }
0x7d: {  	_ =	shalt  }
0x7e: {  	_ =	shalt  }
0x7f: {  	_ =	shalt  }
0x80: {  	_ =	shalt  }
0x81: {  	_ =	shalt  }
0x82: {  	_ =	shalt  }
0x83: {  	_ =	shalt  }
0x84: {  	_ =	shalt  }
0x85: {  	_ =	shalt  }
0x86: {  	_ =	shalt  }
0x87: {  	_ =	shalt  }
.Lfunc_end0:
.L_simem_size_0:
called_computation_lowered:
.L_overlay_start_0:
0x88: {  	s2 =	sld [smem:$0x3FD9]  }
0x89: {  	s3 =	sld [smem:$0x3FFE];
	_ =	sdelay $0x1  }
0x8a: {  	s1 =	srdreg.scid  }
0x8b: {  	s0 =	sand.u32 $0x1, s1  }
0x8c: {  	s17 =	sshll.u32 s0, $0xA;
	s2 =	sadd.s32 s3, s2  }
0x8d: {  	s2 =	sadd.s32 s2, s17  }
0x8e: {  	[smem:$0x3FC1] =	sst s2  }
0x8f: {  	_ = 	snop  }
0x90: {  	s2 =	sld [smem:$0x3FD0];
	(tm) =	ssettm $0x1  }
0x91: {  	s18 =	sld [smem:$0x3FFB];
	_ =	sdelay $0x3  }
0x92: {  	_ =	strace s18  }
0x93: {  	s3 =	sld [smem:$0x3FFC];
	_ =	sdelay $0x3  }
0x94: {  	_ =	strace s3  }
0x95: {  	s3 =	sld [smem:$0x3FFD];
	_ =	sdelay $0x3  }
0x96: {  	_ =	strace s3  }
0x97: {  	_ =	strace $0x8FFFFFFF  }
0x98: {  	s19 =	sld [smem:$0x3FDB];
	_ =	sdelay $0x1  }
0x99: {  	s4 =	simm.s32 $_scs_section_size  }
0x9a: {  	s5 =	simm.s32 $_size__tile_overlayer_lowered;
	s6 =	simm.s32 $_tile_overlayer_lowered  }
0x9b: {  	s22 =	simm.s32 $0x1BFF;
	s21 =	sshll.u32 s6, $0x1;
	s3 =	sadd.s32 s4, s19  }
0x9c: {  	s7 =	simm.s32 $0x0;
	s20 =	sshll.u32 s5, $0x1;
	s5 =	sadd.s32 s21, s3  }
0x9d: {  	[timem:s7], [sflag:s22] =	dma.local [hbm:s5], s20  }
0x9e: {  	_ =	swait.ge [sflag:s22], s20  }
0x9f: {  	s4 =	ssub.s32 $0x0, s20;
	[sflag:s22] =	ssyncset.done $0x0  }
0xa0: {  	[sflag:s22] =	ssyncadd.s32 s4;
	_ =	sdelay $0x1  }
0xa1: {  	s23 =	simm.s32 $0x1B8B  }
0xa2: {  	_ =	swait.ge [sflag:s23], $0x1  }
0xa3: {  	[sflag:s23] =	ssyncset.done $0x0  }
0xa4: {  	s25 =	simm.s32 $0x1B8E;
	s24 =	sld [smem:$0x3FFE];
	[sflag:s23] =	ssyncadd.s32 $0xFFFFFFFF  }
0xa5: {  	s26 =	simm.s32 $execute0_lowered;
	[smem:$0x3FD2] =	sst s25  }
0xa6: {  	s5 =	sshll.u32 s26, $0x1;
	_ =	strace $0x80000046;
	[dreg:$0x1] =	wrdreg $0xFFFFFFFF  }
0xa7: {  	s28 =	simm.s32 $_size_execute0_lowered;
	s3 =	sadd.s32 s3, s5;
	[dreg:$0x0] =	wrdreg $0x0  }
0xa8: {  	s5 =	sshll.u32 s28, $0x1;
	[dreg:$0x2] =	wrdreg s3  }
0xa9: {  	[dreg:$0x3] =	wrdreg s5  }
0xaa: {  	[dreg:$0x4] =	wrdreg $0xC0  }
0xab: {  	_ =	task [dreg:s7], $0x5FFFF  }
0xac: {  	[dreg:$0x1] =	wrdreg $0xFFFFFFFF  }
0xad: {  	[dreg:$0x0] =	wrdreg $0x60  }
0xae: {  	[dreg:$0x2] =	wrdreg s2  }
0xaf: {  	[dreg:$0x3] =	wrdreg s24  }
0xb0: {  	[dreg:$0x4] =	wrdreg $0x9  }
0xb1: {  	_ =	task.clear_ibuf [dreg:s7], $0x5FFFF;
	_ =	strace $0x90000046  }
0xb2: {  	s29 =	simm.s32 $0x9;
	_ =	strace $0x80000048  }
0xb3: {  	_ =	swait.ge [sflag:s29], $0x1  }
0xb4: {  	[sflag:s29] =	ssyncadd.s32 $0xFFFFFFFF  }
0xb5: {  	_ =	strace $0x90000048  }
0xb6: {  	_ =	sfence  }
0xb7: {  	s30 =	sld [smem:$0x0];
	_ =	sdelay $0x2  }
0xb8: {  	s31 =	sshll.u32 s1, $0xD;
	s1 =	sshrl.u32 s1, $0x2  }
0xb9: {  	s3 =	sand.u32 $0x4000, s31;
	s1 =	sadd.s32 s1, s30  }
0xba: {  	s0 =	sor.u32 s3, s0;
	s1 =	sshll.u32 s1, $0x11  }
0xbb: {  	s0 =	sor.u32 s1, s0  }
0xbc: {  	s0 =	sadd.s32 $0x8F2B, s0  }
0xbd: {  	[sflag:s0] =	ssyncadd.remote.s32 $0x1  }
0xbe: {  	_ =	sfence.sel $0xFFFF  }
0xbf: {  	[dreg:$0x0] =	wrdreg $0xFFFFFFFF;
	(pc) =	sbr.abs _section_cstart, $3  }
0xc0: {  	[dreg:$0x1] =	wrdreg $0xFFFFFFFF  }
0xc1: {  	_ =	task.clear_ibuf [dreg:s7], $0x2FFFF;
	_ =	strace $0x9FFFFFFF  }
0xc2: {  	(tm) =	ssettm $0x7FFFFFFF  }
0xc3: {  	_ =	shalt  }
tec
execute0_lowered:
.L_overlay_start_1:
0x0: {  	(tag) =	ssettag $0x1  }
0x1: {  	s0 =	srdreg.scid  }
0x2: {  	s6 =	stileid.u32;
	s2 =	rddreg [dreg:$0x0]  }
0x3: {  	s4 =	rddreg [dreg:$0x1];
	s3 =	simm.s32 $0x0;
	s12 =	simm.s32 $0x5820  }
0x4: {  	s13 =	simm.s32 $0xBC20;
	s14 =	simm.s32 $0x6220;
	s15 =	simm.s32 $0xC620  }
0x5: {  	s16 =	simm.s32 $0x6C20;
	s17 =	simm.s32 $0xD020;
	s18 =	simm.s32 $0x7620  }
0x6: {  	s19 =	simm.s32 $0xDA20;
	s28 =	simm.s32 $0x9E20;
	s29 =	simm.s32 $0x10220  }
0x7: {  	s30 =	simm.s32 $0xA820;
	s31 =	simm.s32 $0x10C20;
	s5 =	smul.u32 $0x27100, s6  }
0x8: {  	s0 =	sand.u32 $0x1, s0;
	s1 =	sshll.u32 s6, $0x1;
	s6 =	smul.u32 $0x4E20, s6  }
0x9: {  	[smem:$0x7FF] =	sst s3;
	s7 =	sadd.s32 $0x16600, s4;
	s8 =	smul.u32 $0x2710, s0  }
0xa: {  	s1 =	sor.u32 s0, s1;
	s9 =	ssub.s32 $0x2, s0;
	s0 =	smul.u32 $0x13880, s0  }
0xb: {  	_ =	strace $0x80000047;
	s1 =	smul.u32 $0x2710, s1;
	s11 =	sadd.s32 s5, s7  }
0xc: {  	s10 =	sshrl.u32 s9, $0x1;
	s6 =	sadd.s32 s8, s6;
	s20 =	sadd.s32 s0, s11  }
0xd: {  	s22 =	ssub.s32 s9, s10;
	s9 =	simm.s32 $0x28;
	s11 =	simm.s32 $0xB220  }
0xe: {  	s1 =	sshrl.u32 s1, $0x3;
	s6 =	sshll.u32 s6, $0x3;
	[dreg:$0x3] =	wrdreg s20  }
0xf: {  	s26 =	smax.u32 s22, $0x1;
	s20 =	simm.s32 $0x1;
	s22 =	simm.s32 $0xE420  }
0x10: {  	s1 =	sadd.s32 s1, s4;
	s4 =	sadd.s32 $0x287600, s4;
	s21 =	sadd.s32 $0x640, s6  }
0x11: {  	[dreg:$0x9] =	wrdreg s26;
	s26 =	simm.s32 $0xF820;
	s24 =	sadd.s32 $0xC800, s1  }
0x12: {  	s5 =	sadd.s32 s5, s4;
	s23 =	sadd.s32 s21, s7;
	[dreg:$0x7] =	wrdreg s24  }
0x13: {  	s25 =	sadd.s32 s21, s4;
	s1 =	sadd.s32 $0x2A00, s1;
	[dreg:$0x5] =	wrdreg s23  }
0x14: {  	s21 =	simm.s32 $0x8020;
	s4 =	simm.s32 $0x0;
	[dreg:$0x8] =	wrdreg s1  }
0x15: {  	s0 =	sadd.s32 s0, s5;
	[dreg:$0x6] =	wrdreg s25;
	s23 =	simm.s32 $0x8A20  }
0x16: {  	s24 =	simm.s32 $0xEE20;
	s25 =	simm.s32 $0x9420;
	[dreg:$0x4] =	wrdreg s0  }
.LBB2_1:
0x17: {  	[dreg:$0xa] =	wrdreg s4  }
0x18: {  	s0 =	rddreg [dreg:$0x7];
	s1 =	simm.s32 $0x4  }
0x19: {  	[tilespmem:s3], [sflag:$0x4] =	stream.linear.gather [hbm4b:s0+s3], $0x2710, $0x38;
	[tilespmem:$0x11620] =	vst v63  }
0x1a: {  	_ =	swait.ge [sflag:s1], $0x2710  }
0x1b: {  	[sflag:s1] =	ssyncset.done $0x0  }
0x1c: {  	s8 =	simm.s32 $0x2710;
	s7 =	rddreg [dreg:$0x8];
	[sflag:s1] =	ssyncadd.s32 $0xFFFFD8F0  }
0x1d: {  	[tilespmem:s8], [sflag:$0x4] =	stream.linear.gather [hbm4b:s7+s3], $0x2710, $0x38;
	[tilespmem:$0x11620] =	vst v63  }
0x1e: {  	p0 =	por $0x1, $0x1;
	_ =	swait.ge [sflag:s1], $0x2710  }
0x1f: {  	p0 =	por p0, p0;
	[sflag:s1] =	ssyncset.done $0x0  }
0x20: {  	[sflag:s1] =	ssyncadd.s32 $0xFFFFD8F0;
	s1 =	simm.s32 @!p0 $0x2  }
0x21: {  	_ =	swait.ge @!p0 [sflag:s1], $0xA00  }
0x22: {  	[sflag:s1] =	ssyncset.done @!p0 $0x0  }
0x23: {  	[sflag:s1] =	ssyncadd.s32 @!p0 $0xFFFFF600  }
0x24: {  	_ =	swait.ge @!p0 [sflag:s1], $0xA00  }
0x25: {  	[sflag:s1] =	ssyncset.done @!p0 $0x0  }
0x26: {  	[sflag:s1] =	ssyncadd.s32 @!p0 $0xFFFFF600  }
0x27: {  	_ =	swait.ge @!p0 [sflag:s1], $0xA00  }
0x28: {  	[sflag:s1] =	ssyncset.done @!p0 $0x0  }
0x29: {  	[sflag:s1] =	ssyncadd.s32 @!p0 $0xFFFFF600  }
0x2a: {  	_ =	swait.ge @!p0 [sflag:s1], $0xA00  }
0x2b: {  	[sflag:s1] =	ssyncset.done @!p0 $0x0  }
0x2c: {  	[sflag:s1] =	ssyncadd.s32 @!p0 $0xFFFFF600  }
0x2d: {  	_ =	swait.ge @!p0 [sflag:s1], $0xA00  }
0x2e: {  	[sflag:s1] =	ssyncset.done @!p0 $0x0  }
0x2f: {  	[sflag:s1] =	ssyncadd.s32 @!p0 $0xFFFFF600  }
0x30: {  	_ =	swait.ge @!p0 [sflag:s1], $0xA00  }
0x31: {  	[sflag:s1] =	ssyncset.done @!p0 $0x0  }
0x32: {  	[sflag:s1] =	ssyncadd.s32 @!p0 $0xFFFFF600  }
0x33: {  	_ =	swait.ge @!p0 [sflag:s1], $0xA00  }
0x34: {  	[sflag:s1] =	ssyncset.done @!p0 $0x0  }
0x35: {  	[sflag:s1] =	ssyncadd.s32 @!p0 $0xFFFFF600  }
0x36: {  	_ =	swait.ge @!p0 [sflag:s1], $0xA00  }
0x37: {  	[sflag:s1] =	ssyncset.done @!p0 $0x0  }
0x38: {  	[sflag:s1] =	ssyncadd.s32 @!p0 $0xFFFFF600  }
0x39: {  	_ =	swait.ge @!p0 [sflag:s1], $0xA00  }
0x3a: {  	[sflag:s1] =	ssyncset.done @!p0 $0x0  }
0x3b: {  	[sflag:s1] =	ssyncadd.s32 @!p0 $0xFFFFF600  }
0x3c: {  	_ =	swait.ge @!p0 [sflag:s1], $0xA00  }
0x3d: {  	[sflag:s1] =	ssyncset.done @!p0 $0x0  }
0x3e: {  	s10 =	simm.s32 $0x0;
	s0 =	simm.s32 $0x4E20;
	[sflag:s1] =	ssyncadd.s32 @!p0 $0xFFFFF600  }
0x3f: {  	[tilespmem:s0], [sflag:$0x1] =	stream.indirect.gather [hbm4b:s2+s9], $0x40, s10, s9, $0xb8;
	[tilespmem:$0x11620] =	vst v63  }
0x40: {  	s4 =	simm.s32 $0x2710  }
0x41: {  	[tilespmem:s11], [sflag:$0x1] =	stream.indirect.gather [hbm4b:s2+s9], $0x40, s4, s9, $0xb8;
	[tilespmem:$0x11620] =	vst v63  }
0x42: {  	s5 =	simm.s32 $0x28  }
0x43: {  	[tilespmem:s12], [sflag:$0x1] =	stream.indirect.gather [hbm4b:s2+s9], $0x40, s5, s9, $0xb8;
	[tilespmem:$0x11620] =	vst v63  }
0x44: {  	s6 =	simm.s32 $0x2738  }
0x45: {  	[tilespmem:s13], [sflag:$0x1] =	stream.indirect.gather [hbm4b:s2+s9], $0x40, s6, s9, $0xb8;
	[tilespmem:$0x11620] =	vst v63  }
0x46: {  	s7 =	simm.s32 $0x50  }
0x47: {  	[tilespmem:s14], [sflag:$0x1] =	stream.indirect.gather [hbm4b:s2+s9], $0x40, s7, s9, $0xb8;
	[tilespmem:$0x11620] =	vst v63  }
0x48: {  	s8 =	simm.s32 $0x2760  }
0x49: {  	[tilespmem:s15], [sflag:$0x1] =	stream.indirect.gather [hbm4b:s2+s9], $0x40, s8, s9, $0xb8;
	[tilespmem:$0x11620] =	vst v63  }
0x4a: {  	s10 =	simm.s32 $0x78  }
0x4b: {  	[tilespmem:s16], [sflag:$0x1] =	stream.indirect.gather [hbm4b:s2+s9], $0x40, s10, s9, $0xb8;
	[tilespmem:$0x11620] =	vst v63  }
0x4c: {  	s4 =	simm.s32 $0x2788  }
0x4d: {  	[tilespmem:s17], [sflag:$0x1] =	stream.indirect.gather [hbm4b:s2+s9], $0x40, s4, s9, $0xb8;
	[tilespmem:$0x11620] =	vst v63  }
0x4e: {  	s5 =	simm.s32 $0xA0  }
0x4f: {  	[tilespmem:s18], [sflag:$0x1] =	stream.indirect.gather [hbm4b:s2+s9], $0x40, s5, s9, $0xb8;
	[tilespmem:$0x11620] =	vst v63  }
0x50: {  	s6 =	simm.s32 $0x27B0  }
0x51: {  	[tilespmem:s19], [sflag:$0x1] =	stream.indirect.gather [hbm4b:s2+s9], $0x40, s6, s9, $0xb8;
	[tilespmem:$0x11620] =	vst v63  }
0x52: {  	_ =	swait.ge [sflag:s20], $0xA00  }
0x53: {  	[sflag:s20] =	ssyncset.done $0x0  }
0x54: {  	[sflag:s20] =	ssyncadd.s32 $0xFFFFF600  }
0x55: {  	_ =	swait.ge [sflag:s20], $0xA00  }
0x56: {  	[sflag:s20] =	ssyncset.done $0x0  }
0x57: {  	[sflag:s20] =	ssyncadd.s32 $0xFFFFF600  }
0x58: {  	_ =	swait.ge [sflag:s20], $0xA00  }
0x59: {  	[sflag:s20] =	ssyncset.done $0x0  }
0x5a: {  	[sflag:s20] =	ssyncadd.s32 $0xFFFFF600  }
0x5b: {  	_ =	swait.ge [sflag:s20], $0xA00  }
0x5c: {  	[sflag:s20] =	ssyncset.done $0x0  }
0x5d: {  	[sflag:s20] =	ssyncadd.s32 $0xFFFFF600  }
0x5e: {  	_ =	swait.ge [sflag:s20], $0xA00  }
0x5f: {  	[sflag:s20] =	ssyncset.done $0x0  }
0x60: {  	[sflag:s20] =	ssyncadd.s32 $0xFFFFF600  }
0x61: {  	_ =	swait.ge [sflag:s20], $0xA00  }
0x62: {  	[sflag:s20] =	ssyncset.done $0x0  }
0x63: {  	[sflag:s20] =	ssyncadd.s32 $0xFFFFF600  }
0x64: {  	_ =	swait.ge [sflag:s20], $0xA00  }
0x65: {  	[sflag:s20] =	ssyncset.done $0x0  }
0x66: {  	[sflag:s20] =	ssyncadd.s32 $0xFFFFF600  }
0x67: {  	_ =	swait.ge [sflag:s20], $0xA00  }
0x68: {  	[sflag:s20] =	ssyncset.done $0x0  }
0x69: {  	[sflag:s20] =	ssyncadd.s32 $0xFFFFF600  }
0x6a: {  	_ =	swait.ge [sflag:s20], $0xA00  }
0x6b: {  	[sflag:s20] =	ssyncset.done $0x0  }
0x6c: {  	[sflag:s20] =	ssyncadd.s32 $0xFFFFF600  }
0x6d: {  	_ =	swait.ge [sflag:s20], $0xA00  }
0x6e: {  	s7 =	rddreg [dreg:$0x3];
	[sflag:s20] =	ssyncset.done $0x0  }
0x6f: {  	s5 =	rddreg [dreg:$0x4];
	[sflag:s20] =	ssyncadd.s32 $0xFFFFF600;
	s4 =	sadd.s32 $0x0, s7  }
0x70: {  	[hbm4b:s4+s3] =	stream.linear.scatter [tilespmem:s0], [sflag:$0x2], $0xA00, $0x38;
	[tilespmem:$0x11620] =	vst v63  }
0x71: {  	s1 =	sadd.s32 $0x0, s5  }
0x72: {  	[hbm4b:s1+s3] =	stream.linear.scatter [tilespmem:s11], [sflag:$0x2], $0xA00, $0x38;
	[tilespmem:$0x11620] =	vst v63  }
0x73: {  	s8 =	sadd.s32 $0x140, s4  }
0x74: {  	[hbm4b:s8+s3] =	stream.linear.scatter [tilespmem:s12], [sflag:$0x2], $0xA00, $0x38;
	[tilespmem:$0x11620] =	vst v63  }
0x75: {  	s10 =	sadd.s32 $0x140, s1  }
0x76: {  	[hbm4b:s10+s3] =	stream.linear.scatter [tilespmem:s13], [sflag:$0x2], $0xA00, $0x38;
	[tilespmem:$0x11620] =	vst v63  }
0x77: {  	s0 =	sadd.s32 $0x280, s4  }
0x78: {  	[hbm4b:s0+s3] =	stream.linear.scatter [tilespmem:s14], [sflag:$0x2], $0xA00, $0x38;
	[tilespmem:$0x11620] =	vst v63  }
0x79: {  	s6 =	sadd.s32 $0x280, s1  }
0x7a: {  	[hbm4b:s6+s3] =	stream.linear.scatter [tilespmem:s15], [sflag:$0x2], $0xA00, $0x38;
	[tilespmem:$0x11620] =	vst v63  }
0x7b: {  	s7 =	sadd.s32 $0x3C0, s4  }
0x7c: {  	[hbm4b:s7+s3] =	stream.linear.scatter [tilespmem:s16], [sflag:$0x2], $0xA00, $0x38;
	[tilespmem:$0x11620] =	vst v63  }
0x7d: {  	s8 =	sadd.s32 $0x3C0, s1  }
0x7e: {  	[hbm4b:s8+s3] =	stream.linear.scatter [tilespmem:s17], [sflag:$0x2], $0xA00, $0x38;
	[tilespmem:$0x11620] =	vst v63  }
0x7f: {  	s10 =	sadd.s32 $0x500, s4  }
0x80: {  	[hbm4b:s10+s3] =	stream.linear.scatter [tilespmem:s18], [sflag:$0x2], $0xA00, $0x38;
	[tilespmem:$0x11620] =	vst v63  }
0x81: {  	s0 =	sadd.s32 $0x500, s1;
	s6 =	simm.s32 @!p0 $0x3  }
0x82: {  	[hbm4b:s0+s3] =	stream.linear.scatter [tilespmem:s19], [sflag:$0x2], $0xA00, $0x38;
	[tilespmem:$0x11620] =	vst v63  }
0x83: {  	_ =	swait.ge @!p0 [sflag:s6], $0xA00  }
0x84: {  	[sflag:s6] =	ssyncset.done @!p0 $0x0  }
0x85: {  	[sflag:s6] =	ssyncadd.s32 @!p0 $0xFFFFF600  }
0x86: {  	_ =	swait.ge @!p0 [sflag:s6], $0xA00  }
0x87: {  	[sflag:s6] =	ssyncset.done @!p0 $0x0  }
0x88: {  	[sflag:s6] =	ssyncadd.s32 @!p0 $0xFFFFF600  }
0x89: {  	_ =	swait.ge @!p0 [sflag:s6], $0xA00  }
0x8a: {  	[sflag:s6] =	ssyncset.done @!p0 $0x0  }
0x8b: {  	[sflag:s6] =	ssyncadd.s32 @!p0 $0xFFFFF600  }
0x8c: {  	_ =	swait.ge @!p0 [sflag:s6], $0xA00  }
0x8d: {  	[sflag:s6] =	ssyncset.done @!p0 $0x0  }
0x8e: {  	[sflag:s6] =	ssyncadd.s32 @!p0 $0xFFFFF600  }
0x8f: {  	_ =	swait.ge @!p0 [sflag:s6], $0xA00  }
0x90: {  	[sflag:s6] =	ssyncset.done @!p0 $0x0  }
0x91: {  	[sflag:s6] =	ssyncadd.s32 @!p0 $0xFFFFF600  }
0x92: {  	_ =	swait.ge @!p0 [sflag:s6], $0xA00  }
0x93: {  	[sflag:s6] =	ssyncset.done @!p0 $0x0  }
0x94: {  	[sflag:s6] =	ssyncadd.s32 @!p0 $0xFFFFF600  }
0x95: {  	_ =	swait.ge @!p0 [sflag:s6], $0xA00  }
0x96: {  	[sflag:s6] =	ssyncset.done @!p0 $0x0  }
0x97: {  	[sflag:s6] =	ssyncadd.s32 @!p0 $0xFFFFF600  }
0x98: {  	_ =	swait.ge @!p0 [sflag:s6], $0xA00  }
0x99: {  	[sflag:s6] =	ssyncset.done @!p0 $0x0  }
0x9a: {  	[sflag:s6] =	ssyncadd.s32 @!p0 $0xFFFFF600  }
0x9b: {  	_ =	swait.ge @!p0 [sflag:s6], $0xA00  }
0x9c: {  	[sflag:s6] =	ssyncset.done @!p0 $0x0  }
0x9d: {  	[sflag:s6] =	ssyncadd.s32 @!p0 $0xFFFFF600  }
0x9e: {  	_ =	swait.ge @!p0 [sflag:s6], $0xA00  }
0x9f: {  	[sflag:s6] =	ssyncset.done @!p0 $0x0  }
0xa0: {  	[sflag:s6] =	ssyncadd.s32 @!p0 $0xFFFFF600;
	s6 =	simm.s32 $0xC8  }
0xa1: {  	[tilespmem:s21], [sflag:$0x1] =	stream.indirect.gather [hbm4b:s2+s9], $0x40, s6, s9, $0xb8;
	[tilespmem:$0x11620] =	vst v63  }
0xa2: {  	s7 =	simm.s32 $0x27D8  }
0xa3: {  	[tilespmem:s22], [sflag:$0x1] =	stream.indirect.gather [hbm4b:s2+s9], $0x40, s7, s9, $0xb8;
	[tilespmem:$0x11620] =	vst v63  }
0xa4: {  	s8 =	simm.s32 $0xF0  }
0xa5: {  	[tilespmem:s23], [sflag:$0x1] =	stream.indirect.gather [hbm4b:s2+s9], $0x40, s8, s9, $0xb8;
	[tilespmem:$0x11620] =	vst v63  }
0xa6: {  	s10 =	simm.s32 $0x2800  }
0xa7: {  	[tilespmem:s24], [sflag:$0x1] =	stream.indirect.gather [hbm4b:s2+s9], $0x40, s10, s9, $0xb8;
	[tilespmem:$0x11620] =	vst v63  }
0xa8: {  	s0 =	simm.s32 $0x118  }
0xa9: {  	[tilespmem:s25], [sflag:$0x1] =	stream.indirect.gather [hbm4b:s2+s9], $0x40, s0, s9, $0xb8;
	[tilespmem:$0x11620] =	vst v63  }
0xaa: {  	s6 =	simm.s32 $0x2828  }
0xab: {  	[tilespmem:s26], [sflag:$0x1] =	stream.indirect.gather [hbm4b:s2+s9], $0x40, s6, s9, $0xb8;
	[tilespmem:$0x11620] =	vst v63  }
0xac: {  	s7 =	simm.s32 $0x140  }
0xad: {  	[tilespmem:s28], [sflag:$0x1] =	stream.indirect.gather [hbm4b:s2+s9], $0x40, s7, s9, $0xb8;
	[tilespmem:$0x11620] =	vst v63  }
0xae: {  	s8 =	simm.s32 $0x2850  }
0xaf: {  	[tilespmem:s29], [sflag:$0x1] =	stream.indirect.gather [hbm4b:s2+s9], $0x40, s8, s9, $0xb8;
	[tilespmem:$0x11620] =	vst v63  }
0xb0: {  	s10 =	simm.s32 $0x168  }
0xb1: {  	[tilespmem:s30], [sflag:$0x1] =	stream.indirect.gather [hbm4b:s2+s9], $0x40, s10, s9, $0xb8;
	[tilespmem:$0x11620] =	vst v63  }
0xb2: {  	s0 =	simm.s32 $0x2878  }
0xb3: {  	[tilespmem:s31], [sflag:$0x1] =	stream.indirect.gather [hbm4b:s2+s9], $0x40, s0, s9, $0xb8;
	[tilespmem:$0x11620] =	vst v63  }
0xb4: {  	_ =	swait.ge [sflag:s20], $0xA00  }
0xb5: {  	[sflag:s20] =	ssyncset.done $0x0  }
0xb6: {  	[sflag:s20] =	ssyncadd.s32 $0xFFFFF600  }
0xb7: {  	_ =	swait.ge [sflag:s20], $0xA00  }
0xb8: {  	[sflag:s20] =	ssyncset.done $0x0  }
0xb9: {  	[sflag:s20] =	ssyncadd.s32 $0xFFFFF600  }
0xba: {  	_ =	swait.ge [sflag:s20], $0xA00  }
0xbb: {  	[sflag:s20] =	ssyncset.done $0x0  }
0xbc: {  	[sflag:s20] =	ssyncadd.s32 $0xFFFFF600  }
0xbd: {  	_ =	swait.ge [sflag:s20], $0xA00  }
0xbe: {  	[sflag:s20] =	ssyncset.done $0x0  }
0xbf: {  	[sflag:s20] =	ssyncadd.s32 $0xFFFFF600  }
0xc0: {  	_ =	swait.ge [sflag:s20], $0xA00  }
0xc1: {  	[sflag:s20] =	ssyncset.done $0x0  }
0xc2: {  	[sflag:s20] =	ssyncadd.s32 $0xFFFFF600  }
0xc3: {  	_ =	swait.ge [sflag:s20], $0xA00  }
0xc4: {  	[sflag:s20] =	ssyncset.done $0x0  }
0xc5: {  	[sflag:s20] =	ssyncadd.s32 $0xFFFFF600  }
0xc6: {  	_ =	swait.ge [sflag:s20], $0xA00  }
0xc7: {  	[sflag:s20] =	ssyncset.done $0x0  }
0xc8: {  	[sflag:s20] =	ssyncadd.s32 $0xFFFFF600  }
0xc9: {  	_ =	swait.ge [sflag:s20], $0xA00  }
0xca: {  	[sflag:s20] =	ssyncset.done $0x0  }
0xcb: {  	[sflag:s20] =	ssyncadd.s32 $0xFFFFF600  }
0xcc: {  	_ =	swait.ge [sflag:s20], $0xA00  }
0xcd: {  	[sflag:s20] =	ssyncset.done $0x0  }
0xce: {  	[sflag:s20] =	ssyncadd.s32 $0xFFFFF600  }
0xcf: {  	_ =	swait.ge [sflag:s20], $0xA00  }
0xd0: {  	s6 =	rddreg [dreg:$0x5];
	[sflag:s20] =	ssyncset.done $0x0  }
0xd1: {  	s7 =	rddreg [dreg:$0x6];
	[sflag:s20] =	ssyncadd.s32 $0xFFFFF600;
	s5 =	sadd.s32 $0x0, s6  }
0xd2: {  	[hbm4b:s5+s3] =	stream.linear.scatter [tilespmem:s21], [sflag:$0x3], $0xA00, $0x38;
	[tilespmem:$0x11620] =	vst v63  }
0xd3: {  	s8 =	sadd.s32 $0x0, s7  }
0xd4: {  	[hbm4b:s8+s3] =	stream.linear.scatter [tilespmem:s22], [sflag:$0x3], $0xA00, $0x38;
	[tilespmem:$0x11620] =	vst v63  }
0xd5: {  	s10 =	sadd.s32 $0x780, s4  }
0xd6: {  	[hbm4b:s10+s3] =	stream.linear.scatter [tilespmem:s23], [sflag:$0x3], $0xA00, $0x38;
	[tilespmem:$0x11620] =	vst v63  }
0xd7: {  	s0 =	sadd.s32 $0x780, s1  }
0xd8: {  	[hbm4b:s0+s3] =	stream.linear.scatter [tilespmem:s24], [sflag:$0x3], $0xA00, $0x38;
	[tilespmem:$0x11620] =	vst v63  }
0xd9: {  	s6 =	sadd.s32 $0x8C0, s4  }
0xda: {  	[hbm4b:s6+s3] =	stream.linear.scatter [tilespmem:s25], [sflag:$0x3], $0xA00, $0x38;
	[tilespmem:$0x11620] =	vst v63  }
0xdb: {  	s7 =	sadd.s32 $0x8C0, s1  }
0xdc: {  	[hbm4b:s7+s3] =	stream.linear.scatter [tilespmem:s26], [sflag:$0x3], $0xA00, $0x38;
	[tilespmem:$0x11620] =	vst v63  }
0xdd: {  	s8 =	sadd.s32 $0xA00, s4  }
0xde: {  	[hbm4b:s8+s3] =	stream.linear.scatter [tilespmem:s28], [sflag:$0x3], $0xA00, $0x38;
	[tilespmem:$0x11620] =	vst v63  }
0xdf: {  	p6 =	por $0x0, $0x0;
	s10 =	sadd.s32 $0xA00, s1  }
0xe0: {  	[hbm4b:s10+s3] =	stream.linear.scatter [tilespmem:s29], [sflag:$0x3], $0xA00, $0x38;
	[tilespmem:$0x11620] =	vst v63  }
0xe1: {  	p0 =	por p6, p6;
	s5 =	simm.s32 $0x640;
	s4 =	sadd.s32 $0xB40, s4  }
0xe2: {  	[hbm4b:s4+s3] =	stream.linear.scatter [tilespmem:s30], [sflag:$0x3], $0xA00, $0x38;
	[tilespmem:$0x11620] =	vst v63  }
0xe3: {  	s1 =	sadd.s32 $0xB40, s1;
	s6 =	simm.s32 $0xC80;
	s4 =	simm.s32 $0xC80  }
.LBB2_2:
0xe4: {  	[hbm4b:s1+s3] =	stream.linear.scatter [tilespmem:s31], [sflag:$0x3], $0xA00, $0x38;
	[tilespmem:$0x11620] =	vst v63  }
0xe5: {  	s7 =	simm.s32 @!p0 $0x2  }
0xe6: {  	_ =	swait.ge @!p0 [sflag:s7], $0xA00  }
0xe7: {  	[sflag:s7] =	ssyncset.done @!p0 $0x0  }
0xe8: {  	[sflag:s7] =	ssyncadd.s32 @!p0 $0xFFFFF600  }
0xe9: {  	_ =	swait.ge @!p0 [sflag:s7], $0xA00  }
0xea: {  	[sflag:s7] =	ssyncset.done @!p0 $0x0  }
0xeb: {  	[sflag:s7] =	ssyncadd.s32 @!p0 $0xFFFFF600  }
0xec: {  	_ =	swait.ge @!p0 [sflag:s7], $0xA00  }
0xed: {  	[sflag:s7] =	ssyncset.done @!p0 $0x0  }
0xee: {  	[sflag:s7] =	ssyncadd.s32 @!p0 $0xFFFFF600  }
0xef: {  	_ =	swait.ge @!p0 [sflag:s7], $0xA00  }
0xf0: {  	[sflag:s7] =	ssyncset.done @!p0 $0x0  }
0xf1: {  	[sflag:s7] =	ssyncadd.s32 @!p0 $0xFFFFF600  }
0xf2: {  	_ =	swait.ge @!p0 [sflag:s7], $0xA00  }
0xf3: {  	[sflag:s7] =	ssyncset.done @!p0 $0x0  }
0xf4: {  	[sflag:s7] =	ssyncadd.s32 @!p0 $0xFFFFF600  }
0xf5: {  	_ =	swait.ge @!p0 [sflag:s7], $0xA00  }
0xf6: {  	[sflag:s7] =	ssyncset.done @!p0 $0x0  }
0xf7: {  	[sflag:s7] =	ssyncadd.s32 @!p0 $0xFFFFF600  }
0xf8: {  	_ =	swait.ge @!p0 [sflag:s7], $0xA00  }
0xf9: {  	[sflag:s7] =	ssyncset.done @!p0 $0x0  }
0xfa: {  	[sflag:s7] =	ssyncadd.s32 @!p0 $0xFFFFF600  }
0xfb: {  	_ =	swait.ge @!p0 [sflag:s7], $0xA00  }
0xfc: {  	[sflag:s7] =	ssyncset.done @!p0 $0x0  }
0xfd: {  	[sflag:s7] =	ssyncadd.s32 @!p0 $0xFFFFF600  }
0xfe: {  	_ =	swait.ge @!p0 [sflag:s7], $0xA00  }
0xff: {  	[sflag:s7] =	ssyncset.done @!p0 $0x0  }
0x100: {  	[sflag:s7] =	ssyncadd.s32 @!p0 $0xFFFFF600  }
0x101: {  	_ =	swait.ge @!p0 [sflag:s7], $0xA00  }
0x102: {  	s10 =	smov.u32 s6;
	[sflag:s7] =	ssyncset.done @!p0 $0x0  }
0x103: {  	p2 =	seq.s32 s10, $0x0;
	[sflag:s7] =	ssyncadd.s32 @!p0 $0xFFFFF600  }
0x104: {  	s7 =	sshra.s32 s5, $0x2;
	s5 =	smov.u32 s10;
	s10 =	simm.s32 $0x4E20  }
0x105: {  	[tilespmem:s10], [sflag:$0x1] =	stream.indirect.gather [hbm4b:s2+s9], $0x40, s7, s9, $0xb8;
	[tilespmem:$0x11620] =	vst v63  }
0x106: {  	s0 =	sadd.s32 $0x2710, s7  }
0x107: {  	[tilespmem:s11], [sflag:$0x1] =	stream.indirect.gather [hbm4b:s2+s9], $0x40, s0, s9, $0xb8;
	[tilespmem:$0x11620] =	vst v63  }
0x108: {  	s8 =	sadd.s32 $0x28, s7  }
0x109: {  	[tilespmem:s12], [sflag:$0x1] =	stream.indirect.gather [hbm4b:s2+s9], $0x40, s8, s9, $0xb8;
	[tilespmem:$0x11620] =	vst v63  }
0x10a: {  	s0 =	sadd.s32 $0x2738, s7  }
0x10b: {  	[tilespmem:s13], [sflag:$0x1] =	stream.indirect.gather [hbm4b:s2+s9], $0x40, s0, s9, $0xb8;
	[tilespmem:$0x11620] =	vst v63  }
0x10c: {  	s8 =	sadd.s32 $0x50, s7  }
0x10d: {  	[tilespmem:s14], [sflag:$0x1] =	stream.indirect.gather [hbm4b:s2+s9], $0x40, s8, s9, $0xb8;
	[tilespmem:$0x11620] =	vst v63  }
0x10e: {  	s0 =	sadd.s32 $0x2760, s7  }
0x10f: {  	[tilespmem:s15], [sflag:$0x1] =	stream.indirect.gather [hbm4b:s2+s9], $0x40, s0, s9, $0xb8;
	[tilespmem:$0x11620] =	vst v63  }
0x110: {  	s8 =	sadd.s32 $0x78, s7  }
0x111: {  	[tilespmem:s16], [sflag:$0x1] =	stream.indirect.gather [hbm4b:s2+s9], $0x40, s8, s9, $0xb8;
	[tilespmem:$0x11620] =	vst v63  }
0x112: {  	s0 =	sadd.s32 $0x2788, s7  }
0x113: {  	[tilespmem:s17], [sflag:$0x1] =	stream.indirect.gather [hbm4b:s2+s9], $0x40, s0, s9, $0xb8;
	[tilespmem:$0x11620] =	vst v63  }
0x114: {  	s8 =	sadd.s32 $0xA0, s7  }
0x115: {  	[tilespmem:s18], [sflag:$0x1] =	stream.indirect.gather [hbm4b:s2+s9], $0x40, s8, s9, $0xb8;
	[tilespmem:$0x11620] =	vst v63  }
0x116: {  	s0 =	sadd.s32 $0x27B0, s7  }
0x117: {  	[tilespmem:s19], [sflag:$0x1] =	stream.indirect.gather [hbm4b:s2+s9], $0x40, s0, s9, $0xb8;
	[tilespmem:$0x11620] =	vst v63  }
0x118: {  	_ =	swait.ge [sflag:s20], $0xA00  }
0x119: {  	[sflag:s20] =	ssyncset.done $0x0  }
0x11a: {  	[sflag:s20] =	ssyncadd.s32 $0xFFFFF600  }
0x11b: {  	_ =	swait.ge [sflag:s20], $0xA00  }
0x11c: {  	[sflag:s20] =	ssyncset.done $0x0  }
0x11d: {  	[sflag:s20] =	ssyncadd.s32 $0xFFFFF600  }
0x11e: {  	_ =	swait.ge [sflag:s20], $0xA00  }
0x11f: {  	[sflag:s20] =	ssyncset.done $0x0  }
0x120: {  	[sflag:s20] =	ssyncadd.s32 $0xFFFFF600  }
0x121: {  	_ =	swait.ge [sflag:s20], $0xA00  }
0x122: {  	[sflag:s20] =	ssyncset.done $0x0  }
0x123: {  	[sflag:s20] =	ssyncadd.s32 $0xFFFFF600  }
0x124: {  	_ =	swait.ge [sflag:s20], $0xA00  }
0x125: {  	[sflag:s20] =	ssyncset.done $0x0  }
0x126: {  	[sflag:s20] =	ssyncadd.s32 $0xFFFFF600  }
0x127: {  	_ =	swait.ge [sflag:s20], $0xA00  }
0x128: {  	[sflag:s20] =	ssyncset.done $0x0  }
0x129: {  	[sflag:s20] =	ssyncadd.s32 $0xFFFFF600  }
0x12a: {  	_ =	swait.ge [sflag:s20], $0xA00  }
0x12b: {  	[sflag:s20] =	ssyncset.done $0x0  }
0x12c: {  	[sflag:s20] =	ssyncadd.s32 $0xFFFFF600  }
0x12d: {  	_ =	swait.ge [sflag:s20], $0xA00  }
0x12e: {  	[sflag:s20] =	ssyncset.done $0x0  }
0x12f: {  	[sflag:s20] =	ssyncadd.s32 $0xFFFFF600  }
0x130: {  	_ =	swait.ge [sflag:s20], $0xA00  }
0x131: {  	[sflag:s20] =	ssyncset.done $0x0  }
0x132: {  	[sflag:s20] =	ssyncadd.s32 $0xFFFFF600  }
0x133: {  	_ =	swait.ge [sflag:s20], $0xA00  }
0x134: {  	s8 =	rddreg [dreg:$0x3];
	[sflag:s20] =	ssyncset.done $0x0  }
0x135: {  	s0 =	rddreg [dreg:$0x4];
	[sflag:s20] =	ssyncadd.s32 $0xFFFFF600;
	s8 =	sadd.s32 s4, s8  }
0x136: {  	[hbm4b:s8+s3] =	stream.linear.scatter [tilespmem:s10], [sflag:$0x2], $0xA00, $0x38;
	[tilespmem:$0x11620] =	vst v63  }
0x137: {  	s1 =	sadd.s32 s4, s0  }
0x138: {  	[hbm4b:s1+s3] =	stream.linear.scatter [tilespmem:s11], [sflag:$0x2], $0xA00, $0x38;
	[tilespmem:$0x11620] =	vst v63  }
0x139: {  	s10 =	sadd.s32 $0x140, s8  }
0x13a: {  	[hbm4b:s10+s3] =	stream.linear.scatter [tilespmem:s12], [sflag:$0x2], $0xA00, $0x38;
	[tilespmem:$0x11620] =	vst v63  }
0x13b: {  	s10 =	sadd.s32 $0x140, s1  }
0x13c: {  	[hbm4b:s10+s3] =	stream.linear.scatter [tilespmem:s13], [sflag:$0x2], $0xA00, $0x38;
	[tilespmem:$0x11620] =	vst v63  }
0x13d: {  	s10 =	sadd.s32 $0x280, s8  }
0x13e: {  	[hbm4b:s10+s3] =	stream.linear.scatter [tilespmem:s14], [sflag:$0x2], $0xA00, $0x38;
	[tilespmem:$0x11620] =	vst v63  }
0x13f: {  	s10 =	sadd.s32 $0x280, s1  }
0x140: {  	[hbm4b:s10+s3] =	stream.linear.scatter [tilespmem:s15], [sflag:$0x2], $0xA00, $0x38;
	[tilespmem:$0x11620] =	vst v63  }
0x141: {  	s10 =	sadd.s32 $0x3C0, s8  }
0x142: {  	[hbm4b:s10+s3] =	stream.linear.scatter [tilespmem:s16], [sflag:$0x2], $0xA00, $0x38;
	[tilespmem:$0x11620] =	vst v63  }
0x143: {  	s10 =	sadd.s32 $0x3C0, s1  }
0x144: {  	[hbm4b:s10+s3] =	stream.linear.scatter [tilespmem:s17], [sflag:$0x2], $0xA00, $0x38;
	[tilespmem:$0x11620] =	vst v63  }
0x145: {  	s10 =	sadd.s32 $0x500, s8  }
0x146: {  	[hbm4b:s10+s3] =	stream.linear.scatter [tilespmem:s18], [sflag:$0x2], $0xA00, $0x38;
	[tilespmem:$0x11620] =	vst v63  }
0x147: {  	s0 =	sadd.s32 $0x500, s1;
	s10 =	simm.s32 @!p0 $0x3  }
0x148: {  	[hbm4b:s0+s3] =	stream.linear.scatter [tilespmem:s19], [sflag:$0x2], $0xA00, $0x38;
	[tilespmem:$0x11620] =	vst v63  }
0x149: {  	_ =	swait.ge @!p0 [sflag:s10], $0xA00  }
0x14a: {  	[sflag:s10] =	ssyncset.done @!p0 $0x0  }
0x14b: {  	[sflag:s10] =	ssyncadd.s32 @!p0 $0xFFFFF600  }
0x14c: {  	_ =	swait.ge @!p0 [sflag:s10], $0xA00  }
0x14d: {  	[sflag:s10] =	ssyncset.done @!p0 $0x0  }
0x14e: {  	[sflag:s10] =	ssyncadd.s32 @!p0 $0xFFFFF600  }
0x14f: {  	_ =	swait.ge @!p0 [sflag:s10], $0xA00  }
0x150: {  	[sflag:s10] =	ssyncset.done @!p0 $0x0  }
0x151: {  	[sflag:s10] =	ssyncadd.s32 @!p0 $0xFFFFF600  }
0x152: {  	_ =	swait.ge @!p0 [sflag:s10], $0xA00  }
0x153: {  	[sflag:s10] =	ssyncset.done @!p0 $0x0  }
0x154: {  	[sflag:s10] =	ssyncadd.s32 @!p0 $0xFFFFF600  }
0x155: {  	_ =	swait.ge @!p0 [sflag:s10], $0xA00  }
0x156: {  	[sflag:s10] =	ssyncset.done @!p0 $0x0  }
0x157: {  	[sflag:s10] =	ssyncadd.s32 @!p0 $0xFFFFF600  }
0x158: {  	_ =	swait.ge @!p0 [sflag:s10], $0xA00  }
0x159: {  	[sflag:s10] =	ssyncset.done @!p0 $0x0  }
0x15a: {  	[sflag:s10] =	ssyncadd.s32 @!p0 $0xFFFFF600  }
0x15b: {  	_ =	swait.ge @!p0 [sflag:s10], $0xA00  }
0x15c: {  	[sflag:s10] =	ssyncset.done @!p0 $0x0  }
0x15d: {  	[sflag:s10] =	ssyncadd.s32 @!p0 $0xFFFFF600  }
0x15e: {  	_ =	swait.ge @!p0 [sflag:s10], $0xA00  }
0x15f: {  	[sflag:s10] =	ssyncset.done @!p0 $0x0  }
0x160: {  	[sflag:s10] =	ssyncadd.s32 @!p0 $0xFFFFF600  }
0x161: {  	_ =	swait.ge @!p0 [sflag:s10], $0xA00  }
0x162: {  	[sflag:s10] =	ssyncset.done @!p0 $0x0  }
0x163: {  	[sflag:s10] =	ssyncadd.s32 @!p0 $0xFFFFF600  }
0x164: {  	_ =	swait.ge @!p0 [sflag:s10], $0xA00  }
0x165: {  	[sflag:s10] =	ssyncset.done @!p0 $0x0  }
0x166: {  	[sflag:s10] =	ssyncadd.s32 @!p0 $0xFFFFF600;
	s10 =	sadd.s32 $0xC8, s7  }
0x167: {  	[tilespmem:s21], [sflag:$0x1] =	stream.indirect.gather [hbm4b:s2+s9], $0x40, s10, s9, $0xb8;
	[tilespmem:$0x11620] =	vst v63  }
0x168: {  	s10 =	sadd.s32 $0x27D8, s7  }
0x169: {  	[tilespmem:s22], [sflag:$0x1] =	stream.indirect.gather [hbm4b:s2+s9], $0x40, s10, s9, $0xb8;
	[tilespmem:$0x11620] =	vst v63  }
0x16a: {  	s10 =	sadd.s32 $0xF0, s7  }
0x16b: {  	[tilespmem:s23], [sflag:$0x1] =	stream.indirect.gather [hbm4b:s2+s9], $0x40, s10, s9, $0xb8;
	[tilespmem:$0x11620] =	vst v63  }
0x16c: {  	s10 =	sadd.s32 $0x2800, s7  }
0x16d: {  	[tilespmem:s24], [sflag:$0x1] =	stream.indirect.gather [hbm4b:s2+s9], $0x40, s10, s9, $0xb8;
	[tilespmem:$0x11620] =	vst v63  }
0x16e: {  	s10 =	sadd.s32 $0x118, s7  }
0x16f: {  	[tilespmem:s25], [sflag:$0x1] =	stream.indirect.gather [hbm4b:s2+s9], $0x40, s10, s9, $0xb8;
	[tilespmem:$0x11620] =	vst v63  }
0x170: {  	s10 =	sadd.s32 $0x2828, s7  }
0x171: {  	[tilespmem:s26], [sflag:$0x1] =	stream.indirect.gather [hbm4b:s2+s9], $0x40, s10, s9, $0xb8;
	[tilespmem:$0x11620] =	vst v63  }
0x172: {  	s10 =	sadd.s32 $0x140, s7  }
0x173: {  	[tilespmem:s28], [sflag:$0x1] =	stream.indirect.gather [hbm4b:s2+s9], $0x40, s10, s9, $0xb8;
	[tilespmem:$0x11620] =	vst v63  }
0x174: {  	s10 =	sadd.s32 $0x2850, s7  }
0x175: {  	[tilespmem:s29], [sflag:$0x1] =	stream.indirect.gather [hbm4b:s2+s9], $0x40, s10, s9, $0xb8;
	[tilespmem:$0x11620] =	vst v63  }
0x176: {  	s10 =	sadd.s32 $0x168, s7  }
0x177: {  	[tilespmem:s30], [sflag:$0x1] =	stream.indirect.gather [hbm4b:s2+s9], $0x40, s10, s9, $0xb8;
	[tilespmem:$0x11620] =	vst v63  }
0x178: {  	s10 =	sadd.s32 $0x2878, s7  }
0x179: {  	[tilespmem:s31], [sflag:$0x1] =	stream.indirect.gather [hbm4b:s2+s9], $0x40, s10, s9, $0xb8;
	[tilespmem:$0x11620] =	vst v63  }
0x17a: {  	_ =	swait.ge [sflag:s20], $0xA00  }
0x17b: {  	[sflag:s20] =	ssyncset.done $0x0  }
0x17c: {  	[sflag:s20] =	ssyncadd.s32 $0xFFFFF600  }
0x17d: {  	_ =	swait.ge [sflag:s20], $0xA00  }
0x17e: {  	[sflag:s20] =	ssyncset.done $0x0  }
0x17f: {  	[sflag:s20] =	ssyncadd.s32 $0xFFFFF600  }
0x180: {  	_ =	swait.ge [sflag:s20], $0xA00  }
0x181: {  	[sflag:s20] =	ssyncset.done $0x0  }
0x182: {  	[sflag:s20] =	ssyncadd.s32 $0xFFFFF600  }
0x183: {  	_ =	swait.ge [sflag:s20], $0xA00  }
0x184: {  	[sflag:s20] =	ssyncset.done $0x0  }
0x185: {  	[sflag:s20] =	ssyncadd.s32 $0xFFFFF600  }
0x186: {  	_ =	swait.ge [sflag:s20], $0xA00  }
0x187: {  	[sflag:s20] =	ssyncset.done $0x0  }
0x188: {  	[sflag:s20] =	ssyncadd.s32 $0xFFFFF600  }
0x189: {  	_ =	swait.ge [sflag:s20], $0xA00  }
0x18a: {  	[sflag:s20] =	ssyncset.done $0x0  }
0x18b: {  	[sflag:s20] =	ssyncadd.s32 $0xFFFFF600  }
0x18c: {  	_ =	swait.ge [sflag:s20], $0xA00  }
0x18d: {  	[sflag:s20] =	ssyncset.done $0x0  }
0x18e: {  	[sflag:s20] =	ssyncadd.s32 $0xFFFFF600  }
0x18f: {  	_ =	swait.ge [sflag:s20], $0xA00  }
0x190: {  	[sflag:s20] =	ssyncset.done $0x0  }
0x191: {  	[sflag:s20] =	ssyncadd.s32 $0xFFFFF600  }
0x192: {  	_ =	swait.ge [sflag:s20], $0xA00  }
0x193: {  	[sflag:s20] =	ssyncset.done $0x0  }
0x194: {  	[sflag:s20] =	ssyncadd.s32 $0xFFFFF600  }
0x195: {  	_ =	swait.ge [sflag:s20], $0xA00  }
0x196: {  	s7 =	rddreg [dreg:$0x5];
	[sflag:s20] =	ssyncset.done $0x0  }
0x197: {  	s10 =	rddreg [dreg:$0x6];
	[sflag:s20] =	ssyncadd.s32 $0xFFFFF600;
	s0 =	sadd.s32 s4, s7  }
0x198: {  	[hbm4b:s0+s3] =	stream.linear.scatter [tilespmem:s21], [sflag:$0x3], $0xA00, $0x38;
	[tilespmem:$0x11620] =	vst v63  }
0x199: {  	s7 =	sadd.s32 s4, s10  }
0x19a: {  	[hbm4b:s7+s3] =	stream.linear.scatter [tilespmem:s22], [sflag:$0x3], $0xA00, $0x38;
	[tilespmem:$0x11620] =	vst v63  }
0x19b: {  	s10 =	sadd.s32 $0x780, s8  }
0x19c: {  	[hbm4b:s10+s3] =	stream.linear.scatter [tilespmem:s23], [sflag:$0x3], $0xA00, $0x38;
	[tilespmem:$0x11620] =	vst v63  }
0x19d: {  	s7 =	sadd.s32 $0x780, s1  }
0x19e: {  	[hbm4b:s7+s3] =	stream.linear.scatter [tilespmem:s24], [sflag:$0x3], $0xA00, $0x38;
	[tilespmem:$0x11620] =	vst v63  }
0x19f: {  	s10 =	sadd.s32 $0x8C0, s8  }
0x1a0: {  	[hbm4b:s10+s3] =	stream.linear.scatter [tilespmem:s25], [sflag:$0x3], $0xA00, $0x38;
	[tilespmem:$0x11620] =	vst v63  }
0x1a1: {  	s6 =	sadd.s32 $0x640, s6;
	s7 =	sadd.s32 $0x8C0, s1  }
0x1a2: {  	[hbm4b:s7+s3] =	stream.linear.scatter [tilespmem:s26], [sflag:$0x3], $0xA00, $0x38;
	[tilespmem:$0x11620] =	vst v63  }
0x1a3: {  	p1 =	sne.s32 s6, $0x9C40;
	s10 =	sadd.s32 $0xA00, s8  }
0x1a4: {  	[hbm4b:s10+s3] =	stream.linear.scatter [tilespmem:s28], [sflag:$0x3], $0xA00, $0x38;
	[tilespmem:$0x11620] =	vst v63  }
.Ltmp0:
0x1a5: {  	_ = 	snop;
	(pc) =	sbr.rel @p1 .LBB2_2-.Ltmp0, $4  }
0x1a6: {  	p0 =	por p2, p2;
	s7 =	sadd.s32 $0xA00, s1  }
0x1a7: {  	[hbm4b:s7+s3] =	stream.linear.scatter [tilespmem:s29], [sflag:$0x3], $0xA00, $0x38;
	[tilespmem:$0x11620] =	vst v63  }
0x1a8: {  	s4 =	sadd.s32 $0xC80, s4;
	s1 =	sadd.s32 $0xB40, s1;
	s10 =	sadd.s32 $0xB40, s8  }
0x1a9: {  	[hbm4b:s10+s3] =	stream.linear.scatter [tilespmem:s30], [sflag:$0x3], $0xA00, $0x38;
	[tilespmem:$0x11620] =	vst v63  }
0x1aa: {  	[hbm4b:s1+s3] =	stream.linear.scatter [tilespmem:s31], [sflag:$0x3], $0xA00, $0x38;
	[tilespmem:$0x11620] =	vst v63  }
0x1ab: {  	s0 =	simm.s32 @!p0 $0x2  }
0x1ac: {  	_ =	swait.ge @!p0 [sflag:s0], $0xA00  }
0x1ad: {  	[sflag:s0] =	ssyncset.done @!p0 $0x0  }
0x1ae: {  	[sflag:s0] =	ssyncadd.s32 @!p0 $0xFFFFF600  }
0x1af: {  	_ =	swait.ge @!p0 [sflag:s0], $0xA00  }
0x1b0: {  	[sflag:s0] =	ssyncset.done @!p0 $0x0  }
0x1b1: {  	[sflag:s0] =	ssyncadd.s32 @!p0 $0xFFFFF600  }
0x1b2: {  	_ =	swait.ge @!p0 [sflag:s0], $0xA00  }
0x1b3: {  	[sflag:s0] =	ssyncset.done @!p0 $0x0  }
0x1b4: {  	[sflag:s0] =	ssyncadd.s32 @!p0 $0xFFFFF600  }
0x1b5: {  	_ =	swait.ge @!p0 [sflag:s0], $0xA00  }
0x1b6: {  	[sflag:s0] =	ssyncset.done @!p0 $0x0  }
0x1b7: {  	[sflag:s0] =	ssyncadd.s32 @!p0 $0xFFFFF600  }
0x1b8: {  	_ =	swait.ge @!p0 [sflag:s0], $0xA00  }
0x1b9: {  	[sflag:s0] =	ssyncset.done @!p0 $0x0  }
0x1ba: {  	[sflag:s0] =	ssyncadd.s32 @!p0 $0xFFFFF600  }
0x1bb: {  	_ =	swait.ge @!p0 [sflag:s0], $0xA00  }
0x1bc: {  	[sflag:s0] =	ssyncset.done @!p0 $0x0  }
0x1bd: {  	[sflag:s0] =	ssyncadd.s32 @!p0 $0xFFFFF600  }
0x1be: {  	_ =	swait.ge @!p0 [sflag:s0], $0xA00  }
0x1bf: {  	[sflag:s0] =	ssyncset.done @!p0 $0x0  }
0x1c0: {  	[sflag:s0] =	ssyncadd.s32 @!p0 $0xFFFFF600  }
0x1c1: {  	_ =	swait.ge @!p0 [sflag:s0], $0xA00  }
0x1c2: {  	[sflag:s0] =	ssyncset.done @!p0 $0x0  }
0x1c3: {  	[sflag:s0] =	ssyncadd.s32 @!p0 $0xFFFFF600  }
0x1c4: {  	_ =	swait.ge @!p0 [sflag:s0], $0xA00  }
0x1c5: {  	[sflag:s0] =	ssyncset.done @!p0 $0x0  }
0x1c6: {  	[sflag:s0] =	ssyncadd.s32 @!p0 $0xFFFFF600  }
0x1c7: {  	_ =	swait.ge @!p0 [sflag:s0], $0xA00  }
0x1c8: {  	[sflag:s0] =	ssyncset.done @!p0 $0x0  }
0x1c9: {  	s1 =	sshra.s32 s5, $0x2;
	s7 =	simm.s32 $0x4E20;
	[sflag:s0] =	ssyncadd.s32 @!p0 $0xFFFFF600  }
0x1ca: {  	[tilespmem:s7], [sflag:$0x1] =	stream.indirect.gather [hbm4b:s2+s9], $0x40, s1, s9, $0xb8;
	[tilespmem:$0x11620] =	vst v63  }
0x1cb: {  	s6 =	sadd.s32 $0x2710, s1  }
0x1cc: {  	[tilespmem:s11], [sflag:$0x1] =	stream.indirect.gather [hbm4b:s2+s9], $0x40, s6, s9, $0xb8;
	[tilespmem:$0x11620] =	vst v63  }
0x1cd: {  	s8 =	sadd.s32 $0x28, s1  }
0x1ce: {  	[tilespmem:s12], [sflag:$0x1] =	stream.indirect.gather [hbm4b:s2+s9], $0x40, s8, s9, $0xb8;
	[tilespmem:$0x11620] =	vst v63  }
0x1cf: {  	s10 =	sadd.s32 $0x2738, s1  }
0x1d0: {  	[tilespmem:s13], [sflag:$0x1] =	stream.indirect.gather [hbm4b:s2+s9], $0x40, s10, s9, $0xb8;
	[tilespmem:$0x11620] =	vst v63  }
0x1d1: {  	s5 =	sadd.s32 $0x50, s1  }
0x1d2: {  	[tilespmem:s14], [sflag:$0x1] =	stream.indirect.gather [hbm4b:s2+s9], $0x40, s5, s9, $0xb8;
	[tilespmem:$0x11620] =	vst v63  }
0x1d3: {  	s6 =	sadd.s32 $0x2760, s1  }
0x1d4: {  	[tilespmem:s15], [sflag:$0x1] =	stream.indirect.gather [hbm4b:s2+s9], $0x40, s6, s9, $0xb8;
	[tilespmem:$0x11620] =	vst v63  }
0x1d5: {  	s8 =	sadd.s32 $0x78, s1  }
0x1d6: {  	[tilespmem:s16], [sflag:$0x1] =	stream.indirect.gather [hbm4b:s2+s9], $0x40, s8, s9, $0xb8;
	[tilespmem:$0x11620] =	vst v63  }
0x1d7: {  	s10 =	sadd.s32 $0x2788, s1  }
0x1d8: {  	[tilespmem:s17], [sflag:$0x1] =	stream.indirect.gather [hbm4b:s2+s9], $0x40, s10, s9, $0xb8;
	[tilespmem:$0x11620] =	vst v63  }
0x1d9: {  	s5 =	sadd.s32 $0xA0, s1  }
0x1da: {  	[tilespmem:s18], [sflag:$0x1] =	stream.indirect.gather [hbm4b:s2+s9], $0x40, s5, s9, $0xb8;
	[tilespmem:$0x11620] =	vst v63  }
0x1db: {  	s6 =	sadd.s32 $0x27B0, s1  }
0x1dc: {  	[tilespmem:s19], [sflag:$0x1] =	stream.indirect.gather [hbm4b:s2+s9], $0x40, s6, s9, $0xb8;
	[tilespmem:$0x11620] =	vst v63  }
0x1dd: {  	_ =	swait.ge [sflag:s20], $0xA00  }
0x1de: {  	[sflag:s20] =	ssyncset.done $0x0  }
0x1df: {  	[sflag:s20] =	ssyncadd.s32 $0xFFFFF600  }
0x1e0: {  	_ =	swait.ge [sflag:s20], $0xA00  }
0x1e1: {  	[sflag:s20] =	ssyncset.done $0x0  }
0x1e2: {  	[sflag:s20] =	ssyncadd.s32 $0xFFFFF600  }
0x1e3: {  	_ =	swait.ge [sflag:s20], $0xA00  }
0x1e4: {  	[sflag:s20] =	ssyncset.done $0x0  }
0x1e5: {  	[sflag:s20] =	ssyncadd.s32 $0xFFFFF600  }
0x1e6: {  	_ =	swait.ge [sflag:s20], $0xA00  }
0x1e7: {  	[sflag:s20] =	ssyncset.done $0x0  }
0x1e8: {  	[sflag:s20] =	ssyncadd.s32 $0xFFFFF600  }
0x1e9: {  	_ =	swait.ge [sflag:s20], $0xA00  }
0x1ea: {  	[sflag:s20] =	ssyncset.done $0x0  }
0x1eb: {  	[sflag:s20] =	ssyncadd.s32 $0xFFFFF600  }
0x1ec: {  	_ =	swait.ge [sflag:s20], $0xA00  }
0x1ed: {  	[sflag:s20] =	ssyncset.done $0x0  }
0x1ee: {  	[sflag:s20] =	ssyncadd.s32 $0xFFFFF600  }
0x1ef: {  	_ =	swait.ge [sflag:s20], $0xA00  }
0x1f0: {  	[sflag:s20] =	ssyncset.done $0x0  }
0x1f1: {  	[sflag:s20] =	ssyncadd.s32 $0xFFFFF600  }
0x1f2: {  	_ =	swait.ge [sflag:s20], $0xA00  }
0x1f3: {  	[sflag:s20] =	ssyncset.done $0x0  }
0x1f4: {  	[sflag:s20] =	ssyncadd.s32 $0xFFFFF600  }
0x1f5: {  	_ =	swait.ge [sflag:s20], $0xA00  }
0x1f6: {  	[sflag:s20] =	ssyncset.done $0x0  }
0x1f7: {  	[sflag:s20] =	ssyncadd.s32 $0xFFFFF600  }
0x1f8: {  	_ =	swait.ge [sflag:s20], $0xA00  }
0x1f9: {  	s8 =	rddreg [dreg:$0x3];
	[sflag:s20] =	ssyncset.done $0x0  }
0x1fa: {  	s6 =	rddreg [dreg:$0x4];
	[sflag:s20] =	ssyncadd.s32 $0xFFFFF600;
	s5 =	sadd.s32 s4, s8  }
0x1fb: {  	[hbm4b:s5+s3] =	stream.linear.scatter [tilespmem:s7], [sflag:$0x2], $0xA00, $0x38;
	[tilespmem:$0x11620] =	vst v63  }
0x1fc: {  	s6 =	sadd.s32 s4, s6  }
0x1fd: {  	[hbm4b:s6+s3] =	stream.linear.scatter [tilespmem:s11], [sflag:$0x2], $0xA00, $0x38;
	[tilespmem:$0x11620] =	vst v63  }
0x1fe: {  	s0 =	sadd.s32 $0x140, s5  }
0x1ff: {  	[hbm4b:s0+s3] =	stream.linear.scatter [tilespmem:s12], [sflag:$0x2], $0xA00, $0x38;
	[tilespmem:$0x11620] =	vst v63  }
0x200: {  	s10 =	sadd.s32 $0x140, s6  }
0x201: {  	[hbm4b:s10+s3] =	stream.linear.scatter [tilespmem:s13], [sflag:$0x2], $0xA00, $0x38;
	[tilespmem:$0x11620] =	vst v63  }
0x202: {  	s7 =	sadd.s32 $0x280, s5  }
0x203: {  	[hbm4b:s7+s3] =	stream.linear.scatter [tilespmem:s14], [sflag:$0x2], $0xA00, $0x38;
	[tilespmem:$0x11620] =	vst v63  }
0x204: {  	s8 =	sadd.s32 $0x280, s6  }
0x205: {  	[hbm4b:s8+s3] =	stream.linear.scatter [tilespmem:s15], [sflag:$0x2], $0xA00, $0x38;
	[tilespmem:$0x11620] =	vst v63  }
0x206: {  	s10 =	sadd.s32 $0x3C0, s5  }
0x207: {  	[hbm4b:s10+s3] =	stream.linear.scatter [tilespmem:s16], [sflag:$0x2], $0xA00, $0x38;
	[tilespmem:$0x11620] =	vst v63  }
0x208: {  	s7 =	sadd.s32 $0x3C0, s6  }
0x209: {  	[hbm4b:s7+s3] =	stream.linear.scatter [tilespmem:s17], [sflag:$0x2], $0xA00, $0x38;
	[tilespmem:$0x11620] =	vst v63  }
0x20a: {  	s8 =	sadd.s32 $0x500, s5  }
0x20b: {  	[hbm4b:s8+s3] =	stream.linear.scatter [tilespmem:s18], [sflag:$0x2], $0xA00, $0x38;
	[tilespmem:$0x11620] =	vst v63  }
0x20c: {  	s0 =	simm.s32 @!p0 $0x3;
	s10 =	sadd.s32 $0x500, s6  }
0x20d: {  	[hbm4b:s10+s3] =	stream.linear.scatter [tilespmem:s19], [sflag:$0x2], $0xA00, $0x38;
	[tilespmem:$0x11620] =	vst v63  }
0x20e: {  	_ =	swait.ge @!p0 [sflag:s0], $0xA00  }
0x20f: {  	[sflag:s0] =	ssyncset.done @!p0 $0x0  }
0x210: {  	[sflag:s0] =	ssyncadd.s32 @!p0 $0xFFFFF600  }
0x211: {  	_ =	swait.ge @!p0 [sflag:s0], $0xA00  }
0x212: {  	[sflag:s0] =	ssyncset.done @!p0 $0x0  }
0x213: {  	[sflag:s0] =	ssyncadd.s32 @!p0 $0xFFFFF600  }
0x214: {  	_ =	swait.ge @!p0 [sflag:s0], $0xA00  }
0x215: {  	[sflag:s0] =	ssyncset.done @!p0 $0x0  }
0x216: {  	[sflag:s0] =	ssyncadd.s32 @!p0 $0xFFFFF600  }
0x217: {  	_ =	swait.ge @!p0 [sflag:s0], $0xA00  }
0x218: {  	[sflag:s0] =	ssyncset.done @!p0 $0x0  }
0x219: {  	[sflag:s0] =	ssyncadd.s32 @!p0 $0xFFFFF600  }
0x21a: {  	_ =	swait.ge @!p0 [sflag:s0], $0xA00  }
0x21b: {  	[sflag:s0] =	ssyncset.done @!p0 $0x0  }
0x21c: {  	[sflag:s0] =	ssyncadd.s32 @!p0 $0xFFFFF600  }
0x21d: {  	_ =	swait.ge @!p0 [sflag:s0], $0xA00  }
0x21e: {  	[sflag:s0] =	ssyncset.done @!p0 $0x0  }
0x21f: {  	[sflag:s0] =	ssyncadd.s32 @!p0 $0xFFFFF600  }
0x220: {  	_ =	swait.ge @!p0 [sflag:s0], $0xA00  }
0x221: {  	[sflag:s0] =	ssyncset.done @!p0 $0x0  }
0x222: {  	[sflag:s0] =	ssyncadd.s32 @!p0 $0xFFFFF600  }
0x223: {  	_ =	swait.ge @!p0 [sflag:s0], $0xA00  }
0x224: {  	[sflag:s0] =	ssyncset.done @!p0 $0x0  }
0x225: {  	[sflag:s0] =	ssyncadd.s32 @!p0 $0xFFFFF600  }
0x226: {  	_ =	swait.ge @!p0 [sflag:s0], $0xA00  }
0x227: {  	[sflag:s0] =	ssyncset.done @!p0 $0x0  }
0x228: {  	[sflag:s0] =	ssyncadd.s32 @!p0 $0xFFFFF600  }
0x229: {  	_ =	swait.ge @!p0 [sflag:s0], $0xA00  }
0x22a: {  	[sflag:s0] =	ssyncset.done @!p0 $0x0  }
0x22b: {  	s7 =	sadd.s32 $0xC8, s1;
	[sflag:s0] =	ssyncadd.s32 @!p0 $0xFFFFF600  }
0x22c: {  	[tilespmem:s21], [sflag:$0x1] =	stream.indirect.gather [hbm4b:s2+s9], $0x40, s7, s9, $0xb8;
	[tilespmem:$0x11620] =	vst v63  }
0x22d: {  	s8 =	sadd.s32 $0x27D8, s1  }
0x22e: {  	[tilespmem:s22], [sflag:$0x1] =	stream.indirect.gather [hbm4b:s2+s9], $0x40, s8, s9, $0xb8;
	[tilespmem:$0x11620] =	vst v63  }
0x22f: {  	s10 =	sadd.s32 $0xF0, s1  }
0x230: {  	[tilespmem:s23], [sflag:$0x1] =	stream.indirect.gather [hbm4b:s2+s9], $0x40, s10, s9, $0xb8;
	[tilespmem:$0x11620] =	vst v63  }
0x231: {  	s7 =	sadd.s32 $0x2800, s1  }
0x232: {  	[tilespmem:s24], [sflag:$0x1] =	stream.indirect.gather [hbm4b:s2+s9], $0x40, s7, s9, $0xb8;
	[tilespmem:$0x11620] =	vst v63  }
0x233: {  	s8 =	sadd.s32 $0x118, s1  }
0x234: {  	[tilespmem:s25], [sflag:$0x1] =	stream.indirect.gather [hbm4b:s2+s9], $0x40, s8, s9, $0xb8;
	[tilespmem:$0x11620] =	vst v63  }
0x235: {  	s10 =	sadd.s32 $0x2828, s1  }
0x236: {  	[tilespmem:s26], [sflag:$0x1] =	stream.indirect.gather [hbm4b:s2+s9], $0x40, s10, s9, $0xb8;
	[tilespmem:$0x11620] =	vst v63  }
0x237: {  	s7 =	sadd.s32 $0x140, s1  }
0x238: {  	[tilespmem:s28], [sflag:$0x1] =	stream.indirect.gather [hbm4b:s2+s9], $0x40, s7, s9, $0xb8;
	[tilespmem:$0x11620] =	vst v63  }
0x239: {  	s8 =	sadd.s32 $0x2850, s1  }
0x23a: {  	[tilespmem:s29], [sflag:$0x1] =	stream.indirect.gather [hbm4b:s2+s9], $0x40, s8, s9, $0xb8;
	[tilespmem:$0x11620] =	vst v63  }
0x23b: {  	s10 =	sadd.s32 $0x168, s1  }
0x23c: {  	[tilespmem:s30], [sflag:$0x1] =	stream.indirect.gather [hbm4b:s2+s9], $0x40, s10, s9, $0xb8;
	[tilespmem:$0x11620] =	vst v63  }
0x23d: {  	s1 =	sadd.s32 $0x2878, s1  }
0x23e: {  	[tilespmem:s31], [sflag:$0x1] =	stream.indirect.gather [hbm4b:s2+s9], $0x40, s1, s9, $0xb8;
	[tilespmem:$0x11620] =	vst v63  }
0x23f: {  	_ =	swait.ge [sflag:s20], $0xA00  }
0x240: {  	[sflag:s20] =	ssyncset.done $0x0  }
0x241: {  	[sflag:s20] =	ssyncadd.s32 $0xFFFFF600  }
0x242: {  	_ =	swait.ge [sflag:s20], $0xA00  }
0x243: {  	[sflag:s20] =	ssyncset.done $0x0  }
0x244: {  	[sflag:s20] =	ssyncadd.s32 $0xFFFFF600  }
0x245: {  	_ =	swait.ge [sflag:s20], $0xA00  }
0x246: {  	[sflag:s20] =	ssyncset.done $0x0  }
0x247: {  	[sflag:s20] =	ssyncadd.s32 $0xFFFFF600  }
0x248: {  	_ =	swait.ge [sflag:s20], $0xA00  }
0x249: {  	[sflag:s20] =	ssyncset.done $0x0  }
0x24a: {  	[sflag:s20] =	ssyncadd.s32 $0xFFFFF600  }
0x24b: {  	_ =	swait.ge [sflag:s20], $0xA00  }
0x24c: {  	[sflag:s20] =	ssyncset.done $0x0  }
0x24d: {  	[sflag:s20] =	ssyncadd.s32 $0xFFFFF600  }
0x24e: {  	_ =	swait.ge [sflag:s20], $0xA00  }
0x24f: {  	[sflag:s20] =	ssyncset.done $0x0  }
0x250: {  	[sflag:s20] =	ssyncadd.s32 $0xFFFFF600  }
0x251: {  	_ =	swait.ge [sflag:s20], $0xA00  }
0x252: {  	[sflag:s20] =	ssyncset.done $0x0  }
0x253: {  	[sflag:s20] =	ssyncadd.s32 $0xFFFFF600  }
0x254: {  	_ =	swait.ge [sflag:s20], $0xA00  }
0x255: {  	[sflag:s20] =	ssyncset.done $0x0  }
0x256: {  	[sflag:s20] =	ssyncadd.s32 $0xFFFFF600  }
0x257: {  	_ =	swait.ge [sflag:s20], $0xA00  }
0x258: {  	[sflag:s20] =	ssyncset.done $0x0  }
0x259: {  	[sflag:s20] =	ssyncadd.s32 $0xFFFFF600  }
0x25a: {  	_ =	swait.ge [sflag:s20], $0xA00  }
0x25b: {  	s7 =	rddreg [dreg:$0x5];
	[sflag:s20] =	ssyncset.done $0x0  }
0x25c: {  	s8 =	rddreg [dreg:$0x6];
	[sflag:s20] =	ssyncadd.s32 $0xFFFFF600;
	s0 =	sadd.s32 s4, s7  }
0x25d: {  	[hbm4b:s0+s3] =	stream.linear.scatter [tilespmem:s21], [sflag:$0x3], $0xA00, $0x38;
	[tilespmem:$0x11620] =	vst v63  }
0x25e: {  	s10 =	sadd.s32 s4, s8  }
0x25f: {  	[hbm4b:s10+s3] =	stream.linear.scatter [tilespmem:s22], [sflag:$0x3], $0xA00, $0x38;
	[tilespmem:$0x11620] =	vst v63  }
0x260: {  	s1 =	sadd.s32 $0x780, s5  }
0x261: {  	[hbm4b:s1+s3] =	stream.linear.scatter [tilespmem:s23], [sflag:$0x3], $0xA00, $0x38;
	[tilespmem:$0x11620] =	vst v63  }
0x262: {  	s4 =	sadd.s32 $0x780, s6  }
0x263: {  	[hbm4b:s4+s3] =	stream.linear.scatter [tilespmem:s24], [sflag:$0x3], $0xA00, $0x38;
	[tilespmem:$0x11620] =	vst v63  }
0x264: {  	s7 =	sadd.s32 $0x8C0, s5  }
0x265: {  	[hbm4b:s7+s3] =	stream.linear.scatter [tilespmem:s25], [sflag:$0x3], $0xA00, $0x38;
	[tilespmem:$0x11620] =	vst v63  }
0x266: {  	s8 =	sadd.s32 $0x8C0, s6  }
0x267: {  	[hbm4b:s8+s3] =	stream.linear.scatter [tilespmem:s26], [sflag:$0x3], $0xA00, $0x38;
	[tilespmem:$0x11620] =	vst v63  }
0x268: {  	s10 =	sadd.s32 $0xA00, s5  }
0x269: {  	[hbm4b:s10+s3] =	stream.linear.scatter [tilespmem:s28], [sflag:$0x3], $0xA00, $0x38;
	[tilespmem:$0x11620] =	vst v63  }
0x26a: {  	s1 =	sadd.s32 $0xA00, s6  }
0x26b: {  	[hbm4b:s1+s3] =	stream.linear.scatter [tilespmem:s29], [sflag:$0x3], $0xA00, $0x38;
	[tilespmem:$0x11620] =	vst v63  }
0x26c: {  	s4 =	sadd.s32 $0xB40, s5  }
0x26d: {  	[hbm4b:s4+s3] =	stream.linear.scatter [tilespmem:s30], [sflag:$0x3], $0xA00, $0x38;
	[tilespmem:$0x11620] =	vst v63  }
0x26e: {  	s5 =	sadd.s32 $0xB40, s6;
	s6 =	simm.s32 $0x2  }
0x26f: {  	[hbm4b:s5+s3] =	stream.linear.scatter [tilespmem:s31], [sflag:$0x3], $0xA00, $0x38;
	[tilespmem:$0x11620] =	vst v63  }
0x270: {  	_ =	swait.ge [sflag:s6], $0xA00  }
0x271: {  	[sflag:s6] =	ssyncset.done $0x0  }
0x272: {  	[sflag:s6] =	ssyncadd.s32 $0xFFFFF600  }
0x273: {  	_ =	swait.ge [sflag:s6], $0xA00  }
0x274: {  	[sflag:s6] =	ssyncset.done $0x0  }
0x275: {  	[sflag:s6] =	ssyncadd.s32 $0xFFFFF600  }
0x276: {  	_ =	swait.ge [sflag:s6], $0xA00  }
0x277: {  	[sflag:s6] =	ssyncset.done $0x0  }
0x278: {  	[sflag:s6] =	ssyncadd.s32 $0xFFFFF600  }
0x279: {  	_ =	swait.ge [sflag:s6], $0xA00  }
0x27a: {  	[sflag:s6] =	ssyncset.done $0x0  }
0x27b: {  	[sflag:s6] =	ssyncadd.s32 $0xFFFFF600  }
0x27c: {  	_ =	swait.ge [sflag:s6], $0xA00  }
0x27d: {  	[sflag:s6] =	ssyncset.done $0x0  }
0x27e: {  	[sflag:s6] =	ssyncadd.s32 $0xFFFFF600  }
0x27f: {  	_ =	swait.ge [sflag:s6], $0xA00  }
0x280: {  	[sflag:s6] =	ssyncset.done $0x0  }
0x281: {  	[sflag:s6] =	ssyncadd.s32 $0xFFFFF600  }
0x282: {  	_ =	swait.ge [sflag:s6], $0xA00  }
0x283: {  	[sflag:s6] =	ssyncset.done $0x0  }
0x284: {  	[sflag:s6] =	ssyncadd.s32 $0xFFFFF600  }
0x285: {  	_ =	swait.ge [sflag:s6], $0xA00  }
0x286: {  	[sflag:s6] =	ssyncset.done $0x0  }
0x287: {  	[sflag:s6] =	ssyncadd.s32 $0xFFFFF600  }
0x288: {  	_ =	swait.ge [sflag:s6], $0xA00  }
0x289: {  	[sflag:s6] =	ssyncset.done $0x0  }
0x28a: {  	[sflag:s6] =	ssyncadd.s32 $0xFFFFF600  }
0x28b: {  	_ =	swait.ge [sflag:s6], $0xA00  }
0x28c: {  	[sflag:s6] =	ssyncset.done $0x0  }
0x28d: {  	s7 =	simm.s32 $0x3;
	[sflag:s6] =	ssyncadd.s32 $0xFFFFF600  }
0x28e: {  	_ =	swait.ge [sflag:s7], $0xA00  }
0x28f: {  	[sflag:s7] =	ssyncset.done $0x0  }
0x290: {  	[sflag:s7] =	ssyncadd.s32 $0xFFFFF600  }
0x291: {  	_ =	swait.ge [sflag:s7], $0xA00  }
0x292: {  	[sflag:s7] =	ssyncset.done $0x0  }
0x293: {  	[sflag:s7] =	ssyncadd.s32 $0xFFFFF600  }
0x294: {  	_ =	swait.ge [sflag:s7], $0xA00  }
0x295: {  	[sflag:s7] =	ssyncset.done $0x0  }
0x296: {  	[sflag:s7] =	ssyncadd.s32 $0xFFFFF600  }
0x297: {  	_ =	swait.ge [sflag:s7], $0xA00  }
0x298: {  	[sflag:s7] =	ssyncset.done $0x0  }
0x299: {  	[sflag:s7] =	ssyncadd.s32 $0xFFFFF600  }
0x29a: {  	_ =	swait.ge [sflag:s7], $0xA00  }
0x29b: {  	[sflag:s7] =	ssyncset.done $0x0  }
0x29c: {  	[sflag:s7] =	ssyncadd.s32 $0xFFFFF600  }
0x29d: {  	_ =	swait.ge [sflag:s7], $0xA00  }
0x29e: {  	[sflag:s7] =	ssyncset.done $0x0  }
0x29f: {  	[sflag:s7] =	ssyncadd.s32 $0xFFFFF600  }
0x2a0: {  	_ =	swait.ge [sflag:s7], $0xA00  }
0x2a1: {  	[sflag:s7] =	ssyncset.done $0x0  }
0x2a2: {  	[sflag:s7] =	ssyncadd.s32 $0xFFFFF600  }
0x2a3: {  	_ =	swait.ge [sflag:s7], $0xA00  }
0x2a4: {  	[sflag:s7] =	ssyncset.done $0x0  }
0x2a5: {  	[sflag:s7] =	ssyncadd.s32 $0xFFFFF600  }
0x2a6: {  	_ =	swait.ge [sflag:s7], $0xA00  }
0x2a7: {  	[sflag:s7] =	ssyncset.done $0x0  }
0x2a8: {  	[sflag:s7] =	ssyncadd.s32 $0xFFFFF600  }
0x2a9: {  	_ =	swait.ge [sflag:s7], $0xA00  }
0x2aa: {  	s8 =	rddreg [dreg:$0xa]  }
0x2ab: {  	s10 =	rddreg [dreg:$0x9];
	s4 =	sadd.s32 $0x1, s8  }
0x2ac: {  	p0 =	sne.s32 s4, s10  }
.Ltmp1:
0x2ad: {  	_ = 	snop;
	(pc) =	sbr.rel @p0 .LBB2_1-.Ltmp1, $3  }
0x2ae: {  	_ =	sdelay $0x1  }
0x2af: {  	[sflag:s7] =	ssyncset.done $0x0  }
0x2b0: {  	[sflag:s7] =	ssyncadd.s32 $0xFFFFF600  }
0x2b1: {  	_ =	sfence.sel $0x180000  }
0x2b2: {  	[bflag:$0x0] =	sbarrier.arrive $0xFFFF  }
0x2b3: {  	_ =	strace $0x90000047  }
0x2b4: {  	s0 =	stileid.u32;
	[bflag:$0x2] =	sbarrier.arrive $0xFFFF  }
0x2b5: {  	p0 =	sne.s32 s0, $0x0;
	s0 =	rddreg [dreg:$0x2]  }
0x2b6: {  	s0 =	sadd.s32 @!p0 $0x100000, s0  }
0x2b7: {  	[sflag:s0] =	ssyncadd.tile.s32 @!p0 $0x1;
	_ =	shalt  }
.Lfunc_end2:
_tile_overlayer_lowered:
.L_overlay_start_2:
0x2b8: {  	(tag) =	ssettag $0x2  }
0x2b9: {  	s0 =	rddreg [dreg:$0x0];
	s2 =	stileid.u32  }
0x2ba: {  	s1 =	rddreg [dreg:$0x1];
	p0 =	sne.s32 s2, $0x0  }
0x2bb: {  	s3 =	rddreg [dreg:$0x2];
	[bflag:$0x3] =	sbarrier.arrive $0xFFFF;
	s2 =	simm.s32 @!p0 $0x1C04  }
0x2bc: {  	[timem:s3], [sflag:s2] =	dma.local @!p0 [hbm:s0], s1  }
0x2bd: {  	s0 =	simm.s32 @!p0 $0x4  }
0x2be: {  	_ =	swait.ge @!p0 [sflag:s0], s1  }
0x2bf: {  	s1 =	ssub.s32 @!p0 $0x0, s1;
	[sflag:s0] =	ssyncset.done @!p0 $0x0  }
0x2c0: {  	[sflag:s0] =	ssyncadd.s32 @!p0 s1  }
0x2c1: {  	[bflag:$0x3] =	sbarrier.arrive $0xFFFF  }
0x2c2: {  	_ =	shalt  }

// kernel: kernel.9.cloned.1.call-start
scs
__scs_entry_jumppad:
0x0: {  	(pc) =	sbr.rel $0x88, $3  }
0x1: {  	(tag) =	ssettag $0x0;
	lr =	simm.s32 $0x1  }
0x2: {  	[smem:$0x3F9A] =	sst lr;
	_ =	strace $0xD0000000  }
0x3: {  	_ = 	snop  }
0x4: {  	_ = 	snop  }
0x5: {  	_ = 	snop  }
0x6: {  	_ = 	snop  }
0x7: {  	_ = 	snop  }
__scs_overlays_trampoline_lowered:
0x8: {  	[smem:$0x3FA9] =	sst s0  }
0x9: {  	[smem:$0x3FAA] =	sst s1  }
0xa: {  	[smem:$0x3FAB] =	sst s2  }
0xb: {  	[smem:$0x3FAC] =	sst s3  }
0xc: {  	[smem:$0x3FAD] =	sst s4  }
0xd: {  	[smem:$0x3FAE] =	sst s5  }
0xe: {  	[smem:$0x3FAF] =	sst s6  }
0xf: {  	[smem:$0x3FB0] =	sst s7  }
0x10: {  	[smem:$0x3FB1] =	sst s8  }
0x11: {  	[smem:$0x3FB2] =	sst s9;
	s0 =	simm.s32 @!p0 $0x0  }
0x12: {  	s1 =	sld [smem:$0x3F98];
	s0 =	simm.s32 @p0 $0x1  }
0x13: {  	[smem:$0x3FB3] =	sst s0;
	s0 =	simm.s32 @!p1 $0x0  }
0x14: {  	s2 =	sld [smem:$0x3F97];
	s0 =	simm.s32 @p1 $0x1  }
0x15: {  	[smem:$0x3FB4] =	sst s0;
	s0 =	simm.s32 @!p2 $0x0  }
0x16: {  	s3 =	sld [smem:$0x3FDB];
	s0 =	simm.s32 @p2 $0x1  }
0x17: {  	s4 =	simm.s32 $0x1BF5;
	[smem:$0x3FB6] =	sst s0  }
0x18: {  	s0 =	sld [smem:$0x3F99];
	_ =	swait.ge [sflag:s4], $0x0  }
0x19: {  	s7 =	sld [smem:$0x3F9A]  }
0x1a: {  	s8 =	sadd.s32 $0xFFFFE003, lr  }
0x1b: {  	s9 =	sadd.s32 $0xFFFFFEF7, lr;
	s5 =	simm.s32 $0xFFFFFFFF;
	p2 =	slt.u32 s8, $0xFFFFF086  }
0x1c: {  	p1 =	slt.u32 s9, $0xF7A;
	s5 =	simm.s32 @!p2 $0x0  }
0x1d: {  	s5 =	simm.s32 @p1 $0x1;
	p0 =	seq.s32 s7, s2  }
0x1e: {  	s7 =	smul.u32 @!p0 $0xF7A, s2;
	p2 =	seq.s32 @!p0 s5, $0x0  }
0x1f: {  	s9 =	smul.u32 $0xF7A, s1;
	s8 =	simm.s32 @!p0 $0x1BF5;
	p2 =	por !p2, p0  }
0x20: {  	[sflag:s8] =	ssyncset.s32 @!p0 $0xFFFFF086;
	s6 =	sadd.s32 @!p0 s3, s7;
	s7 =	simm.s32 @!p0 $0x108  }
0x21: {  	s3 =	sadd.s32 s3, s9;
	s6 =	sadd.s32 @!p0 $0x88, s6;
	s7 =	simm.s32 @p2 $0x1082  }
0x22: {  	[simem:s7], [sflag:s8] =	dma.local @!p0 [hbm:s6], $0xF7A  }
0x23: {  	s9 =	sor.u32 $0xD0000000, s2;
	s6 =	simm.s32 $0x108;
	_ =	swait.ge @!p0 [sflag:s8], $0x0  }
0x24: {  	s3 =	sadd.s32 $0x88, s3;
	s6 =	simm.s32 @!p1 $0x1082;
	[sflag:s4] =	ssyncset.s32 $0xFFFFF086  }
0x25: {  	[simem:s6], [sflag:s4] =	dma.local [hbm:s3], $0xF7A  }
0x26: {  	[smem:$0x3F9A] =	sst s1;
	(tag) =	ssettag s2;
	_ =	strace s9  }
0x27: {  	s1 =	sld [smem:$0x3FAA]  }
0x28: {  	s2 =	sld [smem:$0x3FAB]  }
0x29: {  	s4 =	sld [smem:$0x3FAD]  }
0x2a: {  	p0 =	seq.s32 s5, $0x0;
	s5 =	sld [smem:$0x3FAE]  }
0x2b: {  	s6 =	sld [smem:$0x3FAF]  }
0x2c: {  	s7 =	sld [smem:$0x3FB0]  }
0x2d: {  	s3 =	simm.s32 $0x108;
	s8 =	sld [smem:$0x3FB1]  }
0x2e: {  	s3 =	simm.s32 @!p0 $0x1082;
	s9 =	sld [smem:$0x3FB2]  }
0x2f: {  	lr =	sadd.s32 s0, s3;
	s0 =	sld [smem:$0x3FA9]  }
0x30: {  	s3 =	sld [smem:$0x3FAC]  }
0x31: {  	[smem:$0x3FB5] =	sst s10  }
0x32: {  	s10 =	sld [smem:$0x3FB3];
	_ =	sdelay $0x3  }
0x33: {  	p0 =	seq.s32 s10, $0x1;
	s10 =	sld [smem:$0x3FB5];
	_ =	sdelay $0x3  }
0x34: {  	[smem:$0x3FB5] =	sst s10  }
0x35: {  	s10 =	sld [smem:$0x3FB4];
	_ =	sdelay $0x3  }
0x36: {  	p1 =	seq.s32 s10, $0x1;
	s10 =	sld [smem:$0x3FB5];
	_ =	sdelay $0x3  }
0x37: {  	[smem:$0x3FB5] =	sst s10  }
0x38: {  	s10 =	sld [smem:$0x3FB6]  }
0x39: {  	_ = 	snop;
	(pc) =	sbr.ind lr, $3  }
0x3a: {  	_ = 	snop  }
0x3b: {  	_ = 	snop  }
0x3c: {  	p2 =	seq.s32 s10, $0x1;
	s10 =	sld [smem:$0x3FB5]  }
0x3d: {  	_ =	shalt  }
0x3e: {  	_ =	shalt  }
0x3f: {  	_ =	shalt  }
0x40: {  	_ =	shalt  }
0x41: {  	_ =	shalt  }
0x42: {  	_ =	shalt  }
0x43: {  	_ =	shalt  }
0x44: {  	_ =	shalt  }
0x45: {  	_ =	shalt  }
0x46: {  	_ =	shalt  }
0x47: {  	_ =	shalt  }
0x48: {  	_ =	shalt  }
0x49: {  	_ =	shalt  }
0x4a: {  	_ =	shalt  }
0x4b: {  	_ =	shalt  }
0x4c: {  	_ =	shalt  }
0x4d: {  	_ =	shalt  }
0x4e: {  	_ =	shalt  }
0x4f: {  	_ =	shalt  }
0x50: {  	_ =	shalt  }
0x51: {  	_ =	shalt  }
0x52: {  	_ =	shalt  }
0x53: {  	_ =	shalt  }
0x54: {  	_ =	shalt  }
0x55: {  	_ =	shalt  }
0x56: {  	_ =	shalt  }
0x57: {  	_ =	shalt  }
0x58: {  	_ =	shalt  }
0x59: {  	_ =	shalt  }
0x5a: {  	_ =	shalt  }
0x5b: {  	_ =	shalt  }
0x5c: {  	_ =	shalt  }
0x5d: {  	_ =	shalt  }
0x5e: {  	_ =	shalt  }
0x5f: {  	_ =	shalt  }
0x60: {  	_ =	shalt  }
0x61: {  	_ =	shalt  }
0x62: {  	_ =	shalt  }
0x63: {  	_ =	shalt  }
0x64: {  	_ =	shalt  }
0x65: {  	_ =	shalt  }
0x66: {  	_ =	shalt  }
0x67: {  	_ =	shalt  }
0x68: {  	_ =	shalt  }
0x69: {  	_ =	shalt  }
0x6a: {  	_ =	shalt  }
0x6b: {  	_ =	shalt  }
0x6c: {  	_ =	shalt  }
0x6d: {  	_ =	shalt  }
0x6e: {  	_ =	shalt  }
0x6f: {  	_ =	shalt  }
0x70: {  	_ =	shalt  }
0x71: {  	_ =	shalt  }
0x72: {  	_ =	shalt  }
0x73: {  	_ =	shalt  }
0x74: {  	_ =	shalt  }
0x75: {  	_ =	shalt  }
0x76: {  	_ =	shalt  }
0x77: {  	_ =	shalt  }
0x78: {  	_ =	shalt  }
0x79: {  	_ =	shalt  }
0x7a: {  	_ =	shalt  }
0x7b: {  	_ =	shalt  }
0x7c: {  	_ =	shalt  }
0x7d: {  	_ =	shalt  }
0x7e: {  	_ =	shalt  }
0x7f: {  	_ =	shalt  }
0x80: {  	_ =	shalt  }
0x81: {  	_ =	shalt  }
0x82: {  	_ =	shalt  }
0x83: {  	_ =	shalt  }
0x84: {  	_ =	shalt  }
0x85: {  	_ =	shalt  }
0x86: {  	_ =	shalt  }
0x87: {  	_ =	shalt  }
.Lfunc_end0:
.L_simem_size_0:
called_computation.1_lowered:
.L_overlay_start_0:
0x88: {  	s2 =	sld [smem:$0x3FD9]  }
0x89: {  	s3 =	sld [smem:$0x3FFE];
	_ =	sdelay $0x1  }
0x8a: {  	s1 =	srdreg.scid  }
0x8b: {  	s0 =	sand.u32 $0x1, s1  }
0x8c: {  	s17 =	sshll.u32 s0, $0xA;
	s2 =	sadd.s32 s3, s2  }
0x8d: {  	s2 =	sadd.s32 s2, s17  }
0x8e: {  	[smem:$0x3FC1] =	sst s2  }
0x8f: {  	_ = 	snop  }
0x90: {  	s2 =	sld [smem:$0x3FD0];
	(tm) =	ssettm $0x1  }
0x91: {  	s18 =	sld [smem:$0x3FFB];
	_ =	sdelay $0x3  }
0x92: {  	_ =	strace s18  }
0x93: {  	s3 =	sld [smem:$0x3FFC];
	_ =	sdelay $0x3  }
0x94: {  	_ =	strace s3  }
0x95: {  	s3 =	sld [smem:$0x3FFD];
	_ =	sdelay $0x3  }
0x96: {  	_ =	strace s3  }
0x97: {  	_ =	strace $0x8FFFFFFF  }
0x98: {  	s19 =	sld [smem:$0x3FDB];
	_ =	sdelay $0x1  }
0x99: {  	s4 =	simm.s32 $_scs_section_size  }
0x9a: {  	s5 =	simm.s32 $_size__tile_overlayer_lowered;
	s6 =	simm.s32 $_tile_overlayer_lowered  }
0x9b: {  	s22 =	simm.s32 $0x1BFF;
	s21 =	sshll.u32 s6, $0x1;
	s3 =	sadd.s32 s4, s19  }
0x9c: {  	s7 =	simm.s32 $0x0;
	s20 =	sshll.u32 s5, $0x1;
	s5 =	sadd.s32 s21, s3  }
0x9d: {  	[timem:s7], [sflag:s22] =	dma.local [hbm:s5], s20  }
0x9e: {  	_ =	swait.ge [sflag:s22], s20  }
0x9f: {  	s4 =	ssub.s32 $0x0, s20;
	[sflag:s22] =	ssyncset.done $0x0  }
0xa0: {  	[sflag:s22] =	ssyncadd.s32 s4;
	_ =	sdelay $0x1  }
0xa1: {  	s23 =	simm.s32 $0x1B8B  }
0xa2: {  	_ =	swait.ge [sflag:s23], $0x1  }
0xa3: {  	[sflag:s23] =	ssyncset.done $0x0  }
0xa4: {  	s25 =	simm.s32 $0x1B8E;
	s24 =	sld [smem:$0x3FFE];
	[sflag:s23] =	ssyncadd.s32 $0xFFFFFFFF  }
0xa5: {  	s26 =	simm.s32 $execute0_lowered;
	[smem:$0x3FD2] =	sst s25  }
0xa6: {  	s5 =	sshll.u32 s26, $0x1;
	_ =	strace $0x80000049;
	[dreg:$0x1] =	wrdreg $0xFFFFFFFF  }
0xa7: {  	s28 =	simm.s32 $_size_execute0_lowered;
	s3 =	sadd.s32 s3, s5;
	[dreg:$0x0] =	wrdreg $0x0  }
0xa8: {  	s5 =	sshll.u32 s28, $0x1;
	[dreg:$0x2] =	wrdreg s3  }
0xa9: {  	[dreg:$0x3] =	wrdreg s5  }
0xaa: {  	[dreg:$0x4] =	wrdreg $0xC0  }
0xab: {  	_ =	task [dreg:s7], $0x5FFFF  }
0xac: {  	[dreg:$0x1] =	wrdreg $0xFFFFFFFF  }
0xad: {  	[dreg:$0x0] =	wrdreg $0x60  }
0xae: {  	[dreg:$0x2] =	wrdreg s24  }
0xaf: {  	[dreg:$0x3] =	wrdreg s2  }
0xb0: {  	[dreg:$0x4] =	wrdreg $0xF0A00  }
0xb1: {  	[dreg:$0x5] =	wrdreg $0x190A00  }
0xb2: {  	[dreg:$0x6] =	wrdreg $0x9  }
0xb3: {  	_ =	task.clear_ibuf [dreg:s7], $0x7FFFF;
	_ =	strace $0x90000049  }
0xb4: {  	s29 =	simm.s32 $0x9;
	_ =	strace $0x8000004B  }
0xb5: {  	_ =	swait.ge [sflag:s29], $0x1  }
0xb6: {  	[sflag:s29] =	ssyncadd.s32 $0xFFFFFFFF  }
0xb7: {  	_ =	strace $0x9000004B  }
0xb8: {  	_ =	sfence  }
0xb9: {  	s30 =	sld [smem:$0x0];
	_ =	sdelay $0x2  }
0xba: {  	s31 =	sshll.u32 s1, $0xD;
	s1 =	sshrl.u32 s1, $0x2  }
0xbb: {  	s3 =	sand.u32 $0x4000, s31;
	s1 =	sadd.s32 s1, s30  }
0xbc: {  	s0 =	sor.u32 s3, s0;
	s1 =	sshll.u32 s1, $0x11  }
0xbd: {  	s0 =	sor.u32 s1, s0  }
0xbe: {  	s0 =	sadd.s32 $0x8F2B, s0  }
0xbf: {  	[sflag:s0] =	ssyncadd.remote.s32 $0x1  }
0xc0: {  	_ =	sfence.sel $0xFFFF  }
0xc1: {  	[dreg:$0x0] =	wrdreg $0xFFFFFFFF;
	(pc) =	sbr.abs _section_cstart, $3  }
0xc2: {  	[dreg:$0x1] =	wrdreg $0xFFFFFFFF  }
0xc3: {  	_ =	task.clear_ibuf [dreg:s7], $0x2FFFF;
	_ =	strace $0x9FFFFFFF  }
0xc4: {  	(tm) =	ssettm $0x7FFFFFFF  }
0xc5: {  	_ =	shalt  }
tec
execute0_lowered:
.L_overlay_start_1:
0x0: {  	(tag) =	ssettag $0x1  }
0x1: {  	s0 =	rddreg [dreg:$0x0]  }
0x2: {  	s2 =	rddreg [dreg:$0x1]  }
0x3: {  	s1 =	rddreg [dreg:$0x2]  }
0x4: {  	s3 =	rddreg [dreg:$0x3];
	s4 =	simm.s32 $0x0;
	s21 =	stileid.u32  }
0x5: {  	s6 =	srdreg.scid;
	s30 =	simm.s32 $0x28;
	s5 =	smul.u32 $0x4E20, s21  }
0x6: {  	s31 =	simm.s32 $0x8020;
	s7 =	sadd.s32 $0x769600, s0;
	s9 =	smul.u32 $0xA000, s21  }
0x7: {  	[smem:$0x7FF] =	sst s4;
	s22 =	sadd.s32 $0x9DA600, s0;
	s24 =	smul.u32 $0x280, s21  }
0x8: {  	s6 =	sand.u32 $0x1, s6;
	s12 =	sadd.s32 $0x16600, s0;
	s14 =	smul.u32 $0x2800, s21  }
0x9: {  	s13 =	sshll.u32 s21, $0x6;
	s28 =	sadd.s32 $0x7699C0, s0;
	s29 =	sadd.s32 $0x769B00, s0  }
0xa: {  	_ =	strace $0x8000004A;
	[dreg:$0x5] =	wrdreg s7;
	s11 =	smul.u32 $0xA0000, s6  }
0xb: {  	[dreg:$0x6] =	wrdreg s22;
	s8 =	ssub.s32 $0x2, s6;
	s20 =	smul.u32 $0x28000, s6  }
0xc: {  	p0 =	sne.s32 s6, $0x0;
	s23 =	sshrl.u32 s5, $0x3;
	s10 =	sshrl.u32 s8, $0x1  }
0xd: {  	s16 =	sadd.s32 $0x2800, s9;
	s19 =	sadd.s32 $0x7800, s9;
	s7 =	sadd.s32 s23, s0  }
0xe: {  	s8 =	ssub.s32 s8, s10;
	s15 =	sadd.s32 s9, s11;
	s10 =	sadd.s32 $0x140, s24  }
0xf: {  	s25 =	sadd.s32 s11, s16;
	s24 =	sadd.s32 $0x2A00, s0;
	s16 =	sadd.s32 s16, s1  }
0x10: {  	s15 =	sshrl.u32 s15, $0x3;
	s17 =	sshll.u32 s10, $0x6;
	s10 =	sshll.u32 s10, $0x4  }
0x11: {  	s7 =	sadd.s32 $0xC800, s7;
	[dreg:$0xe] =	wrdreg s24;
	s24 =	sadd.s32 $0x769740, s0  }
0x12: {  	[dreg:$0x18] =	wrdreg s16;
	s16 =	simm.s32 $0x6C20;
	s15 =	sadd.s32 s12, s15  }
0x13: {  	s18 =	sadd.s32 s11, s17;
	s11 =	sadd.s32 s11, s19;
	[dreg:$0xc] =	wrdreg s7  }
0x14: {  	s7 =	sadd.s32 s9, s1;
	s9 =	smul.u32 $0x27100, s21;
	[dreg:$0x7] =	wrdreg s15  }
0x15: {  	s15 =	sshrl.u32 s25, $0x3;
	s25 =	sadd.s32 $0x3E00, s0;
	[dreg:$0x16] =	wrdreg s7  }
0x16: {  	s18 =	sshrl.u32 s18, $0x3;
	s15 =	sadd.s32 s12, s15;
	[dreg:$0xf] =	wrdreg s25  }
0x17: {  	s11 =	sshrl.u32 s11, $0x3;
	s26 =	sadd.s32 s12, s18;
	[dreg:$0x8] =	wrdreg s15  }
0x18: {  	s11 =	sadd.s32 s12, s11;
	s18 =	sor.u32 $0x1C04, s13;
	[dreg:$0x9] =	wrdreg s26  }
0x19: {  	s12 =	sadd.s32 $0x9DA880, s0;
	s13 =	sadd.s32 $0x9DA9C0, s0;
	[dreg:$0xa] =	wrdreg s11  }
0x1a: {  	s25 =	sadd.s32 $0x769880, s0;
	s15 =	sadd.s32 s14, s20;
	[dreg:$0xb] =	wrdreg s18  }
0x1b: {  	s20 =	sadd.s32 s20, s10;
	s26 =	sadd.s32 $0x4400, s0;
	[dreg:$0x13] =	wrdreg s12  }
0x1c: {  	[dreg:$0x14] =	wrdreg s13;
	s18 =	sadd.s32 s17, s1;
	s13 =	simm.s32 $0x4E20  }
0x1d: {  	s17 =	simm.s32 $0x7620;
	s12 =	simm.s32 $0xA820;
	s11 =	sshrl.u32 s15, $0x3  }
0x1e: {  	s23 =	sshrl.u32 s20, $0x3;
	[dreg:$0x10] =	wrdreg s26;
	s15 =	sadd.s32 $0x9DAB00, s0  }
0x1f: {  	s20 =	sadd.s32 s14, s3;
	[dreg:$0x19] =	wrdreg s18;
	s26 =	smax.u32 s8, $0x1  }
0x20: {  	s14 =	simm.s32 $0x5820;
	s18 =	simm.s32 $0x1;
	[dreg:$0x15] =	wrdreg s15  }
0x21: {  	s8 =	simm.s32 $0x9E20;
	s22 =	sadd.s32 s2, s11;
	[dreg:$0x1c] =	wrdreg s26  }
0x22: {  	s2 =	sadd.s32 s2, s23;
	s11 =	sadd.s32 $0x9DA740, s0;
	[dreg:$0x17] =	wrdreg s20  }
.Ltmp0:
0x23: {  	s23 =	sadd.s32 s10, s3;
	[dreg:$0xd] =	wrdreg s22;
	(pc) =	sbr.rel .LBB2_1-.Ltmp0, $4  }
0x24: {  	s10 =	simm.s32 $0x4;
	s15 =	simm.s32 $0x6220;
	[dreg:$0x11] =	wrdreg s2  }
0x25: {  	s0 =	simm.s32 $0x8A20;
	[dreg:$0x12] =	wrdreg s11;
	s22 =	sadd.s32 s19, s1  }
0x26: {  	[dreg:$0x1b] =	wrdreg s23;
	s11 =	simm.s32 $0xB220;
	s2 =	simm.s32 $0x9420  }
0x27: {  	s23 =	simm.s32 $0x2;
	s19 =	simm.s32 $0x0;
	[dreg:$0x1a] =	wrdreg s22  }
.LBB2_10:
0x28: {  	_ =	swait.ge [sflag:s23], $0xA00  }
0x29: {  	[sflag:s23] =	ssyncset.done $0x0  }
0x2a: {  	s6 =	simm.s32 @p0 $0x2;
	[sflag:s23] =	ssyncadd.s32 $0xFFFFF600  }
0x2b: {  	_ =	swait.ge @p0 [sflag:s6], $0xA00  }
0x2c: {  	[sflag:s6] =	ssyncset.done @p0 $0x0  }
0x2d: {  	[sflag:s6] =	ssyncadd.s32 @p0 $0xFFFFF600  }
0x2e: {  	_ =	swait.ge @p0 [sflag:s6], $0xA00  }
0x2f: {  	[sflag:s6] =	ssyncset.done @p0 $0x0  }
0x30: {  	[sflag:s6] =	ssyncadd.s32 @p0 $0xFFFFF600  }
0x31: {  	_ =	swait.ge @p0 [sflag:s6], $0xA00  }
0x32: {  	[sflag:s6] =	ssyncset.done @p0 $0x0  }
0x33: {  	[sflag:s6] =	ssyncadd.s32 @p0 $0xFFFFF600  }
0x34: {  	_ =	swait.ge @p0 [sflag:s6], $0xA00  }
0x35: {  	[sflag:s6] =	ssyncset.done @p0 $0x0  }
0x36: {  	[sflag:s6] =	ssyncadd.s32 @p0 $0xFFFFF600;
	s6 =	simm.s32 @p0 $0x3  }
0x37: {  	_ =	swait.ge @p0 [sflag:s6], $0xA00  }
0x38: {  	[sflag:s6] =	ssyncset.done @p0 $0x0  }
0x39: {  	[sflag:s6] =	ssyncadd.s32 @p0 $0xFFFFF600  }
0x3a: {  	_ =	swait.ge @p0 [sflag:s6], $0xA00  }
0x3b: {  	[sflag:s6] =	ssyncset.done @p0 $0x0  }
0x3c: {  	[sflag:s6] =	ssyncadd.s32 @p0 $0xFFFFF600  }
0x3d: {  	_ =	swait.ge @p0 [sflag:s6], $0xA00  }
0x3e: {  	[sflag:s6] =	ssyncset.done @p0 $0x0  }
0x3f: {  	[sflag:s6] =	ssyncadd.s32 @p0 $0xFFFFF600  }
0x40: {  	_ =	swait.ge @p0 [sflag:s6], $0xA00  }
0x41: {  	[sflag:s6] =	ssyncset.done @p0 $0x0  }
0x42: {  	[sflag:s6] =	ssyncadd.s32 @p0 $0xFFFFF600  }
0x43: {  	_ =	swait.ge @p0 [sflag:s6], $0xA00  }
0x44: {  	[sflag:s6] =	ssyncset.done @p0 $0x0  }
0x45: {  	[sflag:s6] =	ssyncadd.s32 @p0 $0xFFFFF600;
	s6 =	simm.s32 @!p0 $0x2  }
0x46: {  	_ =	swait.ge @!p0 [sflag:s6], $0x280  }
0x47: {  	[sflag:s6] =	ssyncset.done @!p0 $0x0  }
0x48: {  	[sflag:s6] =	ssyncadd.s32 @!p0 $0xFFFFFD80  }
0x49: {  	_ =	swait.ge @!p0 [sflag:s6], $0xA00  }
0x4a: {  	[sflag:s6] =	ssyncset.done @!p0 $0x0  }
0x4b: {  	[sflag:s6] =	ssyncadd.s32 @!p0 $0xFFFFF600  }
0x4c: {  	_ =	swait.ge @!p0 [sflag:s6], $0x280  }
0x4d: {  	[sflag:s6] =	ssyncset.done @!p0 $0x0  }
0x4e: {  	[sflag:s6] =	ssyncadd.s32 @!p0 $0xFFFFFD80  }
0x4f: {  	_ =	swait.ge @!p0 [sflag:s6], $0xA00  }
0x50: {  	[sflag:s6] =	ssyncset.done @!p0 $0x0  }
0x51: {  	[sflag:s6] =	ssyncadd.s32 @!p0 $0xFFFFF600  }
0x52: {  	_ =	swait.ge @!p0 [sflag:s6], $0x280  }
0x53: {  	[sflag:s6] =	ssyncset.done @!p0 $0x0  }
0x54: {  	[sflag:s6] =	ssyncadd.s32 @!p0 $0xFFFFFD80  }
0x55: {  	_ =	swait.ge @!p0 [sflag:s6], $0xA00  }
0x56: {  	[sflag:s6] =	ssyncset.done @!p0 $0x0  }
0x57: {  	[sflag:s6] =	ssyncadd.s32 @!p0 $0xFFFFF600  }
0x58: {  	_ =	swait.ge @!p0 [sflag:s6], $0x280  }
0x59: {  	[sflag:s6] =	ssyncset.done @!p0 $0x0  }
0x5a: {  	[sflag:s6] =	ssyncadd.s32 @!p0 $0xFFFFFD80  }
0x5b: {  	_ =	swait.ge @!p0 [sflag:s6], $0xA00  }
0x5c: {  	[sflag:s6] =	ssyncset.done @!p0 $0x0  }
0x5d: {  	[sflag:s6] =	ssyncadd.s32 @!p0 $0xFFFFF600  }
0x5e: {  	_ =	swait.ge @!p0 [sflag:s6], $0x280  }
0x5f: {  	[sflag:s6] =	ssyncset.done @!p0 $0x0  }
0x60: {  	[sflag:s6] =	ssyncadd.s32 @!p0 $0xFFFFFD80;
	s6 =	simm.s32 @!p0 $0x3  }
0x61: {  	_ =	swait.ge @!p0 [sflag:s6], $0xA00  }
0x62: {  	[sflag:s6] =	ssyncset.done @!p0 $0x0  }
0x63: {  	[sflag:s6] =	ssyncadd.s32 @!p0 $0xFFFFF600  }
0x64: {  	_ =	swait.ge @!p0 [sflag:s6], $0x280  }
0x65: {  	[sflag:s6] =	ssyncset.done @!p0 $0x0  }
0x66: {  	[sflag:s6] =	ssyncadd.s32 @!p0 $0xFFFFFD80  }
0x67: {  	_ =	swait.ge @!p0 [sflag:s6], $0xA00  }
0x68: {  	[sflag:s6] =	ssyncset.done @!p0 $0x0  }
0x69: {  	[sflag:s6] =	ssyncadd.s32 @!p0 $0xFFFFF600  }
0x6a: {  	_ =	swait.ge @!p0 [sflag:s6], $0x280  }
0x6b: {  	[sflag:s6] =	ssyncset.done @!p0 $0x0  }
0x6c: {  	[sflag:s6] =	ssyncadd.s32 @!p0 $0xFFFFFD80  }
0x6d: {  	_ =	swait.ge @!p0 [sflag:s6], $0xA00  }
0x6e: {  	[sflag:s6] =	ssyncset.done @!p0 $0x0  }
0x6f: {  	[sflag:s6] =	ssyncadd.s32 @!p0 $0xFFFFF600  }
0x70: {  	_ =	swait.ge @!p0 [sflag:s6], $0x280  }
0x71: {  	[sflag:s6] =	ssyncset.done @!p0 $0x0  }
0x72: {  	[sflag:s6] =	ssyncadd.s32 @!p0 $0xFFFFFD80  }
0x73: {  	_ =	swait.ge @!p0 [sflag:s6], $0xA00  }
0x74: {  	[sflag:s6] =	ssyncset.done @!p0 $0x0  }
0x75: {  	[sflag:s6] =	ssyncadd.s32 @!p0 $0xFFFFF600  }
0x76: {  	_ =	swait.ge @!p0 [sflag:s6], $0x280  }
0x77: {  	[sflag:s6] =	ssyncset.done @!p0 $0x0  }
0x78: {  	[sflag:s6] =	ssyncadd.s32 @!p0 $0xFFFFFD80  }
0x79: {  	_ =	swait.ge @!p0 [sflag:s6], $0xA00  }
0x7a: {  	[sflag:s6] =	ssyncset.done @!p0 $0x0  }
0x7b: {  	[sflag:s6] =	ssyncadd.s32 @!p0 $0xFFFFF600  }
0x7c: {  	_ =	swait.ge @!p0 [sflag:s6], $0x280  }
0x7d: {  	[sflag:s6] =	ssyncset.done @!p0 $0x0  }
0x7e: {  	[sflag:s6] =	ssyncadd.s32 @!p0 $0xFFFFFD80  }
0x7f: {  	[bflag:$0x0] =	sbarrier.arrive $0xFFFF  }
0x80: {  	s19 =	simm.s32 $0xB4A0;
	s7 =	rddreg [dreg:$0x16]  }
0x81: {  	[tilespmem:s19], [sflag:$0x4] =	stream.linear.gather [spmem:s7], $0x2800, $0x38;
	[tilespmem:$0x1B8A0] =	vst v63  }
0x82: {  	_ =	swait.ge [sflag:s10], $0x2800  }
0x83: {  	[sflag:s10] =	ssyncset.done $0x0  }
0x84: {  	s26 =	rddreg [dreg:$0x7];
	[sflag:s10] =	ssyncadd.s32 $0xFFFFD800  }
0x85: {  	[hbm4b:s26+s4] =	stream.linear.scatter [tilespmem:s19], [sflag:$0x4], $0x2800, $0x38;
	[tilespmem:$0x1B8A0] =	vst v63  }
0x86: {  	_ =	swait.ge [sflag:s10], $0x2800  }
0x87: {  	[sflag:s10] =	ssyncset.done $0x0  }
0x88: {  	s20 =	rddreg [dreg:$0x18];
	[sflag:s10] =	ssyncadd.s32 $0xFFFFD800  }
0x89: {  	[tilespmem:s19], [sflag:$0x4] =	stream.linear.gather [spmem:s20], $0x2800, $0x38;
	[tilespmem:$0x1B8A0] =	vst v63  }
0x8a: {  	_ =	swait.ge [sflag:s10], $0x2800  }
0x8b: {  	[sflag:s10] =	ssyncset.done $0x0  }
0x8c: {  	s21 =	rddreg [dreg:$0x8];
	[sflag:s10] =	ssyncadd.s32 $0xFFFFD800  }
0x8d: {  	[hbm4b:s21+s4] =	stream.linear.scatter [tilespmem:s19], [sflag:$0x4], $0x2800, $0x38;
	[tilespmem:$0x1B8A0] =	vst v63  }
0x8e: {  	_ =	swait.ge [sflag:s10], $0x2800  }
0x8f: {  	[sflag:s10] =	ssyncset.done $0x0  }
0x90: {  	s22 =	rddreg [dreg:$0x19];
	[sflag:s10] =	ssyncadd.s32 $0xFFFFD800  }
0x91: {  	[tilespmem:s19], [sflag:$0x4] =	stream.linear.gather [spmem:s22], $0x2800, $0x38;
	[tilespmem:$0x1B8A0] =	vst v63  }
0x92: {  	_ =	swait.ge [sflag:s10], $0x2800  }
0x93: {  	[sflag:s10] =	ssyncset.done $0x0  }
0x94: {  	s26 =	rddreg [dreg:$0x9];
	[sflag:s10] =	ssyncadd.s32 $0xFFFFD800  }
0x95: {  	[hbm4b:s26+s4] =	stream.linear.scatter [tilespmem:s19], [sflag:$0x4], $0x2800, $0x38;
	[tilespmem:$0x1B8A0] =	vst v63  }
0x96: {  	_ =	swait.ge [sflag:s10], $0x2800  }
0x97: {  	[sflag:s10] =	ssyncset.done $0x0  }
0x98: {  	s20 =	rddreg [dreg:$0x1a];
	[sflag:s10] =	ssyncadd.s32 $0xFFFFD800  }
0x99: {  	[tilespmem:s19], [sflag:$0x4] =	stream.linear.gather [spmem:s20], $0x2800, $0x38;
	[tilespmem:$0x1B8A0] =	vst v63  }
0x9a: {  	_ =	swait.ge [sflag:s10], $0x2800  }
0x9b: {  	[sflag:s10] =	ssyncset.done $0x0  }
0x9c: {  	s21 =	rddreg [dreg:$0xa];
	[sflag:s10] =	ssyncadd.s32 $0xFFFFD800  }
0x9d: {  	[hbm4b:s21+s4] =	stream.linear.scatter [tilespmem:s19], [sflag:$0x4], $0x2800, $0x38;
	[tilespmem:$0x1B8A0] =	vst v63  }
0x9e: {  	_ =	swait.ge [sflag:s10], $0x2800  }
0x9f: {  	[sflag:s10] =	ssyncset.done $0x0  }
0xa0: {  	s19 =	simm.s32 $0xDCA0;
	s20 =	rddreg [dreg:$0x17];
	[sflag:s10] =	ssyncadd.s32 $0xFFFFD800  }
0xa1: {  	[tilespmem:s19], [sflag:$0x4] =	stream.linear.gather [spmem:s20], $0x1400, $0x38;
	[tilespmem:$0x1B8A0] =	vst v63  }
0xa2: {  	_ =	swait.ge [sflag:s10], $0x1400  }
0xa3: {  	[sflag:s10] =	ssyncset.done $0x0  }
0xa4: {  	s22 =	rddreg [dreg:$0xd];
	[sflag:s10] =	ssyncadd.s32 $0xFFFFEC00  }
0xa5: {  	[hbm4b:s22+s4] =	stream.linear.scatter [tilespmem:s19], [sflag:$0x4], $0x1400, $0x38;
	[tilespmem:$0x1B8A0] =	vst v63  }
0xa6: {  	_ =	swait.ge [sflag:s10], $0x1400  }
0xa7: {  	[sflag:s10] =	ssyncset.done $0x0  }
0xa8: {  	s26 =	rddreg [dreg:$0x1b];
	[sflag:s10] =	ssyncadd.s32 $0xFFFFEC00  }
0xa9: {  	[tilespmem:s19], [sflag:$0x4] =	stream.linear.gather [spmem:s26], $0x1400, $0x38;
	[tilespmem:$0x1B8A0] =	vst v63  }
0xaa: {  	_ =	swait.ge [sflag:s10], $0x1400  }
0xab: {  	[sflag:s10] =	ssyncset.done $0x0  }
0xac: {  	s21 =	rddreg [dreg:$0x11];
	[sflag:s10] =	ssyncadd.s32 $0xFFFFEC00  }
0xad: {  	[hbm4b:s21+s4] =	stream.linear.scatter [tilespmem:s19], [sflag:$0x4], $0x1400, $0x38;
	[tilespmem:$0x1B8A0] =	vst v63  }
0xae: {  	_ =	swait.ge [sflag:s10], $0x1400  }
0xaf: {  	s22 =	rddreg [dreg:$0x1d]  }
0xb0: {  	s26 =	rddreg [dreg:$0x1c];
	s19 =	sadd.s32 $0x1, s22  }
0xb1: {  	p1 =	sne.s32 s19, s26  }
.Ltmp1:
0xb2: {  	_ = 	snop;
	(pc) =	sbr.rel @!p1 .LBB2_11-.Ltmp1, $3  }
0xb3: {  	_ =	sdelay $0x1  }
0xb4: {  	[sflag:s10] =	ssyncset.done $0x0  }
0xb5: {  	[sflag:s10] =	ssyncadd.s32 $0xFFFFEC00  }
.LBB2_1:
0xb6: {  	[dreg:$0x1d] =	wrdreg s19  }
0xb7: {  	s22 =	rddreg [dreg:$0xb]  }
0xb8: {  	s6 =	sshrl.u32 s7, $0x3;
	s26 =	rddreg [dreg:$0xe]  }
0xb9: {  	[spmem:s6], [sflag:s22] =	dma.local [hbm:s26], $0x1400  }
0xba: {  	_ =	swait.ge [sflag:s10], $0x1400  }
0xbb: {  	[sflag:s10] =	ssyncset.done $0x0  }
0xbc: {  	s20 =	sshrl.u32 s20, $0x3;
	s21 =	rddreg [dreg:$0xf];
	[sflag:s10] =	ssyncadd.s32 $0xFFFFEC00  }
0xbd: {  	[spmem:s20], [sflag:s22] =	dma.local [hbm:s21], $0x500  }
0xbe: {  	_ =	swait.ge [sflag:s10], $0x500  }
0xbf: {  	[sflag:s10] =	ssyncset.done $0x0  }
0xc0: {  	s22 =	rddreg [dreg:$0x10];
	[sflag:s10] =	ssyncadd.s32 $0xFFFFFB00  }
0xc1: {  	[tilespmem:s11], [sflag:$0x4] =	stream.linear.gather [hbm4b:s22+s4], $0x280, $0x38;
	[tilespmem:$0x1B8A0] =	vst v63  }
0xc2: {  	_ =	swait.ge [sflag:s10], $0x280  }
0xc3: {  	[sflag:s10] =	ssyncset.done $0x0  }
0xc4: {  	s26 =	rddreg [dreg:$0xc];
	[sflag:s10] =	ssyncadd.s32 $0xFFFFFD80  }
0xc5: {  	[tilespmem:s4], [sflag:$0x4] =	stream.linear.gather [hbm4b:s26+s4], $0x4E20, $0x38;
	[tilespmem:$0x1B8A0] =	vst v63  }
0xc6: {  	_ =	swait.ge [sflag:s10], $0x4E20  }
.Ltmp2:
0xc7: {  	[sflag:s10] =	ssyncset.done $0x0;
	(pc) =	sbr.rel .LBB2_2-.Ltmp2, $4  }
0xc8: {  	[sflag:s10] =	ssyncadd.s32 $0xFFFFB1E0  }
0xc9: {  	[bflag:$0x0] =	sbarrier.arrive $0xFFFF  }
0xca: {  	s6 =	rddreg [dreg:$0x5]  }
0xcb: {  	s19 =	simm.s32 $0x0;
	s26 =	simm.s32 $0x0;
	s7 =	rddreg [dreg:$0x6]  }
.LBB2_7:
0xcc: {  	_ =	swait.ge [sflag:s23], $0xA00  }
0xcd: {  	[sflag:s23] =	ssyncset.done $0x0  }
0xce: {  	[sflag:s23] =	ssyncadd.s32 $0xFFFFF600  }
0xcf: {  	_ =	swait.ge [sflag:s23], $0xA00  }
0xd0: {  	[sflag:s23] =	ssyncset.done $0x0  }
0xd1: {  	[sflag:s23] =	ssyncadd.s32 $0xFFFFF600  }
0xd2: {  	_ =	swait.ge [sflag:s23], $0xA00  }
0xd3: {  	[sflag:s23] =	ssyncset.done $0x0  }
0xd4: {  	[sflag:s23] =	ssyncadd.s32 $0xFFFFF600  }
0xd5: {  	_ =	swait.ge [sflag:s23], $0xA00  }
0xd6: {  	[sflag:s23] =	ssyncset.done $0x0  }
0xd7: {  	s20 =	smov.u32 s19;
	[sflag:s23] =	ssyncadd.s32 $0xFFFFF600  }
.LBB2_8:
0xd8: {  	s20 =	sadd.s32 s5, s20  }
0xd9: {  	s21 =	rddreg [dreg:$0x6];
	s20 =	sshll.u32 s20, $0x3  }
0xda: {  	s22 =	rddreg [dreg:$0x12];
	s21 =	sadd.s32 s21, s20  }
0xdb: {  	[tilespmem:s13], [sflag:$0x1] =	stream.linear.gather [hbm4b:s21+s4], $0xA00, $0x38;
	[tilespmem:$0x1B8A0] =	vst v63  }
0xdc: {  	s21 =	sadd.s32 s20, s22;
	s22 =	rddreg [dreg:$0x13]  }
0xdd: {  	[tilespmem:s14], [sflag:$0x1] =	stream.linear.gather [hbm4b:s21+s4], $0xA00, $0x38;
	[tilespmem:$0x1B8A0] =	vst v63  }
0xde: {  	s21 =	sadd.s32 s20, s22;
	s22 =	rddreg [dreg:$0x14]  }
0xdf: {  	[tilespmem:s15], [sflag:$0x1] =	stream.linear.gather [hbm4b:s21+s4], $0xA00, $0x38;
	[tilespmem:$0x1B8A0] =	vst v63  }
0xe0: {  	s21 =	sadd.s32 s20, s22;
	s22 =	rddreg [dreg:$0x15]  }
0xe1: {  	[tilespmem:s16], [sflag:$0x1] =	stream.linear.gather [hbm4b:s21+s4], $0xA00, $0x38;
	[tilespmem:$0x1B8A0] =	vst v63  }
0xe2: {  	s20 =	sadd.s32 s20, s22  }
0xe3: {  	[tilespmem:s17], [sflag:$0x1] =	stream.linear.gather [hbm4b:s20+s4], $0xA00, $0x38;
	[tilespmem:$0x1B8A0] =	vst v63  }
0xe4: {  	_ =	swait.ge [sflag:s18], $0xA00  }
0xe5: {  	[sflag:s18] =	ssyncset.done $0x0  }
0xe6: {  	[sflag:s18] =	ssyncadd.s32 $0xFFFFF600  }
0xe7: {  	_ =	swait.ge [sflag:s18], $0xA00  }
0xe8: {  	[sflag:s18] =	ssyncset.done $0x0  }
0xe9: {  	[sflag:s18] =	ssyncadd.s32 $0xFFFFF600  }
0xea: {  	_ =	swait.ge [sflag:s18], $0xA00  }
0xeb: {  	[sflag:s18] =	ssyncset.done $0x0  }
0xec: {  	[sflag:s18] =	ssyncadd.s32 $0xFFFFF600  }
0xed: {  	_ =	swait.ge [sflag:s18], $0xA00  }
0xee: {  	[sflag:s18] =	ssyncset.done $0x0  }
0xef: {  	[sflag:s18] =	ssyncadd.s32 $0xFFFFF600  }
0xf0: {  	_ =	swait.ge [sflag:s18], $0xA00  }
0xf1: {  	[sflag:s18] =	ssyncset.done $0x0  }
0xf2: {  	s20 =	sshra.s32 s26, $0x2;
	[sflag:s18] =	ssyncadd.s32 $0xFFFFF600  }
0xf3: {  	[spmem:s1] =	stream.indirect.scatter.add.f32 [tilespmem:s13], [sflag:$0x2], $0x40, s20, s30, $0xb8;
	[tilespmem:$0x1B8A0] =	vst v63  }
0xf4: {  	s22 =	sadd.s32 $0x28, s20  }
0xf5: {  	[spmem:s1] =	stream.indirect.scatter.add.f32 [tilespmem:s14], [sflag:$0x2], $0x40, s22, s30, $0xb8;
	[tilespmem:$0x1B8A0] =	vst v63  }
0xf6: {  	s22 =	sadd.s32 $0x50, s20  }
0xf7: {  	[spmem:s1] =	stream.indirect.scatter.add.f32 [tilespmem:s15], [sflag:$0x2], $0x40, s22, s30, $0xb8;
	[tilespmem:$0x1B8A0] =	vst v63  }
0xf8: {  	s22 =	sadd.s32 $0x78, s20  }
0xf9: {  	[spmem:s1] =	stream.indirect.scatter.add.f32 [tilespmem:s16], [sflag:$0x2], $0x40, s22, s30, $0xb8;
	[tilespmem:$0x1B8A0] =	vst v63  }
0xfa: {  	s21 =	simm.s32 @!p1 $0x3;
	s22 =	sadd.s32 $0xA0, s20  }
0xfb: {  	[spmem:s1] =	stream.indirect.scatter.add.f32 [tilespmem:s17], [sflag:$0x2], $0x40, s22, s30, $0xb8;
	[tilespmem:$0x1B8A0] =	vst v63  }
0xfc: {  	_ =	swait.ge @!p1 [sflag:s21], $0xA00  }
0xfd: {  	[sflag:s21] =	ssyncset.done @!p1 $0x0  }
0xfe: {  	[sflag:s21] =	ssyncadd.s32 @!p1 $0xFFFFF600  }
0xff: {  	_ =	swait.ge @!p1 [sflag:s21], $0xA00  }
0x100: {  	[sflag:s21] =	ssyncset.done @!p1 $0x0  }
0x101: {  	[sflag:s21] =	ssyncadd.s32 @!p1 $0xFFFFF600  }
0x102: {  	_ =	swait.ge @!p1 [sflag:s21], $0xA00  }
0x103: {  	[sflag:s21] =	ssyncset.done @!p1 $0x0  }
0x104: {  	[sflag:s21] =	ssyncadd.s32 @!p1 $0xFFFFF600  }
0x105: {  	_ =	swait.ge @!p1 [sflag:s21], $0xA00  }
0x106: {  	[sflag:s21] =	ssyncset.done @!p1 $0x0  }
0x107: {  	[sflag:s21] =	ssyncadd.s32 @!p1 $0xFFFFF600  }
0x108: {  	_ =	swait.ge @!p1 [sflag:s21], $0xA00  }
0x109: {  	s22 =	sadd.s32 s7, s9;
	[sflag:s21] =	ssyncset.done @!p1 $0x0  }
0x10a: {  	[sflag:s21] =	ssyncadd.s32 @!p1 $0xFFFFF600;
	s21 =	sadd.s32 $0x640, s22  }
0x10b: {  	[tilespmem:s31], [sflag:$0x1] =	stream.linear.gather [hbm4b:s21+s4], $0xA00, $0x38;
	[tilespmem:$0x1B8A0] =	vst v63  }
0x10c: {  	s21 =	sadd.s32 $0x780, s22  }
0x10d: {  	[tilespmem:s0], [sflag:$0x1] =	stream.linear.gather [hbm4b:s21+s4], $0xA00, $0x38;
	[tilespmem:$0x1B8A0] =	vst v63  }
0x10e: {  	s21 =	sadd.s32 $0x8C0, s22  }
0x10f: {  	[tilespmem:s2], [sflag:$0x1] =	stream.linear.gather [hbm4b:s21+s4], $0xA00, $0x38;
	[tilespmem:$0x1B8A0] =	vst v63  }
0x110: {  	s21 =	sadd.s32 $0xA00, s22  }
0x111: {  	[tilespmem:s8], [sflag:$0x1] =	stream.linear.gather [hbm4b:s21+s4], $0xA00, $0x38;
	[tilespmem:$0x1B8A0] =	vst v63  }
0x112: {  	s22 =	sadd.s32 $0xB40, s22  }
0x113: {  	[tilespmem:s12], [sflag:$0x1] =	stream.linear.gather [hbm4b:s22+s4], $0xA00, $0x38;
	[tilespmem:$0x1B8A0] =	vst v63  }
0x114: {  	_ =	swait.ge [sflag:s18], $0xA00  }
0x115: {  	[sflag:s18] =	ssyncset.done $0x0  }
0x116: {  	[sflag:s18] =	ssyncadd.s32 $0xFFFFF600  }
0x117: {  	_ =	swait.ge [sflag:s18], $0xA00  }
0x118: {  	[sflag:s18] =	ssyncset.done $0x0  }
0x119: {  	[sflag:s18] =	ssyncadd.s32 $0xFFFFF600  }
0x11a: {  	_ =	swait.ge [sflag:s18], $0xA00  }
0x11b: {  	[sflag:s18] =	ssyncset.done $0x0  }
0x11c: {  	[sflag:s18] =	ssyncadd.s32 $0xFFFFF600  }
0x11d: {  	_ =	swait.ge [sflag:s18], $0xA00  }
0x11e: {  	[sflag:s18] =	ssyncset.done $0x0  }
0x11f: {  	[sflag:s18] =	ssyncadd.s32 $0xFFFFF600  }
0x120: {  	_ =	swait.ge [sflag:s18], $0xA00  }
0x121: {  	[sflag:s18] =	ssyncset.done $0x0  }
0x122: {  	s22 =	sadd.s32 $0xC8, s20;
	[sflag:s18] =	ssyncadd.s32 $0xFFFFF600  }
0x123: {  	[spmem:s1] =	stream.indirect.scatter.add.f32 [tilespmem:s31], [sflag:$0x3], $0x40, s22, s30, $0xb8;
	[tilespmem:$0x1B8A0] =	vst v63  }
0x124: {  	s22 =	sadd.s32 $0xF0, s20  }
0x125: {  	[spmem:s1] =	stream.indirect.scatter.add.f32 [tilespmem:s0], [sflag:$0x3], $0x40, s22, s30, $0xb8;
	[tilespmem:$0x1B8A0] =	vst v63  }
0x126: {  	s22 =	sadd.s32 $0x118, s20  }
0x127: {  	[spmem:s1] =	stream.indirect.scatter.add.f32 [tilespmem:s2], [sflag:$0x3], $0x40, s22, s30, $0xb8;
	[tilespmem:$0x1B8A0] =	vst v63  }
0x128: {  	s22 =	sadd.s32 $0x140, s20  }
0x129: {  	[spmem:s1] =	stream.indirect.scatter.add.f32 [tilespmem:s8], [sflag:$0x3], $0x40, s22, s30, $0xb8;
	[tilespmem:$0x1B8A0] =	vst v63  }
0x12a: {  	s20 =	sadd.s32 $0x168, s20  }
0x12b: {  	[spmem:s1] =	stream.indirect.scatter.add.f32 [tilespmem:s12], [sflag:$0x3], $0x40, s20, s30, $0xb8;
	[tilespmem:$0x1B8A0] =	vst v63  }
.LBB2_9:
0x12c: {  	s26 =	sadd.s32 $0x640, s26  }
0x12d: {  	p1 =	sne.s32 s26, $0x13880  }
.Ltmp3:
0x12e: {  	_ = 	snop;
	(pc) =	sbr.rel @!p1 .LBB2_10-.Ltmp3, $2  }
0x12f: {  	_ =	sdelay $0x2  }
0x130: {  	s19 =	sadd.s32 $0x190, s19;
	s7 =	sadd.s32 $0xC80, s7;
	s6 =	sadd.s32 $0xC80, s6  }
.LBB2_2:
0x131: {  	p1 =	seq.s32 s26, $0x0  }
.Ltmp4:
0x132: {  	_ = 	snop;
	(pc) =	sbr.rel @p1 .LBB2_5-.Ltmp4, $1  }
0x133: {  	_ =	sdelay $0x3  }
.Ltmp5:
0x134: {  	(pc) =	sbr.rel @p0 .LBB2_7-.Ltmp5, $4  }
0x135: {  	_ = 	snop  }
0x136: {  	_ =	swait.ge [sflag:s23], $0xA00  }
0x137: {  	[sflag:s23] =	ssyncset.done $0x0  }
0x138: {  	[sflag:s23] =	ssyncadd.s32 $0xFFFFF600  }
0x139: {  	_ =	swait.ge [sflag:s23], $0x280  }
0x13a: {  	[sflag:s23] =	ssyncset.done $0x0  }
0x13b: {  	[sflag:s23] =	ssyncadd.s32 $0xFFFFFD80  }
0x13c: {  	_ =	swait.ge [sflag:s23], $0xA00  }
0x13d: {  	[sflag:s23] =	ssyncset.done $0x0  }
0x13e: {  	[sflag:s23] =	ssyncadd.s32 $0xFFFFF600  }
0x13f: {  	_ =	swait.ge [sflag:s23], $0x280  }
0x140: {  	[sflag:s23] =	ssyncset.done $0x0  }
0x141: {  	[sflag:s23] =	ssyncadd.s32 $0xFFFFFD80  }
0x142: {  	_ =	swait.ge [sflag:s23], $0xA00  }
0x143: {  	[sflag:s23] =	ssyncset.done $0x0  }
0x144: {  	[sflag:s23] =	ssyncadd.s32 $0xFFFFF600  }
0x145: {  	_ =	swait.ge [sflag:s23], $0x280  }
0x146: {  	[sflag:s23] =	ssyncset.done $0x0  }
0x147: {  	[sflag:s23] =	ssyncadd.s32 $0xFFFFFD80  }
0x148: {  	_ =	swait.ge [sflag:s23], $0xA00  }
0x149: {  	[sflag:s23] =	ssyncset.done $0x0  }
0x14a: {  	[sflag:s23] =	ssyncadd.s32 $0xFFFFF600  }
0x14b: {  	_ =	swait.ge [sflag:s23], $0x280  }
0x14c: {  	[sflag:s23] =	ssyncset.done $0x0  }
0x14d: {  	[sflag:s23] =	ssyncadd.s32 $0xFFFFFD80  }
0x14e: {  	_ =	swait.ge [sflag:s23], $0xA00  }
.Ltmp6:
0x14f: {  	[sflag:s23] =	ssyncset.done $0x0;
	(pc) =	sbr.rel .LBB2_6-.Ltmp6, $4  }
0x150: {  	[sflag:s23] =	ssyncadd.s32 $0xFFFFF600  }
0x151: {  	_ =	swait.ge [sflag:s23], $0x280  }
0x152: {  	[sflag:s23] =	ssyncset.done $0x0  }
0x153: {  	s20 =	smov.u32 s19;
	[sflag:s23] =	ssyncadd.s32 $0xFFFFFD80  }
.LBB2_5:
.Ltmp7:
0x154: {  	(pc) =	sbr.rel @p0 .LBB2_8-.Ltmp7, $2  }
0x155: {  	_ =	sdelay $0x2  }
0x156: {  	s20 =	simm.s32 $0x0  }
.LBB2_6:
0x157: {  	s20 =	sadd.s32 s5, s20  }
0x158: {  	s21 =	rddreg [dreg:$0x5];
	s20 =	sshll.u32 s20, $0x3  }
0x159: {  	s21 =	sadd.s32 s21, s20  }
0x15a: {  	[tilespmem:s13], [sflag:$0x1] =	stream.linear.gather [hbm4b:s21+s4], $0xA00, $0x38;
	[tilespmem:$0x1B8A0] =	vst v63  }
0x15b: {  	s22 =	sadd.s32 s20, s24  }
0x15c: {  	[tilespmem:s14], [sflag:$0x1] =	stream.linear.gather [hbm4b:s22+s4], $0xA00, $0x38;
	[tilespmem:$0x1B8A0] =	vst v63  }
0x15d: {  	s22 =	sadd.s32 s20, s25  }
0x15e: {  	[tilespmem:s15], [sflag:$0x1] =	stream.linear.gather [hbm4b:s22+s4], $0xA00, $0x38;
	[tilespmem:$0x1B8A0] =	vst v63  }
0x15f: {  	s22 =	sadd.s32 s20, s28  }
0x160: {  	[tilespmem:s16], [sflag:$0x1] =	stream.linear.gather [hbm4b:s22+s4], $0xA00, $0x38;
	[tilespmem:$0x1B8A0] =	vst v63  }
0x161: {  	s20 =	sadd.s32 s20, s29  }
0x162: {  	[tilespmem:s17], [sflag:$0x1] =	stream.linear.gather [hbm4b:s20+s4], $0xA00, $0x38;
	[tilespmem:$0x1B8A0] =	vst v63  }
0x163: {  	_ =	swait.ge [sflag:s18], $0xA00  }
0x164: {  	[sflag:s18] =	ssyncset.done $0x0  }
0x165: {  	[sflag:s18] =	ssyncadd.s32 $0xFFFFF600  }
0x166: {  	_ =	swait.ge [sflag:s18], $0xA00  }
0x167: {  	[sflag:s18] =	ssyncset.done $0x0  }
0x168: {  	[sflag:s18] =	ssyncadd.s32 $0xFFFFF600  }
0x169: {  	_ =	swait.ge [sflag:s18], $0xA00  }
0x16a: {  	[sflag:s18] =	ssyncset.done $0x0  }
0x16b: {  	[sflag:s18] =	ssyncadd.s32 $0xFFFFF600  }
0x16c: {  	_ =	swait.ge [sflag:s18], $0xA00  }
0x16d: {  	[sflag:s18] =	ssyncset.done $0x0  }
0x16e: {  	[sflag:s18] =	ssyncadd.s32 $0xFFFFF600  }
0x16f: {  	_ =	swait.ge [sflag:s18], $0xA00  }
0x170: {  	[sflag:s18] =	ssyncset.done $0x0  }
0x171: {  	s20 =	sshra.s32 s26, $0x2;
	[sflag:s18] =	ssyncadd.s32 $0xFFFFF600  }
0x172: {  	[spmem:s1] =	stream.indirect.scatter.add.f32 [tilespmem:s13], [sflag:$0x2], $0x40, s20, s30, $0xb8;
	[tilespmem:$0x1B8A0] =	vst v63  }
0x173: {  	_ = 	snop  }
0x174: {  	[spmem:s3] =	stream.indirect.scatter.add.f32 [tilespmem:s11], [sflag:$0x2], $0x10, s20, s30, $0xb8;
	[tilespmem:$0x1B8A0] =	vst v63  }
0x175: {  	s22 =	sadd.s32 $0x28, s20  }
0x176: {  	[spmem:s1] =	stream.indirect.scatter.add.f32 [tilespmem:s14], [sflag:$0x2], $0x40, s22, s30, $0xb8;
	[tilespmem:$0x1B8A0] =	vst v63  }
0x177: {  	_ = 	snop  }
0x178: {  	[spmem:s3] =	stream.indirect.scatter.add.f32 [tilespmem:s11], [sflag:$0x2], $0x10, s22, s30, $0xb8;
	[tilespmem:$0x1B8A0] =	vst v63  }
0x179: {  	s22 =	sadd.s32 $0x50, s20  }
0x17a: {  	[spmem:s1] =	stream.indirect.scatter.add.f32 [tilespmem:s15], [sflag:$0x2], $0x40, s22, s30, $0xb8;
	[tilespmem:$0x1B8A0] =	vst v63  }
0x17b: {  	_ = 	snop  }
0x17c: {  	[spmem:s3] =	stream.indirect.scatter.add.f32 [tilespmem:s11], [sflag:$0x2], $0x10, s22, s30, $0xb8;
	[tilespmem:$0x1B8A0] =	vst v63  }
0x17d: {  	s22 =	sadd.s32 $0x78, s20  }
0x17e: {  	[spmem:s1] =	stream.indirect.scatter.add.f32 [tilespmem:s16], [sflag:$0x2], $0x40, s22, s30, $0xb8;
	[tilespmem:$0x1B8A0] =	vst v63  }
0x17f: {  	_ = 	snop  }
0x180: {  	[spmem:s3] =	stream.indirect.scatter.add.f32 [tilespmem:s11], [sflag:$0x2], $0x10, s22, s30, $0xb8;
	[tilespmem:$0x1B8A0] =	vst v63  }
0x181: {  	s22 =	sadd.s32 $0xA0, s20  }
0x182: {  	[spmem:s1] =	stream.indirect.scatter.add.f32 [tilespmem:s17], [sflag:$0x2], $0x40, s22, s30, $0xb8;
	[tilespmem:$0x1B8A0] =	vst v63  }
0x183: {  	s21 =	simm.s32 @!p1 $0x3  }
0x184: {  	[spmem:s3] =	stream.indirect.scatter.add.f32 [tilespmem:s11], [sflag:$0x2], $0x10, s22, s30, $0xb8;
	[tilespmem:$0x1B8A0] =	vst v63  }
0x185: {  	_ =	swait.ge @!p1 [sflag:s21], $0xA00  }
0x186: {  	[sflag:s21] =	ssyncset.done @!p1 $0x0  }
0x187: {  	[sflag:s21] =	ssyncadd.s32 @!p1 $0xFFFFF600  }
0x188: {  	_ =	swait.ge @!p1 [sflag:s21], $0x280  }
0x189: {  	[sflag:s21] =	ssyncset.done @!p1 $0x0  }
0x18a: {  	[sflag:s21] =	ssyncadd.s32 @!p1 $0xFFFFFD80  }
0x18b: {  	_ =	swait.ge @!p1 [sflag:s21], $0xA00  }
0x18c: {  	[sflag:s21] =	ssyncset.done @!p1 $0x0  }
0x18d: {  	[sflag:s21] =	ssyncadd.s32 @!p1 $0xFFFFF600  }
0x18e: {  	_ =	swait.ge @!p1 [sflag:s21], $0x280  }
0x18f: {  	[sflag:s21] =	ssyncset.done @!p1 $0x0  }
0x190: {  	[sflag:s21] =	ssyncadd.s32 @!p1 $0xFFFFFD80  }
0x191: {  	_ =	swait.ge @!p1 [sflag:s21], $0xA00  }
0x192: {  	[sflag:s21] =	ssyncset.done @!p1 $0x0  }
0x193: {  	[sflag:s21] =	ssyncadd.s32 @!p1 $0xFFFFF600  }
0x194: {  	_ =	swait.ge @!p1 [sflag:s21], $0x280  }
0x195: {  	[sflag:s21] =	ssyncset.done @!p1 $0x0  }
0x196: {  	[sflag:s21] =	ssyncadd.s32 @!p1 $0xFFFFFD80  }
0x197: {  	_ =	swait.ge @!p1 [sflag:s21], $0xA00  }
0x198: {  	[sflag:s21] =	ssyncset.done @!p1 $0x0  }
0x199: {  	[sflag:s21] =	ssyncadd.s32 @!p1 $0xFFFFF600  }
0x19a: {  	_ =	swait.ge @!p1 [sflag:s21], $0x280  }
0x19b: {  	[sflag:s21] =	ssyncset.done @!p1 $0x0  }
0x19c: {  	[sflag:s21] =	ssyncadd.s32 @!p1 $0xFFFFFD80  }
0x19d: {  	_ =	swait.ge @!p1 [sflag:s21], $0xA00  }
0x19e: {  	[sflag:s21] =	ssyncset.done @!p1 $0x0  }
0x19f: {  	[sflag:s21] =	ssyncadd.s32 @!p1 $0xFFFFF600  }
0x1a0: {  	_ =	swait.ge @!p1 [sflag:s21], $0x280  }
0x1a1: {  	[sflag:s21] =	ssyncset.done @!p1 $0x0  }
0x1a2: {  	[sflag:s21] =	ssyncadd.s32 @!p1 $0xFFFFFD80;
	s21 =	sadd.s32 s6, s9  }
0x1a3: {  	s22 =	sadd.s32 $0x640, s21  }
0x1a4: {  	[tilespmem:s31], [sflag:$0x1] =	stream.linear.gather [hbm4b:s22+s4], $0xA00, $0x38;
	[tilespmem:$0x1B8A0] =	vst v63  }
0x1a5: {  	s22 =	sadd.s32 $0x780, s21  }
0x1a6: {  	[tilespmem:s0], [sflag:$0x1] =	stream.linear.gather [hbm4b:s22+s4], $0xA00, $0x38;
	[tilespmem:$0x1B8A0] =	vst v63  }
0x1a7: {  	s22 =	sadd.s32 $0x8C0, s21  }
0x1a8: {  	[tilespmem:s2], [sflag:$0x1] =	stream.linear.gather [hbm4b:s22+s4], $0xA00, $0x38;
	[tilespmem:$0x1B8A0] =	vst v63  }
0x1a9: {  	s22 =	sadd.s32 $0xA00, s21  }
0x1aa: {  	[tilespmem:s8], [sflag:$0x1] =	stream.linear.gather [hbm4b:s22+s4], $0xA00, $0x38;
	[tilespmem:$0x1B8A0] =	vst v63  }
0x1ab: {  	s21 =	sadd.s32 $0xB40, s21  }
0x1ac: {  	[tilespmem:s12], [sflag:$0x1] =	stream.linear.gather [hbm4b:s21+s4], $0xA00, $0x38;
	[tilespmem:$0x1B8A0] =	vst v63  }
0x1ad: {  	_ =	swait.ge [sflag:s18], $0xA00  }
0x1ae: {  	[sflag:s18] =	ssyncset.done $0x0  }
0x1af: {  	[sflag:s18] =	ssyncadd.s32 $0xFFFFF600  }
0x1b0: {  	_ =	swait.ge [sflag:s18], $0xA00  }
0x1b1: {  	[sflag:s18] =	ssyncset.done $0x0  }
0x1b2: {  	[sflag:s18] =	ssyncadd.s32 $0xFFFFF600  }
0x1b3: {  	_ =	swait.ge [sflag:s18], $0xA00  }
0x1b4: {  	[sflag:s18] =	ssyncset.done $0x0  }
0x1b5: {  	[sflag:s18] =	ssyncadd.s32 $0xFFFFF600  }
0x1b6: {  	_ =	swait.ge [sflag:s18], $0xA00  }
0x1b7: {  	[sflag:s18] =	ssyncset.done $0x0  }
0x1b8: {  	[sflag:s18] =	ssyncadd.s32 $0xFFFFF600  }
0x1b9: {  	_ =	swait.ge [sflag:s18], $0xA00  }
0x1ba: {  	[sflag:s18] =	ssyncset.done $0x0  }
0x1bb: {  	s22 =	sadd.s32 $0xC8, s20;
	[sflag:s18] =	ssyncadd.s32 $0xFFFFF600  }
0x1bc: {  	[spmem:s1] =	stream.indirect.scatter.add.f32 [tilespmem:s31], [sflag:$0x3], $0x40, s22, s30, $0xb8;
	[tilespmem:$0x1B8A0] =	vst v63  }
0x1bd: {  	_ = 	snop  }
0x1be: {  	[spmem:s3] =	stream.indirect.scatter.add.f32 [tilespmem:s11], [sflag:$0x3], $0x10, s22, s30, $0xb8;
	[tilespmem:$0x1B8A0] =	vst v63  }
0x1bf: {  	s22 =	sadd.s32 $0xF0, s20  }
0x1c0: {  	[spmem:s1] =	stream.indirect.scatter.add.f32 [tilespmem:s0], [sflag:$0x3], $0x40, s22, s30, $0xb8;
	[tilespmem:$0x1B8A0] =	vst v63  }
0x1c1: {  	_ = 	snop  }
0x1c2: {  	[spmem:s3] =	stream.indirect.scatter.add.f32 [tilespmem:s11], [sflag:$0x3], $0x10, s22, s30, $0xb8;
	[tilespmem:$0x1B8A0] =	vst v63  }
0x1c3: {  	s22 =	sadd.s32 $0x118, s20  }
0x1c4: {  	[spmem:s1] =	stream.indirect.scatter.add.f32 [tilespmem:s2], [sflag:$0x3], $0x40, s22, s30, $0xb8;
	[tilespmem:$0x1B8A0] =	vst v63  }
0x1c5: {  	_ = 	snop  }
0x1c6: {  	[spmem:s3] =	stream.indirect.scatter.add.f32 [tilespmem:s11], [sflag:$0x3], $0x10, s22, s30, $0xb8;
	[tilespmem:$0x1B8A0] =	vst v63  }
0x1c7: {  	s22 =	sadd.s32 $0x140, s20  }
0x1c8: {  	[spmem:s1] =	stream.indirect.scatter.add.f32 [tilespmem:s8], [sflag:$0x3], $0x40, s22, s30, $0xb8;
	[tilespmem:$0x1B8A0] =	vst v63  }
0x1c9: {  	_ = 	snop  }
0x1ca: {  	[spmem:s3] =	stream.indirect.scatter.add.f32 [tilespmem:s11], [sflag:$0x3], $0x10, s22, s30, $0xb8;
	[tilespmem:$0x1B8A0] =	vst v63  }
.Ltmp8:
0x1cb: {  	_ = 	snop;
	(pc) =	sbr.rel .LBB2_9-.Ltmp8, $4  }
0x1cc: {  	s20 =	sadd.s32 $0x168, s20  }
0x1cd: {  	[spmem:s1] =	stream.indirect.scatter.add.f32 [tilespmem:s12], [sflag:$0x3], $0x40, s20, s30, $0xb8;
	[tilespmem:$0x1B8A0] =	vst v63  }
0x1ce: {  	_ = 	snop  }
0x1cf: {  	[spmem:s3] =	stream.indirect.scatter.add.f32 [tilespmem:s11], [sflag:$0x3], $0x10, s20, s30, $0xb8;
	[tilespmem:$0x1B8A0] =	vst v63  }
.LBB2_11:
0x1d0: {  	_ =	sfence.sel $0x180000  }
0x1d1: {  	[bflag:$0x0] =	sbarrier.arrive $0xFFFF  }
0x1d2: {  	_ =	strace $0x9000004A  }
0x1d3: {  	s0 =	stileid.u32;
	[bflag:$0x2] =	sbarrier.arrive $0xFFFF  }
0x1d4: {  	p0 =	sne.s32 s0, $0x0;
	s0 =	rddreg [dreg:$0x4]  }
0x1d5: {  	s0 =	sadd.s32 @!p0 $0x100000, s0  }
0x1d6: {  	[sflag:s0] =	ssyncadd.tile.s32 @!p0 $0x1;
	_ =	shalt  }
.Lfunc_end2:
_tile_overlayer_lowered:
.L_overlay_start_2:
0x1d7: {  	(tag) =	ssettag $0x2  }
0x1d8: {  	s0 =	rddreg [dreg:$0x0];
	s2 =	stileid.u32  }
0x1d9: {  	s1 =	rddreg [dreg:$0x1];
	p0 =	sne.s32 s2, $0x0  }
0x1da: {  	s3 =	rddreg [dreg:$0x2];
	[bflag:$0x3] =	sbarrier.arrive $0xFFFF;
	s2 =	simm.s32 @!p0 $0x1C04  }
0x1db: {  	[timem:s3], [sflag:s2] =	dma.local @!p0 [hbm:s0], s1  }
0x1dc: {  	s0 =	simm.s32 @!p0 $0x4  }
0x1dd: {  	_ =	swait.ge @!p0 [sflag:s0], s1  }
0x1de: {  	s1 =	ssub.s32 @!p0 $0x0, s1;
	[sflag:s0] =	ssyncset.done @!p0 $0x0  }
0x1df: {  	[sflag:s0] =	ssyncadd.s32 @!p0 s1  }
0x1e0: {  	[bflag:$0x3] =	sbarrier.arrive $0xFFFF  }
0x1e1: {  	_ =	shalt  }

</sc_bundles>
